<compile_context>
chip_gen: v7x
topology: tpu7x:2x2x1
jax: 0.10.2.dev20260603
libtpu: 0.0.44.dev20260713+nightly
codegen_flags: <defaults>
</compile_context>

<pallas_src>
import functools

import jax
import jax.numpy as jnp
from jax import lax
from jax.experimental import pallas as pl
from jax.experimental.pallas import tpu as pltpu
from jax.experimental.pallas import tpu_sc as plsc

B = 16384
F = 26
V = 100000
D = 32
P = 128

NC = 2
NS = 16
NW = NC * NS
ROWS = B * F
RPW = ROWS // NW
CHUNK = 128
CPW = RPW // CHUNK
K = 4
NGRP = CPW // K
HGRP = NGRP // 2

VP = 100096
VT_FULL = 781
TAIL_V0 = VT_FULL * 128
LPF = VP * D // 128
LIN_LINES = F * LPF
GT = 5
VGPF = 156
NG = F * VGPF
REM_VT = 780


def _repack_body(tt3, tails, lin, tb_a, tb_b, tb_c, sb_a, sb_b, sb_c,
                 sem_ia, sem_ib, sem_ic, sem_oa, sem_ob, sem_oc):
  cid = lax.axis_index("c")
  sid = lax.axis_index("s")
  wid = sid * NC + cid
  d_lo = lax.iota(jnp.int32, 16)

  def issue_in(g, buf, sem):
    f = g // VGPF
    vg = g - f * VGPF
    pltpu.async_copy(tt3.at[f, :, pl.ds(vg * (128 * GT), 128 * GT)], buf, sem)

  def drain_in(buf, sem):
    pltpu.make_async_copy(tt3.at[0, :, pl.ds(0, 128 * GT)], buf, sem).wait()

  def drain_out(buf, sem):
    pltpu.make_async_copy(lin.at[pl.ds(0, 32 * GT)], buf, sem).wait()

  i_div4 = d_lo // 4
  i_mod4x32 = (d_lo % 4) * 32

  def repack(tbuf, sbuf, nm):
    def body_q(q, _):
      for sub in range(2):
        hm = 2 * q + sub
        m = hm >> 1
        half = hm & 1
        v_vec = d_lo + 16 * m
        l_vec = i_div4 + 4 * m
        vals = []
        for r in range(16):
          d_vec = jnp.bitwise_and(d_lo + r, 15) + 16 * half
          c_vec = i_mod4x32 + d_vec
          vals.append((c_vec, plsc.load_gather(tbuf, [d_vec, v_vec])))
        for c_vec, val in vals:
          plsc.store_scatter(sbuf, [l_vec, c_vec], val)
      return 0
    lax.fori_loop(0, nm, body_q, 0)

  def issue_out(g, buf, sem):
    f = g // VGPF
    vg = g - f * VGPF
    pltpu.async_copy(buf, lin.at[pl.ds(f * LPF + vg * (32 * GT), 32 * GT)],
                     sem)

  @pl.when(wid < F)
  def _():
    pltpu.sync_copy(tails.at[wid], tb_a.at[pl.ds(0, 8), pl.ds(0, 128)])
    pltpu.sync_copy(tb_a.at[pl.ds(0, 8), pl.ds(0, 128)],
                    lin.at[pl.ds(wid * LPF + VT_FULL * 32, 8)])

  tbs = (tb_a, tb_b, tb_c)
  sbs = (sb_a, sb_b, sb_c)
  sem_is = (sem_ia, sem_ib, sem_ic)
  sem_os = (sem_oa, sem_ob, sem_oc)
  issue_in(wid, tb_a, sem_ia)
  @pl.when(wid + 32 < NG)
  def _():
    issue_in(wid + 32, tb_b, sem_ib)
  nu = (NG // NW + 1 + 2) // 3

  def handle(g, ph):
    @pl.when(g < NG)
    def _():
      drain_in(tbs[ph], sem_is[ph])
      @pl.when(g + 64 < NG)
      def _():
        issue_in(g + 64, tbs[(ph + 2) % 3], sem_is[(ph + 2) % 3])
      @pl.when(g >= 96)
      def _():
        drain_out(sbs[ph], sem_os[ph])
      repack(tbs[ph], sbs[ph], 128 * GT // 16)
      issue_out(g, sbs[ph], sem_os[ph])

  def body_u(u, _):
    g0 = wid + 96 * u
    handle(g0, 0)
    handle(g0 + 32, 1)
    handle(g0 + 64, 2)
    return 0

  lax.fori_loop(0, nu, body_u, 0)
  drain_out(sb_a, sem_oa)
  drain_out(sb_b, sem_ob)
  drain_out(sb_c, sem_oc)

  @pl.when(wid < F)
  def _():
    pltpu.sync_copy(tt3.at[wid, :, pl.ds(REM_VT * 128, 128)],
                    tb_a.at[:, pl.ds(0, 128)])
    repack(tb_a, sb_a, 8)
    pltpu.sync_copy(sb_a.at[pl.ds(0, 32)],
                    lin.at[pl.ds(wid * LPF + REM_VT * 32, 32)])


@functools.partial(
    pl.kernel,
    out_type=jax.ShapeDtypeStruct((LIN_LINES, 128), jnp.float32),
    mesh=plsc.VectorSubcoreMesh(core_axis_name="c", subcore_axis_name="s"),
    compiler_params=pltpu.CompilerParams(use_tc_tiling_on_sc=True,
                                         needs_layout_passes=False),
    scratch_types=(
        [pltpu.VMEM((D, 128 * GT), jnp.float32) for _ in range(3)]
        + [pltpu.VMEM((32 * GT, 128), jnp.float32) for _ in range(3)]
        + [pltpu.SemaphoreType.DMA for _ in range(6)]
    ),
)
def _sc_repack(tt3, tails, lin, tb_a, tb_b, tb_c, sb_a, sb_b, sb_c,
               sem_ia, sem_ib, sem_ic, sem_oa, sem_ob, sem_oc):
  _repack_body(tt3, tails, lin, tb_a, tb_b, tb_c, sb_a, sb_b, sb_c,
               sem_ia, sem_ib, sem_ic, sem_oa, sem_ob, sem_oc)


def _gather_body(gidx_hbm, oidx_hbm, tab_hbm, out_hbm, idx_v, oidx_v,
                 bufs_a, bufs_b, sem_g, sem_s):
  cid = lax.axis_index("c")
  sid = lax.axis_index("s")
  wid = sid * NC + cid
  chunk0 = wid * CPW

  pltpu.sync_copy(gidx_hbm.at[pl.ds(chunk0, CPW)], idx_v)
  pltpu.sync_copy(oidx_hbm.at[pl.ds(chunk0, CPW)], oidx_v)

  def fire_gather(c_local, buf):
    pltpu.async_copy(tab_hbm.at[idx_v.at[c_local]], buf, sem_g)

  def fire_store(c_local, buf):
    pltpu.async_copy(buf, out_hbm.at[oidx_v.at[c_local]], sem_s)

  def drain(sem, buf):
    pltpu.make_async_copy(tab_hbm.at[idx_v.at[0]], buf, sem).wait()

  for j in range(K):
    fire_gather(j, bufs_a[j])

  def body(h, _):
    g0 = 2 * h
    g1 = g0 + 1
    for j in range(K):
      drain(sem_g, bufs_a[j])
    @pl.when(h > 0)
    def _():
      for j in range(K):
        drain(sem_s, bufs_b[j])
    for j in range(K):
      fire_gather(g1 * K + j, bufs_b[j])
    for j in range(K):
      fire_store(g0 * K + j, bufs_a[j])
    for j in range(K):
      drain(sem_g, bufs_b[j])
    for j in range(K):
      drain(sem_s, bufs_a[j])

    @pl.when(h < HGRP - 1)
    def _():
      for j in range(K):
        fire_gather((g1 + 1) * K + j, bufs_a[j])
    for j in range(K):
      fire_store(g1 * K + j, bufs_b[j])
    return 0

  lax.fori_loop(0, HGRP, body, 0)

  for j in range(K):
    drain(sem_s, bufs_b[j])


OUT_ROWS = B * 896 // D


@functools.partial(
    pl.kernel,
    out_type=jax.ShapeDtypeStruct((OUT_ROWS, D), jnp.float32),
    mesh=plsc.VectorSubcoreMesh(core_axis_name="c", subcore_axis_name="s"),
    compiler_params=pltpu.CompilerParams(use_tc_tiling_on_sc=False),
    scratch_types=[
        pltpu.VMEM((CPW, CHUNK), jnp.int32),
        pltpu.VMEM((CPW, CHUNK), jnp.int32),
        [pltpu.VMEM((CHUNK, D), jnp.float32) for _ in range(K)],
        [pltpu.VMEM((CHUNK, D), jnp.float32) for _ in range(K)],
        pltpu.SemaphoreType.DMA,
        pltpu.SemaphoreType.DMA,
    ],
)
def _sc_gather(gidx_hbm, oidx_hbm, tab_hbm, out_hbm, idx_v, oidx_v,
               bufs_a, bufs_b, sem_g, sem_s):
  _gather_body(gidx_hbm, oidx_hbm, tab_hbm, out_hbm, idx_v, oidx_v,
               bufs_a, bufs_b, sem_g, sem_s)


_SQRT_HALF = 0.7071067811865476


def _gelu(x):
  return x * 0.5 * (1.0 + lax.erf(x * _SQRT_HALF))


BLK = 1024


def _mlp_body(e_ref, w1_ref, b1_ref, w2_ref, b2_ref, w3_ref, b3_ref, o_ref):
  lanes = jax.lax.broadcasted_iota(jnp.int32, (BLK, P), 1)
  acc = b1_ref[...]
  for ct in range(7):
    x = e_ref[:, ct].reshape(BLK, P)
    if ct == 6:
      x = jnp.where(lanes < 64, x, 0.0)
    acc = acc + jnp.dot(x, w1_ref[ct], preferred_element_type=jnp.float32)
  h = _gelu(acc)
  h = _gelu(jnp.dot(h, w2_ref[...], preferred_element_type=jnp.float32)
            + b2_ref[...])
  o_ref[...] = (jnp.dot(h, w3_ref[...], preferred_element_type=jnp.float32)
                + b3_ref[...])


def _mlp(emb4, W1p, b1, W2, b2, W3, b3):
  grid = (B // BLK,)
  full2 = lambda shape: pl.BlockSpec(shape, lambda i: (0, 0))
  return pl.pallas_call(
      _mlp_body,
      grid=grid,
      in_specs=[
          pl.BlockSpec((BLK // 8, 7, 8, P), lambda i: (i, 0, 0, 0)),
          pl.BlockSpec((7, P, P), lambda i: (0, 0, 0)),
          full2((1, P)),
          full2((P, P)),
          full2((1, P)),
          full2((P, P)),
          full2((1, P)),
      ],
      out_specs=pl.BlockSpec((BLK, P), lambda i: (i, 0)),
      out_shape=jax.ShapeDtypeStruct((B, P), jnp.float32),
  )(emb4, W1p, b1, W2, b2, W3, b3)


def kernel(x_cat, tables, W1, b1, W2, b2, W3, b3):
  gidx = (x_cat.T + (jnp.arange(F, dtype=jnp.int32) * VP)[:, None]).reshape(
      ROWS // CHUNK, CHUNK)
  tt3 = jnp.transpose(tables, (0, 2, 1))
  tails = tables[:, TAIL_V0:, :].reshape(F, 8, 4 * D)
  lin = _sc_repack(tt3, tails)
  tab = lin.reshape(F * VP, D)
  r = jnp.arange(ROWS, dtype=jnp.int32)
  f_i, b_i = r // B, r % B
  oidx = (((b_i // 8) * 7 + f_i // 4) * 32 + (b_i % 8) * 4
          + (f_i % 4)).reshape(ROWS // CHUNK, CHUNK)
  emb = _sc_gather(gidx, oidx, tab)
  emb4 = emb.reshape(B // 8, 7, 8, P)
  W1p = jnp.concatenate(
      [W1, jnp.zeros((64, P), jnp.float32)], axis=0).reshape(7, P, P)
  return _mlp(emb4, W1p, b1.reshape(1, P), W2, b2.reshape(1, P),
              W3, b3.reshape(1, P))

# --- scband reference (transcript-rebuilt; emitter-appended) ---
"""Pipeline reference for scband-cat-embeddings-cls-rankgnn-84550726189069 (READ-ONLY COPY).

The authoritative reference and input builder live on the scoring server;
editing this copy changes nothing except your own understanding.
"""

import jax, jax.numpy as jnp
import numpy as np

B = 16384
F = 26
V = 100000
D = 32
P = 128

def setup_inputs(seed: int = 0) -> dict:
    key = jax.random.key(seed)
    ks = jax.random.split(key, 9)
    x_cat = jax.random.randint(ks[0], (B, F), 0, V, dtype=jnp.int32)
    # 26 embedding tables with identical cardinality, stacked: [F, V, D]
    tables = jax.random.normal(ks[1], (F, V, D), dtype=jnp.float32)
    s1 = 1.0 / np.sqrt(F * D)
    s2 = 1.0 / np.sqrt(P)
    W1 = jax.random.uniform(ks[2], (F * D, P), minval=-s1, maxval=s1, dtype=jnp.float32)
    b1 = jax.random.uniform(ks[3], (P,), minval=-s1, maxval=s1, dtype=jnp.float32)
    W2 = jax.random.uniform(ks[4], (P, P), minval=-s2, maxval=s2, dtype=jnp.float32)
    b2 = jax.random.uniform(ks[5], (P,), minval=-s2, maxval=s2, dtype=jnp.float32)
    W3 = jax.random.uniform(ks[6], (P, P), minval=-s2, maxval=s2, dtype=jnp.float32)
    b3 = jax.random.uniform(ks[7], (P,), minval=-s2, maxval=s2, dtype=jnp.float32)
    return {"x_cat": x_cat, "tables": tables, "W1": W1, "b1": b1, "W2": W2, "b2": b2, "W3": W3, "b3": b3}

def reference(x_cat, tables, W1, b1, W2, b2, W3, b3):
    # per-field embedding lookup: tables[f][x_cat[:, f]] for each field f, then concat along dim=1
    f_idx = jnp.arange(tables.shape[0])[None, :]  # [1, F]
    emb = tables[f_idx, x_cat]                    # [B, F, D]
    h = emb.reshape(x_cat.shape[0], -1)           # [B, F*D] (same order as torch.cat)
    h = jax.nn.gelu(h @ W1 + b1, approximate=False)
    h = jax.nn.gelu(h @ W2 + b2, approximate=False)
    out = h @ W3 + b3
    return out

if __name__ == "__main__":
    import jax
    _d = setup_inputs()
    print(jax.jit(kernel)(*tuple(_d.values())))

</pallas_src>

<mosaic_0001>
#map = affine_map<(d0, d1) -> (0, 0, 0)>
#map1 = affine_map<(d0, d1) -> (0, 0)>
module attributes {stable_mosaic.version = 14 : i64} {
  func.func @_sc_repack(%arg0: i32, %arg1: i32, %arg2: memref<26x32x100000xf32, #tpu.memory_space<hbm>>, %arg3: memref<26x8x128xf32, #tpu.memory_space<hbm>>, %arg4: memref<650624x128xf32, #tpu.memory_space<hbm>>, %arg5: memref<32x640xf32, #tpu.memory_space<vmem>>, %arg6: memref<32x640xf32, #tpu.memory_space<vmem>>, %arg7: memref<32x640xf32, #tpu.memory_space<vmem>>, %arg8: memref<160x128xf32, #tpu.memory_space<vmem>>, %arg9: memref<160x128xf32, #tpu.memory_space<vmem>>, %arg10: memref<160x128xf32, #tpu.memory_space<vmem>>, %arg11: memref<!tpu.dma_semaphore, #tpu.memory_space<semaphore_mem>>, %arg12: memref<!tpu.dma_semaphore, #tpu.memory_space<semaphore_mem>>, %arg13: memref<!tpu.dma_semaphore, #tpu.memory_space<semaphore_mem>>, %arg14: memref<!tpu.dma_semaphore, #tpu.memory_space<semaphore_mem>>, %arg15: memref<!tpu.dma_semaphore, #tpu.memory_space<semaphore_mem>>, %arg16: memref<!tpu.dma_semaphore, #tpu.memory_space<semaphore_mem>>) attributes {dimension_semantics = [#tpu.dimension_semantics<core_parallel>, #tpu.dimension_semantics<subcore_parallel>], iteration_bounds = array<i64: 2, 16>, scalar_prefetch = 0 : i64, scratch_operands = 12 : i64, tpu.core_type = #tpu.core_type<sc_vector_subcore>, window_params = [{transform_indices = #map}, {transform_indices = #map}, {transform_indices = #map1}]} {
    %mul3A = arith.constant 2 : i32
    %mul3A_0 = arith.muli %arg1, %mul3A : i32
    %add3A = arith.addi %mul3A_0, %arg0 : i32
    %iota3A = tpu.iota {dimensions = array<i32: 0>} : vector<16xi32>
    %jit3A = arith.constant 4 : i32
    %div3A = vector.broadcast %jit3A : i32 to vector<16xi32>
    %div3A_1 = arith.divsi %iota3A, %div3A : vector<16xi32>
    %sign3A = arith.constant 0 : i32
    %sign3A_2 = vector.broadcast %sign3A : i32 to vector<16xi32>
    %sign3A_3 = arith.cmpi sgt, %iota3A, %sign3A_2 : vector<16xi32>
    %sign3A_4 = arith.extui %sign3A_3 : vector<16xi1> to vector<16xi32>
    %sign3A_5 = arith.constant 0 : i32
    %sign3A_6 = vector.broadcast %sign3A_5 : i32 to vector<16xi32>
    %sign3A_7 = arith.cmpi slt, %iota3A, %sign3A_6 : vector<16xi32>
    %sign3A_8 = arith.extui %sign3A_7 : vector<16xi1> to vector<16xi32>
    %sign3A_9 = arith.subi %sign3A_4, %sign3A_8 : vector<16xi32>
    %sign3A_10 = arith.constant 0 : i32
    %sign3A_11 = arith.cmpi sgt, %jit3A, %sign3A_10 : i32
    %sign3A_12 = arith.extui %sign3A_11 : i1 to i32
    %sign3A_13 = arith.constant 0 : i32
    %sign3A_14 = arith.cmpi slt, %jit3A, %sign3A_13 : i32
    %sign3A_15 = arith.extui %sign3A_14 : i1 to i32
    %sign3A_16 = arith.subi %sign3A_12, %sign3A_15 : i32
    %ne3A = vector.broadcast %sign3A_16 : i32 to vector<16xi32>
    %ne3A_17 = arith.cmpi ne, %sign3A_9, %ne3A : vector<16xi32>
    %rem3A = vector.broadcast %jit3A : i32 to vector<16xi32>
    %rem3A_18 = arith.remsi %iota3A, %rem3A : vector<16xi32>
    %ne3A_19 = arith.constant 0 : i32
    %ne3A_20 = vector.broadcast %ne3A_19 : i32 to vector<16xi32>
    %ne3A_21 = arith.cmpi ne, %rem3A_18, %ne3A_20 : vector<16xi32>
    %and3A = arith.andi %ne3A_17, %ne3A_21 : vector<16xi1>
    %sub3A = arith.constant 1 : i32
    %sub3A_22 = vector.broadcast %sub3A : i32 to vector<16xi32>
    %sub3A_23 = arith.subi %div3A_1, %sub3A_22 : vector<16xi32>
    %select_n3A = arith.select %and3A, %sub3A_23, %div3A_1 : vector<16xi1>, vector<16xi32>
    %jit3A_24 = arith.constant 4 : i32
    %eq3A = arith.constant 0 : i32
    %eq3A_25 = arith.cmpi eq, %jit3A_24, %eq3A : i32
    %jit3A_26 = arith.constant 1 : i32
    %select_n3A_27 = arith.select %eq3A_25, %jit3A_26, %jit3A_24 : i32
    %rem3A_28 = vector.broadcast %select_n3A_27 : i32 to vector<16xi32>
    %rem3A_29 = arith.remsi %iota3A, %rem3A_28 : vector<16xi32>
    %ne3A_30 = arith.constant 0 : i32
    %ne3A_31 = vector.broadcast %ne3A_30 : i32 to vector<16xi32>
    %ne3A_32 = arith.cmpi ne, %rem3A_29, %ne3A_31 : vector<16xi32>
    %lt3A = arith.constant 0 : i32
    %lt3A_33 = vector.broadcast %lt3A : i32 to vector<16xi32>
    %lt3A_34 = arith.cmpi slt, %rem3A_29, %lt3A_33 : vector<16xi32>
    %lt3A_35 = arith.constant 0 : i32
    %lt3A_36 = arith.cmpi slt, %select_n3A_27, %lt3A_35 : i32
    %ne3A_37 = vector.broadcast %lt3A_36 : i1 to vector<16xi1>
    %ne3A_38 = vector.broadcast %ne3A_37 : vector<16xi1> to vector<16xi1>
    %ne3A_39 = arith.xori %lt3A_34, %ne3A_38 : vector<16xi1>
    %and3A_40 = arith.andi %ne3A_39, %ne3A_32 : vector<16xi1>
    %add3A_41 = vector.broadcast %select_n3A_27 : i32 to vector<16xi32>
    %add3A_42 = arith.addi %rem3A_29, %add3A_41 : vector<16xi32>
    %select_n3A_43 = arith.select %and3A_40, %add3A_42, %rem3A_29 : vector<16xi1>, vector<16xi32>
    %mul3A_44 = arith.constant 32 : i32
    %mul3A_45 = vector.broadcast %mul3A_44 : i32 to vector<16xi32>
    %mul3A_46 = arith.muli %select_n3A_43, %mul3A_45 : vector<16xi32>
    %lt3A_47 = arith.constant 26 : i32
    %lt3A_48 = arith.cmpi slt, %add3A, %lt3A_47 : i32
    %convert_element_type3A = arith.extui %lt3A_48 : i1 to i32
    %cond3A = arith.constant 0 : i32
    %cond3A_49 = arith.cmpi ne, %convert_element_type3A, %cond3A : i32
    scf.if %cond3A_49 {
      "tpu.region"() ({
        %run_scoped3A = tpu.sem_alloc : memref<!tpu.dma_semaphore, #tpu.memory_space<semaphore_mem>>
        %dma_start3A_123 = arith.constant 0 : i32
        %dma_start3A_124 = arith.constant 0 : i32
        %dma_start3A_125 = tpu.memref_slice %arg5[%dma_start3A_123, %dma_start3A_124] : memref<32x640xf32, #tpu.memory_space<vmem>> -> memref<8x128xf32, #tpu.memory_space<vmem>>
        %dma_start3A_126 = arith.constant 0 : i32
        %dma_start3A_127 = arith.constant 0 : i32
        %dma_start3A_128 = tpu.memref_slice %arg3[%add3A, %dma_start3A_126, %dma_start3A_127] : memref<26x8x128xf32, #tpu.memory_space<hbm>> -> memref<1x8x128xf32, #tpu.memory_space<hbm>>
        %dma_start3A_129 = tpu.memref_squeeze %dma_start3A_128 : memref<1x8x128xf32, #tpu.memory_space<hbm>> -> memref<8x128xf32, #tpu.memory_space<hbm>>
        %dma_start3A_130 = arith.constant 0 : i32
        %dma_start3A_131 = arith.constant 0 : i32
        %dma_start3A_132 = tpu.memref_slice %arg5[%dma_start3A_130, %dma_start3A_131] : memref<32x640xf32, #tpu.memory_space<vmem>> -> memref<8x128xf32, #tpu.memory_space<vmem>>
        %dma_start3A_133 = arith.constant 0 : i32
        %dma_start3A_134 = arith.constant 0 : i32
        %dma_start3A_135 = tpu.memref_slice %arg3[%add3A, %dma_start3A_133, %dma_start3A_134] : memref<26x8x128xf32, #tpu.memory_space<hbm>> -> memref<1x8x128xf32, #tpu.memory_space<hbm>>
        %dma_start3A_136 = tpu.memref_squeeze %dma_start3A_135 : memref<1x8x128xf32, #tpu.memory_space<hbm>> -> memref<8x128xf32, #tpu.memory_space<hbm>>
        tpu.enqueue_dma source(%dma_start3A_136 : memref<8x128xf32, #tpu.memory_space<hbm>>) target(%dma_start3A_132 : memref<8x128xf32, #tpu.memory_space<vmem>>) target_semaphore(%run_scoped3A : memref<!tpu.dma_semaphore, #tpu.memory_space<semaphore_mem>>)
        %dma_wait3A_137 = arith.constant 0 : i32
        %dma_wait3A_138 = arith.constant 0 : i32
        %dma_wait3A_139 = tpu.memref_slice %arg5[%dma_wait3A_137, %dma_wait3A_138] : memref<32x640xf32, #tpu.memory_space<vmem>> -> memref<8x128xf32, #tpu.memory_space<vmem>>
        %dma_wait3A_140 = arith.constant 0 : i32
        %dma_wait3A_141 = arith.constant 0 : i32
        %dma_wait3A_142 = tpu.memref_slice %arg3[%add3A, %dma_wait3A_140, %dma_wait3A_141] : memref<26x8x128xf32, #tpu.memory_space<hbm>> -> memref<1x8x128xf32, #tpu.memory_space<hbm>>
        %dma_wait3A_143 = tpu.memref_squeeze %dma_wait3A_142 : memref<1x8x128xf32, #tpu.memory_space<hbm>> -> memref<8x128xf32, #tpu.memory_space<hbm>>
        %dma_wait3A_144 = arith.constant 0 : i32
        %dma_wait3A_145 = arith.constant 0 : i32
        %dma_wait3A_146 = tpu.memref_slice %arg5[%dma_wait3A_144, %dma_wait3A_145] : memref<32x640xf32, #tpu.memory_space<vmem>> -> memref<8x128xf32, #tpu.memory_space<vmem>>
        %dma_wait3A_147 = arith.constant 0 : i32
        %dma_wait3A_148 = arith.constant 0 : i32
        %dma_wait3A_149 = tpu.memref_slice %arg3[%add3A, %dma_wait3A_147, %dma_wait3A_148] : memref<26x8x128xf32, #tpu.memory_space<hbm>> -> memref<1x8x128xf32, #tpu.memory_space<hbm>>
        %dma_wait3A_150 = tpu.memref_squeeze %dma_wait3A_149 : memref<1x8x128xf32, #tpu.memory_space<hbm>> -> memref<8x128xf32, #tpu.memory_space<hbm>>
        tpu.wait_dma2 semaphore(%run_scoped3A : memref<!tpu.dma_semaphore, #tpu.memory_space<semaphore_mem>>) src(%dma_wait3A_150 : memref<8x128xf32, #tpu.memory_space<hbm>>) dst(%dma_wait3A_146 : memref<8x128xf32, #tpu.memory_space<vmem>>)
        tpu.yield
      }) : () -> ()
      %mul3A_119 = arith.constant 25024 : i32
      %mul3A_120 = arith.muli %add3A, %mul3A_119 : i32
      %add3A_121 = arith.constant 24992 : i32
      %add3A_122 = arith.addi %mul3A_120, %add3A_121 : i32
      "tpu.region"() ({
        %run_scoped3A = tpu.sem_alloc : memref<!tpu.dma_semaphore, #tpu.memory_space<semaphore_mem>>
        %dma_start3A_123 = arith.constant 0 : i32
        %dma_start3A_124 = arith.constant 0 : i32
        %dma_start3A_125 = tpu.memref_slice %arg5[%dma_start3A_123, %dma_start3A_124] : memref<32x640xf32, #tpu.memory_space<vmem>> -> memref<8x128xf32, #tpu.memory_space<vmem>>
        %dma_start3A_126 = arith.constant 0 : i32
        %dma_start3A_127 = tpu.memref_slice %arg4[%add3A_122, %dma_start3A_126] : memref<650624x128xf32, #tpu.memory_space<hbm>> -> memref<8x128xf32, #tpu.memory_space<hbm>>
        %dma_start3A_128 = arith.constant 0 : i32
        %dma_start3A_129 = tpu.memref_slice %arg4[%add3A_122, %dma_start3A_128] : memref<650624x128xf32, #tpu.memory_space<hbm>> -> memref<8x128xf32, #tpu.memory_space<hbm>>
        %dma_start3A_130 = arith.constant 0 : i32
        %dma_start3A_131 = arith.constant 0 : i32
        %dma_start3A_132 = tpu.memref_slice %arg5[%dma_start3A_130, %dma_start3A_131] : memref<32x640xf32, #tpu.memory_space<vmem>> -> memref<8x128xf32, #tpu.memory_space<vmem>>
        tpu.enqueue_dma source(%dma_start3A_132 : memref<8x128xf32, #tpu.memory_space<vmem>>) target(%dma_start3A_129 : memref<8x128xf32, #tpu.memory_space<hbm>>) target_semaphore(%run_scoped3A : memref<!tpu.dma_semaphore, #tpu.memory_space<semaphore_mem>>)
        %dma_wait3A_133 = arith.constant 0 : i32
        %dma_wait3A_134 = arith.constant 0 : i32
        %dma_wait3A_135 = tpu.memref_slice %arg5[%dma_wait3A_133, %dma_wait3A_134] : memref<32x640xf32, #tpu.memory_space<vmem>> -> memref<8x128xf32, #tpu.memory_space<vmem>>
        %dma_wait3A_136 = arith.constant 0 : i32
        %dma_wait3A_137 = tpu.memref_slice %arg4[%add3A_122, %dma_wait3A_136] : memref<650624x128xf32, #tpu.memory_space<hbm>> -> memref<8x128xf32, #tpu.memory_space<hbm>>
        %dma_wait3A_138 = arith.constant 0 : i32
        %dma_wait3A_139 = tpu.memref_slice %arg4[%add3A_122, %dma_wait3A_138] : memref<650624x128xf32, #tpu.memory_space<hbm>> -> memref<8x128xf32, #tpu.memory_space<hbm>>
        %dma_wait3A_140 = arith.constant 0 : i32
        %dma_wait3A_141 = arith.constant 0 : i32
        %dma_wait3A_142 = tpu.memref_slice %arg5[%dma_wait3A_140, %dma_wait3A_141] : memref<32x640xf32, #tpu.memory_space<vmem>> -> memref<8x128xf32, #tpu.memory_space<vmem>>
        tpu.wait_dma2 semaphore(%run_scoped3A : memref<!tpu.dma_semaphore, #tpu.memory_space<semaphore_mem>>) src(%dma_wait3A_142 : memref<8x128xf32, #tpu.memory_space<vmem>>) dst(%dma_wait3A_139 : memref<8x128xf32, #tpu.memory_space<hbm>>)
        tpu.yield
      }) : () -> ()
    } else {
    }
    %jit3A_50 = arith.constant 156 : i32
    %div3A_51 = arith.divsi %add3A, %jit3A_50 : i32
    %sign3A_52 = arith.constant 0 : i32
    %sign3A_53 = arith.cmpi sgt, %add3A, %sign3A_52 : i32
    %sign3A_54 = arith.extui %sign3A_53 : i1 to i32
    %sign3A_55 = arith.constant 0 : i32
    %sign3A_56 = arith.cmpi slt, %add3A, %sign3A_55 : i32
    %sign3A_57 = arith.extui %sign3A_56 : i1 to i32
    %sign3A_58 = arith.subi %sign3A_54, %sign3A_57 : i32
    %sign3A_59 = arith.constant 0 : i32
    %sign3A_60 = arith.cmpi sgt, %jit3A_50, %sign3A_59 : i32
    %sign3A_61 = arith.extui %sign3A_60 : i1 to i32
    %sign3A_62 = arith.constant 0 : i32
    %sign3A_63 = arith.cmpi slt, %jit3A_50, %sign3A_62 : i32
    %sign3A_64 = arith.extui %sign3A_63 : i1 to i32
    %sign3A_65 = arith.subi %sign3A_61, %sign3A_64 : i32
    %ne3A_66 = arith.cmpi ne, %sign3A_58, %sign3A_65 : i32
    %rem3A_67 = arith.remsi %add3A, %jit3A_50 : i32
    %ne3A_68 = arith.constant 0 : i32
    %ne3A_69 = arith.cmpi ne, %rem3A_67, %ne3A_68 : i32
    %and3A_70 = arith.andi %ne3A_66, %ne3A_69 : i1
    %sub3A_71 = arith.constant 1 : i32
    %sub3A_72 = arith.subi %div3A_51, %sub3A_71 : i32
    %select_n3A_73 = arith.select %and3A_70, %sub3A_72, %div3A_51 : i32
    %mul3A_74 = arith.constant 156 : i32
    %mul3A_75 = arith.muli %select_n3A_73, %mul3A_74 : i32
    %sub3A_76 = arith.subi %add3A, %mul3A_75 : i32
    %mul3A_77 = arith.constant 640 : i32
    %mul3A_78 = arith.muli %sub3A_76, %mul3A_77 : i32
    %dma_start3A = arith.constant 0 : i32
    %dma_start3A_79 = tpu.memref_slice %arg2[%select_n3A_73, %dma_start3A, %mul3A_78] : memref<26x32x100000xf32, #tpu.memory_space<hbm>> -> memref<1x32x640xf32, #tpu.memory_space<hbm>>
    %dma_start3A_80 = tpu.memref_squeeze %dma_start3A_79 : memref<1x32x640xf32, #tpu.memory_space<hbm>> -> memref<32x640xf32, #tpu.memory_space<hbm>>
    %dma_start3A_81 = arith.constant 0 : i32
    %dma_start3A_82 = tpu.memref_slice %arg2[%select_n3A_73, %dma_start3A_81, %mul3A_78] : memref<26x32x100000xf32, #tpu.memory_space<hbm>> -> memref<1x32x640xf32, #tpu.memory_space<hbm>>
    %dma_start3A_83 = tpu.memref_squeeze %dma_start3A_82 : memref<1x32x640xf32, #tpu.memory_space<hbm>> -> memref<32x640xf32, #tpu.memory_space<hbm>>
    tpu.enqueue_dma source(%dma_start3A_83 : memref<32x640xf32, #tpu.memory_space<hbm>>) target(%arg5 : memref<32x640xf32, #tpu.memory_space<vmem>>) target_semaphore(%arg11 : memref<!tpu.dma_semaphore, #tpu.memory_space<semaphore_mem>>)
    %add3A_84 = arith.constant 32 : i32
    %add3A_85 = arith.addi %add3A, %add3A_84 : i32
    %lt3A_86 = arith.constant 4056 : i32
    %lt3A_87 = arith.cmpi slt, %add3A_85, %lt3A_86 : i32
    %convert_element_type3A_88 = arith.extui %lt3A_87 : i1 to i32
    %cond3A_89 = arith.constant 0 : i32
    %cond3A_90 = arith.cmpi ne, %convert_element_type3A_88, %cond3A_89 : i32
    scf.if %cond3A_90 {
      %add3A_119 = arith.constant 32 : i32
      %add3A_120 = arith.addi %add3A, %add3A_119 : i32
      %jit3A_121 = arith.constant 156 : i32
      %div3A_122 = arith.divsi %add3A_120, %jit3A_121 : i32
      %sign3A_123 = arith.constant 0 : i32
      %sign3A_124 = arith.cmpi sgt, %add3A_120, %sign3A_123 : i32
      %sign3A_125 = arith.extui %sign3A_124 : i1 to i32
      %sign3A_126 = arith.constant 0 : i32
      %sign3A_127 = arith.cmpi slt, %add3A_120, %sign3A_126 : i32
      %sign3A_128 = arith.extui %sign3A_127 : i1 to i32
      %sign3A_129 = arith.subi %sign3A_125, %sign3A_128 : i32
      %sign3A_130 = arith.constant 0 : i32
      %sign3A_131 = arith.cmpi sgt, %jit3A_121, %sign3A_130 : i32
      %sign3A_132 = arith.extui %sign3A_131 : i1 to i32
      %sign3A_133 = arith.constant 0 : i32
      %sign3A_134 = arith.cmpi slt, %jit3A_121, %sign3A_133 : i32
      %sign3A_135 = arith.extui %sign3A_134 : i1 to i32
      %sign3A_136 = arith.subi %sign3A_132, %sign3A_135 : i32
      %ne3A_137 = arith.cmpi ne, %sign3A_129, %sign3A_136 : i32
      %rem3A_138 = arith.remsi %add3A_120, %jit3A_121 : i32
      %ne3A_139 = arith.constant 0 : i32
      %ne3A_140 = arith.cmpi ne, %rem3A_138, %ne3A_139 : i32
      %and3A_141 = arith.andi %ne3A_137, %ne3A_140 : i1
      %sub3A_142 = arith.constant 1 : i32
      %sub3A_143 = arith.subi %div3A_122, %sub3A_142 : i32
      %select_n3A_144 = arith.select %and3A_141, %sub3A_143, %div3A_122 : i32
      %mul3A_145 = arith.constant 156 : i32
      %mul3A_146 = arith.muli %select_n3A_144, %mul3A_145 : i32
      %sub3A_147 = arith.subi %add3A_120, %mul3A_146 : i32
      %mul3A_148 = arith.constant 640 : i32
      %mul3A_149 = arith.muli %sub3A_147, %mul3A_148 : i32
      %dma_start3A_150 = arith.constant 0 : i32
      %dma_start3A_151 = tpu.memref_slice %arg2[%select_n3A_144, %dma_start3A_150, %mul3A_149] : memref<26x32x100000xf32, #tpu.memory_space<hbm>> -> memref<1x32x640xf32, #tpu.memory_space<hbm>>
      %dma_start3A_152 = tpu.memref_squeeze %dma_start3A_151 : memref<1x32x640xf32, #tpu.memory_space<hbm>> -> memref<32x640xf32, #tpu.memory_space<hbm>>
      %dma_start3A_153 = arith.constant 0 : i32
      %dma_start3A_154 = tpu.memref_slice %arg2[%select_n3A_144, %dma_start3A_153, %mul3A_149] : memref<26x32x100000xf32, #tpu.memory_space<hbm>> -> memref<1x32x640xf32, #tpu.memory_space<hbm>>
      %dma_start3A_155 = tpu.memref_squeeze %dma_start3A_154 : memref<1x32x640xf32, #tpu.memory_space<hbm>> -> memref<32x640xf32, #tpu.memory_space<hbm>>
      tpu.enqueue_dma source(%dma_start3A_155 : memref<32x640xf32, #tpu.memory_space<hbm>>) target(%arg6 : memref<32x640xf32, #tpu.memory_space<vmem>>) target_semaphore(%arg12 : memref<!tpu.dma_semaphore, #tpu.memory_space<semaphore_mem>>)
    } else {
    }
    %scan3A = arith.constant 0 : i32
    %scan3A_91 = arith.constant 0 : i32
    %scan3A_92 = arith.constant 43 : i32
    %scan3A_93 = arith.addi %scan3A_91, %scan3A_92 : i32
    %scan3A_94 = arith.constant 1 : i32
    %scan3A_95 = scf.for %scan3A_119 = %scan3A_91 to %scan3A_93 step %scan3A_94 iter_args(%scan3A_120 = %scan3A) -> (i32)  : i32 {
      %mul3A_121 = arith.constant 96 : i32
      %mul3A_122 = arith.muli %mul3A_121, %scan3A_119 : i32
      %add3A_123 = arith.addi %add3A, %mul3A_122 : i32
      %lt3A_124 = arith.constant 4056 : i32
      %lt3A_125 = arith.cmpi slt, %add3A_123, %lt3A_124 : i32
      %convert_element_type3A_126 = arith.extui %lt3A_125 : i1 to i32
      %cond3A_127 = arith.constant 0 : i32
      %cond3A_128 = arith.cmpi ne, %convert_element_type3A_126, %cond3A_127 : i32
      scf.if %cond3A_128 {
        %dma_wait3A_144 = arith.constant 0 : i32
        %dma_wait3A_145 = arith.constant 0 : i32
        %dma_wait3A_146 = arith.constant 0 : i32
        %dma_wait3A_147 = tpu.memref_slice %arg2[%dma_wait3A_144, %dma_wait3A_145, %dma_wait3A_146] : memref<26x32x100000xf32, #tpu.memory_space<hbm>> -> memref<1x32x640xf32, #tpu.memory_space<hbm>>
        %dma_wait3A_148 = tpu.memref_squeeze %dma_wait3A_147 : memref<1x32x640xf32, #tpu.memory_space<hbm>> -> memref<32x640xf32, #tpu.memory_space<hbm>>
        %dma_wait3A_149 = arith.constant 0 : i32
        %dma_wait3A_150 = arith.constant 0 : i32
        %dma_wait3A_151 = tpu.memref_slice %arg2[%dma_wait3A_144, %dma_wait3A_149, %dma_wait3A_150] : memref<26x32x100000xf32, #tpu.memory_space<hbm>> -> memref<1x32x640xf32, #tpu.memory_space<hbm>>
        %dma_wait3A_152 = tpu.memref_squeeze %dma_wait3A_151 : memref<1x32x640xf32, #tpu.memory_space<hbm>> -> memref<32x640xf32, #tpu.memory_space<hbm>>
        tpu.wait_dma2 semaphore(%arg11 : memref<!tpu.dma_semaphore, #tpu.memory_space<semaphore_mem>>) src(%dma_wait3A_152 : memref<32x640xf32, #tpu.memory_space<hbm>>) dst(%arg5 : memref<32x640xf32, #tpu.memory_space<vmem>>)
        %add3A_153 = arith.constant 64 : i32
        %add3A_154 = arith.addi %add3A_123, %add3A_153 : i32
        %lt3A_155 = arith.constant 4056 : i32
        %lt3A_156 = arith.cmpi slt, %add3A_154, %lt3A_155 : i32
        %convert_element_type3A_157 = arith.extui %lt3A_156 : i1 to i32
        %cond3A_158 = arith.constant 0 : i32
        %cond3A_159 = arith.cmpi ne, %convert_element_type3A_157, %cond3A_158 : i32
        scf.if %cond3A_159 {
          %add3A_207 = arith.constant 64 : i32
          %add3A_208 = arith.addi %add3A_123, %add3A_207 : i32
          %jit3A_209 = arith.constant 156 : i32
          %div3A_210 = arith.divsi %add3A_208, %jit3A_209 : i32
          %sign3A_211 = arith.constant 0 : i32
          %sign3A_212 = arith.cmpi sgt, %add3A_208, %sign3A_211 : i32
          %sign3A_213 = arith.extui %sign3A_212 : i1 to i32
          %sign3A_214 = arith.constant 0 : i32
          %sign3A_215 = arith.cmpi slt, %add3A_208, %sign3A_214 : i32
          %sign3A_216 = arith.extui %sign3A_215 : i1 to i32
          %sign3A_217 = arith.subi %sign3A_213, %sign3A_216 : i32
          %sign3A_218 = arith.constant 0 : i32
          %sign3A_219 = arith.cmpi sgt, %jit3A_209, %sign3A_218 : i32
          %sign3A_220 = arith.extui %sign3A_219 : i1 to i32
          %sign3A_221 = arith.constant 0 : i32
          %sign3A_222 = arith.cmpi slt, %jit3A_209, %sign3A_221 : i32
          %sign3A_223 = arith.extui %sign3A_222 : i1 to i32
          %sign3A_224 = arith.subi %sign3A_220, %sign3A_223 : i32
          %ne3A_225 = arith.cmpi ne, %sign3A_217, %sign3A_224 : i32
          %rem3A_226 = arith.remsi %add3A_208, %jit3A_209 : i32
          %ne3A_227 = arith.constant 0 : i32
          %ne3A_228 = arith.cmpi ne, %rem3A_226, %ne3A_227 : i32
          %and3A_229 = arith.andi %ne3A_225, %ne3A_228 : i1
          %sub3A_230 = arith.constant 1 : i32
          %sub3A_231 = arith.subi %div3A_210, %sub3A_230 : i32
          %select_n3A_232 = arith.select %and3A_229, %sub3A_231, %div3A_210 : i32
          %mul3A_233 = arith.constant 156 : i32
          %mul3A_234 = arith.muli %select_n3A_232, %mul3A_233 : i32
          %sub3A_235 = arith.subi %add3A_208, %mul3A_234 : i32
          %mul3A_236 = arith.constant 640 : i32
          %mul3A_237 = arith.muli %sub3A_235, %mul3A_236 : i32
          %dma_start3A_238 = arith.constant 0 : i32
          %dma_start3A_239 = tpu.memref_slice %arg2[%select_n3A_232, %dma_start3A_238, %mul3A_237] : memref<26x32x100000xf32, #tpu.memory_space<hbm>> -> memref<1x32x640xf32, #tpu.memory_space<hbm>>
          %dma_start3A_240 = tpu.memref_squeeze %dma_start3A_239 : memref<1x32x640xf32, #tpu.memory_space<hbm>> -> memref<32x640xf32, #tpu.memory_space<hbm>>
          %dma_start3A_241 = arith.constant 0 : i32
          %dma_start3A_242 = tpu.memref_slice %arg2[%select_n3A_232, %dma_start3A_241, %mul3A_237] : memref<26x32x100000xf32, #tpu.memory_space<hbm>> -> memref<1x32x640xf32, #tpu.memory_space<hbm>>
          %dma_start3A_243 = tpu.memref_squeeze %dma_start3A_242 : memref<1x32x640xf32, #tpu.memory_space<hbm>> -> memref<32x640xf32, #tpu.memory_space<hbm>>
          tpu.enqueue_dma source(%dma_start3A_243 : memref<32x640xf32, #tpu.memory_space<hbm>>) target(%arg7 : memref<32x640xf32, #tpu.memory_space<vmem>>) target_semaphore(%arg13 : memref<!tpu.dma_semaphore, #tpu.memory_space<semaphore_mem>>)
        } else {
        }
        %ge3A = arith.constant 96 : i32
        %ge3A_160 = arith.cmpi sge, %add3A_123, %ge3A : i32
        %convert_element_type3A_161 = arith.extui %ge3A_160 : i1 to i32
        %cond3A_162 = arith.constant 0 : i32
        %cond3A_163 = arith.cmpi ne, %convert_element_type3A_161, %cond3A_162 : i32
        scf.if %cond3A_163 {
          %dma_wait3A_207 = arith.constant 0 : i32
          %dma_wait3A_208 = arith.constant 0 : i32
          %dma_wait3A_209 = tpu.memref_slice %arg4[%dma_wait3A_207, %dma_wait3A_208] : memref<650624x128xf32, #tpu.memory_space<hbm>> -> memref<160x128xf32, #tpu.memory_space<hbm>>
          %dma_wait3A_210 = arith.constant 0 : i32
          %dma_wait3A_211 = arith.constant 0 : i32
          %dma_wait3A_212 = tpu.memref_slice %arg4[%dma_wait3A_210, %dma_wait3A_211] : memref<650624x128xf32, #tpu.memory_space<hbm>> -> memref<160x128xf32, #tpu.memory_space<hbm>>
          tpu.wait_dma2 semaphore(%arg14 : memref<!tpu.dma_semaphore, #tpu.memory_space<semaphore_mem>>) src(%dma_wait3A_212 : memref<160x128xf32, #tpu.memory_space<hbm>>) dst(%arg8 : memref<160x128xf32, #tpu.memory_space<vmem>>)
        } else {
        }
        %scan3A_164 = arith.constant 0 : i32
        %scan3A_165 = arith.constant 0 : i32
        %scan3A_166 = arith.constant 40 : i32
        %scan3A_167 = arith.addi %scan3A_165, %scan3A_166 : i32
        %scan3A_168 = arith.constant 1 : i32
        %scan3A_169 = scf.for %scan3A_207 = %scan3A_165 to %scan3A_167 step %scan3A_168 iter_args(%scan3A_208 = %scan3A_164) -> (i32)  : i32 {
          %mul3A_209 = arith.constant 2 : i32
          %mul3A_210 = arith.muli %mul3A_209, %scan3A_207 : i32
          %add3A_211 = arith.constant 0 : i32
          %add3A_212 = arith.addi %mul3A_210, %add3A_211 : i32
          %shift_right_arithmetic3A = arith.constant 1 : i32
          %shift_right_arithmetic3A_213 = arith.shrsi %add3A_212, %shift_right_arithmetic3A : i32
          %and3A_214 = arith.constant 1 : i32
          %and3A_215 = arith.andi %add3A_212, %and3A_214 : i32
          %mul3A_216 = arith.constant 16 : i32
          %mul3A_217 = arith.muli %mul3A_216, %shift_right_arithmetic3A_213 : i32
          %add3A_218 = vector.broadcast %mul3A_217 : i32 to vector<16xi32>
          %add3A_219 = arith.addi %iota3A, %add3A_218 : vector<16xi32>
          %mul3A_220 = arith.constant 4 : i32
          %mul3A_221 = arith.muli %mul3A_220, %shift_right_arithmetic3A_213 : i32
          %add3A_222 = vector.broadcast %mul3A_221 : i32 to vector<16xi32>
          %add3A_223 = arith.addi %select_n3A, %add3A_222 : vector<16xi32>
          %add3A_224 = arith.constant 0 : i32
          %add3A_225 = vector.broadcast %add3A_224 : i32 to vector<16xi32>
          %add3A_226 = arith.addi %iota3A, %add3A_225 : vector<16xi32>
          %and3A_227 = arith.constant 15 : i32
          %and3A_228 = vector.broadcast %and3A_227 : i32 to vector<16xi32>
          %and3A_229 = arith.andi %add3A_226, %and3A_228 : vector<16xi32>
          %mul3A_230 = arith.constant 16 : i32
          %mul3A_231 = arith.muli %mul3A_230, %and3A_215 : i32
          %add3A_232 = vector.broadcast %mul3A_231 : i32 to vector<16xi32>
          %add3A_233 = arith.addi %and3A_229, %add3A_232 : vector<16xi32>
          %add3A_234 = arith.addi %mul3A_46, %add3A_233 : vector<16xi32>
          %gather3A = tpu.vector_load_idx %arg5[%add3A_233, %add3A_219] : memref<32x640xf32, #tpu.memory_space<vmem>>[vector<16xi32>, vector<16xi32>], vector<16xf32>,
          %add3A_235 = arith.constant 1 : i32
          %add3A_236 = vector.broadcast %add3A_235 : i32 to vector<16xi32>
          %add3A_237 = arith.addi %iota3A, %add3A_236 : vector<16xi32>
          %and3A_238 = arith.constant 15 : i32
          %and3A_239 = vector.broadcast %and3A_238 : i32 to vector<16xi32>
          %and3A_240 = arith.andi %add3A_237, %and3A_239 : vector<16xi32>
          %mul3A_241 = arith.constant 16 : i32
          %mul3A_242 = arith.muli %mul3A_241, %and3A_215 : i32
          %add3A_243 = vector.broadcast %mul3A_242 : i32 to vector<16xi32>
          %add3A_244 = arith.addi %and3A_240, %add3A_243 : vector<16xi32>
          %add3A_245 = arith.addi %mul3A_46, %add3A_244 : vector<16xi32>
          %gather3A_246 = tpu.vector_load_idx %arg5[%add3A_244, %add3A_219] : memref<32x640xf32, #tpu.memory_space<vmem>>[vector<16xi32>, vector<16xi32>], vector<16xf32>,
          %add3A_247 = arith.constant 2 : i32
          %add3A_248 = vector.broadcast %add3A_247 : i32 to vector<16xi32>
          %add3A_249 = arith.addi %iota3A, %add3A_248 : vector<16xi32>
          %and3A_250 = arith.constant 15 : i32
          %and3A_251 = vector.broadcast %and3A_250 : i32 to vector<16xi32>
          %and3A_252 = arith.andi %add3A_249, %and3A_251 : vector<16xi32>
          %mul3A_253 = arith.constant 16 : i32
          %mul3A_254 = arith.muli %mul3A_253, %and3A_215 : i32
          %add3A_255 = vector.broadcast %mul3A_254 : i32 to vector<16xi32>
          %add3A_256 = arith.addi %and3A_252, %add3A_255 : vector<16xi32>
          %add3A_257 = arith.addi %mul3A_46, %add3A_256 : vector<16xi32>
          %gather3A_258 = tpu.vector_load_idx %arg5[%add3A_256, %add3A_219] : memref<32x640xf32, #tpu.memory_space<vmem>>[vector<16xi32>, vector<16xi32>], vector<16xf32>,
          %add3A_259 = arith.constant 3 : i32
          %add3A_260 = vector.broadcast %add3A_259 : i32 to vector<16xi32>
          %add3A_261 = arith.addi %iota3A, %add3A_260 : vector<16xi32>
          %and3A_262 = arith.constant 15 : i32
          %and3A_263 = vector.broadcast %and3A_262 : i32 to vector<16xi32>
          %and3A_264 = arith.andi %add3A_261, %and3A_263 : vector<16xi32>
          %mul3A_265 = arith.constant 16 : i32
          %mul3A_266 = arith.muli %mul3A_265, %and3A_215 : i32
          %add3A_267 = vector.broadcast %mul3A_266 : i32 to vector<16xi32>
          %add3A_268 = arith.addi %and3A_264, %add3A_267 : vector<16xi32>
          %add3A_269 = arith.addi %mul3A_46, %add3A_268 : vector<16xi32>
          %gather3A_270 = tpu.vector_load_idx %arg5[%add3A_268, %add3A_219] : memref<32x640xf32, #tpu.memory_space<vmem>>[vector<16xi32>, vector<16xi32>], vector<16xf32>,
          %add3A_271 = arith.constant 4 : i32
          %add3A_272 = vector.broadcast %add3A_271 : i32 to vector<16xi32>
          %add3A_273 = arith.addi %iota3A, %add3A_272 : vector<16xi32>
          %and3A_274 = arith.constant 15 : i32
          %and3A_275 = vector.broadcast %and3A_274 : i32 to vector<16xi32>
          %and3A_276 = arith.andi %add3A_273, %and3A_275 : vector<16xi32>
          %mul3A_277 = arith.constant 16 : i32
          %mul3A_278 = arith.muli %mul3A_277, %and3A_215 : i32
          %add3A_279 = vector.broadcast %mul3A_278 : i32 to vector<16xi32>
          %add3A_280 = arith.addi %and3A_276, %add3A_279 : vector<16xi32>
          %add3A_281 = arith.addi %mul3A_46, %add3A_280 : vector<16xi32>
          %gather3A_282 = tpu.vector_load_idx %arg5[%add3A_280, %add3A_219] : memref<32x640xf32, #tpu.memory_space<vmem>>[vector<16xi32>, vector<16xi32>], vector<16xf32>,
          %add3A_283 = arith.constant 5 : i32
          %add3A_284 = vector.broadcast %add3A_283 : i32 to vector<16xi32>
          %add3A_285 = arith.addi %iota3A, %add3A_284 : vector<16xi32>
          %and3A_286 = arith.constant 15 : i32
          %and3A_287 = vector.broadcast %and3A_286 : i32 to vector<16xi32>
          %and3A_288 = arith.andi %add3A_285, %and3A_287 : vector<16xi32>
          %mul3A_289 = arith.constant 16 : i32
          %mul3A_290 = arith.muli %mul3A_289, %and3A_215 : i32
          %add3A_291 = vector.broadcast %mul3A_290 : i32 to vector<16xi32>
          %add3A_292 = arith.addi %and3A_288, %add3A_291 : vector<16xi32>
          %add3A_293 = arith.addi %mul3A_46, %add3A_292 : vector<16xi32>
          %gather3A_294 = tpu.vector_load_idx %arg5[%add3A_292, %add3A_219] : memref<32x640xf32, #tpu.memory_space<vmem>>[vector<16xi32>, vector<16xi32>], vector<16xf32>,
          %add3A_295 = arith.constant 6 : i32
          %add3A_296 = vector.broadcast %add3A_295 : i32 to vector<16xi32>
          %add3A_297 = arith.addi %iota3A, %add3A_296 : vector<16xi32>
          %and3A_298 = arith.constant 15 : i32
          %and3A_299 = vector.broadcast %and3A_298 : i32 to vector<16xi32>
          %and3A_300 = arith.andi %add3A_297, %and3A_299 : vector<16xi32>
          %mul3A_301 = arith.constant 16 : i32
          %mul3A_302 = arith.muli %mul3A_301, %and3A_215 : i32
          %add3A_303 = vector.broadcast %mul3A_302 : i32 to vector<16xi32>
          %add3A_304 = arith.addi %and3A_300, %add3A_303 : vector<16xi32>
          %add3A_305 = arith.addi %mul3A_46, %add3A_304 : vector<16xi32>
          %gather3A_306 = tpu.vector_load_idx %arg5[%add3A_304, %add3A_219] : memref<32x640xf32, #tpu.memory_space<vmem>>[vector<16xi32>, vector<16xi32>], vector<16xf32>,
          %add3A_307 = arith.constant 7 : i32
          %add3A_308 = vector.broadcast %add3A_307 : i32 to vector<16xi32>
          %add3A_309 = arith.addi %iota3A, %add3A_308 : vector<16xi32>
          %and3A_310 = arith.constant 15 : i32
          %and3A_311 = vector.broadcast %and3A_310 : i32 to vector<16xi32>
          %and3A_312 = arith.andi %add3A_309, %and3A_311 : vector<16xi32>
          %mul3A_313 = arith.constant 16 : i32
          %mul3A_314 = arith.muli %mul3A_313, %and3A_215 : i32
          %add3A_315 = vector.broadcast %mul3A_314 : i32 to vector<16xi32>
          %add3A_316 = arith.addi %and3A_312, %add3A_315 : vector<16xi32>
          %add3A_317 = arith.addi %mul3A_46, %add3A_316 : vector<16xi32>
          %gather3A_318 = tpu.vector_load_idx %arg5[%add3A_316, %add3A_219] : memref<32x640xf32, #tpu.memory_space<vmem>>[vector<16xi32>, vector<16xi32>], vector<16xf32>,
          %add3A_319 = arith.constant 8 : i32
          %add3A_320 = vector.broadcast %add3A_319 : i32 to vector<16xi32>
          %add3A_321 = arith.addi %iota3A, %add3A_320 : vector<16xi32>
          %and3A_322 = arith.constant 15 : i32
          %and3A_323 = vector.broadcast %and3A_322 : i32 to vector<16xi32>
          %and3A_324 = arith.andi %add3A_321, %and3A_323 : vector<16xi32>
          %mul3A_325 = arith.constant 16 : i32
          %mul3A_326 = arith.muli %mul3A_325, %and3A_215 : i32
          %add3A_327 = vector.broadcast %mul3A_326 : i32 to vector<16xi32>
          %add3A_328 = arith.addi %and3A_324, %add3A_327 : vector<16xi32>
          %add3A_329 = arith.addi %mul3A_46, %add3A_328 : vector<16xi32>
          %gather3A_330 = tpu.vector_load_idx %arg5[%add3A_328, %add3A_219] : memref<32x640xf32, #tpu.memory_space<vmem>>[vector<16xi32>, vector<16xi32>], vector<16xf32>,
          %add3A_331 = arith.constant 9 : i32
          %add3A_332 = vector.broadcast %add3A_331 : i32 to vector<16xi32>
          %add3A_333 = arith.addi %iota3A, %add3A_332 : vector<16xi32>
          %and3A_334 = arith.constant 15 : i32
          %and3A_335 = vector.broadcast %and3A_334 : i32 to vector<16xi32>
          %and3A_336 = arith.andi %add3A_333, %and3A_335 : vector<16xi32>
          %mul3A_337 = arith.constant 16 : i32
          %mul3A_338 = arith.muli %mul3A_337, %and3A_215 : i32
          %add3A_339 = vector.broadcast %mul3A_338 : i32 to vector<16xi32>
          %add3A_340 = arith.addi %and3A_336, %add3A_339 : vector<16xi32>
          %add3A_341 = arith.addi %mul3A_46, %add3A_340 : vector<16xi32>
          %gather3A_342 = tpu.vector_load_idx %arg5[%add3A_340, %add3A_219] : memref<32x640xf32, #tpu.memory_space<vmem>>[vector<16xi32>, vector<16xi32>], vector<16xf32>,
          %add3A_343 = arith.constant 10 : i32
          %add3A_344 = vector.broadcast %add3A_343 : i32 to vector<16xi32>
          %add3A_345 = arith.addi %iota3A, %add3A_344 : vector<16xi32>
          %and3A_346 = arith.constant 15 : i32
          %and3A_347 = vector.broadcast %and3A_346 : i32 to vector<16xi32>
          %and3A_348 = arith.andi %add3A_345, %and3A_347 : vector<16xi32>
          %mul3A_349 = arith.constant 16 : i32
          %mul3A_350 = arith.muli %mul3A_349, %and3A_215 : i32
          %add3A_351 = vector.broadcast %mul3A_350 : i32 to vector<16xi32>
          %add3A_352 = arith.addi %and3A_348, %add3A_351 : vector<16xi32>
          %add3A_353 = arith.addi %mul3A_46, %add3A_352 : vector<16xi32>
          %gather3A_354 = tpu.vector_load_idx %arg5[%add3A_352, %add3A_219] : memref<32x640xf32, #tpu.memory_space<vmem>>[vector<16xi32>, vector<16xi32>], vector<16xf32>,
          %add3A_355 = arith.constant 11 : i32
          %add3A_356 = vector.broadcast %add3A_355 : i32 to vector<16xi32>
          %add3A_357 = arith.addi %iota3A, %add3A_356 : vector<16xi32>
          %and3A_358 = arith.constant 15 : i32
          %and3A_359 = vector.broadcast %and3A_358 : i32 to vector<16xi32>
          %and3A_360 = arith.andi %add3A_357, %and3A_359 : vector<16xi32>
          %mul3A_361 = arith.constant 16 : i32
          %mul3A_362 = arith.muli %mul3A_361, %and3A_215 : i32
          %add3A_363 = vector.broadcast %mul3A_362 : i32 to vector<16xi32>
          %add3A_364 = arith.addi %and3A_360, %add3A_363 : vector<16xi32>
          %add3A_365 = arith.addi %mul3A_46, %add3A_364 : vector<16xi32>
          %gather3A_366 = tpu.vector_load_idx %arg5[%add3A_364, %add3A_219] : memref<32x640xf32, #tpu.memory_space<vmem>>[vector<16xi32>, vector<16xi32>], vector<16xf32>,
          %add3A_367 = arith.constant 12 : i32
          %add3A_368 = vector.broadcast %add3A_367 : i32 to vector<16xi32>
          %add3A_369 = arith.addi %iota3A, %add3A_368 : vector<16xi32>
          %and3A_370 = arith.constant 15 : i32
          %and3A_371 = vector.broadcast %and3A_370 : i32 to vector<16xi32>
          %and3A_372 = arith.andi %add3A_369, %and3A_371 : vector<16xi32>
          %mul3A_373 = arith.constant 16 : i32
          %mul3A_374 = arith.muli %mul3A_373, %and3A_215 : i32
          %add3A_375 = vector.broadcast %mul3A_374 : i32 to vector<16xi32>
          %add3A_376 = arith.addi %and3A_372, %add3A_375 : vector<16xi32>
          %add3A_377 = arith.addi %mul3A_46, %add3A_376 : vector<16xi32>
          %gather3A_378 = tpu.vector_load_idx %arg5[%add3A_376, %add3A_219] : memref<32x640xf32, #tpu.memory_space<vmem>>[vector<16xi32>, vector<16xi32>], vector<16xf32>,
          %add3A_379 = arith.constant 13 : i32
          %add3A_380 = vector.broadcast %add3A_379 : i32 to vector<16xi32>
          %add3A_381 = arith.addi %iota3A, %add3A_380 : vector<16xi32>
          %and3A_382 = arith.constant 15 : i32
          %and3A_383 = vector.broadcast %and3A_382 : i32 to vector<16xi32>
          %and3A_384 = arith.andi %add3A_381, %and3A_383 : vector<16xi32>
          %mul3A_385 = arith.constant 16 : i32
          %mul3A_386 = arith.muli %mul3A_385, %and3A_215 : i32
          %add3A_387 = vector.broadcast %mul3A_386 : i32 to vector<16xi32>
          %add3A_388 = arith.addi %and3A_384, %add3A_387 : vector<16xi32>
          %add3A_389 = arith.addi %mul3A_46, %add3A_388 : vector<16xi32>
          %gather3A_390 = tpu.vector_load_idx %arg5[%add3A_388, %add3A_219] : memref<32x640xf32, #tpu.memory_space<vmem>>[vector<16xi32>, vector<16xi32>], vector<16xf32>,
          %add3A_391 = arith.constant 14 : i32
          %add3A_392 = vector.broadcast %add3A_391 : i32 to vector<16xi32>
          %add3A_393 = arith.addi %iota3A, %add3A_392 : vector<16xi32>
          %and3A_394 = arith.constant 15 : i32
          %and3A_395 = vector.broadcast %and3A_394 : i32 to vector<16xi32>
          %and3A_396 = arith.andi %add3A_393, %and3A_395 : vector<16xi32>
          %mul3A_397 = arith.constant 16 : i32
          %mul3A_398 = arith.muli %mul3A_397, %and3A_215 : i32
          %add3A_399 = vector.broadcast %mul3A_398 : i32 to vector<16xi32>
          %add3A_400 = arith.addi %and3A_396, %add3A_399 : vector<16xi32>
          %add3A_401 = arith.addi %mul3A_46, %add3A_400 : vector<16xi32>
          %gather3A_402 = tpu.vector_load_idx %arg5[%add3A_400, %add3A_219] : memref<32x640xf32, #tpu.memory_space<vmem>>[vector<16xi32>, vector<16xi32>], vector<16xf32>,
          %add3A_403 = arith.constant 15 : i32
          %add3A_404 = vector.broadcast %add3A_403 : i32 to vector<16xi32>
          %add3A_405 = arith.addi %iota3A, %add3A_404 : vector<16xi32>
          %and3A_406 = arith.constant 15 : i32
          %and3A_407 = vector.broadcast %and3A_406 : i32 to vector<16xi32>
          %and3A_408 = arith.andi %add3A_405, %and3A_407 : vector<16xi32>
          %mul3A_409 = arith.constant 16 : i32
          %mul3A_410 = arith.muli %mul3A_409, %and3A_215 : i32
          %add3A_411 = vector.broadcast %mul3A_410 : i32 to vector<16xi32>
          %add3A_412 = arith.addi %and3A_408, %add3A_411 : vector<16xi32>
          %add3A_413 = arith.addi %mul3A_46, %add3A_412 : vector<16xi32>
          %gather3A_414 = tpu.vector_load_idx %arg5[%add3A_412, %add3A_219] : memref<32x640xf32, #tpu.memory_space<vmem>>[vector<16xi32>, vector<16xi32>], vector<16xf32>,
          tpu.vector_store_idx %arg8[%add3A_223, %add3A_234], %gather3A : memref<160x128xf32, #tpu.memory_space<vmem>>[vector<16xi32>, vector<16xi32>], vector<16xf32>,
          tpu.vector_store_idx %arg8[%add3A_223, %add3A_245], %gather3A_246 : memref<160x128xf32, #tpu.memory_space<vmem>>[vector<16xi32>, vector<16xi32>], vector<16xf32>,
          tpu.vector_store_idx %arg8[%add3A_223, %add3A_257], %gather3A_258 : memref<160x128xf32, #tpu.memory_space<vmem>>[vector<16xi32>, vector<16xi32>], vector<16xf32>,
          tpu.vector_store_idx %arg8[%add3A_223, %add3A_269], %gather3A_270 : memref<160x128xf32, #tpu.memory_space<vmem>>[vector<16xi32>, vector<16xi32>], vector<16xf32>,
          tpu.vector_store_idx %arg8[%add3A_223, %add3A_281], %gather3A_282 : memref<160x128xf32, #tpu.memory_space<vmem>>[vector<16xi32>, vector<16xi32>], vector<16xf32>,
          tpu.vector_store_idx %arg8[%add3A_223, %add3A_293], %gather3A_294 : memref<160x128xf32, #tpu.memory_space<vmem>>[vector<16xi32>, vector<16xi32>], vector<16xf32>,
          tpu.vector_store_idx %arg8[%add3A_223, %add3A_305], %gather3A_306 : memref<160x128xf32, #tpu.memory_space<vmem>>[vector<16xi32>, vector<16xi32>], vector<16xf32>,
          tpu.vector_store_idx %arg8[%add3A_223, %add3A_317], %gather3A_318 : memref<160x128xf32, #tpu.memory_space<vmem>>[vector<16xi32>, vector<16xi32>], vector<16xf32>,
          tpu.vector_store_idx %arg8[%add3A_223, %add3A_329], %gather3A_330 : memref<160x128xf32, #tpu.memory_space<vmem>>[vector<16xi32>, vector<16xi32>], vector<16xf32>,
          tpu.vector_store_idx %arg8[%add3A_223, %add3A_341], %gather3A_342 : memref<160x128xf32, #tpu.memory_space<vmem>>[vector<16xi32>, vector<16xi32>], vector<16xf32>,
          tpu.vector_store_idx %arg8[%add3A_223, %add3A_353], %gather3A_354 : memref<160x128xf32, #tpu.memory_space<vmem>>[vector<16xi32>, vector<16xi32>], vector<16xf32>,
          tpu.vector_store_idx %arg8[%add3A_223, %add3A_365], %gather3A_366 : memref<160x128xf32, #tpu.memory_space<vmem>>[vector<16xi32>, vector<16xi32>], vector<16xf32>,
          tpu.vector_store_idx %arg8[%add3A_223, %add3A_377], %gather3A_378 : memref<160x128xf32, #tpu.memory_space<vmem>>[vector<16xi32>, vector<16xi32>], vector<16xf32>,
          tpu.vector_store_idx %arg8[%add3A_223, %add3A_389], %gather3A_390 : memref<160x128xf32, #tpu.memory_space<vmem>>[vector<16xi32>, vector<16xi32>], vector<16xf32>,
          tpu.vector_store_idx %arg8[%add3A_223, %add3A_401], %gather3A_402 : memref<160x128xf32, #tpu.memory_space<vmem>>[vector<16xi32>, vector<16xi32>], vector<16xf32>,
          tpu.vector_store_idx %arg8[%add3A_223, %add3A_413], %gather3A_414 : memref<160x128xf32, #tpu.memory_space<vmem>>[vector<16xi32>, vector<16xi32>], vector<16xf32>,
          %mul3A_415 = arith.constant 2 : i32
          %mul3A_416 = arith.muli %mul3A_415, %scan3A_207 : i32
          %add3A_417 = arith.constant 1 : i32
          %add3A_418 = arith.addi %mul3A_416, %add3A_417 : i32
          %shift_right_arithmetic3A_419 = arith.constant 1 : i32
          %shift_right_arithmetic3A_420 = arith.shrsi %add3A_418, %shift_right_arithmetic3A_419 : i32
          %and3A_421 = arith.constant 1 : i32
          %and3A_422 = arith.andi %add3A_418, %and3A_421 : i32
          %mul3A_423 = arith.constant 16 : i32
          %mul3A_424 = arith.muli %mul3A_423, %shift_right_arithmetic3A_420 : i32
          %add3A_425 = vector.broadcast %mul3A_424 : i32 to vector<16xi32>
          %add3A_426 = arith.addi %iota3A, %add3A_425 : vector<16xi32>
          %mul3A_427 = arith.constant 4 : i32
          %mul3A_428 = arith.muli %mul3A_427, %shift_right_arithmetic3A_420 : i32
          %add3A_429 = vector.broadcast %mul3A_428 : i32 to vector<16xi32>
          %add3A_430 = arith.addi %select_n3A, %add3A_429 : vector<16xi32>
          %add3A_431 = arith.constant 0 : i32
          %add3A_432 = vector.broadcast %add3A_431 : i32 to vector<16xi32>
          %add3A_433 = arith.addi %iota3A, %add3A_432 : vector<16xi32>
          %and3A_434 = arith.constant 15 : i32
          %and3A_435 = vector.broadcast %and3A_434 : i32 to vector<16xi32>
          %and3A_436 = arith.andi %add3A_433, %and3A_435 : vector<16xi32>
          %mul3A_437 = arith.constant 16 : i32
          %mul3A_438 = arith.muli %mul3A_437, %and3A_422 : i32
          %add3A_439 = vector.broadcast %mul3A_438 : i32 to vector<16xi32>
          %add3A_440 = arith.addi %and3A_436, %add3A_439 : vector<16xi32>
          %add3A_441 = arith.addi %mul3A_46, %add3A_440 : vector<16xi32>
          %gather3A_442 = tpu.vector_load_idx %arg5[%add3A_440, %add3A_426] : memref<32x640xf32, #tpu.memory_space<vmem>>[vector<16xi32>, vector<16xi32>], vector<16xf32>,
          %add3A_443 = arith.constant 1 : i32
          %add3A_444 = vector.broadcast %add3A_443 : i32 to vector<16xi32>
          %add3A_445 = arith.addi %iota3A, %add3A_444 : vector<16xi32>
          %and3A_446 = arith.constant 15 : i32
          %and3A_447 = vector.broadcast %and3A_446 : i32 to vector<16xi32>
          %and3A_448 = arith.andi %add3A_445, %and3A_447 : vector<16xi32>
          %mul3A_449 = arith.constant 16 : i32
          %mul3A_450 = arith.muli %mul3A_449, %and3A_422 : i32
          %add3A_451 = vector.broadcast %mul3A_450 : i32 to vector<16xi32>
          %add3A_452 = arith.addi %and3A_448, %add3A_451 : vector<16xi32>
          %add3A_453 = arith.addi %mul3A_46, %add3A_452 : vector<16xi32>
          %gather3A_454 = tpu.vector_load_idx %arg5[%add3A_452, %add3A_426] : memref<32x640xf32, #tpu.memory_space<vmem>>[vector<16xi32>, vector<16xi32>], vector<16xf32>,
          %add3A_455 = arith.constant 2 : i32
          %add3A_456 = vector.broadcast %add3A_455 : i32 to vector<16xi32>
          %add3A_457 = arith.addi %iota3A, %add3A_456 : vector<16xi32>
          %and3A_458 = arith.constant 15 : i32
          %and3A_459 = vector.broadcast %and3A_458 : i32 to vector<16xi32>
          %and3A_460 = arith.andi %add3A_457, %and3A_459 : vector<16xi32>
          %mul3A_461 = arith.constant 16 : i32
          %mul3A_462 = arith.muli %mul3A_461, %and3A_422 : i32
          %add3A_463 = vector.broadcast %mul3A_462 : i32 to vector<16xi32>
          %add3A_464 = arith.addi %and3A_460, %add3A_463 : vector<16xi32>
          %add3A_465 = arith.addi %mul3A_46, %add3A_464 : vector<16xi32>
          %gather3A_466 = tpu.vector_load_idx %arg5[%add3A_464, %add3A_426] : memref<32x640xf32, #tpu.memory_space<vmem>>[vector<16xi32>, vector<16xi32>], vector<16xf32>,
          %add3A_467 = arith.constant 3 : i32
          %add3A_468 = vector.broadcast %add3A_467 : i32 to vector<16xi32>
          %add3A_469 = arith.addi %iota3A, %add3A_468 : vector<16xi32>
          %and3A_470 = arith.constant 15 : i32
          %and3A_471 = vector.broadcast %and3A_470 : i32 to vector<16xi32>
          %and3A_472 = arith.andi %add3A_469, %and3A_471 : vector<16xi32>
          %mul3A_473 = arith.constant 16 : i32
          %mul3A_474 = arith.muli %mul3A_473, %and3A_422 : i32
          %add3A_475 = vector.broadcast %mul3A_474 : i32 to vector<16xi32>
          %add3A_476 = arith.addi %and3A_472, %add3A_475 : vector<16xi32>
          %add3A_477 = arith.addi %mul3A_46, %add3A_476 : vector<16xi32>
          %gather3A_478 = tpu.vector_load_idx %arg5[%add3A_476, %add3A_426] : memref<32x640xf32, #tpu.memory_space<vmem>>[vector<16xi32>, vector<16xi32>], vector<16xf32>,
          %add3A_479 = arith.constant 4 : i32
          %add3A_480 = vector.broadcast %add3A_479 : i32 to vector<16xi32>
          %add3A_481 = arith.addi %iota3A, %add3A_480 : vector<16xi32>
          %and3A_482 = arith.constant 15 : i32
          %and3A_483 = vector.broadcast %and3A_482 : i32 to vector<16xi32>
          %and3A_484 = arith.andi %add3A_481, %and3A_483 : vector<16xi32>
          %mul3A_485 = arith.constant 16 : i32
          %mul3A_486 = arith.muli %mul3A_485, %and3A_422 : i32
          %add3A_487 = vector.broadcast %mul3A_486 : i32 to vector<16xi32>
          %add3A_488 = arith.addi %and3A_484, %add3A_487 : vector<16xi32>
          %add3A_489 = arith.addi %mul3A_46, %add3A_488 : vector<16xi32>
          %gather3A_490 = tpu.vector_load_idx %arg5[%add3A_488, %add3A_426] : memref<32x640xf32, #tpu.memory_space<vmem>>[vector<16xi32>, vector<16xi32>], vector<16xf32>,
          %add3A_491 = arith.constant 5 : i32
          %add3A_492 = vector.broadcast %add3A_491 : i32 to vector<16xi32>
          %add3A_493 = arith.addi %iota3A, %add3A_492 : vector<16xi32>
          %and3A_494 = arith.constant 15 : i32
          %and3A_495 = vector.broadcast %and3A_494 : i32 to vector<16xi32>
          %and3A_496 = arith.andi %add3A_493, %and3A_495 : vector<16xi32>
          %mul3A_497 = arith.constant 16 : i32
          %mul3A_498 = arith.muli %mul3A_497, %and3A_422 : i32
          %add3A_499 = vector.broadcast %mul3A_498 : i32 to vector<16xi32>
          %add3A_500 = arith.addi %and3A_496, %add3A_499 : vector<16xi32>
          %add3A_501 = arith.addi %mul3A_46, %add3A_500 : vector<16xi32>
          %gather3A_502 = tpu.vector_load_idx %arg5[%add3A_500, %add3A_426] : memref<32x640xf32, #tpu.memory_space<vmem>>[vector<16xi32>, vector<16xi32>], vector<16xf32>,
          %add3A_503 = arith.constant 6 : i32
          %add3A_504 = vector.broadcast %add3A_503 : i32 to vector<16xi32>
          %add3A_505 = arith.addi %iota3A, %add3A_504 : vector<16xi32>
          %and3A_506 = arith.constant 15 : i32
          %and3A_507 = vector.broadcast %and3A_506 : i32 to vector<16xi32>
          %and3A_508 = arith.andi %add3A_505, %and3A_507 : vector<16xi32>
          %mul3A_509 = arith.constant 16 : i32
          %mul3A_510 = arith.muli %mul3A_509, %and3A_422 : i32
          %add3A_511 = vector.broadcast %mul3A_510 : i32 to vector<16xi32>
          %add3A_512 = arith.addi %and3A_508, %add3A_511 : vector<16xi32>
          %add3A_513 = arith.addi %mul3A_46, %add3A_512 : vector<16xi32>
          %gather3A_514 = tpu.vector_load_idx %arg5[%add3A_512, %add3A_426] : memref<32x640xf32, #tpu.memory_space<vmem>>[vector<16xi32>, vector<16xi32>], vector<16xf32>,
          %add3A_515 = arith.constant 7 : i32
          %add3A_516 = vector.broadcast %add3A_515 : i32 to vector<16xi32>
          %add3A_517 = arith.addi %iota3A, %add3A_516 : vector<16xi32>
          %and3A_518 = arith.constant 15 : i32
          %and3A_519 = vector.broadcast %and3A_518 : i32 to vector<16xi32>
          %and3A_520 = arith.andi %add3A_517, %and3A_519 : vector<16xi32>
          %mul3A_521 = arith.constant 16 : i32
          %mul3A_522 = arith.muli %mul3A_521, %and3A_422 : i32
          %add3A_523 = vector.broadcast %mul3A_522 : i32 to vector<16xi32>
          %add3A_524 = arith.addi %and3A_520, %add3A_523 : vector<16xi32>
          %add3A_525 = arith.addi %mul3A_46, %add3A_524 : vector<16xi32>
          %gather3A_526 = tpu.vector_load_idx %arg5[%add3A_524, %add3A_426] : memref<32x640xf32, #tpu.memory_space<vmem>>[vector<16xi32>, vector<16xi32>], vector<16xf32>,
          %add3A_527 = arith.constant 8 : i32
          %add3A_528 = vector.broadcast %add3A_527 : i32 to vector<16xi32>
          %add3A_529 = arith.addi %iota3A, %add3A_528 : vector<16xi32>
          %and3A_530 = arith.constant 15 : i32
          %and3A_531 = vector.broadcast %and3A_530 : i32 to vector<16xi32>
          %and3A_532 = arith.andi %add3A_529, %and3A_531 : vector<16xi32>
          %mul3A_533 = arith.constant 16 : i32
          %mul3A_534 = arith.muli %mul3A_533, %and3A_422 : i32
          %add3A_535 = vector.broadcast %mul3A_534 : i32 to vector<16xi32>
          %add3A_536 = arith.addi %and3A_532, %add3A_535 : vector<16xi32>
          %add3A_537 = arith.addi %mul3A_46, %add3A_536 : vector<16xi32>
          %gather3A_538 = tpu.vector_load_idx %arg5[%add3A_536, %add3A_426] : memref<32x640xf32, #tpu.memory_space<vmem>>[vector<16xi32>, vector<16xi32>], vector<16xf32>,
          %add3A_539 = arith.constant 9 : i32
          %add3A_540 = vector.broadcast %add3A_539 : i32 to vector<16xi32>
          %add3A_541 = arith.addi %iota3A, %add3A_540 : vector<16xi32>
          %and3A_542 = arith.constant 15 : i32
          %and3A_543 = vector.broadcast %and3A_542 : i32 to vector<16xi32>
          %and3A_544 = arith.andi %add3A_541, %and3A_543 : vector<16xi32>
          %mul3A_545 = arith.constant 16 : i32
          %mul3A_546 = arith.muli %mul3A_545, %and3A_422 : i32
          %add3A_547 = vector.broadcast %mul3A_546 : i32 to vector<16xi32>
          %add3A_548 = arith.addi %and3A_544, %add3A_547 : vector<16xi32>
          %add3A_549 = arith.addi %mul3A_46, %add3A_548 : vector<16xi32>
          %gather3A_550 = tpu.vector_load_idx %arg5[%add3A_548, %add3A_426] : memref<32x640xf32, #tpu.memory_space<vmem>>[vector<16xi32>, vector<16xi32>], vector<16xf32>,
          %add3A_551 = arith.constant 10 : i32
          %add3A_552 = vector.broadcast %add3A_551 : i32 to vector<16xi32>
          %add3A_553 = arith.addi %iota3A, %add3A_552 : vector<16xi32>
          %and3A_554 = arith.constant 15 : i32
          %and3A_555 = vector.broadcast %and3A_554 : i32 to vector<16xi32>
          %and3A_556 = arith.andi %add3A_553, %and3A_555 : vector<16xi32>
          %mul3A_557 = arith.constant 16 : i32
          %mul3A_558 = arith.muli %mul3A_557, %and3A_422 : i32
          %add3A_559 = vector.broadcast %mul3A_558 : i32 to vector<16xi32>
          %add3A_560 = arith.addi %and3A_556, %add3A_559 : vector<16xi32>
          %add3A_561 = arith.addi %mul3A_46, %add3A_560 : vector<16xi32>
          %gather3A_562 = tpu.vector_load_idx %arg5[%add3A_560, %add3A_426] : memref<32x640xf32, #tpu.memory_space<vmem>>[vector<16xi32>, vector<16xi32>], vector<16xf32>,
          %add3A_563 = arith.constant 11 : i32
          %add3A_564 = vector.broadcast %add3A_563 : i32 to vector<16xi32>
          %add3A_565 = arith.addi %iota3A, %add3A_564 : vector<16xi32>
          %and3A_566 = arith.constant 15 : i32
          %and3A_567 = vector.broadcast %and3A_566 : i32 to vector<16xi32>
          %and3A_568 = arith.andi %add3A_565, %and3A_567 : vector<16xi32>
          %mul3A_569 = arith.constant 16 : i32
          %mul3A_570 = arith.muli %mul3A_569, %and3A_422 : i32
          %add3A_571 = vector.broadcast %mul3A_570 : i32 to vector<16xi32>
          %add3A_572 = arith.addi %and3A_568, %add3A_571 : vector<16xi32>
          %add3A_573 = arith.addi %mul3A_46, %add3A_572 : vector<16xi32>
          %gather3A_574 = tpu.vector_load_idx %arg5[%add3A_572, %add3A_426] : memref<32x640xf32, #tpu.memory_space<vmem>>[vector<16xi32>, vector<16xi32>], vector<16xf32>,
          %add3A_575 = arith.constant 12 : i32
          %add3A_576 = vector.broadcast %add3A_575 : i32 to vector<16xi32>
          %add3A_577 = arith.addi %iota3A, %add3A_576 : vector<16xi32>
          %and3A_578 = arith.constant 15 : i32
          %and3A_579 = vector.broadcast %and3A_578 : i32 to vector<16xi32>
          %and3A_580 = arith.andi %add3A_577, %and3A_579 : vector<16xi32>
          %mul3A_581 = arith.constant 16 : i32
          %mul3A_582 = arith.muli %mul3A_581, %and3A_422 : i32
          %add3A_583 = vector.broadcast %mul3A_582 : i32 to vector<16xi32>
          %add3A_584 = arith.addi %and3A_580, %add3A_583 : vector<16xi32>
          %add3A_585 = arith.addi %mul3A_46, %add3A_584 : vector<16xi32>
          %gather3A_586 = tpu.vector_load_idx %arg5[%add3A_584, %add3A_426] : memref<32x640xf32, #tpu.memory_space<vmem>>[vector<16xi32>, vector<16xi32>], vector<16xf32>,
          %add3A_587 = arith.constant 13 : i32
          %add3A_588 = vector.broadcast %add3A_587 : i32 to vector<16xi32>
          %add3A_589 = arith.addi %iota3A, %add3A_588 : vector<16xi32>
          %and3A_590 = arith.constant 15 : i32
          %and3A_591 = vector.broadcast %and3A_590 : i32 to vector<16xi32>
          %and3A_592 = arith.andi %add3A_589, %and3A_591 : vector<16xi32>
          %mul3A_593 = arith.constant 16 : i32
          %mul3A_594 = arith.muli %mul3A_593, %and3A_422 : i32
          %add3A_595 = vector.broadcast %mul3A_594 : i32 to vector<16xi32>
          %add3A_596 = arith.addi %and3A_592, %add3A_595 : vector<16xi32>
          %add3A_597 = arith.addi %mul3A_46, %add3A_596 : vector<16xi32>
          %gather3A_598 = tpu.vector_load_idx %arg5[%add3A_596, %add3A_426] : memref<32x640xf32, #tpu.memory_space<vmem>>[vector<16xi32>, vector<16xi32>], vector<16xf32>,
          %add3A_599 = arith.constant 14 : i32
          %add3A_600 = vector.broadcast %add3A_599 : i32 to vector<16xi32>
          %add3A_601 = arith.addi %iota3A, %add3A_600 : vector<16xi32>
          %and3A_602 = arith.constant 15 : i32
          %and3A_603 = vector.broadcast %and3A_602 : i32 to vector<16xi32>
          %and3A_604 = arith.andi %add3A_601, %and3A_603 : vector<16xi32>
          %mul3A_605 = arith.constant 16 : i32
          %mul3A_606 = arith.muli %mul3A_605, %and3A_422 : i32
          %add3A_607 = vector.broadcast %mul3A_606 : i32 to vector<16xi32>
          %add3A_608 = arith.addi %and3A_604, %add3A_607 : vector<16xi32>
          %add3A_609 = arith.addi %mul3A_46, %add3A_608 : vector<16xi32>
          %gather3A_610 = tpu.vector_load_idx %arg5[%add3A_608, %add3A_426] : memref<32x640xf32, #tpu.memory_space<vmem>>[vector<16xi32>, vector<16xi32>], vector<16xf32>,
          %add3A_611 = arith.constant 15 : i32
          %add3A_612 = vector.broadcast %add3A_611 : i32 to vector<16xi32>
          %add3A_613 = arith.addi %iota3A, %add3A_612 : vector<16xi32>
          %and3A_614 = arith.constant 15 : i32
          %and3A_615 = vector.broadcast %and3A_614 : i32 to vector<16xi32>
          %and3A_616 = arith.andi %add3A_613, %and3A_615 : vector<16xi32>
          %mul3A_617 = arith.constant 16 : i32
          %mul3A_618 = arith.muli %mul3A_617, %and3A_422 : i32
          %add3A_619 = vector.broadcast %mul3A_618 : i32 to vector<16xi32>
          %add3A_620 = arith.addi %and3A_616, %add3A_619 : vector<16xi32>
          %add3A_621 = arith.addi %mul3A_46, %add3A_620 : vector<16xi32>
          %gather3A_622 = tpu.vector_load_idx %arg5[%add3A_620, %add3A_426] : memref<32x640xf32, #tpu.memory_space<vmem>>[vector<16xi32>, vector<16xi32>], vector<16xf32>,
          tpu.vector_store_idx %arg8[%add3A_430, %add3A_441], %gather3A_442 : memref<160x128xf32, #tpu.memory_space<vmem>>[vector<16xi32>, vector<16xi32>], vector<16xf32>,
          tpu.vector_store_idx %arg8[%add3A_430, %add3A_453], %gather3A_454 : memref<160x128xf32, #tpu.memory_space<vmem>>[vector<16xi32>, vector<16xi32>], vector<16xf32>,
          tpu.vector_store_idx %arg8[%add3A_430, %add3A_465], %gather3A_466 : memref<160x128xf32, #tpu.memory_space<vmem>>[vector<16xi32>, vector<16xi32>], vector<16xf32>,
          tpu.vector_store_idx %arg8[%add3A_430, %add3A_477], %gather3A_478 : memref<160x128xf32, #tpu.memory_space<vmem>>[vector<16xi32>, vector<16xi32>], vector<16xf32>,
          tpu.vector_store_idx %arg8[%add3A_430, %add3A_489], %gather3A_490 : memref<160x128xf32, #tpu.memory_space<vmem>>[vector<16xi32>, vector<16xi32>], vector<16xf32>,
          tpu.vector_store_idx %arg8[%add3A_430, %add3A_501], %gather3A_502 : memref<160x128xf32, #tpu.memory_space<vmem>>[vector<16xi32>, vector<16xi32>], vector<16xf32>,
          tpu.vector_store_idx %arg8[%add3A_430, %add3A_513], %gather3A_514 : memref<160x128xf32, #tpu.memory_space<vmem>>[vector<16xi32>, vector<16xi32>], vector<16xf32>,
          tpu.vector_store_idx %arg8[%add3A_430, %add3A_525], %gather3A_526 : memref<160x128xf32, #tpu.memory_space<vmem>>[vector<16xi32>, vector<16xi32>], vector<16xf32>,
          tpu.vector_store_idx %arg8[%add3A_430, %add3A_537], %gather3A_538 : memref<160x128xf32, #tpu.memory_space<vmem>>[vector<16xi32>, vector<16xi32>], vector<16xf32>,
          tpu.vector_store_idx %arg8[%add3A_430, %add3A_549], %gather3A_550 : memref<160x128xf32, #tpu.memory_space<vmem>>[vector<16xi32>, vector<16xi32>], vector<16xf32>,
          tpu.vector_store_idx %arg8[%add3A_430, %add3A_561], %gather3A_562 : memref<160x128xf32, #tpu.memory_space<vmem>>[vector<16xi32>, vector<16xi32>], vector<16xf32>,
          tpu.vector_store_idx %arg8[%add3A_430, %add3A_573], %gather3A_574 : memref<160x128xf32, #tpu.memory_space<vmem>>[vector<16xi32>, vector<16xi32>], vector<16xf32>,
          tpu.vector_store_idx %arg8[%add3A_430, %add3A_585], %gather3A_586 : memref<160x128xf32, #tpu.memory_space<vmem>>[vector<16xi32>, vector<16xi32>], vector<16xf32>,
          tpu.vector_store_idx %arg8[%add3A_430, %add3A_597], %gather3A_598 : memref<160x128xf32, #tpu.memory_space<vmem>>[vector<16xi32>, vector<16xi32>], vector<16xf32>,
          tpu.vector_store_idx %arg8[%add3A_430, %add3A_609], %gather3A_610 : memref<160x128xf32, #tpu.memory_space<vmem>>[vector<16xi32>, vector<16xi32>], vector<16xf32>,
          tpu.vector_store_idx %arg8[%add3A_430, %add3A_621], %gather3A_622 : memref<160x128xf32, #tpu.memory_space<vmem>>[vector<16xi32>, vector<16xi32>], vector<16xf32>,
          %scan3A_623 = arith.constant 0 : i32
          scf.yield %scan3A_623 : i32
        }
        %scan3A_170 = arith.constant 40 : i32
        %jit3A_171 = arith.constant 156 : i32
        %div3A_172 = arith.divsi %add3A_123, %jit3A_171 : i32
        %sign3A_173 = arith.constant 0 : i32
        %sign3A_174 = arith.cmpi sgt, %add3A_123, %sign3A_173 : i32
        %sign3A_175 = arith.extui %sign3A_174 : i1 to i32
        %sign3A_176 = arith.constant 0 : i32
        %sign3A_177 = arith.cmpi slt, %add3A_123, %sign3A_176 : i32
        %sign3A_178 = arith.extui %sign3A_177 : i1 to i32
        %sign3A_179 = arith.subi %sign3A_175, %sign3A_178 : i32
        %sign3A_180 = arith.constant 0 : i32
        %sign3A_181 = arith.cmpi sgt, %jit3A_171, %sign3A_180 : i32
        %sign3A_182 = arith.extui %sign3A_181 : i1 to i32
        %sign3A_183 = arith.constant 0 : i32
        %sign3A_184 = arith.cmpi slt, %jit3A_171, %sign3A_183 : i32
        %sign3A_185 = arith.extui %sign3A_184 : i1 to i32
        %sign3A_186 = arith.subi %sign3A_182, %sign3A_185 : i32
        %ne3A_187 = arith.cmpi ne, %sign3A_179, %sign3A_186 : i32
        %rem3A_188 = arith.remsi %add3A_123, %jit3A_171 : i32
        %ne3A_189 = arith.constant 0 : i32
        %ne3A_190 = arith.cmpi ne, %rem3A_188, %ne3A_189 : i32
        %and3A_191 = arith.andi %ne3A_187, %ne3A_190 : i1
        %sub3A_192 = arith.constant 1 : i32
        %sub3A_193 = arith.subi %div3A_172, %sub3A_192 : i32
        %select_n3A_194 = arith.select %and3A_191, %sub3A_193, %div3A_172 : i32
        %mul3A_195 = arith.constant 156 : i32
        %mul3A_196 = arith.muli %select_n3A_194, %mul3A_195 : i32
        %sub3A_197 = arith.subi %add3A_123, %mul3A_196 : i32
        %mul3A_198 = arith.constant 25024 : i32
        %mul3A_199 = arith.muli %select_n3A_194, %mul3A_198 : i32
        %mul3A_200 = arith.constant 160 : i32
        %mul3A_201 = arith.muli %sub3A_197, %mul3A_200 : i32
        %add3A_202 = arith.addi %mul3A_199, %mul3A_201 : i32
        %dma_start3A_203 = arith.constant 0 : i32
        %dma_start3A_204 = tpu.memref_slice %arg4[%add3A_202, %dma_start3A_203] : memref<650624x128xf32, #tpu.memory_space<hbm>> -> memref<160x128xf32, #tpu.memory_space<hbm>>
        %dma_start3A_205 = arith.constant 0 : i32
        %dma_start3A_206 = tpu.memref_slice %arg4[%add3A_202, %dma_start3A_205] : memref<650624x128xf32, #tpu.memory_space<hbm>> -> memref<160x128xf32, #tpu.memory_space<hbm>>
        tpu.enqueue_dma source(%arg8 : memref<160x128xf32, #tpu.memory_space<vmem>>) target(%dma_start3A_206 : memref<160x128xf32, #tpu.memory_space<hbm>>) target_semaphore(%arg14 : memref<!tpu.dma_semaphore, #tpu.memory_space<semaphore_mem>>)
      } else {
      }
      %add3A_129 = arith.constant 32 : i32
      %add3A_130 = arith.addi %add3A_123, %add3A_129 : i32
      %lt3A_131 = arith.constant 4056 : i32
      %lt3A_132 = arith.cmpi slt, %add3A_130, %lt3A_131 : i32
      %convert_element_type3A_133 = arith.extui %lt3A_132 : i1 to i32
      %cond3A_134 = arith.constant 0 : i32
      %cond3A_135 = arith.cmpi ne, %convert_element_type3A_133, %cond3A_134 : i32
      scf.if %cond3A_135 {
        %dma_wait3A_144 = arith.constant 0 : i32
        %dma_wait3A_145 = arith.constant 0 : i32
        %dma_wait3A_146 = arith.constant 0 : i32
        %dma_wait3A_147 = tpu.memref_slice %arg2[%dma_wait3A_144, %dma_wait3A_145, %dma_wait3A_146] : memref<26x32x100000xf32, #tpu.memory_space<hbm>> -> memref<1x32x640xf32, #tpu.memory_space<hbm>>
        %dma_wait3A_148 = tpu.memref_squeeze %dma_wait3A_147 : memref<1x32x640xf32, #tpu.memory_space<hbm>> -> memref<32x640xf32, #tpu.memory_space<hbm>>
        %dma_wait3A_149 = arith.constant 0 : i32
        %dma_wait3A_150 = arith.constant 0 : i32
        %dma_wait3A_151 = tpu.memref_slice %arg2[%dma_wait3A_144, %dma_wait3A_149, %dma_wait3A_150] : memref<26x32x100000xf32, #tpu.memory_space<hbm>> -> memref<1x32x640xf32, #tpu.memory_space<hbm>>
        %dma_wait3A_152 = tpu.memref_squeeze %dma_wait3A_151 : memref<1x32x640xf32, #tpu.memory_space<hbm>> -> memref<32x640xf32, #tpu.memory_space<hbm>>
        tpu.wait_dma2 semaphore(%arg12 : memref<!tpu.dma_semaphore, #tpu.memory_space<semaphore_mem>>) src(%dma_wait3A_152 : memref<32x640xf32, #tpu.memory_space<hbm>>) dst(%arg6 : memref<32x640xf32, #tpu.memory_space<vmem>>)
        %add3A_153 = arith.constant 64 : i32
        %add3A_154 = arith.addi %add3A_130, %add3A_153 : i32
        %lt3A_155 = arith.constant 4056 : i32
        %lt3A_156 = arith.cmpi slt, %add3A_154, %lt3A_155 : i32
        %convert_element_type3A_157 = arith.extui %lt3A_156 : i1 to i32
        %cond3A_158 = arith.constant 0 : i32
        %cond3A_159 = arith.cmpi ne, %convert_element_type3A_157, %cond3A_158 : i32
        scf.if %cond3A_159 {
          %add3A_207 = arith.constant 64 : i32
          %add3A_208 = arith.addi %add3A_130, %add3A_207 : i32
          %jit3A_209 = arith.constant 156 : i32
          %div3A_210 = arith.divsi %add3A_208, %jit3A_209 : i32
          %sign3A_211 = arith.constant 0 : i32
          %sign3A_212 = arith.cmpi sgt, %add3A_208, %sign3A_211 : i32
          %sign3A_213 = arith.extui %sign3A_212 : i1 to i32
          %sign3A_214 = arith.constant 0 : i32
          %sign3A_215 = arith.cmpi slt, %add3A_208, %sign3A_214 : i32
          %sign3A_216 = arith.extui %sign3A_215 : i1 to i32
          %sign3A_217 = arith.subi %sign3A_213, %sign3A_216 : i32
          %sign3A_218 = arith.constant 0 : i32
          %sign3A_219 = arith.cmpi sgt, %jit3A_209, %sign3A_218 : i32
          %sign3A_220 = arith.extui %sign3A_219 : i1 to i32
          %sign3A_221 = arith.constant 0 : i32
          %sign3A_222 = arith.cmpi slt, %jit3A_209, %sign3A_221 : i32
          %sign3A_223 = arith.extui %sign3A_222 : i1 to i32
          %sign3A_224 = arith.subi %sign3A_220, %sign3A_223 : i32
          %ne3A_225 = arith.cmpi ne, %sign3A_217, %sign3A_224 : i32
          %rem3A_226 = arith.remsi %add3A_208, %jit3A_209 : i32
          %ne3A_227 = arith.constant 0 : i32
          %ne3A_228 = arith.cmpi ne, %rem3A_226, %ne3A_227 : i32
          %and3A_229 = arith.andi %ne3A_225, %ne3A_228 : i1
          %sub3A_230 = arith.constant 1 : i32
          %sub3A_231 = arith.subi %div3A_210, %sub3A_230 : i32
          %select_n3A_232 = arith.select %and3A_229, %sub3A_231, %div3A_210 : i32
          %mul3A_233 = arith.constant 156 : i32
          %mul3A_234 = arith.muli %select_n3A_232, %mul3A_233 : i32
          %sub3A_235 = arith.subi %add3A_208, %mul3A_234 : i32
          %mul3A_236 = arith.constant 640 : i32
          %mul3A_237 = arith.muli %sub3A_235, %mul3A_236 : i32
          %dma_start3A_238 = arith.constant 0 : i32
          %dma_start3A_239 = tpu.memref_slice %arg2[%select_n3A_232, %dma_start3A_238, %mul3A_237] : memref<26x32x100000xf32, #tpu.memory_space<hbm>> -> memref<1x32x640xf32, #tpu.memory_space<hbm>>
          %dma_start3A_240 = tpu.memref_squeeze %dma_start3A_239 : memref<1x32x640xf32, #tpu.memory_space<hbm>> -> memref<32x640xf32, #tpu.memory_space<hbm>>
          %dma_start3A_241 = arith.constant 0 : i32
          %dma_start3A_242 = tpu.memref_slice %arg2[%select_n3A_232, %dma_start3A_241, %mul3A_237] : memref<26x32x100000xf32, #tpu.memory_space<hbm>> -> memref<1x32x640xf32, #tpu.memory_space<hbm>>
          %dma_start3A_243 = tpu.memref_squeeze %dma_start3A_242 : memref<1x32x640xf32, #tpu.memory_space<hbm>> -> memref<32x640xf32, #tpu.memory_space<hbm>>
          tpu.enqueue_dma source(%dma_start3A_243 : memref<32x640xf32, #tpu.memory_space<hbm>>) target(%arg5 : memref<32x640xf32, #tpu.memory_space<vmem>>) target_semaphore(%arg11 : memref<!tpu.dma_semaphore, #tpu.memory_space<semaphore_mem>>)
        } else {
        }
        %ge3A = arith.constant 96 : i32
        %ge3A_160 = arith.cmpi sge, %add3A_130, %ge3A : i32
        %convert_element_type3A_161 = arith.extui %ge3A_160 : i1 to i32
        %cond3A_162 = arith.constant 0 : i32
        %cond3A_163 = arith.cmpi ne, %convert_element_type3A_161, %cond3A_162 : i32
        scf.if %cond3A_163 {
          %dma_wait3A_207 = arith.constant 0 : i32
          %dma_wait3A_208 = arith.constant 0 : i32
          %dma_wait3A_209 = tpu.memref_slice %arg4[%dma_wait3A_207, %dma_wait3A_208] : memref<650624x128xf32, #tpu.memory_space<hbm>> -> memref<160x128xf32, #tpu.memory_space<hbm>>
          %dma_wait3A_210 = arith.constant 0 : i32
          %dma_wait3A_211 = arith.constant 0 : i32
          %dma_wait3A_212 = tpu.memref_slice %arg4[%dma_wait3A_210, %dma_wait3A_211] : memref<650624x128xf32, #tpu.memory_space<hbm>> -> memref<160x128xf32, #tpu.memory_space<hbm>>
          tpu.wait_dma2 semaphore(%arg15 : memref<!tpu.dma_semaphore, #tpu.memory_space<semaphore_mem>>) src(%dma_wait3A_212 : memref<160x128xf32, #tpu.memory_space<hbm>>) dst(%arg9 : memref<160x128xf32, #tpu.memory_space<vmem>>)
        } else {
        }
        %scan3A_164 = arith.constant 0 : i32
        %scan3A_165 = arith.constant 0 : i32
        %scan3A_166 = arith.constant 40 : i32
        %scan3A_167 = arith.addi %scan3A_165, %scan3A_166 : i32
        %scan3A_168 = arith.constant 1 : i32
        %scan3A_169 = scf.for %scan3A_207 = %scan3A_165 to %scan3A_167 step %scan3A_168 iter_args(%scan3A_208 = %scan3A_164) -> (i32)  : i32 {
          %mul3A_209 = arith.constant 2 : i32
          %mul3A_210 = arith.muli %mul3A_209, %scan3A_207 : i32
          %add3A_211 = arith.constant 0 : i32
          %add3A_212 = arith.addi %mul3A_210, %add3A_211 : i32
          %shift_right_arithmetic3A = arith.constant 1 : i32
          %shift_right_arithmetic3A_213 = arith.shrsi %add3A_212, %shift_right_arithmetic3A : i32
          %and3A_214 = arith.constant 1 : i32
          %and3A_215 = arith.andi %add3A_212, %and3A_214 : i32
          %mul3A_216 = arith.constant 16 : i32
          %mul3A_217 = arith.muli %mul3A_216, %shift_right_arithmetic3A_213 : i32
          %add3A_218 = vector.broadcast %mul3A_217 : i32 to vector<16xi32>
          %add3A_219 = arith.addi %iota3A, %add3A_218 : vector<16xi32>
          %mul3A_220 = arith.constant 4 : i32
          %mul3A_221 = arith.muli %mul3A_220, %shift_right_arithmetic3A_213 : i32
          %add3A_222 = vector.broadcast %mul3A_221 : i32 to vector<16xi32>
          %add3A_223 = arith.addi %select_n3A, %add3A_222 : vector<16xi32>
          %add3A_224 = arith.constant 0 : i32
          %add3A_225 = vector.broadcast %add3A_224 : i32 to vector<16xi32>
          %add3A_226 = arith.addi %iota3A, %add3A_225 : vector<16xi32>
          %and3A_227 = arith.constant 15 : i32
          %and3A_228 = vector.broadcast %and3A_227 : i32 to vector<16xi32>
          %and3A_229 = arith.andi %add3A_226, %and3A_228 : vector<16xi32>
          %mul3A_230 = arith.constant 16 : i32
          %mul3A_231 = arith.muli %mul3A_230, %and3A_215 : i32
          %add3A_232 = vector.broadcast %mul3A_231 : i32 to vector<16xi32>
          %add3A_233 = arith.addi %and3A_229, %add3A_232 : vector<16xi32>
          %add3A_234 = arith.addi %mul3A_46, %add3A_233 : vector<16xi32>
          %gather3A = tpu.vector_load_idx %arg6[%add3A_233, %add3A_219] : memref<32x640xf32, #tpu.memory_space<vmem>>[vector<16xi32>, vector<16xi32>], vector<16xf32>,
          %add3A_235 = arith.constant 1 : i32
          %add3A_236 = vector.broadcast %add3A_235 : i32 to vector<16xi32>
          %add3A_237 = arith.addi %iota3A, %add3A_236 : vector<16xi32>
          %and3A_238 = arith.constant 15 : i32
          %and3A_239 = vector.broadcast %and3A_238 : i32 to vector<16xi32>
          %and3A_240 = arith.andi %add3A_237, %and3A_239 : vector<16xi32>
          %mul3A_241 = arith.constant 16 : i32
          %mul3A_242 = arith.muli %mul3A_241, %and3A_215 : i32
          %add3A_243 = vector.broadcast %mul3A_242 : i32 to vector<16xi32>
          %add3A_244 = arith.addi %and3A_240, %add3A_243 : vector<16xi32>
          %add3A_245 = arith.addi %mul3A_46, %add3A_244 : vector<16xi32>
          %gather3A_246 = tpu.vector_load_idx %arg6[%add3A_244, %add3A_219] : memref<32x640xf32, #tpu.memory_space<vmem>>[vector<16xi32>, vector<16xi32>], vector<16xf32>,
          %add3A_247 = arith.constant 2 : i32
          %add3A_248 = vector.broadcast %add3A_247 : i32 to vector<16xi32>
          %add3A_249 = arith.addi %iota3A, %add3A_248 : vector<16xi32>
          %and3A_250 = arith.constant 15 : i32
          %and3A_251 = vector.broadcast %and3A_250 : i32 to vector<16xi32>
          %and3A_252 = arith.andi %add3A_249, %and3A_251 : vector<16xi32>
          %mul3A_253 = arith.constant 16 : i32
          %mul3A_254 = arith.muli %mul3A_253, %and3A_215 : i32
          %add3A_255 = vector.broadcast %mul3A_254 : i32 to vector<16xi32>
          %add3A_256 = arith.addi %and3A_252, %add3A_255 : vector<16xi32>
          %add3A_257 = arith.addi %mul3A_46, %add3A_256 : vector<16xi32>
          %gather3A_258 = tpu.vector_load_idx %arg6[%add3A_256, %add3A_219] : memref<32x640xf32, #tpu.memory_space<vmem>>[vector<16xi32>, vector<16xi32>], vector<16xf32>,
          %add3A_259 = arith.constant 3 : i32
          %add3A_260 = vector.broadcast %add3A_259 : i32 to vector<16xi32>
          %add3A_261 = arith.addi %iota3A, %add3A_260 : vector<16xi32>
          %and3A_262 = arith.constant 15 : i32
          %and3A_263 = vector.broadcast %and3A_262 : i32 to vector<16xi32>
          %and3A_264 = arith.andi %add3A_261, %and3A_263 : vector<16xi32>
          %mul3A_265 = arith.constant 16 : i32
          %mul3A_266 = arith.muli %mul3A_265, %and3A_215 : i32
          %add3A_267 = vector.broadcast %mul3A_266 : i32 to vector<16xi32>
          %add3A_268 = arith.addi %and3A_264, %add3A_267 : vector<16xi32>
          %add3A_269 = arith.addi %mul3A_46, %add3A_268 : vector<16xi32>
          %gather3A_270 = tpu.vector_load_idx %arg6[%add3A_268, %add3A_219] : memref<32x640xf32, #tpu.memory_space<vmem>>[vector<16xi32>, vector<16xi32>], vector<16xf32>,
          %add3A_271 = arith.constant 4 : i32
          %add3A_272 = vector.broadcast %add3A_271 : i32 to vector<16xi32>
          %add3A_273 = arith.addi %iota3A, %add3A_272 : vector<16xi32>
          %and3A_274 = arith.constant 15 : i32
          %and3A_275 = vector.broadcast %and3A_274 : i32 to vector<16xi32>
          %and3A_276 = arith.andi %add3A_273, %and3A_275 : vector<16xi32>
          %mul3A_277 = arith.constant 16 : i32
          %mul3A_278 = arith.muli %mul3A_277, %and3A_215 : i32
          %add3A_279 = vector.broadcast %mul3A_278 : i32 to vector<16xi32>
          %add3A_280 = arith.addi %and3A_276, %add3A_279 : vector<16xi32>
          %add3A_281 = arith.addi %mul3A_46, %add3A_280 : vector<16xi32>
          %gather3A_282 = tpu.vector_load_idx %arg6[%add3A_280, %add3A_219] : memref<32x640xf32, #tpu.memory_space<vmem>>[vector<16xi32>, vector<16xi32>], vector<16xf32>,
          %add3A_283 = arith.constant 5 : i32
          %add3A_284 = vector.broadcast %add3A_283 : i32 to vector<16xi32>
          %add3A_285 = arith.addi %iota3A, %add3A_284 : vector<16xi32>
          %and3A_286 = arith.constant 15 : i32
          %and3A_287 = vector.broadcast %and3A_286 : i32 to vector<16xi32>
          %and3A_288 = arith.andi %add3A_285, %and3A_287 : vector<16xi32>
          %mul3A_289 = arith.constant 16 : i32
          %mul3A_290 = arith.muli %mul3A_289, %and3A_215 : i32
          %add3A_291 = vector.broadcast %mul3A_290 : i32 to vector<16xi32>
          %add3A_292 = arith.addi %and3A_288, %add3A_291 : vector<16xi32>
          %add3A_293 = arith.addi %mul3A_46, %add3A_292 : vector<16xi32>
          %gather3A_294 = tpu.vector_load_idx %arg6[%add3A_292, %add3A_219] : memref<32x640xf32, #tpu.memory_space<vmem>>[vector<16xi32>, vector<16xi32>], vector<16xf32>,
          %add3A_295 = arith.constant 6 : i32
          %add3A_296 = vector.broadcast %add3A_295 : i32 to vector<16xi32>
          %add3A_297 = arith.addi %iota3A, %add3A_296 : vector<16xi32>
          %and3A_298 = arith.constant 15 : i32
          %and3A_299 = vector.broadcast %and3A_298 : i32 to vector<16xi32>
          %and3A_300 = arith.andi %add3A_297, %and3A_299 : vector<16xi32>
          %mul3A_301 = arith.constant 16 : i32
          %mul3A_302 = arith.muli %mul3A_301, %and3A_215 : i32
          %add3A_303 = vector.broadcast %mul3A_302 : i32 to vector<16xi32>
          %add3A_304 = arith.addi %and3A_300, %add3A_303 : vector<16xi32>
          %add3A_305 = arith.addi %mul3A_46, %add3A_304 : vector<16xi32>
          %gather3A_306 = tpu.vector_load_idx %arg6[%add3A_304, %add3A_219] : memref<32x640xf32, #tpu.memory_space<vmem>>[vector<16xi32>, vector<16xi32>], vector<16xf32>,
          %add3A_307 = arith.constant 7 : i32
          %add3A_308 = vector.broadcast %add3A_307 : i32 to vector<16xi32>
          %add3A_309 = arith.addi %iota3A, %add3A_308 : vector<16xi32>
          %and3A_310 = arith.constant 15 : i32
          %and3A_311 = vector.broadcast %and3A_310 : i32 to vector<16xi32>
          %and3A_312 = arith.andi %add3A_309, %and3A_311 : vector<16xi32>
          %mul3A_313 = arith.constant 16 : i32
          %mul3A_314 = arith.muli %mul3A_313, %and3A_215 : i32
          %add3A_315 = vector.broadcast %mul3A_314 : i32 to vector<16xi32>
          %add3A_316 = arith.addi %and3A_312, %add3A_315 : vector<16xi32>
          %add3A_317 = arith.addi %mul3A_46, %add3A_316 : vector<16xi32>
          %gather3A_318 = tpu.vector_load_idx %arg6[%add3A_316, %add3A_219] : memref<32x640xf32, #tpu.memory_space<vmem>>[vector<16xi32>, vector<16xi32>], vector<16xf32>,
          %add3A_319 = arith.constant 8 : i32
          %add3A_320 = vector.broadcast %add3A_319 : i32 to vector<16xi32>
          %add3A_321 = arith.addi %iota3A, %add3A_320 : vector<16xi32>
          %and3A_322 = arith.constant 15 : i32
          %and3A_323 = vector.broadcast %and3A_322 : i32 to vector<16xi32>
          %and3A_324 = arith.andi %add3A_321, %and3A_323 : vector<16xi32>
          %mul3A_325 = arith.constant 16 : i32
          %mul3A_326 = arith.muli %mul3A_325, %and3A_215 : i32
          %add3A_327 = vector.broadcast %mul3A_326 : i32 to vector<16xi32>
          %add3A_328 = arith.addi %and3A_324, %add3A_327 : vector<16xi32>
          %add3A_329 = arith.addi %mul3A_46, %add3A_328 : vector<16xi32>
          %gather3A_330 = tpu.vector_load_idx %arg6[%add3A_328, %add3A_219] : memref<32x640xf32, #tpu.memory_space<vmem>>[vector<16xi32>, vector<16xi32>], vector<16xf32>,
          %add3A_331 = arith.constant 9 : i32
          %add3A_332 = vector.broadcast %add3A_331 : i32 to vector<16xi32>
          %add3A_333 = arith.addi %iota3A, %add3A_332 : vector<16xi32>
          %and3A_334 = arith.constant 15 : i32
          %and3A_335 = vector.broadcast %and3A_334 : i32 to vector<16xi32>
          %and3A_336 = arith.andi %add3A_333, %and3A_335 : vector<16xi32>
          %mul3A_337 = arith.constant 16 : i32
          %mul3A_338 = arith.muli %mul3A_337, %and3A_215 : i32
          %add3A_339 = vector.broadcast %mul3A_338 : i32 to vector<16xi32>
          %add3A_340 = arith.addi %and3A_336, %add3A_339 : vector<16xi32>
          %add3A_341 = arith.addi %mul3A_46, %add3A_340 : vector<16xi32>
          %gather3A_342 = tpu.vector_load_idx %arg6[%add3A_340, %add3A_219] : memref<32x640xf32, #tpu.memory_space<vmem>>[vector<16xi32>, vector<16xi32>], vector<16xf32>,
          %add3A_343 = arith.constant 10 : i32
          %add3A_344 = vector.broadcast %add3A_343 : i32 to vector<16xi32>
          %add3A_345 = arith.addi %iota3A, %add3A_344 : vector<16xi32>
          %and3A_346 = arith.constant 15 : i32
          %and3A_347 = vector.broadcast %and3A_346 : i32 to vector<16xi32>
          %and3A_348 = arith.andi %add3A_345, %and3A_347 : vector<16xi32>
          %mul3A_349 = arith.constant 16 : i32
          %mul3A_350 = arith.muli %mul3A_349, %and3A_215 : i32
          %add3A_351 = vector.broadcast %mul3A_350 : i32 to vector<16xi32>
          %add3A_352 = arith.addi %and3A_348, %add3A_351 : vector<16xi32>
          %add3A_353 = arith.addi %mul3A_46, %add3A_352 : vector<16xi32>
          %gather3A_354 = tpu.vector_load_idx %arg6[%add3A_352, %add3A_219] : memref<32x640xf32, #tpu.memory_space<vmem>>[vector<16xi32>, vector<16xi32>], vector<16xf32>,
          %add3A_355 = arith.constant 11 : i32
          %add3A_356 = vector.broadcast %add3A_355 : i32 to vector<16xi32>
          %add3A_357 = arith.addi %iota3A, %add3A_356 : vector<16xi32>
          %and3A_358 = arith.constant 15 : i32
          %and3A_359 = vector.broadcast %and3A_358 : i32 to vector<16xi32>
          %and3A_360 = arith.andi %add3A_357, %and3A_359 : vector<16xi32>
          %mul3A_361 = arith.constant 16 : i32
          %mul3A_362 = arith.muli %mul3A_361, %and3A_215 : i32
          %add3A_363 = vector.broadcast %mul3A_362 : i32 to vector<16xi32>
          %add3A_364 = arith.addi %and3A_360, %add3A_363 : vector<16xi32>
          %add3A_365 = arith.addi %mul3A_46, %add3A_364 : vector<16xi32>
          %gather3A_366 = tpu.vector_load_idx %arg6[%add3A_364, %add3A_219] : memref<32x640xf32, #tpu.memory_space<vmem>>[vector<16xi32>, vector<16xi32>], vector<16xf32>,
          %add3A_367 = arith.constant 12 : i32
          %add3A_368 = vector.broadcast %add3A_367 : i32 to vector<16xi32>
          %add3A_369 = arith.addi %iota3A, %add3A_368 : vector<16xi32>
          %and3A_370 = arith.constant 15 : i32
          %and3A_371 = vector.broadcast %and3A_370 : i32 to vector<16xi32>
          %and3A_372 = arith.andi %add3A_369, %and3A_371 : vector<16xi32>
          %mul3A_373 = arith.constant 16 : i32
          %mul3A_374 = arith.muli %mul3A_373, %and3A_215 : i32
          %add3A_375 = vector.broadcast %mul3A_374 : i32 to vector<16xi32>
          %add3A_376 = arith.addi %and3A_372, %add3A_375 : vector<16xi32>
          %add3A_377 = arith.addi %mul3A_46, %add3A_376 : vector<16xi32>
          %gather3A_378 = tpu.vector_load_idx %arg6[%add3A_376, %add3A_219] : memref<32x640xf32, #tpu.memory_space<vmem>>[vector<16xi32>, vector<16xi32>], vector<16xf32>,
          %add3A_379 = arith.constant 13 : i32
          %add3A_380 = vector.broadcast %add3A_379 : i32 to vector<16xi32>
          %add3A_381 = arith.addi %iota3A, %add3A_380 : vector<16xi32>
          %and3A_382 = arith.constant 15 : i32
          %and3A_383 = vector.broadcast %and3A_382 : i32 to vector<16xi32>
          %and3A_384 = arith.andi %add3A_381, %and3A_383 : vector<16xi32>
          %mul3A_385 = arith.constant 16 : i32
          %mul3A_386 = arith.muli %mul3A_385, %and3A_215 : i32
          %add3A_387 = vector.broadcast %mul3A_386 : i32 to vector<16xi32>
          %add3A_388 = arith.addi %and3A_384, %add3A_387 : vector<16xi32>
          %add3A_389 = arith.addi %mul3A_46, %add3A_388 : vector<16xi32>
          %gather3A_390 = tpu.vector_load_idx %arg6[%add3A_388, %add3A_219] : memref<32x640xf32, #tpu.memory_space<vmem>>[vector<16xi32>, vector<16xi32>], vector<16xf32>,
          %add3A_391 = arith.constant 14 : i32
          %add3A_392 = vector.broadcast %add3A_391 : i32 to vector<16xi32>
          %add3A_393 = arith.addi %iota3A, %add3A_392 : vector<16xi32>
          %and3A_394 = arith.constant 15 : i32
          %and3A_395 = vector.broadcast %and3A_394 : i32 to vector<16xi32>
          %and3A_396 = arith.andi %add3A_393, %and3A_395 : vector<16xi32>
          %mul3A_397 = arith.constant 16 : i32
          %mul3A_398 = arith.muli %mul3A_397, %and3A_215 : i32
          %add3A_399 = vector.broadcast %mul3A_398 : i32 to vector<16xi32>
          %add3A_400 = arith.addi %and3A_396, %add3A_399 : vector<16xi32>
          %add3A_401 = arith.addi %mul3A_46, %add3A_400 : vector<16xi32>
          %gather3A_402 = tpu.vector_load_idx %arg6[%add3A_400, %add3A_219] : memref<32x640xf32, #tpu.memory_space<vmem>>[vector<16xi32>, vector<16xi32>], vector<16xf32>,
          %add3A_403 = arith.constant 15 : i32
          %add3A_404 = vector.broadcast %add3A_403 : i32 to vector<16xi32>
          %add3A_405 = arith.addi %iota3A, %add3A_404 : vector<16xi32>
          %and3A_406 = arith.constant 15 : i32
          %and3A_407 = vector.broadcast %and3A_406 : i32 to vector<16xi32>
          %and3A_408 = arith.andi %add3A_405, %and3A_407 : vector<16xi32>
          %mul3A_409 = arith.constant 16 : i32
          %mul3A_410 = arith.muli %mul3A_409, %and3A_215 : i32
          %add3A_411 = vector.broadcast %mul3A_410 : i32 to vector<16xi32>
          %add3A_412 = arith.addi %and3A_408, %add3A_411 : vector<16xi32>
          %add3A_413 = arith.addi %mul3A_46, %add3A_412 : vector<16xi32>
          %gather3A_414 = tpu.vector_load_idx %arg6[%add3A_412, %add3A_219] : memref<32x640xf32, #tpu.memory_space<vmem>>[vector<16xi32>, vector<16xi32>], vector<16xf32>,
          tpu.vector_store_idx %arg9[%add3A_223, %add3A_234], %gather3A : memref<160x128xf32, #tpu.memory_space<vmem>>[vector<16xi32>, vector<16xi32>], vector<16xf32>,
          tpu.vector_store_idx %arg9[%add3A_223, %add3A_245], %gather3A_246 : memref<160x128xf32, #tpu.memory_space<vmem>>[vector<16xi32>, vector<16xi32>], vector<16xf32>,
          tpu.vector_store_idx %arg9[%add3A_223, %add3A_257], %gather3A_258 : memref<160x128xf32, #tpu.memory_space<vmem>>[vector<16xi32>, vector<16xi32>], vector<16xf32>,
          tpu.vector_store_idx %arg9[%add3A_223, %add3A_269], %gather3A_270 : memref<160x128xf32, #tpu.memory_space<vmem>>[vector<16xi32>, vector<16xi32>], vector<16xf32>,
          tpu.vector_store_idx %arg9[%add3A_223, %add3A_281], %gather3A_282 : memref<160x128xf32, #tpu.memory_space<vmem>>[vector<16xi32>, vector<16xi32>], vector<16xf32>,
          tpu.vector_store_idx %arg9[%add3A_223, %add3A_293], %gather3A_294 : memref<160x128xf32, #tpu.memory_space<vmem>>[vector<16xi32>, vector<16xi32>], vector<16xf32>,
          tpu.vector_store_idx %arg9[%add3A_223, %add3A_305], %gather3A_306 : memref<160x128xf32, #tpu.memory_space<vmem>>[vector<16xi32>, vector<16xi32>], vector<16xf32>,
          tpu.vector_store_idx %arg9[%add3A_223, %add3A_317], %gather3A_318 : memref<160x128xf32, #tpu.memory_space<vmem>>[vector<16xi32>, vector<16xi32>], vector<16xf32>,
          tpu.vector_store_idx %arg9[%add3A_223, %add3A_329], %gather3A_330 : memref<160x128xf32, #tpu.memory_space<vmem>>[vector<16xi32>, vector<16xi32>], vector<16xf32>,
          tpu.vector_store_idx %arg9[%add3A_223, %add3A_341], %gather3A_342 : memref<160x128xf32, #tpu.memory_space<vmem>>[vector<16xi32>, vector<16xi32>], vector<16xf32>,
          tpu.vector_store_idx %arg9[%add3A_223, %add3A_353], %gather3A_354 : memref<160x128xf32, #tpu.memory_space<vmem>>[vector<16xi32>, vector<16xi32>], vector<16xf32>,
          tpu.vector_store_idx %arg9[%add3A_223, %add3A_365], %gather3A_366 : memref<160x128xf32, #tpu.memory_space<vmem>>[vector<16xi32>, vector<16xi32>], vector<16xf32>,
          tpu.vector_store_idx %arg9[%add3A_223, %add3A_377], %gather3A_378 : memref<160x128xf32, #tpu.memory_space<vmem>>[vector<16xi32>, vector<16xi32>], vector<16xf32>,
          tpu.vector_store_idx %arg9[%add3A_223, %add3A_389], %gather3A_390 : memref<160x128xf32, #tpu.memory_space<vmem>>[vector<16xi32>, vector<16xi32>], vector<16xf32>,
          tpu.vector_store_idx %arg9[%add3A_223, %add3A_401], %gather3A_402 : memref<160x128xf32, #tpu.memory_space<vmem>>[vector<16xi32>, vector<16xi32>], vector<16xf32>,
          tpu.vector_store_idx %arg9[%add3A_223, %add3A_413], %gather3A_414 : memref<160x128xf32, #tpu.memory_space<vmem>>[vector<16xi32>, vector<16xi32>], vector<16xf32>,
          %mul3A_415 = arith.constant 2 : i32
          %mul3A_416 = arith.muli %mul3A_415, %scan3A_207 : i32
          %add3A_417 = arith.constant 1 : i32
          %add3A_418 = arith.addi %mul3A_416, %add3A_417 : i32
          %shift_right_arithmetic3A_419 = arith.constant 1 : i32
          %shift_right_arithmetic3A_420 = arith.shrsi %add3A_418, %shift_right_arithmetic3A_419 : i32
          %and3A_421 = arith.constant 1 : i32
          %and3A_422 = arith.andi %add3A_418, %and3A_421 : i32
          %mul3A_423 = arith.constant 16 : i32
          %mul3A_424 = arith.muli %mul3A_423, %shift_right_arithmetic3A_420 : i32
          %add3A_425 = vector.broadcast %mul3A_424 : i32 to vector<16xi32>
          %add3A_426 = arith.addi %iota3A, %add3A_425 : vector<16xi32>
          %mul3A_427 = arith.constant 4 : i32
          %mul3A_428 = arith.muli %mul3A_427, %shift_right_arithmetic3A_420 : i32
          %add3A_429 = vector.broadcast %mul3A_428 : i32 to vector<16xi32>
          %add3A_430 = arith.addi %select_n3A, %add3A_429 : vector<16xi32>
          %add3A_431 = arith.constant 0 : i32
          %add3A_432 = vector.broadcast %add3A_431 : i32 to vector<16xi32>
          %add3A_433 = arith.addi %iota3A, %add3A_432 : vector<16xi32>
          %and3A_434 = arith.constant 15 : i32
          %and3A_435 = vector.broadcast %and3A_434 : i32 to vector<16xi32>
          %and3A_436 = arith.andi %add3A_433, %and3A_435 : vector<16xi32>
          %mul3A_437 = arith.constant 16 : i32
          %mul3A_438 = arith.muli %mul3A_437, %and3A_422 : i32
          %add3A_439 = vector.broadcast %mul3A_438 : i32 to vector<16xi32>
          %add3A_440 = arith.addi %and3A_436, %add3A_439 : vector<16xi32>
          %add3A_441 = arith.addi %mul3A_46, %add3A_440 : vector<16xi32>
          %gather3A_442 = tpu.vector_load_idx %arg6[%add3A_440, %add3A_426] : memref<32x640xf32, #tpu.memory_space<vmem>>[vector<16xi32>, vector<16xi32>], vector<16xf32>,
          %add3A_443 = arith.constant 1 : i32
          %add3A_444 = vector.broadcast %add3A_443 : i32 to vector<16xi32>
          %add3A_445 = arith.addi %iota3A, %add3A_444 : vector<16xi32>
          %and3A_446 = arith.constant 15 : i32
          %and3A_447 = vector.broadcast %and3A_446 : i32 to vector<16xi32>
          %and3A_448 = arith.andi %add3A_445, %and3A_447 : vector<16xi32>
          %mul3A_449 = arith.constant 16 : i32
          %mul3A_450 = arith.muli %mul3A_449, %and3A_422 : i32
          %add3A_451 = vector.broadcast %mul3A_450 : i32 to vector<16xi32>
          %add3A_452 = arith.addi %and3A_448, %add3A_451 : vector<16xi32>
          %add3A_453 = arith.addi %mul3A_46, %add3A_452 : vector<16xi32>
          %gather3A_454 = tpu.vector_load_idx %arg6[%add3A_452, %add3A_426] : memref<32x640xf32, #tpu.memory_space<vmem>>[vector<16xi32>, vector<16xi32>], vector<16xf32>,
          %add3A_455 = arith.constant 2 : i32
          %add3A_456 = vector.broadcast %add3A_455 : i32 to vector<16xi32>
          %add3A_457 = arith.addi %iota3A, %add3A_456 : vector<16xi32>
          %and3A_458 = arith.constant 15 : i32
          %and3A_459 = vector.broadcast %and3A_458 : i32 to vector<16xi32>
          %and3A_460 = arith.andi %add3A_457, %and3A_459 : vector<16xi32>
          %mul3A_461 = arith.constant 16 : i32
          %mul3A_462 = arith.muli %mul3A_461, %and3A_422 : i32
          %add3A_463 = vector.broadcast %mul3A_462 : i32 to vector<16xi32>
          %add3A_464 = arith.addi %and3A_460, %add3A_463 : vector<16xi32>
          %add3A_465 = arith.addi %mul3A_46, %add3A_464 : vector<16xi32>
          %gather3A_466 = tpu.vector_load_idx %arg6[%add3A_464, %add3A_426] : memref<32x640xf32, #tpu.memory_space<vmem>>[vector<16xi32>, vector<16xi32>], vector<16xf32>,
          %add3A_467 = arith.constant 3 : i32
          %add3A_468 = vector.broadcast %add3A_467 : i32 to vector<16xi32>
          %add3A_469 = arith.addi %iota3A, %add3A_468 : vector<16xi32>
          %and3A_470 = arith.constant 15 : i32
          %and3A_471 = vector.broadcast %and3A_470 : i32 to vector<16xi32>
          %and3A_472 = arith.andi %add3A_469, %and3A_471 : vector<16xi32>
          %mul3A_473 = arith.constant 16 : i32
          %mul3A_474 = arith.muli %mul3A_473, %and3A_422 : i32
          %add3A_475 = vector.broadcast %mul3A_474 : i32 to vector<16xi32>
          %add3A_476 = arith.addi %and3A_472, %add3A_475 : vector<16xi32>
          %add3A_477 = arith.addi %mul3A_46, %add3A_476 : vector<16xi32>
          %gather3A_478 = tpu.vector_load_idx %arg6[%add3A_476, %add3A_426] : memref<32x640xf32, #tpu.memory_space<vmem>>[vector<16xi32>, vector<16xi32>], vector<16xf32>,
          %add3A_479 = arith.constant 4 : i32
          %add3A_480 = vector.broadcast %add3A_479 : i32 to vector<16xi32>
          %add3A_481 = arith.addi %iota3A, %add3A_480 : vector<16xi32>
          %and3A_482 = arith.constant 15 : i32
          %and3A_483 = vector.broadcast %and3A_482 : i32 to vector<16xi32>
          %and3A_484 = arith.andi %add3A_481, %and3A_483 : vector<16xi32>
          %mul3A_485 = arith.constant 16 : i32
          %mul3A_486 = arith.muli %mul3A_485, %and3A_422 : i32
          %add3A_487 = vector.broadcast %mul3A_486 : i32 to vector<16xi32>
          %add3A_488 = arith.addi %and3A_484, %add3A_487 : vector<16xi32>
          %add3A_489 = arith.addi %mul3A_46, %add3A_488 : vector<16xi32>
          %gather3A_490 = tpu.vector_load_idx %arg6[%add3A_488, %add3A_426] : memref<32x640xf32, #tpu.memory_space<vmem>>[vector<16xi32>, vector<16xi32>], vector<16xf32>,
          %add3A_491 = arith.constant 5 : i32
          %add3A_492 = vector.broadcast %add3A_491 : i32 to vector<16xi32>
          %add3A_493 = arith.addi %iota3A, %add3A_492 : vector<16xi32>
          %and3A_494 = arith.constant 15 : i32
          %and3A_495 = vector.broadcast %and3A_494 : i32 to vector<16xi32>
          %and3A_496 = arith.andi %add3A_493, %and3A_495 : vector<16xi32>
          %mul3A_497 = arith.constant 16 : i32
          %mul3A_498 = arith.muli %mul3A_497, %and3A_422 : i32
          %add3A_499 = vector.broadcast %mul3A_498 : i32 to vector<16xi32>
          %add3A_500 = arith.addi %and3A_496, %add3A_499 : vector<16xi32>
          %add3A_501 = arith.addi %mul3A_46, %add3A_500 : vector<16xi32>
          %gather3A_502 = tpu.vector_load_idx %arg6[%add3A_500, %add3A_426] : memref<32x640xf32, #tpu.memory_space<vmem>>[vector<16xi32>, vector<16xi32>], vector<16xf32>,
          %add3A_503 = arith.constant 6 : i32
          %add3A_504 = vector.broadcast %add3A_503 : i32 to vector<16xi32>
          %add3A_505 = arith.addi %iota3A, %add3A_504 : vector<16xi32>
          %and3A_506 = arith.constant 15 : i32
          %and3A_507 = vector.broadcast %and3A_506 : i32 to vector<16xi32>
          %and3A_508 = arith.andi %add3A_505, %and3A_507 : vector<16xi32>
          %mul3A_509 = arith.constant 16 : i32
          %mul3A_510 = arith.muli %mul3A_509, %and3A_422 : i32
          %add3A_511 = vector.broadcast %mul3A_510 : i32 to vector<16xi32>
          %add3A_512 = arith.addi %and3A_508, %add3A_511 : vector<16xi32>
          %add3A_513 = arith.addi %mul3A_46, %add3A_512 : vector<16xi32>
          %gather3A_514 = tpu.vector_load_idx %arg6[%add3A_512, %add3A_426] : memref<32x640xf32, #tpu.memory_space<vmem>>[vector<16xi32>, vector<16xi32>], vector<16xf32>,
          %add3A_515 = arith.constant 7 : i32
          %add3A_516 = vector.broadcast %add3A_515 : i32 to vector<16xi32>
          %add3A_517 = arith.addi %iota3A, %add3A_516 : vector<16xi32>
          %and3A_518 = arith.constant 15 : i32
          %and3A_519 = vector.broadcast %and3A_518 : i32 to vector<16xi32>
          %and3A_520 = arith.andi %add3A_517, %and3A_519 : vector<16xi32>
          %mul3A_521 = arith.constant 16 : i32
          %mul3A_522 = arith.muli %mul3A_521, %and3A_422 : i32
          %add3A_523 = vector.broadcast %mul3A_522 : i32 to vector<16xi32>
          %add3A_524 = arith.addi %and3A_520, %add3A_523 : vector<16xi32>
          %add3A_525 = arith.addi %mul3A_46, %add3A_524 : vector<16xi32>
          %gather3A_526 = tpu.vector_load_idx %arg6[%add3A_524, %add3A_426] : memref<32x640xf32, #tpu.memory_space<vmem>>[vector<16xi32>, vector<16xi32>], vector<16xf32>,
          %add3A_527 = arith.constant 8 : i32
          %add3A_528 = vector.broadcast %add3A_527 : i32 to vector<16xi32>
          %add3A_529 = arith.addi %iota3A, %add3A_528 : vector<16xi32>
          %and3A_530 = arith.constant 15 : i32
          %and3A_531 = vector.broadcast %and3A_530 : i32 to vector<16xi32>
          %and3A_532 = arith.andi %add3A_529, %and3A_531 : vector<16xi32>
          %mul3A_533 = arith.constant 16 : i32
          %mul3A_534 = arith.muli %mul3A_533, %and3A_422 : i32
          %add3A_535 = vector.broadcast %mul3A_534 : i32 to vector<16xi32>
          %add3A_536 = arith.addi %and3A_532, %add3A_535 : vector<16xi32>
          %add3A_537 = arith.addi %mul3A_46, %add3A_536 : vector<16xi32>
          %gather3A_538 = tpu.vector_load_idx %arg6[%add3A_536, %add3A_426] : memref<32x640xf32, #tpu.memory_space<vmem>>[vector<16xi32>, vector<16xi32>], vector<16xf32>,
          %add3A_539 = arith.constant 9 : i32
          %add3A_540 = vector.broadcast %add3A_539 : i32 to vector<16xi32>
          %add3A_541 = arith.addi %iota3A, %add3A_540 : vector<16xi32>
          %and3A_542 = arith.constant 15 : i32
          %and3A_543 = vector.broadcast %and3A_542 : i32 to vector<16xi32>
          %and3A_544 = arith.andi %add3A_541, %and3A_543 : vector<16xi32>
          %mul3A_545 = arith.constant 16 : i32
          %mul3A_546 = arith.muli %mul3A_545, %and3A_422 : i32
          %add3A_547 = vector.broadcast %mul3A_546 : i32 to vector<16xi32>
          %add3A_548 = arith.addi %and3A_544, %add3A_547 : vector<16xi32>
          %add3A_549 = arith.addi %mul3A_46, %add3A_548 : vector<16xi32>
          %gather3A_550 = tpu.vector_load_idx %arg6[%add3A_548, %add3A_426] : memref<32x640xf32, #tpu.memory_space<vmem>>[vector<16xi32>, vector<16xi32>], vector<16xf32>,
          %add3A_551 = arith.constant 10 : i32
          %add3A_552 = vector.broadcast %add3A_551 : i32 to vector<16xi32>
          %add3A_553 = arith.addi %iota3A, %add3A_552 : vector<16xi32>
          %and3A_554 = arith.constant 15 : i32
          %and3A_555 = vector.broadcast %and3A_554 : i32 to vector<16xi32>
          %and3A_556 = arith.andi %add3A_553, %and3A_555 : vector<16xi32>
          %mul3A_557 = arith.constant 16 : i32
          %mul3A_558 = arith.muli %mul3A_557, %and3A_422 : i32
          %add3A_559 = vector.broadcast %mul3A_558 : i32 to vector<16xi32>
          %add3A_560 = arith.addi %and3A_556, %add3A_559 : vector<16xi32>
          %add3A_561 = arith.addi %mul3A_46, %add3A_560 : vector<16xi32>
          %gather3A_562 = tpu.vector_load_idx %arg6[%add3A_560, %add3A_426] : memref<32x640xf32, #tpu.memory_space<vmem>>[vector<16xi32>, vector<16xi32>], vector<16xf32>,
          %add3A_563 = arith.constant 11 : i32
          %add3A_564 = vector.broadcast %add3A_563 : i32 to vector<16xi32>
          %add3A_565 = arith.addi %iota3A, %add3A_564 : vector<16xi32>
          %and3A_566 = arith.constant 15 : i32
          %and3A_567 = vector.broadcast %and3A_566 : i32 to vector<16xi32>
          %and3A_568 = arith.andi %add3A_565, %and3A_567 : vector<16xi32>
          %mul3A_569 = arith.constant 16 : i32
          %mul3A_570 = arith.muli %mul3A_569, %and3A_422 : i32
          %add3A_571 = vector.broadcast %mul3A_570 : i32 to vector<16xi32>
          %add3A_572 = arith.addi %and3A_568, %add3A_571 : vector<16xi32>
          %add3A_573 = arith.addi %mul3A_46, %add3A_572 : vector<16xi32>
          %gather3A_574 = tpu.vector_load_idx %arg6[%add3A_572, %add3A_426] : memref<32x640xf32, #tpu.memory_space<vmem>>[vector<16xi32>, vector<16xi32>], vector<16xf32>,
          %add3A_575 = arith.constant 12 : i32
          %add3A_576 = vector.broadcast %add3A_575 : i32 to vector<16xi32>
          %add3A_577 = arith.addi %iota3A, %add3A_576 : vector<16xi32>
          %and3A_578 = arith.constant 15 : i32
          %and3A_579 = vector.broadcast %and3A_578 : i32 to vector<16xi32>
          %and3A_580 = arith.andi %add3A_577, %and3A_579 : vector<16xi32>
          %mul3A_581 = arith.constant 16 : i32
          %mul3A_582 = arith.muli %mul3A_581, %and3A_422 : i32
          %add3A_583 = vector.broadcast %mul3A_582 : i32 to vector<16xi32>
          %add3A_584 = arith.addi %and3A_580, %add3A_583 : vector<16xi32>
          %add3A_585 = arith.addi %mul3A_46, %add3A_584 : vector<16xi32>
          %gather3A_586 = tpu.vector_load_idx %arg6[%add3A_584, %add3A_426] : memref<32x640xf32, #tpu.memory_space<vmem>>[vector<16xi32>, vector<16xi32>], vector<16xf32>,
          %add3A_587 = arith.constant 13 : i32
          %add3A_588 = vector.broadcast %add3A_587 : i32 to vector<16xi32>
          %add3A_589 = arith.addi %iota3A, %add3A_588 : vector<16xi32>
          %and3A_590 = arith.constant 15 : i32
          %and3A_591 = vector.broadcast %and3A_590 : i32 to vector<16xi32>
          %and3A_592 = arith.andi %add3A_589, %and3A_591 : vector<16xi32>
          %mul3A_593 = arith.constant 16 : i32
          %mul3A_594 = arith.muli %mul3A_593, %and3A_422 : i32
          %add3A_595 = vector.broadcast %mul3A_594 : i32 to vector<16xi32>
          %add3A_596 = arith.addi %and3A_592, %add3A_595 : vector<16xi32>
          %add3A_597 = arith.addi %mul3A_46, %add3A_596 : vector<16xi32>
          %gather3A_598 = tpu.vector_load_idx %arg6[%add3A_596, %add3A_426] : memref<32x640xf32, #tpu.memory_space<vmem>>[vector<16xi32>, vector<16xi32>], vector<16xf32>,
          %add3A_599 = arith.constant 14 : i32
          %add3A_600 = vector.broadcast %add3A_599 : i32 to vector<16xi32>
          %add3A_601 = arith.addi %iota3A, %add3A_600 : vector<16xi32>
          %and3A_602 = arith.constant 15 : i32
          %and3A_603 = vector.broadcast %and3A_602 : i32 to vector<16xi32>
          %and3A_604 = arith.andi %add3A_601, %and3A_603 : vector<16xi32>
          %mul3A_605 = arith.constant 16 : i32
          %mul3A_606 = arith.muli %mul3A_605, %and3A_422 : i32
          %add3A_607 = vector.broadcast %mul3A_606 : i32 to vector<16xi32>
          %add3A_608 = arith.addi %and3A_604, %add3A_607 : vector<16xi32>
          %add3A_609 = arith.addi %mul3A_46, %add3A_608 : vector<16xi32>
          %gather3A_610 = tpu.vector_load_idx %arg6[%add3A_608, %add3A_426] : memref<32x640xf32, #tpu.memory_space<vmem>>[vector<16xi32>, vector<16xi32>], vector<16xf32>,
          %add3A_611 = arith.constant 15 : i32
          %add3A_612 = vector.broadcast %add3A_611 : i32 to vector<16xi32>
          %add3A_613 = arith.addi %iota3A, %add3A_612 : vector<16xi32>
          %and3A_614 = arith.constant 15 : i32
          %and3A_615 = vector.broadcast %and3A_614 : i32 to vector<16xi32>
          %and3A_616 = arith.andi %add3A_613, %and3A_615 : vector<16xi32>
          %mul3A_617 = arith.constant 16 : i32
          %mul3A_618 = arith.muli %mul3A_617, %and3A_422 : i32
          %add3A_619 = vector.broadcast %mul3A_618 : i32 to vector<16xi32>
          %add3A_620 = arith.addi %and3A_616, %add3A_619 : vector<16xi32>
          %add3A_621 = arith.addi %mul3A_46, %add3A_620 : vector<16xi32>
          %gather3A_622 = tpu.vector_load_idx %arg6[%add3A_620, %add3A_426] : memref<32x640xf32, #tpu.memory_space<vmem>>[vector<16xi32>, vector<16xi32>], vector<16xf32>,
          tpu.vector_store_idx %arg9[%add3A_430, %add3A_441], %gather3A_442 : memref<160x128xf32, #tpu.memory_space<vmem>>[vector<16xi32>, vector<16xi32>], vector<16xf32>,
          tpu.vector_store_idx %arg9[%add3A_430, %add3A_453], %gather3A_454 : memref<160x128xf32, #tpu.memory_space<vmem>>[vector<16xi32>, vector<16xi32>], vector<16xf32>,
          tpu.vector_store_idx %arg9[%add3A_430, %add3A_465], %gather3A_466 : memref<160x128xf32, #tpu.memory_space<vmem>>[vector<16xi32>, vector<16xi32>], vector<16xf32>,
          tpu.vector_store_idx %arg9[%add3A_430, %add3A_477], %gather3A_478 : memref<160x128xf32, #tpu.memory_space<vmem>>[vector<16xi32>, vector<16xi32>], vector<16xf32>,
          tpu.vector_store_idx %arg9[%add3A_430, %add3A_489], %gather3A_490 : memref<160x128xf32, #tpu.memory_space<vmem>>[vector<16xi32>, vector<16xi32>], vector<16xf32>,
          tpu.vector_store_idx %arg9[%add3A_430, %add3A_501], %gather3A_502 : memref<160x128xf32, #tpu.memory_space<vmem>>[vector<16xi32>, vector<16xi32>], vector<16xf32>,
          tpu.vector_store_idx %arg9[%add3A_430, %add3A_513], %gather3A_514 : memref<160x128xf32, #tpu.memory_space<vmem>>[vector<16xi32>, vector<16xi32>], vector<16xf32>,
          tpu.vector_store_idx %arg9[%add3A_430, %add3A_525], %gather3A_526 : memref<160x128xf32, #tpu.memory_space<vmem>>[vector<16xi32>, vector<16xi32>], vector<16xf32>,
          tpu.vector_store_idx %arg9[%add3A_430, %add3A_537], %gather3A_538 : memref<160x128xf32, #tpu.memory_space<vmem>>[vector<16xi32>, vector<16xi32>], vector<16xf32>,
          tpu.vector_store_idx %arg9[%add3A_430, %add3A_549], %gather3A_550 : memref<160x128xf32, #tpu.memory_space<vmem>>[vector<16xi32>, vector<16xi32>], vector<16xf32>,
          tpu.vector_store_idx %arg9[%add3A_430, %add3A_561], %gather3A_562 : memref<160x128xf32, #tpu.memory_space<vmem>>[vector<16xi32>, vector<16xi32>], vector<16xf32>,
          tpu.vector_store_idx %arg9[%add3A_430, %add3A_573], %gather3A_574 : memref<160x128xf32, #tpu.memory_space<vmem>>[vector<16xi32>, vector<16xi32>], vector<16xf32>,
          tpu.vector_store_idx %arg9[%add3A_430, %add3A_585], %gather3A_586 : memref<160x128xf32, #tpu.memory_space<vmem>>[vector<16xi32>, vector<16xi32>], vector<16xf32>,
          tpu.vector_store_idx %arg9[%add3A_430, %add3A_597], %gather3A_598 : memref<160x128xf32, #tpu.memory_space<vmem>>[vector<16xi32>, vector<16xi32>], vector<16xf32>,
          tpu.vector_store_idx %arg9[%add3A_430, %add3A_609], %gather3A_610 : memref<160x128xf32, #tpu.memory_space<vmem>>[vector<16xi32>, vector<16xi32>], vector<16xf32>,
          tpu.vector_store_idx %arg9[%add3A_430, %add3A_621], %gather3A_622 : memref<160x128xf32, #tpu.memory_space<vmem>>[vector<16xi32>, vector<16xi32>], vector<16xf32>,
          %scan3A_623 = arith.constant 0 : i32
          scf.yield %scan3A_623 : i32
        }
        %scan3A_170 = arith.constant 40 : i32
        %jit3A_171 = arith.constant 156 : i32
        %div3A_172 = arith.divsi %add3A_130, %jit3A_171 : i32
        %sign3A_173 = arith.constant 0 : i32
        %sign3A_174 = arith.cmpi sgt, %add3A_130, %sign3A_173 : i32
        %sign3A_175 = arith.extui %sign3A_174 : i1 to i32
        %sign3A_176 = arith.constant 0 : i32
        %sign3A_177 = arith.cmpi slt, %add3A_130, %sign3A_176 : i32
        %sign3A_178 = arith.extui %sign3A_177 : i1 to i32
        %sign3A_179 = arith.subi %sign3A_175, %sign3A_178 : i32
        %sign3A_180 = arith.constant 0 : i32
        %sign3A_181 = arith.cmpi sgt, %jit3A_171, %sign3A_180 : i32
        %sign3A_182 = arith.extui %sign3A_181 : i1 to i32
        %sign3A_183 = arith.constant 0 : i32
        %sign3A_184 = arith.cmpi slt, %jit3A_171, %sign3A_183 : i32
        %sign3A_185 = arith.extui %sign3A_184 : i1 to i32
        %sign3A_186 = arith.subi %sign3A_182, %sign3A_185 : i32
        %ne3A_187 = arith.cmpi ne, %sign3A_179, %sign3A_186 : i32
        %rem3A_188 = arith.remsi %add3A_130, %jit3A_171 : i32
        %ne3A_189 = arith.constant 0 : i32
        %ne3A_190 = arith.cmpi ne, %rem3A_188, %ne3A_189 : i32
        %and3A_191 = arith.andi %ne3A_187, %ne3A_190 : i1
        %sub3A_192 = arith.constant 1 : i32
        %sub3A_193 = arith.subi %div3A_172, %sub3A_192 : i32
        %select_n3A_194 = arith.select %and3A_191, %sub3A_193, %div3A_172 : i32
        %mul3A_195 = arith.constant 156 : i32
        %mul3A_196 = arith.muli %select_n3A_194, %mul3A_195 : i32
        %sub3A_197 = arith.subi %add3A_130, %mul3A_196 : i32
        %mul3A_198 = arith.constant 25024 : i32
        %mul3A_199 = arith.muli %select_n3A_194, %mul3A_198 : i32
        %mul3A_200 = arith.constant 160 : i32
        %mul3A_201 = arith.muli %sub3A_197, %mul3A_200 : i32
        %add3A_202 = arith.addi %mul3A_199, %mul3A_201 : i32
        %dma_start3A_203 = arith.constant 0 : i32
        %dma_start3A_204 = tpu.memref_slice %arg4[%add3A_202, %dma_start3A_203] : memref<650624x128xf32, #tpu.memory_space<hbm>> -> memref<160x128xf32, #tpu.memory_space<hbm>>
        %dma_start3A_205 = arith.constant 0 : i32
        %dma_start3A_206 = tpu.memref_slice %arg4[%add3A_202, %dma_start3A_205] : memref<650624x128xf32, #tpu.memory_space<hbm>> -> memref<160x128xf32, #tpu.memory_space<hbm>>
        tpu.enqueue_dma source(%arg9 : memref<160x128xf32, #tpu.memory_space<vmem>>) target(%dma_start3A_206 : memref<160x128xf32, #tpu.memory_space<hbm>>) target_semaphore(%arg15 : memref<!tpu.dma_semaphore, #tpu.memory_space<semaphore_mem>>)
      } else {
      }
      %add3A_136 = arith.constant 64 : i32
      %add3A_137 = arith.addi %add3A_123, %add3A_136 : i32
      %lt3A_138 = arith.constant 4056 : i32
      %lt3A_139 = arith.cmpi slt, %add3A_137, %lt3A_138 : i32
      %convert_element_type3A_140 = arith.extui %lt3A_139 : i1 to i32
      %cond3A_141 = arith.constant 0 : i32
      %cond3A_142 = arith.cmpi ne, %convert_element_type3A_140, %cond3A_141 : i32
      scf.if %cond3A_142 {
        %dma_wait3A_144 = arith.constant 0 : i32
        %dma_wait3A_145 = arith.constant 0 : i32
        %dma_wait3A_146 = arith.constant 0 : i32
        %dma_wait3A_147 = tpu.memref_slice %arg2[%dma_wait3A_144, %dma_wait3A_145, %dma_wait3A_146] : memref<26x32x100000xf32, #tpu.memory_space<hbm>> -> memref<1x32x640xf32, #tpu.memory_space<hbm>>
        %dma_wait3A_148 = tpu.memref_squeeze %dma_wait3A_147 : memref<1x32x640xf32, #tpu.memory_space<hbm>> -> memref<32x640xf32, #tpu.memory_space<hbm>>
        %dma_wait3A_149 = arith.constant 0 : i32
        %dma_wait3A_150 = arith.constant 0 : i32
        %dma_wait3A_151 = tpu.memref_slice %arg2[%dma_wait3A_144, %dma_wait3A_149, %dma_wait3A_150] : memref<26x32x100000xf32, #tpu.memory_space<hbm>> -> memref<1x32x640xf32, #tpu.memory_space<hbm>>
        %dma_wait3A_152 = tpu.memref_squeeze %dma_wait3A_151 : memref<1x32x640xf32, #tpu.memory_space<hbm>> -> memref<32x640xf32, #tpu.memory_space<hbm>>
        tpu.wait_dma2 semaphore(%arg13 : memref<!tpu.dma_semaphore, #tpu.memory_space<semaphore_mem>>) src(%dma_wait3A_152 : memref<32x640xf32, #tpu.memory_space<hbm>>) dst(%arg7 : memref<32x640xf32, #tpu.memory_space<vmem>>)
        %add3A_153 = arith.constant 64 : i32
        %add3A_154 = arith.addi %add3A_137, %add3A_153 : i32
        %lt3A_155 = arith.constant 4056 : i32
        %lt3A_156 = arith.cmpi slt, %add3A_154, %lt3A_155 : i32
        %convert_element_type3A_157 = arith.extui %lt3A_156 : i1 to i32
        %cond3A_158 = arith.constant 0 : i32
        %cond3A_159 = arith.cmpi ne, %convert_element_type3A_157, %cond3A_158 : i32
        scf.if %cond3A_159 {
          %add3A_207 = arith.constant 64 : i32
          %add3A_208 = arith.addi %add3A_137, %add3A_207 : i32
          %jit3A_209 = arith.constant 156 : i32
          %div3A_210 = arith.divsi %add3A_208, %jit3A_209 : i32
          %sign3A_211 = arith.constant 0 : i32
          %sign3A_212 = arith.cmpi sgt, %add3A_208, %sign3A_211 : i32
          %sign3A_213 = arith.extui %sign3A_212 : i1 to i32
          %sign3A_214 = arith.constant 0 : i32
          %sign3A_215 = arith.cmpi slt, %add3A_208, %sign3A_214 : i32
          %sign3A_216 = arith.extui %sign3A_215 : i1 to i32
          %sign3A_217 = arith.subi %sign3A_213, %sign3A_216 : i32
          %sign3A_218 = arith.constant 0 : i32
          %sign3A_219 = arith.cmpi sgt, %jit3A_209, %sign3A_218 : i32
          %sign3A_220 = arith.extui %sign3A_219 : i1 to i32
          %sign3A_221 = arith.constant 0 : i32
          %sign3A_222 = arith.cmpi slt, %jit3A_209, %sign3A_221 : i32
          %sign3A_223 = arith.extui %sign3A_222 : i1 to i32
          %sign3A_224 = arith.subi %sign3A_220, %sign3A_223 : i32
          %ne3A_225 = arith.cmpi ne, %sign3A_217, %sign3A_224 : i32
          %rem3A_226 = arith.remsi %add3A_208, %jit3A_209 : i32
          %ne3A_227 = arith.constant 0 : i32
          %ne3A_228 = arith.cmpi ne, %rem3A_226, %ne3A_227 : i32
          %and3A_229 = arith.andi %ne3A_225, %ne3A_228 : i1
          %sub3A_230 = arith.constant 1 : i32
          %sub3A_231 = arith.subi %div3A_210, %sub3A_230 : i32
          %select_n3A_232 = arith.select %and3A_229, %sub3A_231, %div3A_210 : i32
          %mul3A_233 = arith.constant 156 : i32
          %mul3A_234 = arith.muli %select_n3A_232, %mul3A_233 : i32
          %sub3A_235 = arith.subi %add3A_208, %mul3A_234 : i32
          %mul3A_236 = arith.constant 640 : i32
          %mul3A_237 = arith.muli %sub3A_235, %mul3A_236 : i32
          %dma_start3A_238 = arith.constant 0 : i32
          %dma_start3A_239 = tpu.memref_slice %arg2[%select_n3A_232, %dma_start3A_238, %mul3A_237] : memref<26x32x100000xf32, #tpu.memory_space<hbm>> -> memref<1x32x640xf32, #tpu.memory_space<hbm>>
          %dma_start3A_240 = tpu.memref_squeeze %dma_start3A_239 : memref<1x32x640xf32, #tpu.memory_space<hbm>> -> memref<32x640xf32, #tpu.memory_space<hbm>>
          %dma_start3A_241 = arith.constant 0 : i32
          %dma_start3A_242 = tpu.memref_slice %arg2[%select_n3A_232, %dma_start3A_241, %mul3A_237] : memref<26x32x100000xf32, #tpu.memory_space<hbm>> -> memref<1x32x640xf32, #tpu.memory_space<hbm>>
          %dma_start3A_243 = tpu.memref_squeeze %dma_start3A_242 : memref<1x32x640xf32, #tpu.memory_space<hbm>> -> memref<32x640xf32, #tpu.memory_space<hbm>>
          tpu.enqueue_dma source(%dma_start3A_243 : memref<32x640xf32, #tpu.memory_space<hbm>>) target(%arg6 : memref<32x640xf32, #tpu.memory_space<vmem>>) target_semaphore(%arg12 : memref<!tpu.dma_semaphore, #tpu.memory_space<semaphore_mem>>)
        } else {
        }
        %ge3A = arith.constant 96 : i32
        %ge3A_160 = arith.cmpi sge, %add3A_137, %ge3A : i32
        %convert_element_type3A_161 = arith.extui %ge3A_160 : i1 to i32
        %cond3A_162 = arith.constant 0 : i32
        %cond3A_163 = arith.cmpi ne, %convert_element_type3A_161, %cond3A_162 : i32
        scf.if %cond3A_163 {
          %dma_wait3A_207 = arith.constant 0 : i32
          %dma_wait3A_208 = arith.constant 0 : i32
          %dma_wait3A_209 = tpu.memref_slice %arg4[%dma_wait3A_207, %dma_wait3A_208] : memref<650624x128xf32, #tpu.memory_space<hbm>> -> memref<160x128xf32, #tpu.memory_space<hbm>>
          %dma_wait3A_210 = arith.constant 0 : i32
          %dma_wait3A_211 = arith.constant 0 : i32
          %dma_wait3A_212 = tpu.memref_slice %arg4[%dma_wait3A_210, %dma_wait3A_211] : memref<650624x128xf32, #tpu.memory_space<hbm>> -> memref<160x128xf32, #tpu.memory_space<hbm>>
          tpu.wait_dma2 semaphore(%arg16 : memref<!tpu.dma_semaphore, #tpu.memory_space<semaphore_mem>>) src(%dma_wait3A_212 : memref<160x128xf32, #tpu.memory_space<hbm>>) dst(%arg10 : memref<160x128xf32, #tpu.memory_space<vmem>>)
        } else {
        }
        %scan3A_164 = arith.constant 0 : i32
        %scan3A_165 = arith.constant 0 : i32
        %scan3A_166 = arith.constant 40 : i32
        %scan3A_167 = arith.addi %scan3A_165, %scan3A_166 : i32
        %scan3A_168 = arith.constant 1 : i32
        %scan3A_169 = scf.for %scan3A_207 = %scan3A_165 to %scan3A_167 step %scan3A_168 iter_args(%scan3A_208 = %scan3A_164) -> (i32)  : i32 {
          %mul3A_209 = arith.constant 2 : i32
          %mul3A_210 = arith.muli %mul3A_209, %scan3A_207 : i32
          %add3A_211 = arith.constant 0 : i32
          %add3A_212 = arith.addi %mul3A_210, %add3A_211 : i32
          %shift_right_arithmetic3A = arith.constant 1 : i32
          %shift_right_arithmetic3A_213 = arith.shrsi %add3A_212, %shift_right_arithmetic3A : i32
          %and3A_214 = arith.constant 1 : i32
          %and3A_215 = arith.andi %add3A_212, %and3A_214 : i32
          %mul3A_216 = arith.constant 16 : i32
          %mul3A_217 = arith.muli %mul3A_216, %shift_right_arithmetic3A_213 : i32
          %add3A_218 = vector.broadcast %mul3A_217 : i32 to vector<16xi32>
          %add3A_219 = arith.addi %iota3A, %add3A_218 : vector<16xi32>
          %mul3A_220 = arith.constant 4 : i32
          %mul3A_221 = arith.muli %mul3A_220, %shift_right_arithmetic3A_213 : i32
          %add3A_222 = vector.broadcast %mul3A_221 : i32 to vector<16xi32>
          %add3A_223 = arith.addi %select_n3A, %add3A_222 : vector<16xi32>
          %add3A_224 = arith.constant 0 : i32
          %add3A_225 = vector.broadcast %add3A_224 : i32 to vector<16xi32>
          %add3A_226 = arith.addi %iota3A, %add3A_225 : vector<16xi32>
          %and3A_227 = arith.constant 15 : i32
          %and3A_228 = vector.broadcast %and3A_227 : i32 to vector<16xi32>
          %and3A_229 = arith.andi %add3A_226, %and3A_228 : vector<16xi32>
          %mul3A_230 = arith.constant 16 : i32
          %mul3A_231 = arith.muli %mul3A_230, %and3A_215 : i32
          %add3A_232 = vector.broadcast %mul3A_231 : i32 to vector<16xi32>
          %add3A_233 = arith.addi %and3A_229, %add3A_232 : vector<16xi32>
          %add3A_234 = arith.addi %mul3A_46, %add3A_233 : vector<16xi32>
          %gather3A = tpu.vector_load_idx %arg7[%add3A_233, %add3A_219] : memref<32x640xf32, #tpu.memory_space<vmem>>[vector<16xi32>, vector<16xi32>], vector<16xf32>,
          %add3A_235 = arith.constant 1 : i32
          %add3A_236 = vector.broadcast %add3A_235 : i32 to vector<16xi32>
          %add3A_237 = arith.addi %iota3A, %add3A_236 : vector<16xi32>
          %and3A_238 = arith.constant 15 : i32
          %and3A_239 = vector.broadcast %and3A_238 : i32 to vector<16xi32>
          %and3A_240 = arith.andi %add3A_237, %and3A_239 : vector<16xi32>
          %mul3A_241 = arith.constant 16 : i32
          %mul3A_242 = arith.muli %mul3A_241, %and3A_215 : i32
          %add3A_243 = vector.broadcast %mul3A_242 : i32 to vector<16xi32>
          %add3A_244 = arith.addi %and3A_240, %add3A_243 : vector<16xi32>
          %add3A_245 = arith.addi %mul3A_46, %add3A_244 : vector<16xi32>
          %gather3A_246 = tpu.vector_load_idx %arg7[%add3A_244, %add3A_219] : memref<32x640xf32, #tpu.memory_space<vmem>>[vector<16xi32>, vector<16xi32>], vector<16xf32>,
          %add3A_247 = arith.constant 2 : i32
          %add3A_248 = vector.broadcast %add3A_247 : i32 to vector<16xi32>
          %add3A_249 = arith.addi %iota3A, %add3A_248 : vector<16xi32>
          %and3A_250 = arith.constant 15 : i32
          %and3A_251 = vector.broadcast %and3A_250 : i32 to vector<16xi32>
          %and3A_252 = arith.andi %add3A_249, %and3A_251 : vector<16xi32>
          %mul3A_253 = arith.constant 16 : i32
          %mul3A_254 = arith.muli %mul3A_253, %and3A_215 : i32
          %add3A_255 = vector.broadcast %mul3A_254 : i32 to vector<16xi32>
          %add3A_256 = arith.addi %and3A_252, %add3A_255 : vector<16xi32>
          %add3A_257 = arith.addi %mul3A_46, %add3A_256 : vector<16xi32>
          %gather3A_258 = tpu.vector_load_idx %arg7[%add3A_256, %add3A_219] : memref<32x640xf32, #tpu.memory_space<vmem>>[vector<16xi32>, vector<16xi32>], vector<16xf32>,
          %add3A_259 = arith.constant 3 : i32
          %add3A_260 = vector.broadcast %add3A_259 : i32 to vector<16xi32>
          %add3A_261 = arith.addi %iota3A, %add3A_260 : vector<16xi32>
          %and3A_262 = arith.constant 15 : i32
          %and3A_263 = vector.broadcast %and3A_262 : i32 to vector<16xi32>
          %and3A_264 = arith.andi %add3A_261, %and3A_263 : vector<16xi32>
          %mul3A_265 = arith.constant 16 : i32
          %mul3A_266 = arith.muli %mul3A_265, %and3A_215 : i32
          %add3A_267 = vector.broadcast %mul3A_266 : i32 to vector<16xi32>
          %add3A_268 = arith.addi %and3A_264, %add3A_267 : vector<16xi32>
          %add3A_269 = arith.addi %mul3A_46, %add3A_268 : vector<16xi32>
          %gather3A_270 = tpu.vector_load_idx %arg7[%add3A_268, %add3A_219] : memref<32x640xf32, #tpu.memory_space<vmem>>[vector<16xi32>, vector<16xi32>], vector<16xf32>,
          %add3A_271 = arith.constant 4 : i32
          %add3A_272 = vector.broadcast %add3A_271 : i32 to vector<16xi32>
          %add3A_273 = arith.addi %iota3A, %add3A_272 : vector<16xi32>
          %and3A_274 = arith.constant 15 : i32
          %and3A_275 = vector.broadcast %and3A_274 : i32 to vector<16xi32>
          %and3A_276 = arith.andi %add3A_273, %and3A_275 : vector<16xi32>
          %mul3A_277 = arith.constant 16 : i32
          %mul3A_278 = arith.muli %mul3A_277, %and3A_215 : i32
          %add3A_279 = vector.broadcast %mul3A_278 : i32 to vector<16xi32>
          %add3A_280 = arith.addi %and3A_276, %add3A_279 : vector<16xi32>
          %add3A_281 = arith.addi %mul3A_46, %add3A_280 : vector<16xi32>
          %gather3A_282 = tpu.vector_load_idx %arg7[%add3A_280, %add3A_219] : memref<32x640xf32, #tpu.memory_space<vmem>>[vector<16xi32>, vector<16xi32>], vector<16xf32>,
          %add3A_283 = arith.constant 5 : i32
          %add3A_284 = vector.broadcast %add3A_283 : i32 to vector<16xi32>
          %add3A_285 = arith.addi %iota3A, %add3A_284 : vector<16xi32>
          %and3A_286 = arith.constant 15 : i32
          %and3A_287 = vector.broadcast %and3A_286 : i32 to vector<16xi32>
          %and3A_288 = arith.andi %add3A_285, %and3A_287 : vector<16xi32>
          %mul3A_289 = arith.constant 16 : i32
          %mul3A_290 = arith.muli %mul3A_289, %and3A_215 : i32
          %add3A_291 = vector.broadcast %mul3A_290 : i32 to vector<16xi32>
          %add3A_292 = arith.addi %and3A_288, %add3A_291 : vector<16xi32>
          %add3A_293 = arith.addi %mul3A_46, %add3A_292 : vector<16xi32>
          %gather3A_294 = tpu.vector_load_idx %arg7[%add3A_292, %add3A_219] : memref<32x640xf32, #tpu.memory_space<vmem>>[vector<16xi32>, vector<16xi32>], vector<16xf32>,
          %add3A_295 = arith.constant 6 : i32
          %add3A_296 = vector.broadcast %add3A_295 : i32 to vector<16xi32>
          %add3A_297 = arith.addi %iota3A, %add3A_296 : vector<16xi32>
          %and3A_298 = arith.constant 15 : i32
          %and3A_299 = vector.broadcast %and3A_298 : i32 to vector<16xi32>
          %and3A_300 = arith.andi %add3A_297, %and3A_299 : vector<16xi32>
          %mul3A_301 = arith.constant 16 : i32
          %mul3A_302 = arith.muli %mul3A_301, %and3A_215 : i32
          %add3A_303 = vector.broadcast %mul3A_302 : i32 to vector<16xi32>
          %add3A_304 = arith.addi %and3A_300, %add3A_303 : vector<16xi32>
          %add3A_305 = arith.addi %mul3A_46, %add3A_304 : vector<16xi32>
          %gather3A_306 = tpu.vector_load_idx %arg7[%add3A_304, %add3A_219] : memref<32x640xf32, #tpu.memory_space<vmem>>[vector<16xi32>, vector<16xi32>], vector<16xf32>,
          %add3A_307 = arith.constant 7 : i32
          %add3A_308 = vector.broadcast %add3A_307 : i32 to vector<16xi32>
          %add3A_309 = arith.addi %iota3A, %add3A_308 : vector<16xi32>
          %and3A_310 = arith.constant 15 : i32
          %and3A_311 = vector.broadcast %and3A_310 : i32 to vector<16xi32>
          %and3A_312 = arith.andi %add3A_309, %and3A_311 : vector<16xi32>
          %mul3A_313 = arith.constant 16 : i32
          %mul3A_314 = arith.muli %mul3A_313, %and3A_215 : i32
          %add3A_315 = vector.broadcast %mul3A_314 : i32 to vector<16xi32>
          %add3A_316 = arith.addi %and3A_312, %add3A_315 : vector<16xi32>
          %add3A_317 = arith.addi %mul3A_46, %add3A_316 : vector<16xi32>
          %gather3A_318 = tpu.vector_load_idx %arg7[%add3A_316, %add3A_219] : memref<32x640xf32, #tpu.memory_space<vmem>>[vector<16xi32>, vector<16xi32>], vector<16xf32>,
          %add3A_319 = arith.constant 8 : i32
          %add3A_320 = vector.broadcast %add3A_319 : i32 to vector<16xi32>
          %add3A_321 = arith.addi %iota3A, %add3A_320 : vector<16xi32>
          %and3A_322 = arith.constant 15 : i32
          %and3A_323 = vector.broadcast %and3A_322 : i32 to vector<16xi32>
          %and3A_324 = arith.andi %add3A_321, %and3A_323 : vector<16xi32>
          %mul3A_325 = arith.constant 16 : i32
          %mul3A_326 = arith.muli %mul3A_325, %and3A_215 : i32
          %add3A_327 = vector.broadcast %mul3A_326 : i32 to vector<16xi32>
          %add3A_328 = arith.addi %and3A_324, %add3A_327 : vector<16xi32>
          %add3A_329 = arith.addi %mul3A_46, %add3A_328 : vector<16xi32>
          %gather3A_330 = tpu.vector_load_idx %arg7[%add3A_328, %add3A_219] : memref<32x640xf32, #tpu.memory_space<vmem>>[vector<16xi32>, vector<16xi32>], vector<16xf32>,
          %add3A_331 = arith.constant 9 : i32
          %add3A_332 = vector.broadcast %add3A_331 : i32 to vector<16xi32>
          %add3A_333 = arith.addi %iota3A, %add3A_332 : vector<16xi32>
          %and3A_334 = arith.constant 15 : i32
          %and3A_335 = vector.broadcast %and3A_334 : i32 to vector<16xi32>
          %and3A_336 = arith.andi %add3A_333, %and3A_335 : vector<16xi32>
          %mul3A_337 = arith.constant 16 : i32
          %mul3A_338 = arith.muli %mul3A_337, %and3A_215 : i32
          %add3A_339 = vector.broadcast %mul3A_338 : i32 to vector<16xi32>
          %add3A_340 = arith.addi %and3A_336, %add3A_339 : vector<16xi32>
          %add3A_341 = arith.addi %mul3A_46, %add3A_340 : vector<16xi32>
          %gather3A_342 = tpu.vector_load_idx %arg7[%add3A_340, %add3A_219] : memref<32x640xf32, #tpu.memory_space<vmem>>[vector<16xi32>, vector<16xi32>], vector<16xf32>,
          %add3A_343 = arith.constant 10 : i32
          %add3A_344 = vector.broadcast %add3A_343 : i32 to vector<16xi32>
          %add3A_345 = arith.addi %iota3A, %add3A_344 : vector<16xi32>
          %and3A_346 = arith.constant 15 : i32
          %and3A_347 = vector.broadcast %and3A_346 : i32 to vector<16xi32>
          %and3A_348 = arith.andi %add3A_345, %and3A_347 : vector<16xi32>
          %mul3A_349 = arith.constant 16 : i32
          %mul3A_350 = arith.muli %mul3A_349, %and3A_215 : i32
          %add3A_351 = vector.broadcast %mul3A_350 : i32 to vector<16xi32>
          %add3A_352 = arith.addi %and3A_348, %add3A_351 : vector<16xi32>
          %add3A_353 = arith.addi %mul3A_46, %add3A_352 : vector<16xi32>
          %gather3A_354 = tpu.vector_load_idx %arg7[%add3A_352, %add3A_219] : memref<32x640xf32, #tpu.memory_space<vmem>>[vector<16xi32>, vector<16xi32>], vector<16xf32>,
          %add3A_355 = arith.constant 11 : i32
          %add3A_356 = vector.broadcast %add3A_355 : i32 to vector<16xi32>
          %add3A_357 = arith.addi %iota3A, %add3A_356 : vector<16xi32>
          %and3A_358 = arith.constant 15 : i32
          %and3A_359 = vector.broadcast %and3A_358 : i32 to vector<16xi32>
          %and3A_360 = arith.andi %add3A_357, %and3A_359 : vector<16xi32>
          %mul3A_361 = arith.constant 16 : i32
          %mul3A_362 = arith.muli %mul3A_361, %and3A_215 : i32
          %add3A_363 = vector.broadcast %mul3A_362 : i32 to vector<16xi32>
          %add3A_364 = arith.addi %and3A_360, %add3A_363 : vector<16xi32>
          %add3A_365 = arith.addi %mul3A_46, %add3A_364 : vector<16xi32>
          %gather3A_366 = tpu.vector_load_idx %arg7[%add3A_364, %add3A_219] : memref<32x640xf32, #tpu.memory_space<vmem>>[vector<16xi32>, vector<16xi32>], vector<16xf32>,
          %add3A_367 = arith.constant 12 : i32
          %add3A_368 = vector.broadcast %add3A_367 : i32 to vector<16xi32>
          %add3A_369 = arith.addi %iota3A, %add3A_368 : vector<16xi32>
          %and3A_370 = arith.constant 15 : i32
          %and3A_371 = vector.broadcast %and3A_370 : i32 to vector<16xi32>
          %and3A_372 = arith.andi %add3A_369, %and3A_371 : vector<16xi32>
          %mul3A_373 = arith.constant 16 : i32
          %mul3A_374 = arith.muli %mul3A_373, %and3A_215 : i32
          %add3A_375 = vector.broadcast %mul3A_374 : i32 to vector<16xi32>
          %add3A_376 = arith.addi %and3A_372, %add3A_375 : vector<16xi32>
          %add3A_377 = arith.addi %mul3A_46, %add3A_376 : vector<16xi32>
          %gather3A_378 = tpu.vector_load_idx %arg7[%add3A_376, %add3A_219] : memref<32x640xf32, #tpu.memory_space<vmem>>[vector<16xi32>, vector<16xi32>], vector<16xf32>,
          %add3A_379 = arith.constant 13 : i32
          %add3A_380 = vector.broadcast %add3A_379 : i32 to vector<16xi32>
          %add3A_381 = arith.addi %iota3A, %add3A_380 : vector<16xi32>
          %and3A_382 = arith.constant 15 : i32
          %and3A_383 = vector.broadcast %and3A_382 : i32 to vector<16xi32>
          %and3A_384 = arith.andi %add3A_381, %and3A_383 : vector<16xi32>
          %mul3A_385 = arith.constant 16 : i32
          %mul3A_386 = arith.muli %mul3A_385, %and3A_215 : i32
          %add3A_387 = vector.broadcast %mul3A_386 : i32 to vector<16xi32>
          %add3A_388 = arith.addi %and3A_384, %add3A_387 : vector<16xi32>
          %add3A_389 = arith.addi %mul3A_46, %add3A_388 : vector<16xi32>
          %gather3A_390 = tpu.vector_load_idx %arg7[%add3A_388, %add3A_219] : memref<32x640xf32, #tpu.memory_space<vmem>>[vector<16xi32>, vector<16xi32>], vector<16xf32>,
          %add3A_391 = arith.constant 14 : i32
          %add3A_392 = vector.broadcast %add3A_391 : i32 to vector<16xi32>
          %add3A_393 = arith.addi %iota3A, %add3A_392 : vector<16xi32>
          %and3A_394 = arith.constant 15 : i32
          %and3A_395 = vector.broadcast %and3A_394 : i32 to vector<16xi32>
          %and3A_396 = arith.andi %add3A_393, %and3A_395 : vector<16xi32>
          %mul3A_397 = arith.constant 16 : i32
          %mul3A_398 = arith.muli %mul3A_397, %and3A_215 : i32
          %add3A_399 = vector.broadcast %mul3A_398 : i32 to vector<16xi32>
          %add3A_400 = arith.addi %and3A_396, %add3A_399 : vector<16xi32>
          %add3A_401 = arith.addi %mul3A_46, %add3A_400 : vector<16xi32>
          %gather3A_402 = tpu.vector_load_idx %arg7[%add3A_400, %add3A_219] : memref<32x640xf32, #tpu.memory_space<vmem>>[vector<16xi32>, vector<16xi32>], vector<16xf32>,
          %add3A_403 = arith.constant 15 : i32
          %add3A_404 = vector.broadcast %add3A_403 : i32 to vector<16xi32>
          %add3A_405 = arith.addi %iota3A, %add3A_404 : vector<16xi32>
          %and3A_406 = arith.constant 15 : i32
          %and3A_407 = vector.broadcast %and3A_406 : i32 to vector<16xi32>
          %and3A_408 = arith.andi %add3A_405, %and3A_407 : vector<16xi32>
          %mul3A_409 = arith.constant 16 : i32
          %mul3A_410 = arith.muli %mul3A_409, %and3A_215 : i32
          %add3A_411 = vector.broadcast %mul3A_410 : i32 to vector<16xi32>
          %add3A_412 = arith.addi %and3A_408, %add3A_411 : vector<16xi32>
          %add3A_413 = arith.addi %mul3A_46, %add3A_412 : vector<16xi32>
          %gather3A_414 = tpu.vector_load_idx %arg7[%add3A_412, %add3A_219] : memref<32x640xf32, #tpu.memory_space<vmem>>[vector<16xi32>, vector<16xi32>], vector<16xf32>,
          tpu.vector_store_idx %arg10[%add3A_223, %add3A_234], %gather3A : memref<160x128xf32, #tpu.memory_space<vmem>>[vector<16xi32>, vector<16xi32>], vector<16xf32>,
          tpu.vector_store_idx %arg10[%add3A_223, %add3A_245], %gather3A_246 : memref<160x128xf32, #tpu.memory_space<vmem>>[vector<16xi32>, vector<16xi32>], vector<16xf32>,
          tpu.vector_store_idx %arg10[%add3A_223, %add3A_257], %gather3A_258 : memref<160x128xf32, #tpu.memory_space<vmem>>[vector<16xi32>, vector<16xi32>], vector<16xf32>,
          tpu.vector_store_idx %arg10[%add3A_223, %add3A_269], %gather3A_270 : memref<160x128xf32, #tpu.memory_space<vmem>>[vector<16xi32>, vector<16xi32>], vector<16xf32>,
          tpu.vector_store_idx %arg10[%add3A_223, %add3A_281], %gather3A_282 : memref<160x128xf32, #tpu.memory_space<vmem>>[vector<16xi32>, vector<16xi32>], vector<16xf32>,
          tpu.vector_store_idx %arg10[%add3A_223, %add3A_293], %gather3A_294 : memref<160x128xf32, #tpu.memory_space<vmem>>[vector<16xi32>, vector<16xi32>], vector<16xf32>,
          tpu.vector_store_idx %arg10[%add3A_223, %add3A_305], %gather3A_306 : memref<160x128xf32, #tpu.memory_space<vmem>>[vector<16xi32>, vector<16xi32>], vector<16xf32>,
          tpu.vector_store_idx %arg10[%add3A_223, %add3A_317], %gather3A_318 : memref<160x128xf32, #tpu.memory_space<vmem>>[vector<16xi32>, vector<16xi32>], vector<16xf32>,
          tpu.vector_store_idx %arg10[%add3A_223, %add3A_329], %gather3A_330 : memref<160x128xf32, #tpu.memory_space<vmem>>[vector<16xi32>, vector<16xi32>], vector<16xf32>,
          tpu.vector_store_idx %arg10[%add3A_223, %add3A_341], %gather3A_342 : memref<160x128xf32, #tpu.memory_space<vmem>>[vector<16xi32>, vector<16xi32>], vector<16xf32>,
          tpu.vector_store_idx %arg10[%add3A_223, %add3A_353], %gather3A_354 : memref<160x128xf32, #tpu.memory_space<vmem>>[vector<16xi32>, vector<16xi32>], vector<16xf32>,
          tpu.vector_store_idx %arg10[%add3A_223, %add3A_365], %gather3A_366 : memref<160x128xf32, #tpu.memory_space<vmem>>[vector<16xi32>, vector<16xi32>], vector<16xf32>,
          tpu.vector_store_idx %arg10[%add3A_223, %add3A_377], %gather3A_378 : memref<160x128xf32, #tpu.memory_space<vmem>>[vector<16xi32>, vector<16xi32>], vector<16xf32>,
          tpu.vector_store_idx %arg10[%add3A_223, %add3A_389], %gather3A_390 : memref<160x128xf32, #tpu.memory_space<vmem>>[vector<16xi32>, vector<16xi32>], vector<16xf32>,
          tpu.vector_store_idx %arg10[%add3A_223, %add3A_401], %gather3A_402 : memref<160x128xf32, #tpu.memory_space<vmem>>[vector<16xi32>, vector<16xi32>], vector<16xf32>,
          tpu.vector_store_idx %arg10[%add3A_223, %add3A_413], %gather3A_414 : memref<160x128xf32, #tpu.memory_space<vmem>>[vector<16xi32>, vector<16xi32>], vector<16xf32>,
          %mul3A_415 = arith.constant 2 : i32
          %mul3A_416 = arith.muli %mul3A_415, %scan3A_207 : i32
          %add3A_417 = arith.constant 1 : i32
          %add3A_418 = arith.addi %mul3A_416, %add3A_417 : i32
          %shift_right_arithmetic3A_419 = arith.constant 1 : i32
          %shift_right_arithmetic3A_420 = arith.shrsi %add3A_418, %shift_right_arithmetic3A_419 : i32
          %and3A_421 = arith.constant 1 : i32
          %and3A_422 = arith.andi %add3A_418, %and3A_421 : i32
          %mul3A_423 = arith.constant 16 : i32
          %mul3A_424 = arith.muli %mul3A_423, %shift_right_arithmetic3A_420 : i32
          %add3A_425 = vector.broadcast %mul3A_424 : i32 to vector<16xi32>
          %add3A_426 = arith.addi %iota3A, %add3A_425 : vector<16xi32>
          %mul3A_427 = arith.constant 4 : i32
          %mul3A_428 = arith.muli %mul3A_427, %shift_right_arithmetic3A_420 : i32
          %add3A_429 = vector.broadcast %mul3A_428 : i32 to vector<16xi32>
          %add3A_430 = arith.addi %select_n3A, %add3A_429 : vector<16xi32>
          %add3A_431 = arith.constant 0 : i32
          %add3A_432 = vector.broadcast %add3A_431 : i32 to vector<16xi32>
          %add3A_433 = arith.addi %iota3A, %add3A_432 : vector<16xi32>
          %and3A_434 = arith.constant 15 : i32
          %and3A_435 = vector.broadcast %and3A_434 : i32 to vector<16xi32>
          %and3A_436 = arith.andi %add3A_433, %and3A_435 : vector<16xi32>
          %mul3A_437 = arith.constant 16 : i32
          %mul3A_438 = arith.muli %mul3A_437, %and3A_422 : i32
          %add3A_439 = vector.broadcast %mul3A_438 : i32 to vector<16xi32>
          %add3A_440 = arith.addi %and3A_436, %add3A_439 : vector<16xi32>
          %add3A_441 = arith.addi %mul3A_46, %add3A_440 : vector<16xi32>
          %gather3A_442 = tpu.vector_load_idx %arg7[%add3A_440, %add3A_426] : memref<32x640xf32, #tpu.memory_space<vmem>>[vector<16xi32>, vector<16xi32>], vector<16xf32>,
          %add3A_443 = arith.constant 1 : i32
          %add3A_444 = vector.broadcast %add3A_443 : i32 to vector<16xi32>
          %add3A_445 = arith.addi %iota3A, %add3A_444 : vector<16xi32>
          %and3A_446 = arith.constant 15 : i32
          %and3A_447 = vector.broadcast %and3A_446 : i32 to vector<16xi32>
          %and3A_448 = arith.andi %add3A_445, %and3A_447 : vector<16xi32>
          %mul3A_449 = arith.constant 16 : i32
          %mul3A_450 = arith.muli %mul3A_449, %and3A_422 : i32
          %add3A_451 = vector.broadcast %mul3A_450 : i32 to vector<16xi32>
          %add3A_452 = arith.addi %and3A_448, %add3A_451 : vector<16xi32>
          %add3A_453 = arith.addi %mul3A_46, %add3A_452 : vector<16xi32>
          %gather3A_454 = tpu.vector_load_idx %arg7[%add3A_452, %add3A_426] : memref<32x640xf32, #tpu.memory_space<vmem>>[vector<16xi32>, vector<16xi32>], vector<16xf32>,
          %add3A_455 = arith.constant 2 : i32
          %add3A_456 = vector.broadcast %add3A_455 : i32 to vector<16xi32>
          %add3A_457 = arith.addi %iota3A, %add3A_456 : vector<16xi32>
          %and3A_458 = arith.constant 15 : i32
          %and3A_459 = vector.broadcast %and3A_458 : i32 to vector<16xi32>
          %and3A_460 = arith.andi %add3A_457, %and3A_459 : vector<16xi32>
          %mul3A_461 = arith.constant 16 : i32
          %mul3A_462 = arith.muli %mul3A_461, %and3A_422 : i32
          %add3A_463 = vector.broadcast %mul3A_462 : i32 to vector<16xi32>
          %add3A_464 = arith.addi %and3A_460, %add3A_463 : vector<16xi32>
          %add3A_465 = arith.addi %mul3A_46, %add3A_464 : vector<16xi32>
          %gather3A_466 = tpu.vector_load_idx %arg7[%add3A_464, %add3A_426] : memref<32x640xf32, #tpu.memory_space<vmem>>[vector<16xi32>, vector<16xi32>], vector<16xf32>,
          %add3A_467 = arith.constant 3 : i32
          %add3A_468 = vector.broadcast %add3A_467 : i32 to vector<16xi32>
          %add3A_469 = arith.addi %iota3A, %add3A_468 : vector<16xi32>
          %and3A_470 = arith.constant 15 : i32
          %and3A_471 = vector.broadcast %and3A_470 : i32 to vector<16xi32>
          %and3A_472 = arith.andi %add3A_469, %and3A_471 : vector<16xi32>
          %mul3A_473 = arith.constant 16 : i32
          %mul3A_474 = arith.muli %mul3A_473, %and3A_422 : i32
          %add3A_475 = vector.broadcast %mul3A_474 : i32 to vector<16xi32>
          %add3A_476 = arith.addi %and3A_472, %add3A_475 : vector<16xi32>
          %add3A_477 = arith.addi %mul3A_46, %add3A_476 : vector<16xi32>
          %gather3A_478 = tpu.vector_load_idx %arg7[%add3A_476, %add3A_426] : memref<32x640xf32, #tpu.memory_space<vmem>>[vector<16xi32>, vector<16xi32>], vector<16xf32>,
          %add3A_479 = arith.constant 4 : i32
          %add3A_480 = vector.broadcast %add3A_479 : i32 to vector<16xi32>
          %add3A_481 = arith.addi %iota3A, %add3A_480 : vector<16xi32>
          %and3A_482 = arith.constant 15 : i32
          %and3A_483 = vector.broadcast %and3A_482 : i32 to vector<16xi32>
          %and3A_484 = arith.andi %add3A_481, %and3A_483 : vector<16xi32>
          %mul3A_485 = arith.constant 16 : i32
          %mul3A_486 = arith.muli %mul3A_485, %and3A_422 : i32
          %add3A_487 = vector.broadcast %mul3A_486 : i32 to vector<16xi32>
          %add3A_488 = arith.addi %and3A_484, %add3A_487 : vector<16xi32>
          %add3A_489 = arith.addi %mul3A_46, %add3A_488 : vector<16xi32>
          %gather3A_490 = tpu.vector_load_idx %arg7[%add3A_488, %add3A_426] : memref<32x640xf32, #tpu.memory_space<vmem>>[vector<16xi32>, vector<16xi32>], vector<16xf32>,
          %add3A_491 = arith.constant 5 : i32
          %add3A_492 = vector.broadcast %add3A_491 : i32 to vector<16xi32>
          %add3A_493 = arith.addi %iota3A, %add3A_492 : vector<16xi32>
          %and3A_494 = arith.constant 15 : i32
          %and3A_495 = vector.broadcast %and3A_494 : i32 to vector<16xi32>
          %and3A_496 = arith.andi %add3A_493, %and3A_495 : vector<16xi32>
          %mul3A_497 = arith.constant 16 : i32
          %mul3A_498 = arith.muli %mul3A_497, %and3A_422 : i32
          %add3A_499 = vector.broadcast %mul3A_498 : i32 to vector<16xi32>
          %add3A_500 = arith.addi %and3A_496, %add3A_499 : vector<16xi32>
          %add3A_501 = arith.addi %mul3A_46, %add3A_500 : vector<16xi32>
          %gather3A_502 = tpu.vector_load_idx %arg7[%add3A_500, %add3A_426] : memref<32x640xf32, #tpu.memory_space<vmem>>[vector<16xi32>, vector<16xi32>], vector<16xf32>,
          %add3A_503 = arith.constant 6 : i32
          %add3A_504 = vector.broadcast %add3A_503 : i32 to vector<16xi32>
          %add3A_505 = arith.addi %iota3A, %add3A_504 : vector<16xi32>
          %and3A_506 = arith.constant 15 : i32
          %and3A_507 = vector.broadcast %and3A_506 : i32 to vector<16xi32>
          %and3A_508 = arith.andi %add3A_505, %and3A_507 : vector<16xi32>
          %mul3A_509 = arith.constant 16 : i32
          %mul3A_510 = arith.muli %mul3A_509, %and3A_422 : i32
          %add3A_511 = vector.broadcast %mul3A_510 : i32 to vector<16xi32>
          %add3A_512 = arith.addi %and3A_508, %add3A_511 : vector<16xi32>
          %add3A_513 = arith.addi %mul3A_46, %add3A_512 : vector<16xi32>
          %gather3A_514 = tpu.vector_load_idx %arg7[%add3A_512, %add3A_426] : memref<32x640xf32, #tpu.memory_space<vmem>>[vector<16xi32>, vector<16xi32>], vector<16xf32>,
          %add3A_515 = arith.constant 7 : i32
          %add3A_516 = vector.broadcast %add3A_515 : i32 to vector<16xi32>
          %add3A_517 = arith.addi %iota3A, %add3A_516 : vector<16xi32>
          %and3A_518 = arith.constant 15 : i32
          %and3A_519 = vector.broadcast %and3A_518 : i32 to vector<16xi32>
          %and3A_520 = arith.andi %add3A_517, %and3A_519 : vector<16xi32>
          %mul3A_521 = arith.constant 16 : i32
          %mul3A_522 = arith.muli %mul3A_521, %and3A_422 : i32
          %add3A_523 = vector.broadcast %mul3A_522 : i32 to vector<16xi32>
          %add3A_524 = arith.addi %and3A_520, %add3A_523 : vector<16xi32>
          %add3A_525 = arith.addi %mul3A_46, %add3A_524 : vector<16xi32>
          %gather3A_526 = tpu.vector_load_idx %arg7[%add3A_524, %add3A_426] : memref<32x640xf32, #tpu.memory_space<vmem>>[vector<16xi32>, vector<16xi32>], vector<16xf32>,
          %add3A_527 = arith.constant 8 : i32
          %add3A_528 = vector.broadcast %add3A_527 : i32 to vector<16xi32>
          %add3A_529 = arith.addi %iota3A, %add3A_528 : vector<16xi32>
          %and3A_530 = arith.constant 15 : i32
          %and3A_531 = vector.broadcast %and3A_530 : i32 to vector<16xi32>
          %and3A_532 = arith.andi %add3A_529, %and3A_531 : vector<16xi32>
          %mul3A_533 = arith.constant 16 : i32
          %mul3A_534 = arith.muli %mul3A_533, %and3A_422 : i32
          %add3A_535 = vector.broadcast %mul3A_534 : i32 to vector<16xi32>
          %add3A_536 = arith.addi %and3A_532, %add3A_535 : vector<16xi32>
          %add3A_537 = arith.addi %mul3A_46, %add3A_536 : vector<16xi32>
          %gather3A_538 = tpu.vector_load_idx %arg7[%add3A_536, %add3A_426] : memref<32x640xf32, #tpu.memory_space<vmem>>[vector<16xi32>, vector<16xi32>], vector<16xf32>,
          %add3A_539 = arith.constant 9 : i32
          %add3A_540 = vector.broadcast %add3A_539 : i32 to vector<16xi32>
          %add3A_541 = arith.addi %iota3A, %add3A_540 : vector<16xi32>
          %and3A_542 = arith.constant 15 : i32
          %and3A_543 = vector.broadcast %and3A_542 : i32 to vector<16xi32>
          %and3A_544 = arith.andi %add3A_541, %and3A_543 : vector<16xi32>
          %mul3A_545 = arith.constant 16 : i32
          %mul3A_546 = arith.muli %mul3A_545, %and3A_422 : i32
          %add3A_547 = vector.broadcast %mul3A_546 : i32 to vector<16xi32>
          %add3A_548 = arith.addi %and3A_544, %add3A_547 : vector<16xi32>
          %add3A_549 = arith.addi %mul3A_46, %add3A_548 : vector<16xi32>
          %gather3A_550 = tpu.vector_load_idx %arg7[%add3A_548, %add3A_426] : memref<32x640xf32, #tpu.memory_space<vmem>>[vector<16xi32>, vector<16xi32>], vector<16xf32>,
          %add3A_551 = arith.constant 10 : i32
          %add3A_552 = vector.broadcast %add3A_551 : i32 to vector<16xi32>
          %add3A_553 = arith.addi %iota3A, %add3A_552 : vector<16xi32>
          %and3A_554 = arith.constant 15 : i32
          %and3A_555 = vector.broadcast %and3A_554 : i32 to vector<16xi32>
          %and3A_556 = arith.andi %add3A_553, %and3A_555 : vector<16xi32>
          %mul3A_557 = arith.constant 16 : i32
          %mul3A_558 = arith.muli %mul3A_557, %and3A_422 : i32
          %add3A_559 = vector.broadcast %mul3A_558 : i32 to vector<16xi32>
          %add3A_560 = arith.addi %and3A_556, %add3A_559 : vector<16xi32>
          %add3A_561 = arith.addi %mul3A_46, %add3A_560 : vector<16xi32>
          %gather3A_562 = tpu.vector_load_idx %arg7[%add3A_560, %add3A_426] : memref<32x640xf32, #tpu.memory_space<vmem>>[vector<16xi32>, vector<16xi32>], vector<16xf32>,
          %add3A_563 = arith.constant 11 : i32
          %add3A_564 = vector.broadcast %add3A_563 : i32 to vector<16xi32>
          %add3A_565 = arith.addi %iota3A, %add3A_564 : vector<16xi32>
          %and3A_566 = arith.constant 15 : i32
          %and3A_567 = vector.broadcast %and3A_566 : i32 to vector<16xi32>
          %and3A_568 = arith.andi %add3A_565, %and3A_567 : vector<16xi32>
          %mul3A_569 = arith.constant 16 : i32
          %mul3A_570 = arith.muli %mul3A_569, %and3A_422 : i32
          %add3A_571 = vector.broadcast %mul3A_570 : i32 to vector<16xi32>
          %add3A_572 = arith.addi %and3A_568, %add3A_571 : vector<16xi32>
          %add3A_573 = arith.addi %mul3A_46, %add3A_572 : vector<16xi32>
          %gather3A_574 = tpu.vector_load_idx %arg7[%add3A_572, %add3A_426] : memref<32x640xf32, #tpu.memory_space<vmem>>[vector<16xi32>, vector<16xi32>], vector<16xf32>,
          %add3A_575 = arith.constant 12 : i32
          %add3A_576 = vector.broadcast %add3A_575 : i32 to vector<16xi32>
          %add3A_577 = arith.addi %iota3A, %add3A_576 : vector<16xi32>
          %and3A_578 = arith.constant 15 : i32
          %and3A_579 = vector.broadcast %and3A_578 : i32 to vector<16xi32>
          %and3A_580 = arith.andi %add3A_577, %and3A_579 : vector<16xi32>
          %mul3A_581 = arith.constant 16 : i32
          %mul3A_582 = arith.muli %mul3A_581, %and3A_422 : i32
          %add3A_583 = vector.broadcast %mul3A_582 : i32 to vector<16xi32>
          %add3A_584 = arith.addi %and3A_580, %add3A_583 : vector<16xi32>
          %add3A_585 = arith.addi %mul3A_46, %add3A_584 : vector<16xi32>
          %gather3A_586 = tpu.vector_load_idx %arg7[%add3A_584, %add3A_426] : memref<32x640xf32, #tpu.memory_space<vmem>>[vector<16xi32>, vector<16xi32>], vector<16xf32>,
          %add3A_587 = arith.constant 13 : i32
          %add3A_588 = vector.broadcast %add3A_587 : i32 to vector<16xi32>
          %add3A_589 = arith.addi %iota3A, %add3A_588 : vector<16xi32>
          %and3A_590 = arith.constant 15 : i32
          %and3A_591 = vector.broadcast %and3A_590 : i32 to vector<16xi32>
          %and3A_592 = arith.andi %add3A_589, %and3A_591 : vector<16xi32>
          %mul3A_593 = arith.constant 16 : i32
          %mul3A_594 = arith.muli %mul3A_593, %and3A_422 : i32
          %add3A_595 = vector.broadcast %mul3A_594 : i32 to vector<16xi32>
          %add3A_596 = arith.addi %and3A_592, %add3A_595 : vector<16xi32>
          %add3A_597 = arith.addi %mul3A_46, %add3A_596 : vector<16xi32>
          %gather3A_598 = tpu.vector_load_idx %arg7[%add3A_596, %add3A_426] : memref<32x640xf32, #tpu.memory_space<vmem>>[vector<16xi32>, vector<16xi32>], vector<16xf32>,
          %add3A_599 = arith.constant 14 : i32
          %add3A_600 = vector.broadcast %add3A_599 : i32 to vector<16xi32>
          %add3A_601 = arith.addi %iota3A, %add3A_600 : vector<16xi32>
          %and3A_602 = arith.constant 15 : i32
          %and3A_603 = vector.broadcast %and3A_602 : i32 to vector<16xi32>
          %and3A_604 = arith.andi %add3A_601, %and3A_603 : vector<16xi32>
          %mul3A_605 = arith.constant 16 : i32
          %mul3A_606 = arith.muli %mul3A_605, %and3A_422 : i32
          %add3A_607 = vector.broadcast %mul3A_606 : i32 to vector<16xi32>
          %add3A_608 = arith.addi %and3A_604, %add3A_607 : vector<16xi32>
          %add3A_609 = arith.addi %mul3A_46, %add3A_608 : vector<16xi32>
          %gather3A_610 = tpu.vector_load_idx %arg7[%add3A_608, %add3A_426] : memref<32x640xf32, #tpu.memory_space<vmem>>[vector<16xi32>, vector<16xi32>], vector<16xf32>,
          %add3A_611 = arith.constant 15 : i32
          %add3A_612 = vector.broadcast %add3A_611 : i32 to vector<16xi32>
          %add3A_613 = arith.addi %iota3A, %add3A_612 : vector<16xi32>
          %and3A_614 = arith.constant 15 : i32
          %and3A_615 = vector.broadcast %and3A_614 : i32 to vector<16xi32>
          %and3A_616 = arith.andi %add3A_613, %and3A_615 : vector<16xi32>
          %mul3A_617 = arith.constant 16 : i32
          %mul3A_618 = arith.muli %mul3A_617, %and3A_422 : i32
          %add3A_619 = vector.broadcast %mul3A_618 : i32 to vector<16xi32>
          %add3A_620 = arith.addi %and3A_616, %add3A_619 : vector<16xi32>
          %add3A_621 = arith.addi %mul3A_46, %add3A_620 : vector<16xi32>
          %gather3A_622 = tpu.vector_load_idx %arg7[%add3A_620, %add3A_426] : memref<32x640xf32, #tpu.memory_space<vmem>>[vector<16xi32>, vector<16xi32>], vector<16xf32>,
          tpu.vector_store_idx %arg10[%add3A_430, %add3A_441], %gather3A_442 : memref<160x128xf32, #tpu.memory_space<vmem>>[vector<16xi32>, vector<16xi32>], vector<16xf32>,
          tpu.vector_store_idx %arg10[%add3A_430, %add3A_453], %gather3A_454 : memref<160x128xf32, #tpu.memory_space<vmem>>[vector<16xi32>, vector<16xi32>], vector<16xf32>,
          tpu.vector_store_idx %arg10[%add3A_430, %add3A_465], %gather3A_466 : memref<160x128xf32, #tpu.memory_space<vmem>>[vector<16xi32>, vector<16xi32>], vector<16xf32>,
          tpu.vector_store_idx %arg10[%add3A_430, %add3A_477], %gather3A_478 : memref<160x128xf32, #tpu.memory_space<vmem>>[vector<16xi32>, vector<16xi32>], vector<16xf32>,
          tpu.vector_store_idx %arg10[%add3A_430, %add3A_489], %gather3A_490 : memref<160x128xf32, #tpu.memory_space<vmem>>[vector<16xi32>, vector<16xi32>], vector<16xf32>,
          tpu.vector_store_idx %arg10[%add3A_430, %add3A_501], %gather3A_502 : memref<160x128xf32, #tpu.memory_space<vmem>>[vector<16xi32>, vector<16xi32>], vector<16xf32>,
          tpu.vector_store_idx %arg10[%add3A_430, %add3A_513], %gather3A_514 : memref<160x128xf32, #tpu.memory_space<vmem>>[vector<16xi32>, vector<16xi32>], vector<16xf32>,
          tpu.vector_store_idx %arg10[%add3A_430, %add3A_525], %gather3A_526 : memref<160x128xf32, #tpu.memory_space<vmem>>[vector<16xi32>, vector<16xi32>], vector<16xf32>,
          tpu.vector_store_idx %arg10[%add3A_430, %add3A_537], %gather3A_538 : memref<160x128xf32, #tpu.memory_space<vmem>>[vector<16xi32>, vector<16xi32>], vector<16xf32>,
          tpu.vector_store_idx %arg10[%add3A_430, %add3A_549], %gather3A_550 : memref<160x128xf32, #tpu.memory_space<vmem>>[vector<16xi32>, vector<16xi32>], vector<16xf32>,
          tpu.vector_store_idx %arg10[%add3A_430, %add3A_561], %gather3A_562 : memref<160x128xf32, #tpu.memory_space<vmem>>[vector<16xi32>, vector<16xi32>], vector<16xf32>,
          tpu.vector_store_idx %arg10[%add3A_430, %add3A_573], %gather3A_574 : memref<160x128xf32, #tpu.memory_space<vmem>>[vector<16xi32>, vector<16xi32>], vector<16xf32>,
          tpu.vector_store_idx %arg10[%add3A_430, %add3A_585], %gather3A_586 : memref<160x128xf32, #tpu.memory_space<vmem>>[vector<16xi32>, vector<16xi32>], vector<16xf32>,
          tpu.vector_store_idx %arg10[%add3A_430, %add3A_597], %gather3A_598 : memref<160x128xf32, #tpu.memory_space<vmem>>[vector<16xi32>, vector<16xi32>], vector<16xf32>,
          tpu.vector_store_idx %arg10[%add3A_430, %add3A_609], %gather3A_610 : memref<160x128xf32, #tpu.memory_space<vmem>>[vector<16xi32>, vector<16xi32>], vector<16xf32>,
          tpu.vector_store_idx %arg10[%add3A_430, %add3A_621], %gather3A_622 : memref<160x128xf32, #tpu.memory_space<vmem>>[vector<16xi32>, vector<16xi32>], vector<16xf32>,
          %scan3A_623 = arith.constant 0 : i32
          scf.yield %scan3A_623 : i32
        }
        %scan3A_170 = arith.constant 40 : i32
        %jit3A_171 = arith.constant 156 : i32
        %div3A_172 = arith.divsi %add3A_137, %jit3A_171 : i32
        %sign3A_173 = arith.constant 0 : i32
        %sign3A_174 = arith.cmpi sgt, %add3A_137, %sign3A_173 : i32
        %sign3A_175 = arith.extui %sign3A_174 : i1 to i32
        %sign3A_176 = arith.constant 0 : i32
        %sign3A_177 = arith.cmpi slt, %add3A_137, %sign3A_176 : i32
        %sign3A_178 = arith.extui %sign3A_177 : i1 to i32
        %sign3A_179 = arith.subi %sign3A_175, %sign3A_178 : i32
        %sign3A_180 = arith.constant 0 : i32
        %sign3A_181 = arith.cmpi sgt, %jit3A_171, %sign3A_180 : i32
        %sign3A_182 = arith.extui %sign3A_181 : i1 to i32
        %sign3A_183 = arith.constant 0 : i32
        %sign3A_184 = arith.cmpi slt, %jit3A_171, %sign3A_183 : i32
        %sign3A_185 = arith.extui %sign3A_184 : i1 to i32
        %sign3A_186 = arith.subi %sign3A_182, %sign3A_185 : i32
        %ne3A_187 = arith.cmpi ne, %sign3A_179, %sign3A_186 : i32
        %rem3A_188 = arith.remsi %add3A_137, %jit3A_171 : i32
        %ne3A_189 = arith.constant 0 : i32
        %ne3A_190 = arith.cmpi ne, %rem3A_188, %ne3A_189 : i32
        %and3A_191 = arith.andi %ne3A_187, %ne3A_190 : i1
        %sub3A_192 = arith.constant 1 : i32
        %sub3A_193 = arith.subi %div3A_172, %sub3A_192 : i32
        %select_n3A_194 = arith.select %and3A_191, %sub3A_193, %div3A_172 : i32
        %mul3A_195 = arith.constant 156 : i32
        %mul3A_196 = arith.muli %select_n3A_194, %mul3A_195 : i32
        %sub3A_197 = arith.subi %add3A_137, %mul3A_196 : i32
        %mul3A_198 = arith.constant 25024 : i32
        %mul3A_199 = arith.muli %select_n3A_194, %mul3A_198 : i32
        %mul3A_200 = arith.constant 160 : i32
        %mul3A_201 = arith.muli %sub3A_197, %mul3A_200 : i32
        %add3A_202 = arith.addi %mul3A_199, %mul3A_201 : i32
        %dma_start3A_203 = arith.constant 0 : i32
        %dma_start3A_204 = tpu.memref_slice %arg4[%add3A_202, %dma_start3A_203] : memref<650624x128xf32, #tpu.memory_space<hbm>> -> memref<160x128xf32, #tpu.memory_space<hbm>>
        %dma_start3A_205 = arith.constant 0 : i32
        %dma_start3A_206 = tpu.memref_slice %arg4[%add3A_202, %dma_start3A_205] : memref<650624x128xf32, #tpu.memory_space<hbm>> -> memref<160x128xf32, #tpu.memory_space<hbm>>
        tpu.enqueue_dma source(%arg10 : memref<160x128xf32, #tpu.memory_space<vmem>>) target(%dma_start3A_206 : memref<160x128xf32, #tpu.memory_space<hbm>>) target_semaphore(%arg16 : memref<!tpu.dma_semaphore, #tpu.memory_space<semaphore_mem>>)
      } else {
      }
      %scan3A_143 = arith.constant 0 : i32
      scf.yield %scan3A_143 : i32
    }
    %scan3A_96 = arith.constant 43 : i32
    %dma_wait3A = arith.constant 0 : i32
    %dma_wait3A_97 = arith.constant 0 : i32
    %dma_wait3A_98 = tpu.memref_slice %arg4[%dma_wait3A, %dma_wait3A_97] : memref<650624x128xf32, #tpu.memory_space<hbm>> -> memref<160x128xf32, #tpu.memory_space<hbm>>
    %dma_wait3A_99 = arith.constant 0 : i32
    %dma_wait3A_100 = arith.constant 0 : i32
    %dma_wait3A_101 = tpu.memref_slice %arg4[%dma_wait3A_99, %dma_wait3A_100] : memref<650624x128xf32, #tpu.memory_space<hbm>> -> memref<160x128xf32, #tpu.memory_space<hbm>>
    tpu.wait_dma2 semaphore(%arg14 : memref<!tpu.dma_semaphore, #tpu.memory_space<semaphore_mem>>) src(%dma_wait3A_101 : memref<160x128xf32, #tpu.memory_space<hbm>>) dst(%arg8 : memref<160x128xf32, #tpu.memory_space<vmem>>)
    %dma_wait3A_102 = arith.constant 0 : i32
    %dma_wait3A_103 = arith.constant 0 : i32
    %dma_wait3A_104 = tpu.memref_slice %arg4[%dma_wait3A_102, %dma_wait3A_103] : memref<650624x128xf32, #tpu.memory_space<hbm>> -> memref<160x128xf32, #tpu.memory_space<hbm>>
    %dma_wait3A_105 = arith.constant 0 : i32
    %dma_wait3A_106 = arith.constant 0 : i32
    %dma_wait3A_107 = tpu.memref_slice %arg4[%dma_wait3A_105, %dma_wait3A_106] : memref<650624x128xf32, #tpu.memory_space<hbm>> -> memref<160x128xf32, #tpu.memory_space<hbm>>
    tpu.wait_dma2 semaphore(%arg15 : memref<!tpu.dma_semaphore, #tpu.memory_space<semaphore_mem>>) src(%dma_wait3A_107 : memref<160x128xf32, #tpu.memory_space<hbm>>) dst(%arg9 : memref<160x128xf32, #tpu.memory_space<vmem>>)
    %dma_wait3A_108 = arith.constant 0 : i32
    %dma_wait3A_109 = arith.constant 0 : i32
    %dma_wait3A_110 = tpu.memref_slice %arg4[%dma_wait3A_108, %dma_wait3A_109] : memref<650624x128xf32, #tpu.memory_space<hbm>> -> memref<160x128xf32, #tpu.memory_space<hbm>>
    %dma_wait3A_111 = arith.constant 0 : i32
    %dma_wait3A_112 = arith.constant 0 : i32
    %dma_wait3A_113 = tpu.memref_slice %arg4[%dma_wait3A_111, %dma_wait3A_112] : memref<650624x128xf32, #tpu.memory_space<hbm>> -> memref<160x128xf32, #tpu.memory_space<hbm>>
    tpu.wait_dma2 semaphore(%arg16 : memref<!tpu.dma_semaphore, #tpu.memory_space<semaphore_mem>>) src(%dma_wait3A_113 : memref<160x128xf32, #tpu.memory_space<hbm>>) dst(%arg10 : memref<160x128xf32, #tpu.memory_space<vmem>>)
    %lt3A_114 = arith.constant 26 : i32
    %lt3A_115 = arith.cmpi slt, %add3A, %lt3A_114 : i32
    %convert_element_type3A_116 = arith.extui %lt3A_115 : i1 to i32
    %cond3A_117 = arith.constant 0 : i32
    %cond3A_118 = arith.cmpi ne, %convert_element_type3A_116, %cond3A_117 : i32
    scf.if %cond3A_118 {
      "tpu.region"() ({
        %run_scoped3A = tpu.sem_alloc : memref<!tpu.dma_semaphore, #tpu.memory_space<semaphore_mem>>
        %dma_start3A_130 = arith.constant 0 : i32
        %dma_start3A_131 = arith.constant 0 : i32
        %dma_start3A_132 = tpu.memref_slice %arg5[%dma_start3A_130, %dma_start3A_131] : memref<32x640xf32, #tpu.memory_space<vmem>> -> memref<32x128xf32, #tpu.memory_space<vmem>>
        %dma_start3A_133 = arith.constant 0 : i32
        %dma_start3A_134 = arith.constant 99840 : i32
        %dma_start3A_135 = tpu.memref_slice %arg2[%add3A, %dma_start3A_133, %dma_start3A_134] : memref<26x32x100000xf32, #tpu.memory_space<hbm>> -> memref<1x32x128xf32, #tpu.memory_space<hbm>>
        %dma_start3A_136 = tpu.memref_squeeze %dma_start3A_135 : memref<1x32x128xf32, #tpu.memory_space<hbm>> -> memref<32x128xf32, #tpu.memory_space<hbm>>
        %dma_start3A_137 = arith.constant 0 : i32
        %dma_start3A_138 = arith.constant 0 : i32
        %dma_start3A_139 = tpu.memref_slice %arg5[%dma_start3A_137, %dma_start3A_138] : memref<32x640xf32, #tpu.memory_space<vmem>> -> memref<32x128xf32, #tpu.memory_space<vmem>>
        %dma_start3A_140 = arith.constant 0 : i32
        %dma_start3A_141 = arith.constant 99840 : i32
        %dma_start3A_142 = tpu.memref_slice %arg2[%add3A, %dma_start3A_140, %dma_start3A_141] : memref<26x32x100000xf32, #tpu.memory_space<hbm>> -> memref<1x32x128xf32, #tpu.memory_space<hbm>>
        %dma_start3A_143 = tpu.memref_squeeze %dma_start3A_142 : memref<1x32x128xf32, #tpu.memory_space<hbm>> -> memref<32x128xf32, #tpu.memory_space<hbm>>
        tpu.enqueue_dma source(%dma_start3A_143 : memref<32x128xf32, #tpu.memory_space<hbm>>) target(%dma_start3A_139 : memref<32x128xf32, #tpu.memory_space<vmem>>) target_semaphore(%run_scoped3A : memref<!tpu.dma_semaphore, #tpu.memory_space<semaphore_mem>>)
        %dma_wait3A_144 = arith.constant 0 : i32
        %dma_wait3A_145 = arith.constant 0 : i32
        %dma_wait3A_146 = tpu.memref_slice %arg5[%dma_wait3A_144, %dma_wait3A_145] : memref<32x640xf32, #tpu.memory_space<vmem>> -> memref<32x128xf32, #tpu.memory_space<vmem>>
        %dma_wait3A_147 = arith.constant 0 : i32
        %dma_wait3A_148 = arith.constant 99840 : i32
        %dma_wait3A_149 = tpu.memref_slice %arg2[%add3A, %dma_wait3A_147, %dma_wait3A_148] : memref<26x32x100000xf32, #tpu.memory_space<hbm>> -> memref<1x32x128xf32, #tpu.memory_space<hbm>>
        %dma_wait3A_150 = tpu.memref_squeeze %dma_wait3A_149 : memref<1x32x128xf32, #tpu.memory_space<hbm>> -> memref<32x128xf32, #tpu.memory_space<hbm>>
        %dma_wait3A_151 = arith.constant 0 : i32
        %dma_wait3A_152 = arith.constant 0 : i32
        %dma_wait3A_153 = tpu.memref_slice %arg5[%dma_wait3A_151, %dma_wait3A_152] : memref<32x640xf32, #tpu.memory_space<vmem>> -> memref<32x128xf32, #tpu.memory_space<vmem>>
        %dma_wait3A_154 = arith.constant 0 : i32
        %dma_wait3A_155 = arith.constant 99840 : i32
        %dma_wait3A_156 = tpu.memref_slice %arg2[%add3A, %dma_wait3A_154, %dma_wait3A_155] : memref<26x32x100000xf32, #tpu.memory_space<hbm>> -> memref<1x32x128xf32, #tpu.memory_space<hbm>>
        %dma_wait3A_157 = tpu.memref_squeeze %dma_wait3A_156 : memref<1x32x128xf32, #tpu.memory_space<hbm>> -> memref<32x128xf32, #tpu.memory_space<hbm>>
        tpu.wait_dma2 semaphore(%run_scoped3A : memref<!tpu.dma_semaphore, #tpu.memory_space<semaphore_mem>>) src(%dma_wait3A_157 : memref<32x128xf32, #tpu.memory_space<hbm>>) dst(%dma_wait3A_153 : memref<32x128xf32, #tpu.memory_space<vmem>>)
        tpu.yield
      }) : () -> ()
      %scan3A_119 = arith.constant 0 : i32
      %scan3A_120 = arith.constant 0 : i32
      %scan3A_121 = arith.constant 8 : i32
      %scan3A_122 = arith.addi %scan3A_120, %scan3A_121 : i32
      %scan3A_123 = arith.constant 1 : i32
      %scan3A_124 = scf.for %scan3A_130 = %scan3A_120 to %scan3A_122 step %scan3A_123 iter_args(%scan3A_131 = %scan3A_119) -> (i32)  : i32 {
        %mul3A_132 = arith.constant 2 : i32
        %mul3A_133 = arith.muli %mul3A_132, %scan3A_130 : i32
        %add3A_134 = arith.constant 0 : i32
        %add3A_135 = arith.addi %mul3A_133, %add3A_134 : i32
        %shift_right_arithmetic3A = arith.constant 1 : i32
        %shift_right_arithmetic3A_136 = arith.shrsi %add3A_135, %shift_right_arithmetic3A : i32
        %and3A_137 = arith.constant 1 : i32
        %and3A_138 = arith.andi %add3A_135, %and3A_137 : i32
        %mul3A_139 = arith.constant 16 : i32
        %mul3A_140 = arith.muli %mul3A_139, %shift_right_arithmetic3A_136 : i32
        %add3A_141 = vector.broadcast %mul3A_140 : i32 to vector<16xi32>
        %add3A_142 = arith.addi %iota3A, %add3A_141 : vector<16xi32>
        %mul3A_143 = arith.constant 4 : i32
        %mul3A_144 = arith.muli %mul3A_143, %shift_right_arithmetic3A_136 : i32
        %add3A_145 = vector.broadcast %mul3A_144 : i32 to vector<16xi32>
        %add3A_146 = arith.addi %select_n3A, %add3A_145 : vector<16xi32>
        %add3A_147 = arith.constant 0 : i32
        %add3A_148 = vector.broadcast %add3A_147 : i32 to vector<16xi32>
        %add3A_149 = arith.addi %iota3A, %add3A_148 : vector<16xi32>
        %and3A_150 = arith.constant 15 : i32
        %and3A_151 = vector.broadcast %and3A_150 : i32 to vector<16xi32>
        %and3A_152 = arith.andi %add3A_149, %and3A_151 : vector<16xi32>
        %mul3A_153 = arith.constant 16 : i32
        %mul3A_154 = arith.muli %mul3A_153, %and3A_138 : i32
        %add3A_155 = vector.broadcast %mul3A_154 : i32 to vector<16xi32>
        %add3A_156 = arith.addi %and3A_152, %add3A_155 : vector<16xi32>
        %add3A_157 = arith.addi %mul3A_46, %add3A_156 : vector<16xi32>
        %gather3A = tpu.vector_load_idx %arg5[%add3A_156, %add3A_142] : memref<32x640xf32, #tpu.memory_space<vmem>>[vector<16xi32>, vector<16xi32>], vector<16xf32>,
        %add3A_158 = arith.constant 1 : i32
        %add3A_159 = vector.broadcast %add3A_158 : i32 to vector<16xi32>
        %add3A_160 = arith.addi %iota3A, %add3A_159 : vector<16xi32>
        %and3A_161 = arith.constant 15 : i32
        %and3A_162 = vector.broadcast %and3A_161 : i32 to vector<16xi32>
        %and3A_163 = arith.andi %add3A_160, %and3A_162 : vector<16xi32>
        %mul3A_164 = arith.constant 16 : i32
        %mul3A_165 = arith.muli %mul3A_164, %and3A_138 : i32
        %add3A_166 = vector.broadcast %mul3A_165 : i32 to vector<16xi32>
        %add3A_167 = arith.addi %and3A_163, %add3A_166 : vector<16xi32>
        %add3A_168 = arith.addi %mul3A_46, %add3A_167 : vector<16xi32>
        %gather3A_169 = tpu.vector_load_idx %arg5[%add3A_167, %add3A_142] : memref<32x640xf32, #tpu.memory_space<vmem>>[vector<16xi32>, vector<16xi32>], vector<16xf32>,
        %add3A_170 = arith.constant 2 : i32
        %add3A_171 = vector.broadcast %add3A_170 : i32 to vector<16xi32>
        %add3A_172 = arith.addi %iota3A, %add3A_171 : vector<16xi32>
        %and3A_173 = arith.constant 15 : i32
        %and3A_174 = vector.broadcast %and3A_173 : i32 to vector<16xi32>
        %and3A_175 = arith.andi %add3A_172, %and3A_174 : vector<16xi32>
        %mul3A_176 = arith.constant 16 : i32
        %mul3A_177 = arith.muli %mul3A_176, %and3A_138 : i32
        %add3A_178 = vector.broadcast %mul3A_177 : i32 to vector<16xi32>
        %add3A_179 = arith.addi %and3A_175, %add3A_178 : vector<16xi32>
        %add3A_180 = arith.addi %mul3A_46, %add3A_179 : vector<16xi32>
        %gather3A_181 = tpu.vector_load_idx %arg5[%add3A_179, %add3A_142] : memref<32x640xf32, #tpu.memory_space<vmem>>[vector<16xi32>, vector<16xi32>], vector<16xf32>,
        %add3A_182 = arith.constant 3 : i32
        %add3A_183 = vector.broadcast %add3A_182 : i32 to vector<16xi32>
        %add3A_184 = arith.addi %iota3A, %add3A_183 : vector<16xi32>
        %and3A_185 = arith.constant 15 : i32
        %and3A_186 = vector.broadcast %and3A_185 : i32 to vector<16xi32>
        %and3A_187 = arith.andi %add3A_184, %and3A_186 : vector<16xi32>
        %mul3A_188 = arith.constant 16 : i32
        %mul3A_189 = arith.muli %mul3A_188, %and3A_138 : i32
        %add3A_190 = vector.broadcast %mul3A_189 : i32 to vector<16xi32>
        %add3A_191 = arith.addi %and3A_187, %add3A_190 : vector<16xi32>
        %add3A_192 = arith.addi %mul3A_46, %add3A_191 : vector<16xi32>
        %gather3A_193 = tpu.vector_load_idx %arg5[%add3A_191, %add3A_142] : memref<32x640xf32, #tpu.memory_space<vmem>>[vector<16xi32>, vector<16xi32>], vector<16xf32>,
        %add3A_194 = arith.constant 4 : i32
        %add3A_195 = vector.broadcast %add3A_194 : i32 to vector<16xi32>
        %add3A_196 = arith.addi %iota3A, %add3A_195 : vector<16xi32>
        %and3A_197 = arith.constant 15 : i32
        %and3A_198 = vector.broadcast %and3A_197 : i32 to vector<16xi32>
        %and3A_199 = arith.andi %add3A_196, %and3A_198 : vector<16xi32>
        %mul3A_200 = arith.constant 16 : i32
        %mul3A_201 = arith.muli %mul3A_200, %and3A_138 : i32
        %add3A_202 = vector.broadcast %mul3A_201 : i32 to vector<16xi32>
        %add3A_203 = arith.addi %and3A_199, %add3A_202 : vector<16xi32>
        %add3A_204 = arith.addi %mul3A_46, %add3A_203 : vector<16xi32>
        %gather3A_205 = tpu.vector_load_idx %arg5[%add3A_203, %add3A_142] : memref<32x640xf32, #tpu.memory_space<vmem>>[vector<16xi32>, vector<16xi32>], vector<16xf32>,
        %add3A_206 = arith.constant 5 : i32
        %add3A_207 = vector.broadcast %add3A_206 : i32 to vector<16xi32>
        %add3A_208 = arith.addi %iota3A, %add3A_207 : vector<16xi32>
        %and3A_209 = arith.constant 15 : i32
        %and3A_210 = vector.broadcast %and3A_209 : i32 to vector<16xi32>
        %and3A_211 = arith.andi %add3A_208, %and3A_210 : vector<16xi32>
        %mul3A_212 = arith.constant 16 : i32
        %mul3A_213 = arith.muli %mul3A_212, %and3A_138 : i32
        %add3A_214 = vector.broadcast %mul3A_213 : i32 to vector<16xi32>
        %add3A_215 = arith.addi %and3A_211, %add3A_214 : vector<16xi32>
        %add3A_216 = arith.addi %mul3A_46, %add3A_215 : vector<16xi32>
        %gather3A_217 = tpu.vector_load_idx %arg5[%add3A_215, %add3A_142] : memref<32x640xf32, #tpu.memory_space<vmem>>[vector<16xi32>, vector<16xi32>], vector<16xf32>,
        %add3A_218 = arith.constant 6 : i32
        %add3A_219 = vector.broadcast %add3A_218 : i32 to vector<16xi32>
        %add3A_220 = arith.addi %iota3A, %add3A_219 : vector<16xi32>
        %and3A_221 = arith.constant 15 : i32
        %and3A_222 = vector.broadcast %and3A_221 : i32 to vector<16xi32>
        %and3A_223 = arith.andi %add3A_220, %and3A_222 : vector<16xi32>
        %mul3A_224 = arith.constant 16 : i32
        %mul3A_225 = arith.muli %mul3A_224, %and3A_138 : i32
        %add3A_226 = vector.broadcast %mul3A_225 : i32 to vector<16xi32>
        %add3A_227 = arith.addi %and3A_223, %add3A_226 : vector<16xi32>
        %add3A_228 = arith.addi %mul3A_46, %add3A_227 : vector<16xi32>
        %gather3A_229 = tpu.vector_load_idx %arg5[%add3A_227, %add3A_142] : memref<32x640xf32, #tpu.memory_space<vmem>>[vector<16xi32>, vector<16xi32>], vector<16xf32>,
        %add3A_230 = arith.constant 7 : i32
        %add3A_231 = vector.broadcast %add3A_230 : i32 to vector<16xi32>
        %add3A_232 = arith.addi %iota3A, %add3A_231 : vector<16xi32>
        %and3A_233 = arith.constant 15 : i32
        %and3A_234 = vector.broadcast %and3A_233 : i32 to vector<16xi32>
        %and3A_235 = arith.andi %add3A_232, %and3A_234 : vector<16xi32>
        %mul3A_236 = arith.constant 16 : i32
        %mul3A_237 = arith.muli %mul3A_236, %and3A_138 : i32
        %add3A_238 = vector.broadcast %mul3A_237 : i32 to vector<16xi32>
        %add3A_239 = arith.addi %and3A_235, %add3A_238 : vector<16xi32>
        %add3A_240 = arith.addi %mul3A_46, %add3A_239 : vector<16xi32>
        %gather3A_241 = tpu.vector_load_idx %arg5[%add3A_239, %add3A_142] : memref<32x640xf32, #tpu.memory_space<vmem>>[vector<16xi32>, vector<16xi32>], vector<16xf32>,
        %add3A_242 = arith.constant 8 : i32
        %add3A_243 = vector.broadcast %add3A_242 : i32 to vector<16xi32>
        %add3A_244 = arith.addi %iota3A, %add3A_243 : vector<16xi32>
        %and3A_245 = arith.constant 15 : i32
        %and3A_246 = vector.broadcast %and3A_245 : i32 to vector<16xi32>
        %and3A_247 = arith.andi %add3A_244, %and3A_246 : vector<16xi32>
        %mul3A_248 = arith.constant 16 : i32
        %mul3A_249 = arith.muli %mul3A_248, %and3A_138 : i32
        %add3A_250 = vector.broadcast %mul3A_249 : i32 to vector<16xi32>
        %add3A_251 = arith.addi %and3A_247, %add3A_250 : vector<16xi32>
        %add3A_252 = arith.addi %mul3A_46, %add3A_251 : vector<16xi32>
        %gather3A_253 = tpu.vector_load_idx %arg5[%add3A_251, %add3A_142] : memref<32x640xf32, #tpu.memory_space<vmem>>[vector<16xi32>, vector<16xi32>], vector<16xf32>,
        %add3A_254 = arith.constant 9 : i32
        %add3A_255 = vector.broadcast %add3A_254 : i32 to vector<16xi32>
        %add3A_256 = arith.addi %iota3A, %add3A_255 : vector<16xi32>
        %and3A_257 = arith.constant 15 : i32
        %and3A_258 = vector.broadcast %and3A_257 : i32 to vector<16xi32>
        %and3A_259 = arith.andi %add3A_256, %and3A_258 : vector<16xi32>
        %mul3A_260 = arith.constant 16 : i32
        %mul3A_261 = arith.muli %mul3A_260, %and3A_138 : i32
        %add3A_262 = vector.broadcast %mul3A_261 : i32 to vector<16xi32>
        %add3A_263 = arith.addi %and3A_259, %add3A_262 : vector<16xi32>
        %add3A_264 = arith.addi %mul3A_46, %add3A_263 : vector<16xi32>
        %gather3A_265 = tpu.vector_load_idx %arg5[%add3A_263, %add3A_142] : memref<32x640xf32, #tpu.memory_space<vmem>>[vector<16xi32>, vector<16xi32>], vector<16xf32>,
        %add3A_266 = arith.constant 10 : i32
        %add3A_267 = vector.broadcast %add3A_266 : i32 to vector<16xi32>
        %add3A_268 = arith.addi %iota3A, %add3A_267 : vector<16xi32>
        %and3A_269 = arith.constant 15 : i32
        %and3A_270 = vector.broadcast %and3A_269 : i32 to vector<16xi32>
        %and3A_271 = arith.andi %add3A_268, %and3A_270 : vector<16xi32>
        %mul3A_272 = arith.constant 16 : i32
        %mul3A_273 = arith.muli %mul3A_272, %and3A_138 : i32
        %add3A_274 = vector.broadcast %mul3A_273 : i32 to vector<16xi32>
        %add3A_275 = arith.addi %and3A_271, %add3A_274 : vector<16xi32>
        %add3A_276 = arith.addi %mul3A_46, %add3A_275 : vector<16xi32>
        %gather3A_277 = tpu.vector_load_idx %arg5[%add3A_275, %add3A_142] : memref<32x640xf32, #tpu.memory_space<vmem>>[vector<16xi32>, vector<16xi32>], vector<16xf32>,
        %add3A_278 = arith.constant 11 : i32
        %add3A_279 = vector.broadcast %add3A_278 : i32 to vector<16xi32>
        %add3A_280 = arith.addi %iota3A, %add3A_279 : vector<16xi32>
        %and3A_281 = arith.constant 15 : i32
        %and3A_282 = vector.broadcast %and3A_281 : i32 to vector<16xi32>
        %and3A_283 = arith.andi %add3A_280, %and3A_282 : vector<16xi32>
        %mul3A_284 = arith.constant 16 : i32
        %mul3A_285 = arith.muli %mul3A_284, %and3A_138 : i32
        %add3A_286 = vector.broadcast %mul3A_285 : i32 to vector<16xi32>
        %add3A_287 = arith.addi %and3A_283, %add3A_286 : vector<16xi32>
        %add3A_288 = arith.addi %mul3A_46, %add3A_287 : vector<16xi32>
        %gather3A_289 = tpu.vector_load_idx %arg5[%add3A_287, %add3A_142] : memref<32x640xf32, #tpu.memory_space<vmem>>[vector<16xi32>, vector<16xi32>], vector<16xf32>,
        %add3A_290 = arith.constant 12 : i32
        %add3A_291 = vector.broadcast %add3A_290 : i32 to vector<16xi32>
        %add3A_292 = arith.addi %iota3A, %add3A_291 : vector<16xi32>
        %and3A_293 = arith.constant 15 : i32
        %and3A_294 = vector.broadcast %and3A_293 : i32 to vector<16xi32>
        %and3A_295 = arith.andi %add3A_292, %and3A_294 : vector<16xi32>
        %mul3A_296 = arith.constant 16 : i32
        %mul3A_297 = arith.muli %mul3A_296, %and3A_138 : i32
        %add3A_298 = vector.broadcast %mul3A_297 : i32 to vector<16xi32>
        %add3A_299 = arith.addi %and3A_295, %add3A_298 : vector<16xi32>
        %add3A_300 = arith.addi %mul3A_46, %add3A_299 : vector<16xi32>
        %gather3A_301 = tpu.vector_load_idx %arg5[%add3A_299, %add3A_142] : memref<32x640xf32, #tpu.memory_space<vmem>>[vector<16xi32>, vector<16xi32>], vector<16xf32>,
        %add3A_302 = arith.constant 13 : i32
        %add3A_303 = vector.broadcast %add3A_302 : i32 to vector<16xi32>
        %add3A_304 = arith.addi %iota3A, %add3A_303 : vector<16xi32>
        %and3A_305 = arith.constant 15 : i32
        %and3A_306 = vector.broadcast %and3A_305 : i32 to vector<16xi32>
        %and3A_307 = arith.andi %add3A_304, %and3A_306 : vector<16xi32>
        %mul3A_308 = arith.constant 16 : i32
        %mul3A_309 = arith.muli %mul3A_308, %and3A_138 : i32
        %add3A_310 = vector.broadcast %mul3A_309 : i32 to vector<16xi32>
        %add3A_311 = arith.addi %and3A_307, %add3A_310 : vector<16xi32>
        %add3A_312 = arith.addi %mul3A_46, %add3A_311 : vector<16xi32>
        %gather3A_313 = tpu.vector_load_idx %arg5[%add3A_311, %add3A_142] : memref<32x640xf32, #tpu.memory_space<vmem>>[vector<16xi32>, vector<16xi32>], vector<16xf32>,
        %add3A_314 = arith.constant 14 : i32
        %add3A_315 = vector.broadcast %add3A_314 : i32 to vector<16xi32>
        %add3A_316 = arith.addi %iota3A, %add3A_315 : vector<16xi32>
        %and3A_317 = arith.constant 15 : i32
        %and3A_318 = vector.broadcast %and3A_317 : i32 to vector<16xi32>
        %and3A_319 = arith.andi %add3A_316, %and3A_318 : vector<16xi32>
        %mul3A_320 = arith.constant 16 : i32
        %mul3A_321 = arith.muli %mul3A_320, %and3A_138 : i32
        %add3A_322 = vector.broadcast %mul3A_321 : i32 to vector<16xi32>
        %add3A_323 = arith.addi %and3A_319, %add3A_322 : vector<16xi32>
        %add3A_324 = arith.addi %mul3A_46, %add3A_323 : vector<16xi32>
        %gather3A_325 = tpu.vector_load_idx %arg5[%add3A_323, %add3A_142] : memref<32x640xf32, #tpu.memory_space<vmem>>[vector<16xi32>, vector<16xi32>], vector<16xf32>,
        %add3A_326 = arith.constant 15 : i32
        %add3A_327 = vector.broadcast %add3A_326 : i32 to vector<16xi32>
        %add3A_328 = arith.addi %iota3A, %add3A_327 : vector<16xi32>
        %and3A_329 = arith.constant 15 : i32
        %and3A_330 = vector.broadcast %and3A_329 : i32 to vector<16xi32>
        %and3A_331 = arith.andi %add3A_328, %and3A_330 : vector<16xi32>
        %mul3A_332 = arith.constant 16 : i32
        %mul3A_333 = arith.muli %mul3A_332, %and3A_138 : i32
        %add3A_334 = vector.broadcast %mul3A_333 : i32 to vector<16xi32>
        %add3A_335 = arith.addi %and3A_331, %add3A_334 : vector<16xi32>
        %add3A_336 = arith.addi %mul3A_46, %add3A_335 : vector<16xi32>
        %gather3A_337 = tpu.vector_load_idx %arg5[%add3A_335, %add3A_142] : memref<32x640xf32, #tpu.memory_space<vmem>>[vector<16xi32>, vector<16xi32>], vector<16xf32>,
        tpu.vector_store_idx %arg8[%add3A_146, %add3A_157], %gather3A : memref<160x128xf32, #tpu.memory_space<vmem>>[vector<16xi32>, vector<16xi32>], vector<16xf32>,
        tpu.vector_store_idx %arg8[%add3A_146, %add3A_168], %gather3A_169 : memref<160x128xf32, #tpu.memory_space<vmem>>[vector<16xi32>, vector<16xi32>], vector<16xf32>,
        tpu.vector_store_idx %arg8[%add3A_146, %add3A_180], %gather3A_181 : memref<160x128xf32, #tpu.memory_space<vmem>>[vector<16xi32>, vector<16xi32>], vector<16xf32>,
        tpu.vector_store_idx %arg8[%add3A_146, %add3A_192], %gather3A_193 : memref<160x128xf32, #tpu.memory_space<vmem>>[vector<16xi32>, vector<16xi32>], vector<16xf32>,
        tpu.vector_store_idx %arg8[%add3A_146, %add3A_204], %gather3A_205 : memref<160x128xf32, #tpu.memory_space<vmem>>[vector<16xi32>, vector<16xi32>], vector<16xf32>,
        tpu.vector_store_idx %arg8[%add3A_146, %add3A_216], %gather3A_217 : memref<160x128xf32, #tpu.memory_space<vmem>>[vector<16xi32>, vector<16xi32>], vector<16xf32>,
        tpu.vector_store_idx %arg8[%add3A_146, %add3A_228], %gather3A_229 : memref<160x128xf32, #tpu.memory_space<vmem>>[vector<16xi32>, vector<16xi32>], vector<16xf32>,
        tpu.vector_store_idx %arg8[%add3A_146, %add3A_240], %gather3A_241 : memref<160x128xf32, #tpu.memory_space<vmem>>[vector<16xi32>, vector<16xi32>], vector<16xf32>,
        tpu.vector_store_idx %arg8[%add3A_146, %add3A_252], %gather3A_253 : memref<160x128xf32, #tpu.memory_space<vmem>>[vector<16xi32>, vector<16xi32>], vector<16xf32>,
        tpu.vector_store_idx %arg8[%add3A_146, %add3A_264], %gather3A_265 : memref<160x128xf32, #tpu.memory_space<vmem>>[vector<16xi32>, vector<16xi32>], vector<16xf32>,
        tpu.vector_store_idx %arg8[%add3A_146, %add3A_276], %gather3A_277 : memref<160x128xf32, #tpu.memory_space<vmem>>[vector<16xi32>, vector<16xi32>], vector<16xf32>,
        tpu.vector_store_idx %arg8[%add3A_146, %add3A_288], %gather3A_289 : memref<160x128xf32, #tpu.memory_space<vmem>>[vector<16xi32>, vector<16xi32>], vector<16xf32>,
        tpu.vector_store_idx %arg8[%add3A_146, %add3A_300], %gather3A_301 : memref<160x128xf32, #tpu.memory_space<vmem>>[vector<16xi32>, vector<16xi32>], vector<16xf32>,
        tpu.vector_store_idx %arg8[%add3A_146, %add3A_312], %gather3A_313 : memref<160x128xf32, #tpu.memory_space<vmem>>[vector<16xi32>, vector<16xi32>], vector<16xf32>,
        tpu.vector_store_idx %arg8[%add3A_146, %add3A_324], %gather3A_325 : memref<160x128xf32, #tpu.memory_space<vmem>>[vector<16xi32>, vector<16xi32>], vector<16xf32>,
        tpu.vector_store_idx %arg8[%add3A_146, %add3A_336], %gather3A_337 : memref<160x128xf32, #tpu.memory_space<vmem>>[vector<16xi32>, vector<16xi32>], vector<16xf32>,
        %mul3A_338 = arith.constant 2 : i32
        %mul3A_339 = arith.muli %mul3A_338, %scan3A_130 : i32
        %add3A_340 = arith.constant 1 : i32
        %add3A_341 = arith.addi %mul3A_339, %add3A_340 : i32
        %shift_right_arithmetic3A_342 = arith.constant 1 : i32
        %shift_right_arithmetic3A_343 = arith.shrsi %add3A_341, %shift_right_arithmetic3A_342 : i32
        %and3A_344 = arith.constant 1 : i32
        %and3A_345 = arith.andi %add3A_341, %and3A_344 : i32
        %mul3A_346 = arith.constant 16 : i32
        %mul3A_347 = arith.muli %mul3A_346, %shift_right_arithmetic3A_343 : i32
        %add3A_348 = vector.broadcast %mul3A_347 : i32 to vector<16xi32>
        %add3A_349 = arith.addi %iota3A, %add3A_348 : vector<16xi32>
        %mul3A_350 = arith.constant 4 : i32
        %mul3A_351 = arith.muli %mul3A_350, %shift_right_arithmetic3A_343 : i32
        %add3A_352 = vector.broadcast %mul3A_351 : i32 to vector<16xi32>
        %add3A_353 = arith.addi %select_n3A, %add3A_352 : vector<16xi32>
        %add3A_354 = arith.constant 0 : i32
        %add3A_355 = vector.broadcast %add3A_354 : i32 to vector<16xi32>
        %add3A_356 = arith.addi %iota3A, %add3A_355 : vector<16xi32>
        %and3A_357 = arith.constant 15 : i32
        %and3A_358 = vector.broadcast %and3A_357 : i32 to vector<16xi32>
        %and3A_359 = arith.andi %add3A_356, %and3A_358 : vector<16xi32>
        %mul3A_360 = arith.constant 16 : i32
        %mul3A_361 = arith.muli %mul3A_360, %and3A_345 : i32
        %add3A_362 = vector.broadcast %mul3A_361 : i32 to vector<16xi32>
        %add3A_363 = arith.addi %and3A_359, %add3A_362 : vector<16xi32>
        %add3A_364 = arith.addi %mul3A_46, %add3A_363 : vector<16xi32>
        %gather3A_365 = tpu.vector_load_idx %arg5[%add3A_363, %add3A_349] : memref<32x640xf32, #tpu.memory_space<vmem>>[vector<16xi32>, vector<16xi32>], vector<16xf32>,
        %add3A_366 = arith.constant 1 : i32
        %add3A_367 = vector.broadcast %add3A_366 : i32 to vector<16xi32>
        %add3A_368 = arith.addi %iota3A, %add3A_367 : vector<16xi32>
        %and3A_369 = arith.constant 15 : i32
        %and3A_370 = vector.broadcast %and3A_369 : i32 to vector<16xi32>
        %and3A_371 = arith.andi %add3A_368, %and3A_370 : vector<16xi32>
        %mul3A_372 = arith.constant 16 : i32
        %mul3A_373 = arith.muli %mul3A_372, %and3A_345 : i32
        %add3A_374 = vector.broadcast %mul3A_373 : i32 to vector<16xi32>
        %add3A_375 = arith.addi %and3A_371, %add3A_374 : vector<16xi32>
        %add3A_376 = arith.addi %mul3A_46, %add3A_375 : vector<16xi32>
        %gather3A_377 = tpu.vector_load_idx %arg5[%add3A_375, %add3A_349] : memref<32x640xf32, #tpu.memory_space<vmem>>[vector<16xi32>, vector<16xi32>], vector<16xf32>,
        %add3A_378 = arith.constant 2 : i32
        %add3A_379 = vector.broadcast %add3A_378 : i32 to vector<16xi32>
        %add3A_380 = arith.addi %iota3A, %add3A_379 : vector<16xi32>
        %and3A_381 = arith.constant 15 : i32
        %and3A_382 = vector.broadcast %and3A_381 : i32 to vector<16xi32>
        %and3A_383 = arith.andi %add3A_380, %and3A_382 : vector<16xi32>
        %mul3A_384 = arith.constant 16 : i32
        %mul3A_385 = arith.muli %mul3A_384, %and3A_345 : i32
        %add3A_386 = vector.broadcast %mul3A_385 : i32 to vector<16xi32>
        %add3A_387 = arith.addi %and3A_383, %add3A_386 : vector<16xi32>
        %add3A_388 = arith.addi %mul3A_46, %add3A_387 : vector<16xi32>
        %gather3A_389 = tpu.vector_load_idx %arg5[%add3A_387, %add3A_349] : memref<32x640xf32, #tpu.memory_space<vmem>>[vector<16xi32>, vector<16xi32>], vector<16xf32>,
        %add3A_390 = arith.constant 3 : i32
        %add3A_391 = vector.broadcast %add3A_390 : i32 to vector<16xi32>
        %add3A_392 = arith.addi %iota3A, %add3A_391 : vector<16xi32>
        %and3A_393 = arith.constant 15 : i32
        %and3A_394 = vector.broadcast %and3A_393 : i32 to vector<16xi32>
        %and3A_395 = arith.andi %add3A_392, %and3A_394 : vector<16xi32>
        %mul3A_396 = arith.constant 16 : i32
        %mul3A_397 = arith.muli %mul3A_396, %and3A_345 : i32
        %add3A_398 = vector.broadcast %mul3A_397 : i32 to vector<16xi32>
        %add3A_399 = arith.addi %and3A_395, %add3A_398 : vector<16xi32>
        %add3A_400 = arith.addi %mul3A_46, %add3A_399 : vector<16xi32>
        %gather3A_401 = tpu.vector_load_idx %arg5[%add3A_399, %add3A_349] : memref<32x640xf32, #tpu.memory_space<vmem>>[vector<16xi32>, vector<16xi32>], vector<16xf32>,
        %add3A_402 = arith.constant 4 : i32
        %add3A_403 = vector.broadcast %add3A_402 : i32 to vector<16xi32>
        %add3A_404 = arith.addi %iota3A, %add3A_403 : vector<16xi32>
        %and3A_405 = arith.constant 15 : i32
        %and3A_406 = vector.broadcast %and3A_405 : i32 to vector<16xi32>
        %and3A_407 = arith.andi %add3A_404, %and3A_406 : vector<16xi32>
        %mul3A_408 = arith.constant 16 : i32
        %mul3A_409 = arith.muli %mul3A_408, %and3A_345 : i32
        %add3A_410 = vector.broadcast %mul3A_409 : i32 to vector<16xi32>
        %add3A_411 = arith.addi %and3A_407, %add3A_410 : vector<16xi32>
        %add3A_412 = arith.addi %mul3A_46, %add3A_411 : vector<16xi32>
        %gather3A_413 = tpu.vector_load_idx %arg5[%add3A_411, %add3A_349] : memref<32x640xf32, #tpu.memory_space<vmem>>[vector<16xi32>, vector<16xi32>], vector<16xf32>,
        %add3A_414 = arith.constant 5 : i32
        %add3A_415 = vector.broadcast %add3A_414 : i32 to vector<16xi32>
        %add3A_416 = arith.addi %iota3A, %add3A_415 : vector<16xi32>
        %and3A_417 = arith.constant 15 : i32
        %and3A_418 = vector.broadcast %and3A_417 : i32 to vector<16xi32>
        %and3A_419 = arith.andi %add3A_416, %and3A_418 : vector<16xi32>
        %mul3A_420 = arith.constant 16 : i32
        %mul3A_421 = arith.muli %mul3A_420, %and3A_345 : i32
        %add3A_422 = vector.broadcast %mul3A_421 : i32 to vector<16xi32>
        %add3A_423 = arith.addi %and3A_419, %add3A_422 : vector<16xi32>
        %add3A_424 = arith.addi %mul3A_46, %add3A_423 : vector<16xi32>
        %gather3A_425 = tpu.vector_load_idx %arg5[%add3A_423, %add3A_349] : memref<32x640xf32, #tpu.memory_space<vmem>>[vector<16xi32>, vector<16xi32>], vector<16xf32>,
        %add3A_426 = arith.constant 6 : i32
        %add3A_427 = vector.broadcast %add3A_426 : i32 to vector<16xi32>
        %add3A_428 = arith.addi %iota3A, %add3A_427 : vector<16xi32>
        %and3A_429 = arith.constant 15 : i32
        %and3A_430 = vector.broadcast %and3A_429 : i32 to vector<16xi32>
        %and3A_431 = arith.andi %add3A_428, %and3A_430 : vector<16xi32>
        %mul3A_432 = arith.constant 16 : i32
        %mul3A_433 = arith.muli %mul3A_432, %and3A_345 : i32
        %add3A_434 = vector.broadcast %mul3A_433 : i32 to vector<16xi32>
        %add3A_435 = arith.addi %and3A_431, %add3A_434 : vector<16xi32>
        %add3A_436 = arith.addi %mul3A_46, %add3A_435 : vector<16xi32>
        %gather3A_437 = tpu.vector_load_idx %arg5[%add3A_435, %add3A_349] : memref<32x640xf32, #tpu.memory_space<vmem>>[vector<16xi32>, vector<16xi32>], vector<16xf32>,
        %add3A_438 = arith.constant 7 : i32
        %add3A_439 = vector.broadcast %add3A_438 : i32 to vector<16xi32>
        %add3A_440 = arith.addi %iota3A, %add3A_439 : vector<16xi32>
        %and3A_441 = arith.constant 15 : i32
        %and3A_442 = vector.broadcast %and3A_441 : i32 to vector<16xi32>
        %and3A_443 = arith.andi %add3A_440, %and3A_442 : vector<16xi32>
        %mul3A_444 = arith.constant 16 : i32
        %mul3A_445 = arith.muli %mul3A_444, %and3A_345 : i32
        %add3A_446 = vector.broadcast %mul3A_445 : i32 to vector<16xi32>
        %add3A_447 = arith.addi %and3A_443, %add3A_446 : vector<16xi32>
        %add3A_448 = arith.addi %mul3A_46, %add3A_447 : vector<16xi32>
        %gather3A_449 = tpu.vector_load_idx %arg5[%add3A_447, %add3A_349] : memref<32x640xf32, #tpu.memory_space<vmem>>[vector<16xi32>, vector<16xi32>], vector<16xf32>,
        %add3A_450 = arith.constant 8 : i32
        %add3A_451 = vector.broadcast %add3A_450 : i32 to vector<16xi32>
        %add3A_452 = arith.addi %iota3A, %add3A_451 : vector<16xi32>
        %and3A_453 = arith.constant 15 : i32
        %and3A_454 = vector.broadcast %and3A_453 : i32 to vector<16xi32>
        %and3A_455 = arith.andi %add3A_452, %and3A_454 : vector<16xi32>
        %mul3A_456 = arith.constant 16 : i32
        %mul3A_457 = arith.muli %mul3A_456, %and3A_345 : i32
        %add3A_458 = vector.broadcast %mul3A_457 : i32 to vector<16xi32>
        %add3A_459 = arith.addi %and3A_455, %add3A_458 : vector<16xi32>
        %add3A_460 = arith.addi %mul3A_46, %add3A_459 : vector<16xi32>
        %gather3A_461 = tpu.vector_load_idx %arg5[%add3A_459, %add3A_349] : memref<32x640xf32, #tpu.memory_space<vmem>>[vector<16xi32>, vector<16xi32>], vector<16xf32>,
        %add3A_462 = arith.constant 9 : i32
        %add3A_463 = vector.broadcast %add3A_462 : i32 to vector<16xi32>
        %add3A_464 = arith.addi %iota3A, %add3A_463 : vector<16xi32>
        %and3A_465 = arith.constant 15 : i32
        %and3A_466 = vector.broadcast %and3A_465 : i32 to vector<16xi32>
        %and3A_467 = arith.andi %add3A_464, %and3A_466 : vector<16xi32>
        %mul3A_468 = arith.constant 16 : i32
        %mul3A_469 = arith.muli %mul3A_468, %and3A_345 : i32
        %add3A_470 = vector.broadcast %mul3A_469 : i32 to vector<16xi32>
        %add3A_471 = arith.addi %and3A_467, %add3A_470 : vector<16xi32>
        %add3A_472 = arith.addi %mul3A_46, %add3A_471 : vector<16xi32>
        %gather3A_473 = tpu.vector_load_idx %arg5[%add3A_471, %add3A_349] : memref<32x640xf32, #tpu.memory_space<vmem>>[vector<16xi32>, vector<16xi32>], vector<16xf32>,
        %add3A_474 = arith.constant 10 : i32
        %add3A_475 = vector.broadcast %add3A_474 : i32 to vector<16xi32>
        %add3A_476 = arith.addi %iota3A, %add3A_475 : vector<16xi32>
        %and3A_477 = arith.constant 15 : i32
        %and3A_478 = vector.broadcast %and3A_477 : i32 to vector<16xi32>
        %and3A_479 = arith.andi %add3A_476, %and3A_478 : vector<16xi32>
        %mul3A_480 = arith.constant 16 : i32
        %mul3A_481 = arith.muli %mul3A_480, %and3A_345 : i32
        %add3A_482 = vector.broadcast %mul3A_481 : i32 to vector<16xi32>
        %add3A_483 = arith.addi %and3A_479, %add3A_482 : vector<16xi32>
        %add3A_484 = arith.addi %mul3A_46, %add3A_483 : vector<16xi32>
        %gather3A_485 = tpu.vector_load_idx %arg5[%add3A_483, %add3A_349] : memref<32x640xf32, #tpu.memory_space<vmem>>[vector<16xi32>, vector<16xi32>], vector<16xf32>,
        %add3A_486 = arith.constant 11 : i32
        %add3A_487 = vector.broadcast %add3A_486 : i32 to vector<16xi32>
        %add3A_488 = arith.addi %iota3A, %add3A_487 : vector<16xi32>
        %and3A_489 = arith.constant 15 : i32
        %and3A_490 = vector.broadcast %and3A_489 : i32 to vector<16xi32>
        %and3A_491 = arith.andi %add3A_488, %and3A_490 : vector<16xi32>
        %mul3A_492 = arith.constant 16 : i32
        %mul3A_493 = arith.muli %mul3A_492, %and3A_345 : i32
        %add3A_494 = vector.broadcast %mul3A_493 : i32 to vector<16xi32>
        %add3A_495 = arith.addi %and3A_491, %add3A_494 : vector<16xi32>
        %add3A_496 = arith.addi %mul3A_46, %add3A_495 : vector<16xi32>
        %gather3A_497 = tpu.vector_load_idx %arg5[%add3A_495, %add3A_349] : memref<32x640xf32, #tpu.memory_space<vmem>>[vector<16xi32>, vector<16xi32>], vector<16xf32>,
        %add3A_498 = arith.constant 12 : i32
        %add3A_499 = vector.broadcast %add3A_498 : i32 to vector<16xi32>
        %add3A_500 = arith.addi %iota3A, %add3A_499 : vector<16xi32>
        %and3A_501 = arith.constant 15 : i32
        %and3A_502 = vector.broadcast %and3A_501 : i32 to vector<16xi32>
        %and3A_503 = arith.andi %add3A_500, %and3A_502 : vector<16xi32>
        %mul3A_504 = arith.constant 16 : i32
        %mul3A_505 = arith.muli %mul3A_504, %and3A_345 : i32
        %add3A_506 = vector.broadcast %mul3A_505 : i32 to vector<16xi32>
        %add3A_507 = arith.addi %and3A_503, %add3A_506 : vector<16xi32>
        %add3A_508 = arith.addi %mul3A_46, %add3A_507 : vector<16xi32>
        %gather3A_509 = tpu.vector_load_idx %arg5[%add3A_507, %add3A_349] : memref<32x640xf32, #tpu.memory_space<vmem>>[vector<16xi32>, vector<16xi32>], vector<16xf32>,
        %add3A_510 = arith.constant 13 : i32
        %add3A_511 = vector.broadcast %add3A_510 : i32 to vector<16xi32>
        %add3A_512 = arith.addi %iota3A, %add3A_511 : vector<16xi32>
        %and3A_513 = arith.constant 15 : i32
        %and3A_514 = vector.broadcast %and3A_513 : i32 to vector<16xi32>
        %and3A_515 = arith.andi %add3A_512, %and3A_514 : vector<16xi32>
        %mul3A_516 = arith.constant 16 : i32
        %mul3A_517 = arith.muli %mul3A_516, %and3A_345 : i32
        %add3A_518 = vector.broadcast %mul3A_517 : i32 to vector<16xi32>
        %add3A_519 = arith.addi %and3A_515, %add3A_518 : vector<16xi32>
        %add3A_520 = arith.addi %mul3A_46, %add3A_519 : vector<16xi32>
        %gather3A_521 = tpu.vector_load_idx %arg5[%add3A_519, %add3A_349] : memref<32x640xf32, #tpu.memory_space<vmem>>[vector<16xi32>, vector<16xi32>], vector<16xf32>,
        %add3A_522 = arith.constant 14 : i32
        %add3A_523 = vector.broadcast %add3A_522 : i32 to vector<16xi32>
        %add3A_524 = arith.addi %iota3A, %add3A_523 : vector<16xi32>
        %and3A_525 = arith.constant 15 : i32
        %and3A_526 = vector.broadcast %and3A_525 : i32 to vector<16xi32>
        %and3A_527 = arith.andi %add3A_524, %and3A_526 : vector<16xi32>
        %mul3A_528 = arith.constant 16 : i32
        %mul3A_529 = arith.muli %mul3A_528, %and3A_345 : i32
        %add3A_530 = vector.broadcast %mul3A_529 : i32 to vector<16xi32>
        %add3A_531 = arith.addi %and3A_527, %add3A_530 : vector<16xi32>
        %add3A_532 = arith.addi %mul3A_46, %add3A_531 : vector<16xi32>
        %gather3A_533 = tpu.vector_load_idx %arg5[%add3A_531, %add3A_349] : memref<32x640xf32, #tpu.memory_space<vmem>>[vector<16xi32>, vector<16xi32>], vector<16xf32>,
        %add3A_534 = arith.constant 15 : i32
        %add3A_535 = vector.broadcast %add3A_534 : i32 to vector<16xi32>
        %add3A_536 = arith.addi %iota3A, %add3A_535 : vector<16xi32>
        %and3A_537 = arith.constant 15 : i32
        %and3A_538 = vector.broadcast %and3A_537 : i32 to vector<16xi32>
        %and3A_539 = arith.andi %add3A_536, %and3A_538 : vector<16xi32>
        %mul3A_540 = arith.constant 16 : i32
        %mul3A_541 = arith.muli %mul3A_540, %and3A_345 : i32
        %add3A_542 = vector.broadcast %mul3A_541 : i32 to vector<16xi32>
        %add3A_543 = arith.addi %and3A_539, %add3A_542 : vector<16xi32>
        %add3A_544 = arith.addi %mul3A_46, %add3A_543 : vector<16xi32>
        %gather3A_545 = tpu.vector_load_idx %arg5[%add3A_543, %add3A_349] : memref<32x640xf32, #tpu.memory_space<vmem>>[vector<16xi32>, vector<16xi32>], vector<16xf32>,
        tpu.vector_store_idx %arg8[%add3A_353, %add3A_364], %gather3A_365 : memref<160x128xf32, #tpu.memory_space<vmem>>[vector<16xi32>, vector<16xi32>], vector<16xf32>,
        tpu.vector_store_idx %arg8[%add3A_353, %add3A_376], %gather3A_377 : memref<160x128xf32, #tpu.memory_space<vmem>>[vector<16xi32>, vector<16xi32>], vector<16xf32>,
        tpu.vector_store_idx %arg8[%add3A_353, %add3A_388], %gather3A_389 : memref<160x128xf32, #tpu.memory_space<vmem>>[vector<16xi32>, vector<16xi32>], vector<16xf32>,
        tpu.vector_store_idx %arg8[%add3A_353, %add3A_400], %gather3A_401 : memref<160x128xf32, #tpu.memory_space<vmem>>[vector<16xi32>, vector<16xi32>], vector<16xf32>,
        tpu.vector_store_idx %arg8[%add3A_353, %add3A_412], %gather3A_413 : memref<160x128xf32, #tpu.memory_space<vmem>>[vector<16xi32>, vector<16xi32>], vector<16xf32>,
        tpu.vector_store_idx %arg8[%add3A_353, %add3A_424], %gather3A_425 : memref<160x128xf32, #tpu.memory_space<vmem>>[vector<16xi32>, vector<16xi32>], vector<16xf32>,
        tpu.vector_store_idx %arg8[%add3A_353, %add3A_436], %gather3A_437 : memref<160x128xf32, #tpu.memory_space<vmem>>[vector<16xi32>, vector<16xi32>], vector<16xf32>,
        tpu.vector_store_idx %arg8[%add3A_353, %add3A_448], %gather3A_449 : memref<160x128xf32, #tpu.memory_space<vmem>>[vector<16xi32>, vector<16xi32>], vector<16xf32>,
        tpu.vector_store_idx %arg8[%add3A_353, %add3A_460], %gather3A_461 : memref<160x128xf32, #tpu.memory_space<vmem>>[vector<16xi32>, vector<16xi32>], vector<16xf32>,
        tpu.vector_store_idx %arg8[%add3A_353, %add3A_472], %gather3A_473 : memref<160x128xf32, #tpu.memory_space<vmem>>[vector<16xi32>, vector<16xi32>], vector<16xf32>,
        tpu.vector_store_idx %arg8[%add3A_353, %add3A_484], %gather3A_485 : memref<160x128xf32, #tpu.memory_space<vmem>>[vector<16xi32>, vector<16xi32>], vector<16xf32>,
        tpu.vector_store_idx %arg8[%add3A_353, %add3A_496], %gather3A_497 : memref<160x128xf32, #tpu.memory_space<vmem>>[vector<16xi32>, vector<16xi32>], vector<16xf32>,
        tpu.vector_store_idx %arg8[%add3A_353, %add3A_508], %gather3A_509 : memref<160x128xf32, #tpu.memory_space<vmem>>[vector<16xi32>, vector<16xi32>], vector<16xf32>,
        tpu.vector_store_idx %arg8[%add3A_353, %add3A_520], %gather3A_521 : memref<160x128xf32, #tpu.memory_space<vmem>>[vector<16xi32>, vector<16xi32>], vector<16xf32>,
        tpu.vector_store_idx %arg8[%add3A_353, %add3A_532], %gather3A_533 : memref<160x128xf32, #tpu.memory_space<vmem>>[vector<16xi32>, vector<16xi32>], vector<16xf32>,
        tpu.vector_store_idx %arg8[%add3A_353, %add3A_544], %gather3A_545 : memref<160x128xf32, #tpu.memory_space<vmem>>[vector<16xi32>, vector<16xi32>], vector<16xf32>,
        %scan3A_546 = arith.constant 0 : i32
        scf.yield %scan3A_546 : i32
      }
      %scan3A_125 = arith.constant 8 : i32
      %mul3A_126 = arith.constant 25024 : i32
      %mul3A_127 = arith.muli %add3A, %mul3A_126 : i32
      %add3A_128 = arith.constant 24960 : i32
      %add3A_129 = arith.addi %mul3A_127, %add3A_128 : i32
      "tpu.region"() ({
        %run_scoped3A = tpu.sem_alloc : memref<!tpu.dma_semaphore, #tpu.memory_space<semaphore_mem>>
        %dma_start3A_130 = arith.constant 0 : i32
        %dma_start3A_131 = arith.constant 0 : i32
        %dma_start3A_132 = tpu.memref_slice %arg8[%dma_start3A_130, %dma_start3A_131] : memref<160x128xf32, #tpu.memory_space<vmem>> -> memref<32x128xf32, #tpu.memory_space<vmem>>
        %dma_start3A_133 = arith.constant 0 : i32
        %dma_start3A_134 = tpu.memref_slice %arg4[%add3A_129, %dma_start3A_133] : memref<650624x128xf32, #tpu.memory_space<hbm>> -> memref<32x128xf32, #tpu.memory_space<hbm>>
        %dma_start3A_135 = arith.constant 0 : i32
        %dma_start3A_136 = tpu.memref_slice %arg4[%add3A_129, %dma_start3A_135] : memref<650624x128xf32, #tpu.memory_space<hbm>> -> memref<32x128xf32, #tpu.memory_space<hbm>>
        %dma_start3A_137 = arith.constant 0 : i32
        %dma_start3A_138 = arith.constant 0 : i32
        %dma_start3A_139 = tpu.memref_slice %arg8[%dma_start3A_137, %dma_start3A_138] : memref<160x128xf32, #tpu.memory_space<vmem>> -> memref<32x128xf32, #tpu.memory_space<vmem>>
        tpu.enqueue_dma source(%dma_start3A_139 : memref<32x128xf32, #tpu.memory_space<vmem>>) target(%dma_start3A_136 : memref<32x128xf32, #tpu.memory_space<hbm>>) target_semaphore(%run_scoped3A : memref<!tpu.dma_semaphore, #tpu.memory_space<semaphore_mem>>)
        %dma_wait3A_140 = arith.constant 0 : i32
        %dma_wait3A_141 = arith.constant 0 : i32
        %dma_wait3A_142 = tpu.memref_slice %arg8[%dma_wait3A_140, %dma_wait3A_141] : memref<160x128xf32, #tpu.memory_space<vmem>> -> memref<32x128xf32, #tpu.memory_space<vmem>>
        %dma_wait3A_143 = arith.constant 0 : i32
        %dma_wait3A_144 = tpu.memref_slice %arg4[%add3A_129, %dma_wait3A_143] : memref<650624x128xf32, #tpu.memory_space<hbm>> -> memref<32x128xf32, #tpu.memory_space<hbm>>
        %dma_wait3A_145 = arith.constant 0 : i32
        %dma_wait3A_146 = tpu.memref_slice %arg4[%add3A_129, %dma_wait3A_145] : memref<650624x128xf32, #tpu.memory_space<hbm>> -> memref<32x128xf32, #tpu.memory_space<hbm>>
        %dma_wait3A_147 = arith.constant 0 : i32
        %dma_wait3A_148 = arith.constant 0 : i32
        %dma_wait3A_149 = tpu.memref_slice %arg8[%dma_wait3A_147, %dma_wait3A_148] : memref<160x128xf32, #tpu.memory_space<vmem>> -> memref<32x128xf32, #tpu.memory_space<vmem>>
        tpu.wait_dma2 semaphore(%run_scoped3A : memref<!tpu.dma_semaphore, #tpu.memory_space<semaphore_mem>>) src(%dma_wait3A_149 : memref<32x128xf32, #tpu.memory_space<vmem>>) dst(%dma_wait3A_146 : memref<32x128xf32, #tpu.memory_space<hbm>>)
        tpu.yield
      }) : () -> ()
    } else {
    }
    return
  }
}

#map = affine_map<(d0, d1) -> (0, 0)>
module attributes {stable_mosaic.version = 14 : i64} {
  func.func @_sc_gather(%arg0: i32, %arg1: i32, %arg2: memref<3328x128xi32, #tpu.memory_space<hbm>>, %arg3: memref<3328x128xi32, #tpu.memory_space<hbm>>, %arg4: memref<2602496x32xf32, #tpu.memory_space<hbm>>, %arg5: memref<458752x32xf32, #tpu.memory_space<hbm>>, %arg6: memref<104x128xi32, #tpu.memory_space<vmem>>, %arg7: memref<104x128xi32, #tpu.memory_space<vmem>>, %arg8: memref<128x32xf32, #tpu.memory_space<vmem>>, %arg9: memref<128x32xf32, #tpu.memory_space<vmem>>, %arg10: memref<128x32xf32, #tpu.memory_space<vmem>>, %arg11: memref<128x32xf32, #tpu.memory_space<vmem>>, %arg12: memref<128x32xf32, #tpu.memory_space<vmem>>, %arg13: memref<128x32xf32, #tpu.memory_space<vmem>>, %arg14: memref<128x32xf32, #tpu.memory_space<vmem>>, %arg15: memref<128x32xf32, #tpu.memory_space<vmem>>, %arg16: memref<!tpu.dma_semaphore, #tpu.memory_space<semaphore_mem>>, %arg17: memref<!tpu.dma_semaphore, #tpu.memory_space<semaphore_mem>>) attributes {dimension_semantics = [#tpu.dimension_semantics<core_parallel>, #tpu.dimension_semantics<subcore_parallel>], iteration_bounds = array<i64: 2, 16>, scalar_prefetch = 0 : i64, scratch_operands = 12 : i64, tpu.core_type = #tpu.core_type<sc_vector_subcore>, window_params = [{transform_indices = #map}, {transform_indices = #map}, {transform_indices = #map}, {transform_indices = #map}]} {
    %mul3A = arith.constant 2 : i32
    %mul3A_0 = arith.muli %arg1, %mul3A : i32
    %add3A = arith.addi %mul3A_0, %arg0 : i32
    %mul3A_1 = arith.constant 104 : i32
    %mul3A_2 = arith.muli %add3A, %mul3A_1 : i32
    "tpu.region"() ({
      %run_scoped3A = tpu.sem_alloc : memref<!tpu.dma_semaphore, #tpu.memory_space<semaphore_mem>>
      %dma_start3A_63 = arith.constant 0 : i32
      %dma_start3A_64 = tpu.memref_slice %arg2[%mul3A_2, %dma_start3A_63] : memref<3328x128xi32, #tpu.memory_space<hbm>> -> memref<104x128xi32, #tpu.memory_space<hbm>>
      %dma_start3A_65 = arith.constant 0 : i32
      %dma_start3A_66 = tpu.memref_slice %arg2[%mul3A_2, %dma_start3A_65] : memref<3328x128xi32, #tpu.memory_space<hbm>> -> memref<104x128xi32, #tpu.memory_space<hbm>>
      tpu.enqueue_dma source(%dma_start3A_66 : memref<104x128xi32, #tpu.memory_space<hbm>>) target(%arg6 : memref<104x128xi32, #tpu.memory_space<vmem>>) target_semaphore(%run_scoped3A : memref<!tpu.dma_semaphore, #tpu.memory_space<semaphore_mem>>)
      %dma_wait3A_67 = arith.constant 0 : i32
      %dma_wait3A_68 = tpu.memref_slice %arg2[%mul3A_2, %dma_wait3A_67] : memref<3328x128xi32, #tpu.memory_space<hbm>> -> memref<104x128xi32, #tpu.memory_space<hbm>>
      %dma_wait3A_69 = arith.constant 0 : i32
      %dma_wait3A_70 = tpu.memref_slice %arg2[%mul3A_2, %dma_wait3A_69] : memref<3328x128xi32, #tpu.memory_space<hbm>> -> memref<104x128xi32, #tpu.memory_space<hbm>>
      tpu.wait_dma2 semaphore(%run_scoped3A : memref<!tpu.dma_semaphore, #tpu.memory_space<semaphore_mem>>) src(%dma_wait3A_70 : memref<104x128xi32, #tpu.memory_space<hbm>>) dst(%arg6 : memref<104x128xi32, #tpu.memory_space<vmem>>)
      tpu.yield
    }) : () -> ()
    "tpu.region"() ({
      %run_scoped3A = tpu.sem_alloc : memref<!tpu.dma_semaphore, #tpu.memory_space<semaphore_mem>>
      %dma_start3A_63 = arith.constant 0 : i32
      %dma_start3A_64 = tpu.memref_slice %arg3[%mul3A_2, %dma_start3A_63] : memref<3328x128xi32, #tpu.memory_space<hbm>> -> memref<104x128xi32, #tpu.memory_space<hbm>>
      %dma_start3A_65 = arith.constant 0 : i32
      %dma_start3A_66 = tpu.memref_slice %arg3[%mul3A_2, %dma_start3A_65] : memref<3328x128xi32, #tpu.memory_space<hbm>> -> memref<104x128xi32, #tpu.memory_space<hbm>>
      tpu.enqueue_dma source(%dma_start3A_66 : memref<104x128xi32, #tpu.memory_space<hbm>>) target(%arg7 : memref<104x128xi32, #tpu.memory_space<vmem>>) target_semaphore(%run_scoped3A : memref<!tpu.dma_semaphore, #tpu.memory_space<semaphore_mem>>)
      %dma_wait3A_67 = arith.constant 0 : i32
      %dma_wait3A_68 = tpu.memref_slice %arg3[%mul3A_2, %dma_wait3A_67] : memref<3328x128xi32, #tpu.memory_space<hbm>> -> memref<104x128xi32, #tpu.memory_space<hbm>>
      %dma_wait3A_69 = arith.constant 0 : i32
      %dma_wait3A_70 = tpu.memref_slice %arg3[%mul3A_2, %dma_wait3A_69] : memref<3328x128xi32, #tpu.memory_space<hbm>> -> memref<104x128xi32, #tpu.memory_space<hbm>>
      tpu.wait_dma2 semaphore(%run_scoped3A : memref<!tpu.dma_semaphore, #tpu.memory_space<semaphore_mem>>) src(%dma_wait3A_70 : memref<104x128xi32, #tpu.memory_space<hbm>>) dst(%arg7 : memref<104x128xi32, #tpu.memory_space<vmem>>)
      tpu.yield
    }) : () -> ()
    %dma_start3A = arith.constant 0 : i32
    %dma_start3A_3 = arith.constant 0 : i32
    %dma_start3A_4 = tpu.memref_slice %arg6[%dma_start3A, %dma_start3A_3] : memref<104x128xi32, #tpu.memory_space<vmem>> -> memref<1x128xi32, #tpu.memory_space<vmem>>
    %dma_start3A_5 = tpu.memref_squeeze %dma_start3A_4 : memref<1x128xi32, #tpu.memory_space<vmem>> -> memref<128xi32, #tpu.memory_space<vmem>>
    %dma_start3A_6 = arith.constant 0 : i32
    %dma_start3A_7 = arith.constant 0 : i32
    %dma_start3A_8 = tpu.memref_slice %arg4[%dma_start3A_6, %dma_start3A_7] : memref<2602496x32xf32, #tpu.memory_space<hbm>> -> memref<2602496x32xf32, #tpu.memory_space<hbm>>
    tpu.enqueue_indirect_dma source(%dma_start3A_8 : memref<2602496x32xf32, #tpu.memory_space<hbm>>) target(%arg8 : memref<128x32xf32, #tpu.memory_space<vmem>>) offsets(%dma_start3A_5 : memref<128xi32, #tpu.memory_space<vmem>>) semaphore(%arg16 : memref<!tpu.dma_semaphore, #tpu.memory_space<semaphore_mem>>)
    %dma_start3A_9 = arith.constant 1 : i32
    %dma_start3A_10 = arith.constant 0 : i32
    %dma_start3A_11 = tpu.memref_slice %arg6[%dma_start3A_9, %dma_start3A_10] : memref<104x128xi32, #tpu.memory_space<vmem>> -> memref<1x128xi32, #tpu.memory_space<vmem>>
    %dma_start3A_12 = tpu.memref_squeeze %dma_start3A_11 : memref<1x128xi32, #tpu.memory_space<vmem>> -> memref<128xi32, #tpu.memory_space<vmem>>
    %dma_start3A_13 = arith.constant 0 : i32
    %dma_start3A_14 = arith.constant 0 : i32
    %dma_start3A_15 = tpu.memref_slice %arg4[%dma_start3A_13, %dma_start3A_14] : memref<2602496x32xf32, #tpu.memory_space<hbm>> -> memref<2602496x32xf32, #tpu.memory_space<hbm>>
    tpu.enqueue_indirect_dma source(%dma_start3A_15 : memref<2602496x32xf32, #tpu.memory_space<hbm>>) target(%arg9 : memref<128x32xf32, #tpu.memory_space<vmem>>) offsets(%dma_start3A_12 : memref<128xi32, #tpu.memory_space<vmem>>) semaphore(%arg16 : memref<!tpu.dma_semaphore, #tpu.memory_space<semaphore_mem>>)
    %dma_start3A_16 = arith.constant 2 : i32
    %dma_start3A_17 = arith.constant 0 : i32
    %dma_start3A_18 = tpu.memref_slice %arg6[%dma_start3A_16, %dma_start3A_17] : memref<104x128xi32, #tpu.memory_space<vmem>> -> memref<1x128xi32, #tpu.memory_space<vmem>>
    %dma_start3A_19 = tpu.memref_squeeze %dma_start3A_18 : memref<1x128xi32, #tpu.memory_space<vmem>> -> memref<128xi32, #tpu.memory_space<vmem>>
    %dma_start3A_20 = arith.constant 0 : i32
    %dma_start3A_21 = arith.constant 0 : i32
    %dma_start3A_22 = tpu.memref_slice %arg4[%dma_start3A_20, %dma_start3A_21] : memref<2602496x32xf32, #tpu.memory_space<hbm>> -> memref<2602496x32xf32, #tpu.memory_space<hbm>>
    tpu.enqueue_indirect_dma source(%dma_start3A_22 : memref<2602496x32xf32, #tpu.memory_space<hbm>>) target(%arg10 : memref<128x32xf32, #tpu.memory_space<vmem>>) offsets(%dma_start3A_19 : memref<128xi32, #tpu.memory_space<vmem>>) semaphore(%arg16 : memref<!tpu.dma_semaphore, #tpu.memory_space<semaphore_mem>>)
    %dma_start3A_23 = arith.constant 3 : i32
    %dma_start3A_24 = arith.constant 0 : i32
    %dma_start3A_25 = tpu.memref_slice %arg6[%dma_start3A_23, %dma_start3A_24] : memref<104x128xi32, #tpu.memory_space<vmem>> -> memref<1x128xi32, #tpu.memory_space<vmem>>
    %dma_start3A_26 = tpu.memref_squeeze %dma_start3A_25 : memref<1x128xi32, #tpu.memory_space<vmem>> -> memref<128xi32, #tpu.memory_space<vmem>>
    %dma_start3A_27 = arith.constant 0 : i32
    %dma_start3A_28 = arith.constant 0 : i32
    %dma_start3A_29 = tpu.memref_slice %arg4[%dma_start3A_27, %dma_start3A_28] : memref<2602496x32xf32, #tpu.memory_space<hbm>> -> memref<2602496x32xf32, #tpu.memory_space<hbm>>
    tpu.enqueue_indirect_dma source(%dma_start3A_29 : memref<2602496x32xf32, #tpu.memory_space<hbm>>) target(%arg11 : memref<128x32xf32, #tpu.memory_space<vmem>>) offsets(%dma_start3A_26 : memref<128xi32, #tpu.memory_space<vmem>>) semaphore(%arg16 : memref<!tpu.dma_semaphore, #tpu.memory_space<semaphore_mem>>)
    %scan3A = arith.constant 0 : i32
    %scan3A_30 = arith.constant 0 : i32
    %scan3A_31 = arith.constant 13 : i32
    %scan3A_32 = arith.addi %scan3A_30, %scan3A_31 : i32
    %scan3A_33 = arith.constant 1 : i32
    %scan3A_34 = scf.for %scan3A_63 = %scan3A_30 to %scan3A_32 step %scan3A_33 iter_args(%scan3A_64 = %scan3A) -> (i32)  : i32 {
      %mul3A_65 = arith.constant 2 : i32
      %mul3A_66 = arith.muli %mul3A_65, %scan3A_63 : i32
      %add3A_67 = arith.constant 1 : i32
      %add3A_68 = arith.addi %mul3A_66, %add3A_67 : i32
      %dma_wait3A_69 = arith.constant 0 : i32
      %dma_wait3A_70 = arith.constant 0 : i32
      %dma_wait3A_71 = tpu.memref_slice %arg6[%dma_wait3A_69, %dma_wait3A_70] : memref<104x128xi32, #tpu.memory_space<vmem>> -> memref<1x128xi32, #tpu.memory_space<vmem>>
      %dma_wait3A_72 = tpu.memref_squeeze %dma_wait3A_71 : memref<1x128xi32, #tpu.memory_space<vmem>> -> memref<128xi32, #tpu.memory_space<vmem>>
      %dma_wait3A_73 = arith.constant 0 : i32
      %dma_wait3A_74 = arith.constant 0 : i32
      %dma_wait3A_75 = tpu.memref_slice %arg4[%dma_wait3A_73, %dma_wait3A_74] : memref<2602496x32xf32, #tpu.memory_space<hbm>> -> memref<2602496x32xf32, #tpu.memory_space<hbm>>
      tpu.wait_indirect_dma semaphore(%arg16 : memref<!tpu.dma_semaphore, #tpu.memory_space<semaphore_mem>>) src(%dma_wait3A_75 : memref<2602496x32xf32, #tpu.memory_space<hbm>>) dst(%arg8 : memref<128x32xf32, #tpu.memory_space<vmem>>)
      %dma_wait3A_76 = arith.constant 0 : i32
      %dma_wait3A_77 = arith.constant 0 : i32
      %dma_wait3A_78 = tpu.memref_slice %arg6[%dma_wait3A_76, %dma_wait3A_77] : memref<104x128xi32, #tpu.memory_space<vmem>> -> memref<1x128xi32, #tpu.memory_space<vmem>>
      %dma_wait3A_79 = tpu.memref_squeeze %dma_wait3A_78 : memref<1x128xi32, #tpu.memory_space<vmem>> -> memref<128xi32, #tpu.memory_space<vmem>>
      %dma_wait3A_80 = arith.constant 0 : i32
      %dma_wait3A_81 = arith.constant 0 : i32
      %dma_wait3A_82 = tpu.memref_slice %arg4[%dma_wait3A_80, %dma_wait3A_81] : memref<2602496x32xf32, #tpu.memory_space<hbm>> -> memref<2602496x32xf32, #tpu.memory_space<hbm>>
      tpu.wait_indirect_dma semaphore(%arg16 : memref<!tpu.dma_semaphore, #tpu.memory_space<semaphore_mem>>) src(%dma_wait3A_82 : memref<2602496x32xf32, #tpu.memory_space<hbm>>) dst(%arg9 : memref<128x32xf32, #tpu.memory_space<vmem>>)
      %dma_wait3A_83 = arith.constant 0 : i32
      %dma_wait3A_84 = arith.constant 0 : i32
      %dma_wait3A_85 = tpu.memref_slice %arg6[%dma_wait3A_83, %dma_wait3A_84] : memref<104x128xi32, #tpu.memory_space<vmem>> -> memref<1x128xi32, #tpu.memory_space<vmem>>
      %dma_wait3A_86 = tpu.memref_squeeze %dma_wait3A_85 : memref<1x128xi32, #tpu.memory_space<vmem>> -> memref<128xi32, #tpu.memory_space<vmem>>
      %dma_wait3A_87 = arith.constant 0 : i32
      %dma_wait3A_88 = arith.constant 0 : i32
      %dma_wait3A_89 = tpu.memref_slice %arg4[%dma_wait3A_87, %dma_wait3A_88] : memref<2602496x32xf32, #tpu.memory_space<hbm>> -> memref<2602496x32xf32, #tpu.memory_space<hbm>>
      tpu.wait_indirect_dma semaphore(%arg16 : memref<!tpu.dma_semaphore, #tpu.memory_space<semaphore_mem>>) src(%dma_wait3A_89 : memref<2602496x32xf32, #tpu.memory_space<hbm>>) dst(%arg10 : memref<128x32xf32, #tpu.memory_space<vmem>>)
      %dma_wait3A_90 = arith.constant 0 : i32
      %dma_wait3A_91 = arith.constant 0 : i32
      %dma_wait3A_92 = tpu.memref_slice %arg6[%dma_wait3A_90, %dma_wait3A_91] : memref<104x128xi32, #tpu.memory_space<vmem>> -> memref<1x128xi32, #tpu.memory_space<vmem>>
      %dma_wait3A_93 = tpu.memref_squeeze %dma_wait3A_92 : memref<1x128xi32, #tpu.memory_space<vmem>> -> memref<128xi32, #tpu.memory_space<vmem>>
      %dma_wait3A_94 = arith.constant 0 : i32
      %dma_wait3A_95 = arith.constant 0 : i32
      %dma_wait3A_96 = tpu.memref_slice %arg4[%dma_wait3A_94, %dma_wait3A_95] : memref<2602496x32xf32, #tpu.memory_space<hbm>> -> memref<2602496x32xf32, #tpu.memory_space<hbm>>
      tpu.wait_indirect_dma semaphore(%arg16 : memref<!tpu.dma_semaphore, #tpu.memory_space<semaphore_mem>>) src(%dma_wait3A_96 : memref<2602496x32xf32, #tpu.memory_space<hbm>>) dst(%arg11 : memref<128x32xf32, #tpu.memory_space<vmem>>)
      %gt3A = arith.constant 0 : i32
      %gt3A_97 = arith.cmpi sgt, %scan3A_63, %gt3A : i32
      %convert_element_type3A = arith.extui %gt3A_97 : i1 to i32
      %cond3A = arith.constant 0 : i32
      %cond3A_98 = arith.cmpi ne, %convert_element_type3A, %cond3A : i32
      scf.if %cond3A_98 {
        %dma_wait3A_280 = arith.constant 0 : i32
        %dma_wait3A_281 = arith.constant 0 : i32
        %dma_wait3A_282 = tpu.memref_slice %arg6[%dma_wait3A_280, %dma_wait3A_281] : memref<104x128xi32, #tpu.memory_space<vmem>> -> memref<1x128xi32, #tpu.memory_space<vmem>>
        %dma_wait3A_283 = tpu.memref_squeeze %dma_wait3A_282 : memref<1x128xi32, #tpu.memory_space<vmem>> -> memref<128xi32, #tpu.memory_space<vmem>>
        %dma_wait3A_284 = arith.constant 0 : i32
        %dma_wait3A_285 = arith.constant 0 : i32
        %dma_wait3A_286 = tpu.memref_slice %arg4[%dma_wait3A_284, %dma_wait3A_285] : memref<2602496x32xf32, #tpu.memory_space<hbm>> -> memref<2602496x32xf32, #tpu.memory_space<hbm>>
        tpu.wait_indirect_dma semaphore(%arg17 : memref<!tpu.dma_semaphore, #tpu.memory_space<semaphore_mem>>) src(%dma_wait3A_286 : memref<2602496x32xf32, #tpu.memory_space<hbm>>) dst(%arg12 : memref<128x32xf32, #tpu.memory_space<vmem>>)
        %dma_wait3A_287 = arith.constant 0 : i32
        %dma_wait3A_288 = arith.constant 0 : i32
        %dma_wait3A_289 = tpu.memref_slice %arg6[%dma_wait3A_287, %dma_wait3A_288] : memref<104x128xi32, #tpu.memory_space<vmem>> -> memref<1x128xi32, #tpu.memory_space<vmem>>
        %dma_wait3A_290 = tpu.memref_squeeze %dma_wait3A_289 : memref<1x128xi32, #tpu.memory_space<vmem>> -> memref<128xi32, #tpu.memory_space<vmem>>
        %dma_wait3A_291 = arith.constant 0 : i32
        %dma_wait3A_292 = arith.constant 0 : i32
        %dma_wait3A_293 = tpu.memref_slice %arg4[%dma_wait3A_291, %dma_wait3A_292] : memref<2602496x32xf32, #tpu.memory_space<hbm>> -> memref<2602496x32xf32, #tpu.memory_space<hbm>>
        tpu.wait_indirect_dma semaphore(%arg17 : memref<!tpu.dma_semaphore, #tpu.memory_space<semaphore_mem>>) src(%dma_wait3A_293 : memref<2602496x32xf32, #tpu.memory_space<hbm>>) dst(%arg13 : memref<128x32xf32, #tpu.memory_space<vmem>>)
        %dma_wait3A_294 = arith.constant 0 : i32
        %dma_wait3A_295 = arith.constant 0 : i32
        %dma_wait3A_296 = tpu.memref_slice %arg6[%dma_wait3A_294, %dma_wait3A_295] : memref<104x128xi32, #tpu.memory_space<vmem>> -> memref<1x128xi32, #tpu.memory_space<vmem>>
        %dma_wait3A_297 = tpu.memref_squeeze %dma_wait3A_296 : memref<1x128xi32, #tpu.memory_space<vmem>> -> memref<128xi32, #tpu.memory_space<vmem>>
        %dma_wait3A_298 = arith.constant 0 : i32
        %dma_wait3A_299 = arith.constant 0 : i32
        %dma_wait3A_300 = tpu.memref_slice %arg4[%dma_wait3A_298, %dma_wait3A_299] : memref<2602496x32xf32, #tpu.memory_space<hbm>> -> memref<2602496x32xf32, #tpu.memory_space<hbm>>
        tpu.wait_indirect_dma semaphore(%arg17 : memref<!tpu.dma_semaphore, #tpu.memory_space<semaphore_mem>>) src(%dma_wait3A_300 : memref<2602496x32xf32, #tpu.memory_space<hbm>>) dst(%arg14 : memref<128x32xf32, #tpu.memory_space<vmem>>)
        %dma_wait3A_301 = arith.constant 0 : i32
        %dma_wait3A_302 = arith.constant 0 : i32
        %dma_wait3A_303 = tpu.memref_slice %arg6[%dma_wait3A_301, %dma_wait3A_302] : memref<104x128xi32, #tpu.memory_space<vmem>> -> memref<1x128xi32, #tpu.memory_space<vmem>>
        %dma_wait3A_304 = tpu.memref_squeeze %dma_wait3A_303 : memref<1x128xi32, #tpu.memory_space<vmem>> -> memref<128xi32, #tpu.memory_space<vmem>>
        %dma_wait3A_305 = arith.constant 0 : i32
        %dma_wait3A_306 = arith.constant 0 : i32
        %dma_wait3A_307 = tpu.memref_slice %arg4[%dma_wait3A_305, %dma_wait3A_306] : memref<2602496x32xf32, #tpu.memory_space<hbm>> -> memref<2602496x32xf32, #tpu.memory_space<hbm>>
        tpu.wait_indirect_dma semaphore(%arg17 : memref<!tpu.dma_semaphore, #tpu.memory_space<semaphore_mem>>) src(%dma_wait3A_307 : memref<2602496x32xf32, #tpu.memory_space<hbm>>) dst(%arg15 : memref<128x32xf32, #tpu.memory_space<vmem>>)
      } else {
      }
      %mul3A_99 = arith.constant 4 : i32
      %mul3A_100 = arith.muli %add3A_68, %mul3A_99 : i32
      %add3A_101 = arith.constant 0 : i32
      %add3A_102 = arith.addi %mul3A_100, %add3A_101 : i32
      %dma_start3A_103 = arith.constant 0 : i32
      %dma_start3A_104 = tpu.memref_slice %arg6[%add3A_102, %dma_start3A_103] : memref<104x128xi32, #tpu.memory_space<vmem>> -> memref<1x128xi32, #tpu.memory_space<vmem>>
      %dma_start3A_105 = tpu.memref_squeeze %dma_start3A_104 : memref<1x128xi32, #tpu.memory_space<vmem>> -> memref<128xi32, #tpu.memory_space<vmem>>
      %dma_start3A_106 = arith.constant 0 : i32
      %dma_start3A_107 = arith.constant 0 : i32
      %dma_start3A_108 = tpu.memref_slice %arg4[%dma_start3A_106, %dma_start3A_107] : memref<2602496x32xf32, #tpu.memory_space<hbm>> -> memref<2602496x32xf32, #tpu.memory_space<hbm>>
      tpu.enqueue_indirect_dma source(%dma_start3A_108 : memref<2602496x32xf32, #tpu.memory_space<hbm>>) target(%arg12 : memref<128x32xf32, #tpu.memory_space<vmem>>) offsets(%dma_start3A_105 : memref<128xi32, #tpu.memory_space<vmem>>) semaphore(%arg16 : memref<!tpu.dma_semaphore, #tpu.memory_space<semaphore_mem>>)
      %mul3A_109 = arith.constant 4 : i32
      %mul3A_110 = arith.muli %add3A_68, %mul3A_109 : i32
      %add3A_111 = arith.constant 1 : i32
      %add3A_112 = arith.addi %mul3A_110, %add3A_111 : i32
      %dma_start3A_113 = arith.constant 0 : i32
      %dma_start3A_114 = tpu.memref_slice %arg6[%add3A_112, %dma_start3A_113] : memref<104x128xi32, #tpu.memory_space<vmem>> -> memref<1x128xi32, #tpu.memory_space<vmem>>
      %dma_start3A_115 = tpu.memref_squeeze %dma_start3A_114 : memref<1x128xi32, #tpu.memory_space<vmem>> -> memref<128xi32, #tpu.memory_space<vmem>>
      %dma_start3A_116 = arith.constant 0 : i32
      %dma_start3A_117 = arith.constant 0 : i32
      %dma_start3A_118 = tpu.memref_slice %arg4[%dma_start3A_116, %dma_start3A_117] : memref<2602496x32xf32, #tpu.memory_space<hbm>> -> memref<2602496x32xf32, #tpu.memory_space<hbm>>
      tpu.enqueue_indirect_dma source(%dma_start3A_118 : memref<2602496x32xf32, #tpu.memory_space<hbm>>) target(%arg13 : memref<128x32xf32, #tpu.memory_space<vmem>>) offsets(%dma_start3A_115 : memref<128xi32, #tpu.memory_space<vmem>>) semaphore(%arg16 : memref<!tpu.dma_semaphore, #tpu.memory_space<semaphore_mem>>)
      %mul3A_119 = arith.constant 4 : i32
      %mul3A_120 = arith.muli %add3A_68, %mul3A_119 : i32
      %add3A_121 = arith.constant 2 : i32
      %add3A_122 = arith.addi %mul3A_120, %add3A_121 : i32
      %dma_start3A_123 = arith.constant 0 : i32
      %dma_start3A_124 = tpu.memref_slice %arg6[%add3A_122, %dma_start3A_123] : memref<104x128xi32, #tpu.memory_space<vmem>> -> memref<1x128xi32, #tpu.memory_space<vmem>>
      %dma_start3A_125 = tpu.memref_squeeze %dma_start3A_124 : memref<1x128xi32, #tpu.memory_space<vmem>> -> memref<128xi32, #tpu.memory_space<vmem>>
      %dma_start3A_126 = arith.constant 0 : i32
      %dma_start3A_127 = arith.constant 0 : i32
      %dma_start3A_128 = tpu.memref_slice %arg4[%dma_start3A_126, %dma_start3A_127] : memref<2602496x32xf32, #tpu.memory_space<hbm>> -> memref<2602496x32xf32, #tpu.memory_space<hbm>>
      tpu.enqueue_indirect_dma source(%dma_start3A_128 : memref<2602496x32xf32, #tpu.memory_space<hbm>>) target(%arg14 : memref<128x32xf32, #tpu.memory_space<vmem>>) offsets(%dma_start3A_125 : memref<128xi32, #tpu.memory_space<vmem>>) semaphore(%arg16 : memref<!tpu.dma_semaphore, #tpu.memory_space<semaphore_mem>>)
      %mul3A_129 = arith.constant 4 : i32
      %mul3A_130 = arith.muli %add3A_68, %mul3A_129 : i32
      %add3A_131 = arith.constant 3 : i32
      %add3A_132 = arith.addi %mul3A_130, %add3A_131 : i32
      %dma_start3A_133 = arith.constant 0 : i32
      %dma_start3A_134 = tpu.memref_slice %arg6[%add3A_132, %dma_start3A_133] : memref<104x128xi32, #tpu.memory_space<vmem>> -> memref<1x128xi32, #tpu.memory_space<vmem>>
      %dma_start3A_135 = tpu.memref_squeeze %dma_start3A_134 : memref<1x128xi32, #tpu.memory_space<vmem>> -> memref<128xi32, #tpu.memory_space<vmem>>
      %dma_start3A_136 = arith.constant 0 : i32
      %dma_start3A_137 = arith.constant 0 : i32
      %dma_start3A_138 = tpu.memref_slice %arg4[%dma_start3A_136, %dma_start3A_137] : memref<2602496x32xf32, #tpu.memory_space<hbm>> -> memref<2602496x32xf32, #tpu.memory_space<hbm>>
      tpu.enqueue_indirect_dma source(%dma_start3A_138 : memref<2602496x32xf32, #tpu.memory_space<hbm>>) target(%arg15 : memref<128x32xf32, #tpu.memory_space<vmem>>) offsets(%dma_start3A_135 : memref<128xi32, #tpu.memory_space<vmem>>) semaphore(%arg16 : memref<!tpu.dma_semaphore, #tpu.memory_space<semaphore_mem>>)
      %mul3A_139 = arith.constant 4 : i32
      %mul3A_140 = arith.muli %mul3A_66, %mul3A_139 : i32
      %add3A_141 = arith.constant 0 : i32
      %add3A_142 = arith.addi %mul3A_140, %add3A_141 : i32
      %dma_start3A_143 = arith.constant 0 : i32
      %dma_start3A_144 = tpu.memref_slice %arg7[%add3A_142, %dma_start3A_143] : memref<104x128xi32, #tpu.memory_space<vmem>> -> memref<1x128xi32, #tpu.memory_space<vmem>>
      %dma_start3A_145 = tpu.memref_squeeze %dma_start3A_144 : memref<1x128xi32, #tpu.memory_space<vmem>> -> memref<128xi32, #tpu.memory_space<vmem>>
      %dma_start3A_146 = arith.constant 0 : i32
      %dma_start3A_147 = arith.constant 0 : i32
      %dma_start3A_148 = tpu.memref_slice %arg5[%dma_start3A_146, %dma_start3A_147] : memref<458752x32xf32, #tpu.memory_space<hbm>> -> memref<458752x32xf32, #tpu.memory_space<hbm>>
      tpu.enqueue_indirect_dma source(%arg8 : memref<128x32xf32, #tpu.memory_space<vmem>>) target(%dma_start3A_148 : memref<458752x32xf32, #tpu.memory_space<hbm>>) offsets(%dma_start3A_145 : memref<128xi32, #tpu.memory_space<vmem>>) semaphore(%arg17 : memref<!tpu.dma_semaphore, #tpu.memory_space<semaphore_mem>>)
      %mul3A_149 = arith.constant 4 : i32
      %mul3A_150 = arith.muli %mul3A_66, %mul3A_149 : i32
      %add3A_151 = arith.constant 1 : i32
      %add3A_152 = arith.addi %mul3A_150, %add3A_151 : i32
      %dma_start3A_153 = arith.constant 0 : i32
      %dma_start3A_154 = tpu.memref_slice %arg7[%add3A_152, %dma_start3A_153] : memref<104x128xi32, #tpu.memory_space<vmem>> -> memref<1x128xi32, #tpu.memory_space<vmem>>
      %dma_start3A_155 = tpu.memref_squeeze %dma_start3A_154 : memref<1x128xi32, #tpu.memory_space<vmem>> -> memref<128xi32, #tpu.memory_space<vmem>>
      %dma_start3A_156 = arith.constant 0 : i32
      %dma_start3A_157 = arith.constant 0 : i32
      %dma_start3A_158 = tpu.memref_slice %arg5[%dma_start3A_156, %dma_start3A_157] : memref<458752x32xf32, #tpu.memory_space<hbm>> -> memref<458752x32xf32, #tpu.memory_space<hbm>>
      tpu.enqueue_indirect_dma source(%arg9 : memref<128x32xf32, #tpu.memory_space<vmem>>) target(%dma_start3A_158 : memref<458752x32xf32, #tpu.memory_space<hbm>>) offsets(%dma_start3A_155 : memref<128xi32, #tpu.memory_space<vmem>>) semaphore(%arg17 : memref<!tpu.dma_semaphore, #tpu.memory_space<semaphore_mem>>)
      %mul3A_159 = arith.constant 4 : i32
      %mul3A_160 = arith.muli %mul3A_66, %mul3A_159 : i32
      %add3A_161 = arith.constant 2 : i32
      %add3A_162 = arith.addi %mul3A_160, %add3A_161 : i32
      %dma_start3A_163 = arith.constant 0 : i32
      %dma_start3A_164 = tpu.memref_slice %arg7[%add3A_162, %dma_start3A_163] : memref<104x128xi32, #tpu.memory_space<vmem>> -> memref<1x128xi32, #tpu.memory_space<vmem>>
      %dma_start3A_165 = tpu.memref_squeeze %dma_start3A_164 : memref<1x128xi32, #tpu.memory_space<vmem>> -> memref<128xi32, #tpu.memory_space<vmem>>
      %dma_start3A_166 = arith.constant 0 : i32
      %dma_start3A_167 = arith.constant 0 : i32
      %dma_start3A_168 = tpu.memref_slice %arg5[%dma_start3A_166, %dma_start3A_167] : memref<458752x32xf32, #tpu.memory_space<hbm>> -> memref<458752x32xf32, #tpu.memory_space<hbm>>
      tpu.enqueue_indirect_dma source(%arg10 : memref<128x32xf32, #tpu.memory_space<vmem>>) target(%dma_start3A_168 : memref<458752x32xf32, #tpu.memory_space<hbm>>) offsets(%dma_start3A_165 : memref<128xi32, #tpu.memory_space<vmem>>) semaphore(%arg17 : memref<!tpu.dma_semaphore, #tpu.memory_space<semaphore_mem>>)
      %mul3A_169 = arith.constant 4 : i32
      %mul3A_170 = arith.muli %mul3A_66, %mul3A_169 : i32
      %add3A_171 = arith.constant 3 : i32
      %add3A_172 = arith.addi %mul3A_170, %add3A_171 : i32
      %dma_start3A_173 = arith.constant 0 : i32
      %dma_start3A_174 = tpu.memref_slice %arg7[%add3A_172, %dma_start3A_173] : memref<104x128xi32, #tpu.memory_space<vmem>> -> memref<1x128xi32, #tpu.memory_space<vmem>>
      %dma_start3A_175 = tpu.memref_squeeze %dma_start3A_174 : memref<1x128xi32, #tpu.memory_space<vmem>> -> memref<128xi32, #tpu.memory_space<vmem>>
      %dma_start3A_176 = arith.constant 0 : i32
      %dma_start3A_177 = arith.constant 0 : i32
      %dma_start3A_178 = tpu.memref_slice %arg5[%dma_start3A_176, %dma_start3A_177] : memref<458752x32xf32, #tpu.memory_space<hbm>> -> memref<458752x32xf32, #tpu.memory_space<hbm>>
      tpu.enqueue_indirect_dma source(%arg11 : memref<128x32xf32, #tpu.memory_space<vmem>>) target(%dma_start3A_178 : memref<458752x32xf32, #tpu.memory_space<hbm>>) offsets(%dma_start3A_175 : memref<128xi32, #tpu.memory_space<vmem>>) semaphore(%arg17 : memref<!tpu.dma_semaphore, #tpu.memory_space<semaphore_mem>>)
      %dma_wait3A_179 = arith.constant 0 : i32
      %dma_wait3A_180 = arith.constant 0 : i32
      %dma_wait3A_181 = tpu.memref_slice %arg6[%dma_wait3A_179, %dma_wait3A_180] : memref<104x128xi32, #tpu.memory_space<vmem>> -> memref<1x128xi32, #tpu.memory_space<vmem>>
      %dma_wait3A_182 = tpu.memref_squeeze %dma_wait3A_181 : memref<1x128xi32, #tpu.memory_space<vmem>> -> memref<128xi32, #tpu.memory_space<vmem>>
      %dma_wait3A_183 = arith.constant 0 : i32
      %dma_wait3A_184 = arith.constant 0 : i32
      %dma_wait3A_185 = tpu.memref_slice %arg4[%dma_wait3A_183, %dma_wait3A_184] : memref<2602496x32xf32, #tpu.memory_space<hbm>> -> memref<2602496x32xf32, #tpu.memory_space<hbm>>
      tpu.wait_indirect_dma semaphore(%arg16 : memref<!tpu.dma_semaphore, #tpu.memory_space<semaphore_mem>>) src(%dma_wait3A_185 : memref<2602496x32xf32, #tpu.memory_space<hbm>>) dst(%arg12 : memref<128x32xf32, #tpu.memory_space<vmem>>)
      %dma_wait3A_186 = arith.constant 0 : i32
      %dma_wait3A_187 = arith.constant 0 : i32
      %dma_wait3A_188 = tpu.memref_slice %arg6[%dma_wait3A_186, %dma_wait3A_187] : memref<104x128xi32, #tpu.memory_space<vmem>> -> memref<1x128xi32, #tpu.memory_space<vmem>>
      %dma_wait3A_189 = tpu.memref_squeeze %dma_wait3A_188 : memref<1x128xi32, #tpu.memory_space<vmem>> -> memref<128xi32, #tpu.memory_space<vmem>>
      %dma_wait3A_190 = arith.constant 0 : i32
      %dma_wait3A_191 = arith.constant 0 : i32
      %dma_wait3A_192 = tpu.memref_slice %arg4[%dma_wait3A_190, %dma_wait3A_191] : memref<2602496x32xf32, #tpu.memory_space<hbm>> -> memref<2602496x32xf32, #tpu.memory_space<hbm>>
      tpu.wait_indirect_dma semaphore(%arg16 : memref<!tpu.dma_semaphore, #tpu.memory_space<semaphore_mem>>) src(%dma_wait3A_192 : memref<2602496x32xf32, #tpu.memory_space<hbm>>) dst(%arg13 : memref<128x32xf32, #tpu.memory_space<vmem>>)
      %dma_wait3A_193 = arith.constant 0 : i32
      %dma_wait3A_194 = arith.constant 0 : i32
      %dma_wait3A_195 = tpu.memref_slice %arg6[%dma_wait3A_193, %dma_wait3A_194] : memref<104x128xi32, #tpu.memory_space<vmem>> -> memref<1x128xi32, #tpu.memory_space<vmem>>
      %dma_wait3A_196 = tpu.memref_squeeze %dma_wait3A_195 : memref<1x128xi32, #tpu.memory_space<vmem>> -> memref<128xi32, #tpu.memory_space<vmem>>
      %dma_wait3A_197 = arith.constant 0 : i32
      %dma_wait3A_198 = arith.constant 0 : i32
      %dma_wait3A_199 = tpu.memref_slice %arg4[%dma_wait3A_197, %dma_wait3A_198] : memref<2602496x32xf32, #tpu.memory_space<hbm>> -> memref<2602496x32xf32, #tpu.memory_space<hbm>>
      tpu.wait_indirect_dma semaphore(%arg16 : memref<!tpu.dma_semaphore, #tpu.memory_space<semaphore_mem>>) src(%dma_wait3A_199 : memref<2602496x32xf32, #tpu.memory_space<hbm>>) dst(%arg14 : memref<128x32xf32, #tpu.memory_space<vmem>>)
      %dma_wait3A_200 = arith.constant 0 : i32
      %dma_wait3A_201 = arith.constant 0 : i32
      %dma_wait3A_202 = tpu.memref_slice %arg6[%dma_wait3A_200, %dma_wait3A_201] : memref<104x128xi32, #tpu.memory_space<vmem>> -> memref<1x128xi32, #tpu.memory_space<vmem>>
      %dma_wait3A_203 = tpu.memref_squeeze %dma_wait3A_202 : memref<1x128xi32, #tpu.memory_space<vmem>> -> memref<128xi32, #tpu.memory_space<vmem>>
      %dma_wait3A_204 = arith.constant 0 : i32
      %dma_wait3A_205 = arith.constant 0 : i32
      %dma_wait3A_206 = tpu.memref_slice %arg4[%dma_wait3A_204, %dma_wait3A_205] : memref<2602496x32xf32, #tpu.memory_space<hbm>> -> memref<2602496x32xf32, #tpu.memory_space<hbm>>
      tpu.wait_indirect_dma semaphore(%arg16 : memref<!tpu.dma_semaphore, #tpu.memory_space<semaphore_mem>>) src(%dma_wait3A_206 : memref<2602496x32xf32, #tpu.memory_space<hbm>>) dst(%arg15 : memref<128x32xf32, #tpu.memory_space<vmem>>)
      %dma_wait3A_207 = arith.constant 0 : i32
      %dma_wait3A_208 = arith.constant 0 : i32
      %dma_wait3A_209 = tpu.memref_slice %arg6[%dma_wait3A_207, %dma_wait3A_208] : memref<104x128xi32, #tpu.memory_space<vmem>> -> memref<1x128xi32, #tpu.memory_space<vmem>>
      %dma_wait3A_210 = tpu.memref_squeeze %dma_wait3A_209 : memref<1x128xi32, #tpu.memory_space<vmem>> -> memref<128xi32, #tpu.memory_space<vmem>>
      %dma_wait3A_211 = arith.constant 0 : i32
      %dma_wait3A_212 = arith.constant 0 : i32
      %dma_wait3A_213 = tpu.memref_slice %arg4[%dma_wait3A_211, %dma_wait3A_212] : memref<2602496x32xf32, #tpu.memory_space<hbm>> -> memref<2602496x32xf32, #tpu.memory_space<hbm>>
      tpu.wait_indirect_dma semaphore(%arg17 : memref<!tpu.dma_semaphore, #tpu.memory_space<semaphore_mem>>) src(%dma_wait3A_213 : memref<2602496x32xf32, #tpu.memory_space<hbm>>) dst(%arg8 : memref<128x32xf32, #tpu.memory_space<vmem>>)
      %dma_wait3A_214 = arith.constant 0 : i32
      %dma_wait3A_215 = arith.constant 0 : i32
      %dma_wait3A_216 = tpu.memref_slice %arg6[%dma_wait3A_214, %dma_wait3A_215] : memref<104x128xi32, #tpu.memory_space<vmem>> -> memref<1x128xi32, #tpu.memory_space<vmem>>
      %dma_wait3A_217 = tpu.memref_squeeze %dma_wait3A_216 : memref<1x128xi32, #tpu.memory_space<vmem>> -> memref<128xi32, #tpu.memory_space<vmem>>
      %dma_wait3A_218 = arith.constant 0 : i32
      %dma_wait3A_219 = arith.constant 0 : i32
      %dma_wait3A_220 = tpu.memref_slice %arg4[%dma_wait3A_218, %dma_wait3A_219] : memref<2602496x32xf32, #tpu.memory_space<hbm>> -> memref<2602496x32xf32, #tpu.memory_space<hbm>>
      tpu.wait_indirect_dma semaphore(%arg17 : memref<!tpu.dma_semaphore, #tpu.memory_space<semaphore_mem>>) src(%dma_wait3A_220 : memref<2602496x32xf32, #tpu.memory_space<hbm>>) dst(%arg9 : memref<128x32xf32, #tpu.memory_space<vmem>>)
      %dma_wait3A_221 = arith.constant 0 : i32
      %dma_wait3A_222 = arith.constant 0 : i32
      %dma_wait3A_223 = tpu.memref_slice %arg6[%dma_wait3A_221, %dma_wait3A_222] : memref<104x128xi32, #tpu.memory_space<vmem>> -> memref<1x128xi32, #tpu.memory_space<vmem>>
      %dma_wait3A_224 = tpu.memref_squeeze %dma_wait3A_223 : memref<1x128xi32, #tpu.memory_space<vmem>> -> memref<128xi32, #tpu.memory_space<vmem>>
      %dma_wait3A_225 = arith.constant 0 : i32
      %dma_wait3A_226 = arith.constant 0 : i32
      %dma_wait3A_227 = tpu.memref_slice %arg4[%dma_wait3A_225, %dma_wait3A_226] : memref<2602496x32xf32, #tpu.memory_space<hbm>> -> memref<2602496x32xf32, #tpu.memory_space<hbm>>
      tpu.wait_indirect_dma semaphore(%arg17 : memref<!tpu.dma_semaphore, #tpu.memory_space<semaphore_mem>>) src(%dma_wait3A_227 : memref<2602496x32xf32, #tpu.memory_space<hbm>>) dst(%arg10 : memref<128x32xf32, #tpu.memory_space<vmem>>)
      %dma_wait3A_228 = arith.constant 0 : i32
      %dma_wait3A_229 = arith.constant 0 : i32
      %dma_wait3A_230 = tpu.memref_slice %arg6[%dma_wait3A_228, %dma_wait3A_229] : memref<104x128xi32, #tpu.memory_space<vmem>> -> memref<1x128xi32, #tpu.memory_space<vmem>>
      %dma_wait3A_231 = tpu.memref_squeeze %dma_wait3A_230 : memref<1x128xi32, #tpu.memory_space<vmem>> -> memref<128xi32, #tpu.memory_space<vmem>>
      %dma_wait3A_232 = arith.constant 0 : i32
      %dma_wait3A_233 = arith.constant 0 : i32
      %dma_wait3A_234 = tpu.memref_slice %arg4[%dma_wait3A_232, %dma_wait3A_233] : memref<2602496x32xf32, #tpu.memory_space<hbm>> -> memref<2602496x32xf32, #tpu.memory_space<hbm>>
      tpu.wait_indirect_dma semaphore(%arg17 : memref<!tpu.dma_semaphore, #tpu.memory_space<semaphore_mem>>) src(%dma_wait3A_234 : memref<2602496x32xf32, #tpu.memory_space<hbm>>) dst(%arg11 : memref<128x32xf32, #tpu.memory_space<vmem>>)
      %lt3A = arith.constant 12 : i32
      %lt3A_235 = arith.cmpi slt, %scan3A_63, %lt3A : i32
      %convert_element_type3A_236 = arith.extui %lt3A_235 : i1 to i32
      %cond3A_237 = arith.constant 0 : i32
      %cond3A_238 = arith.cmpi ne, %convert_element_type3A_236, %cond3A_237 : i32
      scf.if %cond3A_238 {
        %add3A_280 = arith.constant 1 : i32
        %add3A_281 = arith.addi %add3A_68, %add3A_280 : i32
        %mul3A_282 = arith.constant 4 : i32
        %mul3A_283 = arith.muli %add3A_281, %mul3A_282 : i32
        %add3A_284 = arith.constant 0 : i32
        %add3A_285 = arith.addi %mul3A_283, %add3A_284 : i32
        %dma_start3A_286 = arith.constant 0 : i32
        %dma_start3A_287 = tpu.memref_slice %arg6[%add3A_285, %dma_start3A_286] : memref<104x128xi32, #tpu.memory_space<vmem>> -> memref<1x128xi32, #tpu.memory_space<vmem>>
        %dma_start3A_288 = tpu.memref_squeeze %dma_start3A_287 : memref<1x128xi32, #tpu.memory_space<vmem>> -> memref<128xi32, #tpu.memory_space<vmem>>
        %dma_start3A_289 = arith.constant 0 : i32
        %dma_start3A_290 = arith.constant 0 : i32
        %dma_start3A_291 = tpu.memref_slice %arg4[%dma_start3A_289, %dma_start3A_290] : memref<2602496x32xf32, #tpu.memory_space<hbm>> -> memref<2602496x32xf32, #tpu.memory_space<hbm>>
        tpu.enqueue_indirect_dma source(%dma_start3A_291 : memref<2602496x32xf32, #tpu.memory_space<hbm>>) target(%arg8 : memref<128x32xf32, #tpu.memory_space<vmem>>) offsets(%dma_start3A_288 : memref<128xi32, #tpu.memory_space<vmem>>) semaphore(%arg16 : memref<!tpu.dma_semaphore, #tpu.memory_space<semaphore_mem>>)
        %add3A_292 = arith.constant 1 : i32
        %add3A_293 = arith.addi %add3A_68, %add3A_292 : i32
        %mul3A_294 = arith.constant 4 : i32
        %mul3A_295 = arith.muli %add3A_293, %mul3A_294 : i32
        %add3A_296 = arith.constant 1 : i32
        %add3A_297 = arith.addi %mul3A_295, %add3A_296 : i32
        %dma_start3A_298 = arith.constant 0 : i32
        %dma_start3A_299 = tpu.memref_slice %arg6[%add3A_297, %dma_start3A_298] : memref<104x128xi32, #tpu.memory_space<vmem>> -> memref<1x128xi32, #tpu.memory_space<vmem>>
        %dma_start3A_300 = tpu.memref_squeeze %dma_start3A_299 : memref<1x128xi32, #tpu.memory_space<vmem>> -> memref<128xi32, #tpu.memory_space<vmem>>
        %dma_start3A_301 = arith.constant 0 : i32
        %dma_start3A_302 = arith.constant 0 : i32
        %dma_start3A_303 = tpu.memref_slice %arg4[%dma_start3A_301, %dma_start3A_302] : memref<2602496x32xf32, #tpu.memory_space<hbm>> -> memref<2602496x32xf32, #tpu.memory_space<hbm>>
        tpu.enqueue_indirect_dma source(%dma_start3A_303 : memref<2602496x32xf32, #tpu.memory_space<hbm>>) target(%arg9 : memref<128x32xf32, #tpu.memory_space<vmem>>) offsets(%dma_start3A_300 : memref<128xi32, #tpu.memory_space<vmem>>) semaphore(%arg16 : memref<!tpu.dma_semaphore, #tpu.memory_space<semaphore_mem>>)
        %add3A_304 = arith.constant 1 : i32
        %add3A_305 = arith.addi %add3A_68, %add3A_304 : i32
        %mul3A_306 = arith.constant 4 : i32
        %mul3A_307 = arith.muli %add3A_305, %mul3A_306 : i32
        %add3A_308 = arith.constant 2 : i32
        %add3A_309 = arith.addi %mul3A_307, %add3A_308 : i32
        %dma_start3A_310 = arith.constant 0 : i32
        %dma_start3A_311 = tpu.memref_slice %arg6[%add3A_309, %dma_start3A_310] : memref<104x128xi32, #tpu.memory_space<vmem>> -> memref<1x128xi32, #tpu.memory_space<vmem>>
        %dma_start3A_312 = tpu.memref_squeeze %dma_start3A_311 : memref<1x128xi32, #tpu.memory_space<vmem>> -> memref<128xi32, #tpu.memory_space<vmem>>
        %dma_start3A_313 = arith.constant 0 : i32
        %dma_start3A_314 = arith.constant 0 : i32
        %dma_start3A_315 = tpu.memref_slice %arg4[%dma_start3A_313, %dma_start3A_314] : memref<2602496x32xf32, #tpu.memory_space<hbm>> -> memref<2602496x32xf32, #tpu.memory_space<hbm>>
        tpu.enqueue_indirect_dma source(%dma_start3A_315 : memref<2602496x32xf32, #tpu.memory_space<hbm>>) target(%arg10 : memref<128x32xf32, #tpu.memory_space<vmem>>) offsets(%dma_start3A_312 : memref<128xi32, #tpu.memory_space<vmem>>) semaphore(%arg16 : memref<!tpu.dma_semaphore, #tpu.memory_space<semaphore_mem>>)
        %add3A_316 = arith.constant 1 : i32
        %add3A_317 = arith.addi %add3A_68, %add3A_316 : i32
        %mul3A_318 = arith.constant 4 : i32
        %mul3A_319 = arith.muli %add3A_317, %mul3A_318 : i32
        %add3A_320 = arith.constant 3 : i32
        %add3A_321 = arith.addi %mul3A_319, %add3A_320 : i32
        %dma_start3A_322 = arith.constant 0 : i32
        %dma_start3A_323 = tpu.memref_slice %arg6[%add3A_321, %dma_start3A_322] : memref<104x128xi32, #tpu.memory_space<vmem>> -> memref<1x128xi32, #tpu.memory_space<vmem>>
        %dma_start3A_324 = tpu.memref_squeeze %dma_start3A_323 : memref<1x128xi32, #tpu.memory_space<vmem>> -> memref<128xi32, #tpu.memory_space<vmem>>
        %dma_start3A_325 = arith.constant 0 : i32
        %dma_start3A_326 = arith.constant 0 : i32
        %dma_start3A_327 = tpu.memref_slice %arg4[%dma_start3A_325, %dma_start3A_326] : memref<2602496x32xf32, #tpu.memory_space<hbm>> -> memref<2602496x32xf32, #tpu.memory_space<hbm>>
        tpu.enqueue_indirect_dma source(%dma_start3A_327 : memref<2602496x32xf32, #tpu.memory_space<hbm>>) target(%arg11 : memref<128x32xf32, #tpu.memory_space<vmem>>) offsets(%dma_start3A_324 : memref<128xi32, #tpu.memory_space<vmem>>) semaphore(%arg16 : memref<!tpu.dma_semaphore, #tpu.memory_space<semaphore_mem>>)
      } else {
      }
      %mul3A_239 = arith.constant 4 : i32
      %mul3A_240 = arith.muli %add3A_68, %mul3A_239 : i32
      %add3A_241 = arith.constant 0 : i32
      %add3A_242 = arith.addi %mul3A_240, %add3A_241 : i32
      %dma_start3A_243 = arith.constant 0 : i32
      %dma_start3A_244 = tpu.memref_slice %arg7[%add3A_242, %dma_start3A_243] : memref<104x128xi32, #tpu.memory_space<vmem>> -> memref<1x128xi32, #tpu.memory_space<vmem>>
      %dma_start3A_245 = tpu.memref_squeeze %dma_start3A_244 : memref<1x128xi32, #tpu.memory_space<vmem>> -> memref<128xi32, #tpu.memory_space<vmem>>
      %dma_start3A_246 = arith.constant 0 : i32
      %dma_start3A_247 = arith.constant 0 : i32
      %dma_start3A_248 = tpu.memref_slice %arg5[%dma_start3A_246, %dma_start3A_247] : memref<458752x32xf32, #tpu.memory_space<hbm>> -> memref<458752x32xf32, #tpu.memory_space<hbm>>
      tpu.enqueue_indirect_dma source(%arg12 : memref<128x32xf32, #tpu.memory_space<vmem>>) target(%dma_start3A_248 : memref<458752x32xf32, #tpu.memory_space<hbm>>) offsets(%dma_start3A_245 : memref<128xi32, #tpu.memory_space<vmem>>) semaphore(%arg17 : memref<!tpu.dma_semaphore, #tpu.memory_space<semaphore_mem>>)
      %mul3A_249 = arith.constant 4 : i32
      %mul3A_250 = arith.muli %add3A_68, %mul3A_249 : i32
      %add3A_251 = arith.constant 1 : i32
      %add3A_252 = arith.addi %mul3A_250, %add3A_251 : i32
      %dma_start3A_253 = arith.constant 0 : i32
      %dma_start3A_254 = tpu.memref_slice %arg7[%add3A_252, %dma_start3A_253] : memref<104x128xi32, #tpu.memory_space<vmem>> -> memref<1x128xi32, #tpu.memory_space<vmem>>
      %dma_start3A_255 = tpu.memref_squeeze %dma_start3A_254 : memref<1x128xi32, #tpu.memory_space<vmem>> -> memref<128xi32, #tpu.memory_space<vmem>>
      %dma_start3A_256 = arith.constant 0 : i32
      %dma_start3A_257 = arith.constant 0 : i32
      %dma_start3A_258 = tpu.memref_slice %arg5[%dma_start3A_256, %dma_start3A_257] : memref<458752x32xf32, #tpu.memory_space<hbm>> -> memref<458752x32xf32, #tpu.memory_space<hbm>>
      tpu.enqueue_indirect_dma source(%arg13 : memref<128x32xf32, #tpu.memory_space<vmem>>) target(%dma_start3A_258 : memref<458752x32xf32, #tpu.memory_space<hbm>>) offsets(%dma_start3A_255 : memref<128xi32, #tpu.memory_space<vmem>>) semaphore(%arg17 : memref<!tpu.dma_semaphore, #tpu.memory_space<semaphore_mem>>)
      %mul3A_259 = arith.constant 4 : i32
      %mul3A_260 = arith.muli %add3A_68, %mul3A_259 : i32
      %add3A_261 = arith.constant 2 : i32
      %add3A_262 = arith.addi %mul3A_260, %add3A_261 : i32
      %dma_start3A_263 = arith.constant 0 : i32
      %dma_start3A_264 = tpu.memref_slice %arg7[%add3A_262, %dma_start3A_263] : memref<104x128xi32, #tpu.memory_space<vmem>> -> memref<1x128xi32, #tpu.memory_space<vmem>>
      %dma_start3A_265 = tpu.memref_squeeze %dma_start3A_264 : memref<1x128xi32, #tpu.memory_space<vmem>> -> memref<128xi32, #tpu.memory_space<vmem>>
      %dma_start3A_266 = arith.constant 0 : i32
      %dma_start3A_267 = arith.constant 0 : i32
      %dma_start3A_268 = tpu.memref_slice %arg5[%dma_start3A_266, %dma_start3A_267] : memref<458752x32xf32, #tpu.memory_space<hbm>> -> memref<458752x32xf32, #tpu.memory_space<hbm>>
      tpu.enqueue_indirect_dma source(%arg14 : memref<128x32xf32, #tpu.memory_space<vmem>>) target(%dma_start3A_268 : memref<458752x32xf32, #tpu.memory_space<hbm>>) offsets(%dma_start3A_265 : memref<128xi32, #tpu.memory_space<vmem>>) semaphore(%arg17 : memref<!tpu.dma_semaphore, #tpu.memory_space<semaphore_mem>>)
      %mul3A_269 = arith.constant 4 : i32
      %mul3A_270 = arith.muli %add3A_68, %mul3A_269 : i32
      %add3A_271 = arith.constant 3 : i32
      %add3A_272 = arith.addi %mul3A_270, %add3A_271 : i32
      %dma_start3A_273 = arith.constant 0 : i32
      %dma_start3A_274 = tpu.memref_slice %arg7[%add3A_272, %dma_start3A_273] : memref<104x128xi32, #tpu.memory_space<vmem>> -> memref<1x128xi32, #tpu.memory_space<vmem>>
      %dma_start3A_275 = tpu.memref_squeeze %dma_start3A_274 : memref<1x128xi32, #tpu.memory_space<vmem>> -> memref<128xi32, #tpu.memory_space<vmem>>
      %dma_start3A_276 = arith.constant 0 : i32
      %dma_start3A_277 = arith.constant 0 : i32
      %dma_start3A_278 = tpu.memref_slice %arg5[%dma_start3A_276, %dma_start3A_277] : memref<458752x32xf32, #tpu.memory_space<hbm>> -> memref<458752x32xf32, #tpu.memory_space<hbm>>
      tpu.enqueue_indirect_dma source(%arg15 : memref<128x32xf32, #tpu.memory_space<vmem>>) target(%dma_start3A_278 : memref<458752x32xf32, #tpu.memory_space<hbm>>) offsets(%dma_start3A_275 : memref<128xi32, #tpu.memory_space<vmem>>) semaphore(%arg17 : memref<!tpu.dma_semaphore, #tpu.memory_space<semaphore_mem>>)
      %scan3A_279 = arith.constant 0 : i32
      scf.yield %scan3A_279 : i32
    }
    %scan3A_35 = arith.constant 13 : i32
    %dma_wait3A = arith.constant 0 : i32
    %dma_wait3A_36 = arith.constant 0 : i32
    %dma_wait3A_37 = tpu.memref_slice %arg6[%dma_wait3A, %dma_wait3A_36] : memref<104x128xi32, #tpu.memory_space<vmem>> -> memref<1x128xi32, #tpu.memory_space<vmem>>
    %dma_wait3A_38 = tpu.memref_squeeze %dma_wait3A_37 : memref<1x128xi32, #tpu.memory_space<vmem>> -> memref<128xi32, #tpu.memory_space<vmem>>
    %dma_wait3A_39 = arith.constant 0 : i32
    %dma_wait3A_40 = arith.constant 0 : i32
    %dma_wait3A_41 = tpu.memref_slice %arg4[%dma_wait3A_39, %dma_wait3A_40] : memref<2602496x32xf32, #tpu.memory_space<hbm>> -> memref<2602496x32xf32, #tpu.memory_space<hbm>>
    tpu.wait_indirect_dma semaphore(%arg17 : memref<!tpu.dma_semaphore, #tpu.memory_space<semaphore_mem>>) src(%dma_wait3A_41 : memref<2602496x32xf32, #tpu.memory_space<hbm>>) dst(%arg12 : memref<128x32xf32, #tpu.memory_space<vmem>>)
    %dma_wait3A_42 = arith.constant 0 : i32
    %dma_wait3A_43 = arith.constant 0 : i32
    %dma_wait3A_44 = tpu.memref_slice %arg6[%dma_wait3A_42, %dma_wait3A_43] : memref<104x128xi32, #tpu.memory_space<vmem>> -> memref<1x128xi32, #tpu.memory_space<vmem>>
    %dma_wait3A_45 = tpu.memref_squeeze %dma_wait3A_44 : memref<1x128xi32, #tpu.memory_space<vmem>> -> memref<128xi32, #tpu.memory_space<vmem>>
    %dma_wait3A_46 = arith.constant 0 : i32
    %dma_wait3A_47 = arith.constant 0 : i32
    %dma_wait3A_48 = tpu.memref_slice %arg4[%dma_wait3A_46, %dma_wait3A_47] : memref<2602496x32xf32, #tpu.memory_space<hbm>> -> memref<2602496x32xf32, #tpu.memory_space<hbm>>
    tpu.wait_indirect_dma semaphore(%arg17 : memref<!tpu.dma_semaphore, #tpu.memory_space<semaphore_mem>>) src(%dma_wait3A_48 : memref<2602496x32xf32, #tpu.memory_space<hbm>>) dst(%arg13 : memref<128x32xf32, #tpu.memory_space<vmem>>)
    %dma_wait3A_49 = arith.constant 0 : i32
    %dma_wait3A_50 = arith.constant 0 : i32
    %dma_wait3A_51 = tpu.memref_slice %arg6[%dma_wait3A_49, %dma_wait3A_50] : memref<104x128xi32, #tpu.memory_space<vmem>> -> memref<1x128xi32, #tpu.memory_space<vmem>>
    %dma_wait3A_52 = tpu.memref_squeeze %dma_wait3A_51 : memref<1x128xi32, #tpu.memory_space<vmem>> -> memref<128xi32, #tpu.memory_space<vmem>>
    %dma_wait3A_53 = arith.constant 0 : i32
    %dma_wait3A_54 = arith.constant 0 : i32
    %dma_wait3A_55 = tpu.memref_slice %arg4[%dma_wait3A_53, %dma_wait3A_54] : memref<2602496x32xf32, #tpu.memory_space<hbm>> -> memref<2602496x32xf32, #tpu.memory_space<hbm>>
    tpu.wait_indirect_dma semaphore(%arg17 : memref<!tpu.dma_semaphore, #tpu.memory_space<semaphore_mem>>) src(%dma_wait3A_55 : memref<2602496x32xf32, #tpu.memory_space<hbm>>) dst(%arg14 : memref<128x32xf32, #tpu.memory_space<vmem>>)
    %dma_wait3A_56 = arith.constant 0 : i32
    %dma_wait3A_57 = arith.constant 0 : i32
    %dma_wait3A_58 = tpu.memref_slice %arg6[%dma_wait3A_56, %dma_wait3A_57] : memref<104x128xi32, #tpu.memory_space<vmem>> -> memref<1x128xi32, #tpu.memory_space<vmem>>
    %dma_wait3A_59 = tpu.memref_squeeze %dma_wait3A_58 : memref<1x128xi32, #tpu.memory_space<vmem>> -> memref<128xi32, #tpu.memory_space<vmem>>
    %dma_wait3A_60 = arith.constant 0 : i32
    %dma_wait3A_61 = arith.constant 0 : i32
    %dma_wait3A_62 = tpu.memref_slice %arg4[%dma_wait3A_60, %dma_wait3A_61] : memref<2602496x32xf32, #tpu.memory_space<hbm>> -> memref<2602496x32xf32, #tpu.memory_space<hbm>>
    tpu.wait_indirect_dma semaphore(%arg17 : memref<!tpu.dma_semaphore, #tpu.memory_space<semaphore_mem>>) src(%dma_wait3A_62 : memref<2602496x32xf32, #tpu.memory_space<hbm>>) dst(%arg15 : memref<128x32xf32, #tpu.memory_space<vmem>>)
    return
  }
}

module attributes {stable_mosaic.version = 14 : i64} {
  func.func @_mlp_body(%arg0: i32, %arg1: memref<128x7x8x128xf32, #tpu.memory_space<vmem>>, %arg2: memref<7x128x128xf32, #tpu.memory_space<vmem>>, %arg3: memref<1x128xf32, #tpu.memory_space<vmem>>, %arg4: memref<128x128xf32, #tpu.memory_space<vmem>>, %arg5: memref<1x128xf32, #tpu.memory_space<vmem>>, %arg6: memref<128x128xf32, #tpu.memory_space<vmem>>, %arg7: memref<1x128xf32, #tpu.memory_space<vmem>>, %arg8: memref<1024x128xf32, #tpu.memory_space<vmem>>) attributes {dimension_semantics = [#tpu.dimension_semantics<arbitrary>], iteration_bounds = array<i64: 16>, scalar_prefetch = 0 : i64, scratch_operands = 0 : i64, tpu.core_type = #tpu.core_type<tc>, window_params = [{transform_indices = @transform_0, window_bounds = array<i64: 128, 7, 8, 128>}, {pipeline_mode = #tpu.pipeline_mode<synchronous>, transform_indices = @transform_1, window_bounds = array<i64: 7, 128, 128>}, {pipeline_mode = #tpu.pipeline_mode<synchronous>, transform_indices = @transform_2, window_bounds = array<i64: 1, 128>}, {pipeline_mode = #tpu.pipeline_mode<synchronous>, transform_indices = @transform_3, window_bounds = array<i64: 128, 128>}, {pipeline_mode = #tpu.pipeline_mode<synchronous>, transform_indices = @transform_4, window_bounds = array<i64: 1, 128>}, {pipeline_mode = #tpu.pipeline_mode<synchronous>, transform_indices = @transform_5, window_bounds = array<i64: 128, 128>}, {pipeline_mode = #tpu.pipeline_mode<synchronous>, transform_indices = @transform_6, window_bounds = array<i64: 1, 128>}, {transform_indices = @transform_7, window_bounds = array<i64: 1024, 128>}]} {
    %iota3A = tpu.iota {dimensions = array<i32: 1>} : vector<1024x128xi32>
    %get3A = arith.constant 0 : index
    %get3A_0 = arith.constant 0 : index
    %get3A_1 = vector.load %arg3[%get3A, %get3A_0] : memref<1x128xf32, #tpu.memory_space<vmem>>, vector<1x128xf32>
    %get3A_2 = arith.constant 0 : index
    %get3A_3 = arith.constant 0 : index
    %get3A_4 = arith.constant 0 : index
    %get3A_5 = arith.constant 0 : index
    %get3A_6 = vector.load %arg1[%get3A_2, %get3A_3, %get3A_4, %get3A_5] : memref<128x7x8x128xf32, #tpu.memory_space<vmem>>, vector<128x1x8x128xf32>
    %get3A_7 = vector.shape_cast %get3A_6 : vector<128x1x8x128xf32> to vector<128x8x128xf32>
    %reshape3A = vector.shape_cast %get3A_7 : vector<128x8x128xf32> to vector<1024x128xf32>
    %get3A_8 = arith.constant 0 : index
    %get3A_9 = arith.constant 0 : index
    %get3A_10 = arith.constant 0 : index
    %get3A_11 = vector.load %arg2[%get3A_8, %get3A_9, %get3A_10] : memref<7x128x128xf32, #tpu.memory_space<vmem>>, vector<1x128x128xf32>
    %get3A_12 = vector.shape_cast %get3A_11 : vector<1x128x128xf32> to vector<128x128xf32>
    %dot_general3A = arith.constant dense<0.000000e+00> : vector<1024x128xf32>
    %dot_general3A_13 = tpu.matmul %reshape3A, %get3A_12, %dot_general3A {dimension_numbers = #tpu.dot_dimension_numbers<[1], [0], [0], [1], [0, 0, 1, 1], [], []>, transpose_lhs_hint = false} : vector<1024x128xf32>, vector<128x128xf32>, vector<1024x128xf32> -> vector<1024x128xf32>
    %add3A = vector.broadcast %get3A_1 : vector<1x128xf32> to vector<1024x128xf32>
    %add3A_14 = arith.addf %add3A, %dot_general3A_13 : vector<1024x128xf32>
    %get3A_15 = arith.constant 0 : index
    %get3A_16 = arith.constant 1 : index
    %get3A_17 = arith.constant 0 : index
    %get3A_18 = arith.constant 0 : index
    %get3A_19 = vector.load %arg1[%get3A_15, %get3A_16, %get3A_17, %get3A_18] : memref<128x7x8x128xf32, #tpu.memory_space<vmem>>, vector<128x1x8x128xf32>
    %get3A_20 = vector.shape_cast %get3A_19 : vector<128x1x8x128xf32> to vector<128x8x128xf32>
    %reshape3A_21 = vector.shape_cast %get3A_20 : vector<128x8x128xf32> to vector<1024x128xf32>
    %get3A_22 = arith.constant 1 : index
    %get3A_23 = arith.constant 0 : index
    %get3A_24 = arith.constant 0 : index
    %get3A_25 = vector.load %arg2[%get3A_22, %get3A_23, %get3A_24] : memref<7x128x128xf32, #tpu.memory_space<vmem>>, vector<1x128x128xf32>
    %get3A_26 = vector.shape_cast %get3A_25 : vector<1x128x128xf32> to vector<128x128xf32>
    %dot_general3A_27 = arith.constant dense<0.000000e+00> : vector<1024x128xf32>
    %dot_general3A_28 = tpu.matmul %reshape3A_21, %get3A_26, %dot_general3A_27 {dimension_numbers = #tpu.dot_dimension_numbers<[1], [0], [0], [1], [0, 0, 1, 1], [], []>, transpose_lhs_hint = false} : vector<1024x128xf32>, vector<128x128xf32>, vector<1024x128xf32> -> vector<1024x128xf32>
    %add3A_29 = arith.addf %add3A_14, %dot_general3A_28 : vector<1024x128xf32>
    %get3A_30 = arith.constant 0 : index
    %get3A_31 = arith.constant 2 : index
    %get3A_32 = arith.constant 0 : index
    %get3A_33 = arith.constant 0 : index
    %get3A_34 = vector.load %arg1[%get3A_30, %get3A_31, %get3A_32, %get3A_33] : memref<128x7x8x128xf32, #tpu.memory_space<vmem>>, vector<128x1x8x128xf32>
    %get3A_35 = vector.shape_cast %get3A_34 : vector<128x1x8x128xf32> to vector<128x8x128xf32>
    %reshape3A_36 = vector.shape_cast %get3A_35 : vector<128x8x128xf32> to vector<1024x128xf32>
    %get3A_37 = arith.constant 2 : index
    %get3A_38 = arith.constant 0 : index
    %get3A_39 = arith.constant 0 : index
    %get3A_40 = vector.load %arg2[%get3A_37, %get3A_38, %get3A_39] : memref<7x128x128xf32, #tpu.memory_space<vmem>>, vector<1x128x128xf32>
    %get3A_41 = vector.shape_cast %get3A_40 : vector<1x128x128xf32> to vector<128x128xf32>
    %dot_general3A_42 = arith.constant dense<0.000000e+00> : vector<1024x128xf32>
    %dot_general3A_43 = tpu.matmul %reshape3A_36, %get3A_41, %dot_general3A_42 {dimension_numbers = #tpu.dot_dimension_numbers<[1], [0], [0], [1], [0, 0, 1, 1], [], []>, transpose_lhs_hint = false} : vector<1024x128xf32>, vector<128x128xf32>, vector<1024x128xf32> -> vector<1024x128xf32>
    %add3A_44 = arith.addf %add3A_29, %dot_general3A_43 : vector<1024x128xf32>
    %get3A_45 = arith.constant 0 : index
    %get3A_46 = arith.constant 3 : index
    %get3A_47 = arith.constant 0 : index
    %get3A_48 = arith.constant 0 : index
    %get3A_49 = vector.load %arg1[%get3A_45, %get3A_46, %get3A_47, %get3A_48] : memref<128x7x8x128xf32, #tpu.memory_space<vmem>>, vector<128x1x8x128xf32>
    %get3A_50 = vector.shape_cast %get3A_49 : vector<128x1x8x128xf32> to vector<128x8x128xf32>
    %reshape3A_51 = vector.shape_cast %get3A_50 : vector<128x8x128xf32> to vector<1024x128xf32>
    %get3A_52 = arith.constant 3 : index
    %get3A_53 = arith.constant 0 : index
    %get3A_54 = arith.constant 0 : index
    %get3A_55 = vector.load %arg2[%get3A_52, %get3A_53, %get3A_54] : memref<7x128x128xf32, #tpu.memory_space<vmem>>, vector<1x128x128xf32>
    %get3A_56 = vector.shape_cast %get3A_55 : vector<1x128x128xf32> to vector<128x128xf32>
    %dot_general3A_57 = arith.constant dense<0.000000e+00> : vector<1024x128xf32>
    %dot_general3A_58 = tpu.matmul %reshape3A_51, %get3A_56, %dot_general3A_57 {dimension_numbers = #tpu.dot_dimension_numbers<[1], [0], [0], [1], [0, 0, 1, 1], [], []>, transpose_lhs_hint = false} : vector<1024x128xf32>, vector<128x128xf32>, vector<1024x128xf32> -> vector<1024x128xf32>
    %add3A_59 = arith.addf %add3A_44, %dot_general3A_58 : vector<1024x128xf32>
    %get3A_60 = arith.constant 0 : index
    %get3A_61 = arith.constant 4 : index
    %get3A_62 = arith.constant 0 : index
    %get3A_63 = arith.constant 0 : index
    %get3A_64 = vector.load %arg1[%get3A_60, %get3A_61, %get3A_62, %get3A_63] : memref<128x7x8x128xf32, #tpu.memory_space<vmem>>, vector<128x1x8x128xf32>
    %get3A_65 = vector.shape_cast %get3A_64 : vector<128x1x8x128xf32> to vector<128x8x128xf32>
    %reshape3A_66 = vector.shape_cast %get3A_65 : vector<128x8x128xf32> to vector<1024x128xf32>
    %get3A_67 = arith.constant 4 : index
    %get3A_68 = arith.constant 0 : index
    %get3A_69 = arith.constant 0 : index
    %get3A_70 = vector.load %arg2[%get3A_67, %get3A_68, %get3A_69] : memref<7x128x128xf32, #tpu.memory_space<vmem>>, vector<1x128x128xf32>
    %get3A_71 = vector.shape_cast %get3A_70 : vector<1x128x128xf32> to vector<128x128xf32>
    %dot_general3A_72 = arith.constant dense<0.000000e+00> : vector<1024x128xf32>
    %dot_general3A_73 = tpu.matmul %reshape3A_66, %get3A_71, %dot_general3A_72 {dimension_numbers = #tpu.dot_dimension_numbers<[1], [0], [0], [1], [0, 0, 1, 1], [], []>, transpose_lhs_hint = false} : vector<1024x128xf32>, vector<128x128xf32>, vector<1024x128xf32> -> vector<1024x128xf32>
    %add3A_74 = arith.addf %add3A_59, %dot_general3A_73 : vector<1024x128xf32>
    %get3A_75 = arith.constant 0 : index
    %get3A_76 = arith.constant 5 : index
    %get3A_77 = arith.constant 0 : index
    %get3A_78 = arith.constant 0 : index
    %get3A_79 = vector.load %arg1[%get3A_75, %get3A_76, %get3A_77, %get3A_78] : memref<128x7x8x128xf32, #tpu.memory_space<vmem>>, vector<128x1x8x128xf32>
    %get3A_80 = vector.shape_cast %get3A_79 : vector<128x1x8x128xf32> to vector<128x8x128xf32>
    %reshape3A_81 = vector.shape_cast %get3A_80 : vector<128x8x128xf32> to vector<1024x128xf32>
    %get3A_82 = arith.constant 5 : index
    %get3A_83 = arith.constant 0 : index
    %get3A_84 = arith.constant 0 : index
    %get3A_85 = vector.load %arg2[%get3A_82, %get3A_83, %get3A_84] : memref<7x128x128xf32, #tpu.memory_space<vmem>>, vector<1x128x128xf32>
    %get3A_86 = vector.shape_cast %get3A_85 : vector<1x128x128xf32> to vector<128x128xf32>
    %dot_general3A_87 = arith.constant dense<0.000000e+00> : vector<1024x128xf32>
    %dot_general3A_88 = tpu.matmul %reshape3A_81, %get3A_86, %dot_general3A_87 {dimension_numbers = #tpu.dot_dimension_numbers<[1], [0], [0], [1], [0, 0, 1, 1], [], []>, transpose_lhs_hint = false} : vector<1024x128xf32>, vector<128x128xf32>, vector<1024x128xf32> -> vector<1024x128xf32>
    %add3A_89 = arith.addf %add3A_74, %dot_general3A_88 : vector<1024x128xf32>
    %get3A_90 = arith.constant 0 : index
    %get3A_91 = arith.constant 6 : index
    %get3A_92 = arith.constant 0 : index
    %get3A_93 = arith.constant 0 : index
    %get3A_94 = vector.load %arg1[%get3A_90, %get3A_91, %get3A_92, %get3A_93] : memref<128x7x8x128xf32, #tpu.memory_space<vmem>>, vector<128x1x8x128xf32>
    %get3A_95 = vector.shape_cast %get3A_94 : vector<128x1x8x128xf32> to vector<128x8x128xf32>
    %reshape3A_96 = vector.shape_cast %get3A_95 : vector<128x8x128xf32> to vector<1024x128xf32>
    %lt3A = arith.constant 64 : i32
    %lt3A_97 = vector.broadcast %lt3A : i32 to vector<1024x128xi32>
    %lt3A_98 = arith.cmpi slt, %iota3A, %lt3A_97 : vector<1024x128xi32>
    %jit3A = arith.constant 0.000000e+00 : f32
    %broadcast_in_dim3A = vector.broadcast %jit3A : f32 to vector<1024x128xf32>
    %select_n3A = arith.select %lt3A_98, %reshape3A_96, %broadcast_in_dim3A : vector<1024x128xi1>, vector<1024x128xf32>
    %get3A_99 = arith.constant 6 : index
    %get3A_100 = arith.constant 0 : index
    %get3A_101 = arith.constant 0 : index
    %get3A_102 = vector.load %arg2[%get3A_99, %get3A_100, %get3A_101] : memref<7x128x128xf32, #tpu.memory_space<vmem>>, vector<1x128x128xf32>
    %get3A_103 = vector.shape_cast %get3A_102 : vector<1x128x128xf32> to vector<128x128xf32>
    %dot_general3A_104 = arith.constant dense<0.000000e+00> : vector<1024x128xf32>
    %dot_general3A_105 = tpu.matmul %select_n3A, %get3A_103, %dot_general3A_104 {dimension_numbers = #tpu.dot_dimension_numbers<[1], [0], [0], [1], [0, 0, 1, 1], [], []>, transpose_lhs_hint = false} : vector<1024x128xf32>, vector<128x128xf32>, vector<1024x128xf32> -> vector<1024x128xf32>
    %add3A_106 = arith.addf %add3A_89, %dot_general3A_105 : vector<1024x128xf32>
    %mul3A = arith.constant 5.000000e-01 : f32
    %mul3A_107 = vector.broadcast %mul3A : f32 to vector<1024x128xf32>
    %mul3A_108 = arith.mulf %add3A_106, %mul3A_107 : vector<1024x128xf32>
    %mul3A_109 = arith.constant 0.707106769 : f32
    %mul3A_110 = vector.broadcast %mul3A_109 : f32 to vector<1024x128xf32>
    %mul3A_111 = arith.mulf %add3A_106, %mul3A_110 : vector<1024x128xf32>
    %erf3A = math.erf %mul3A_111 : vector<1024x128xf32>
    %add3A_112 = arith.constant 1.000000e+00 : f32
    %add3A_113 = vector.broadcast %add3A_112 : f32 to vector<1024x128xf32>
    %add3A_114 = arith.addf %add3A_113, %erf3A : vector<1024x128xf32>
    %mul3A_115 = arith.mulf %mul3A_108, %add3A_114 : vector<1024x128xf32>
    %get3A_116 = arith.constant 0 : index
    %get3A_117 = arith.constant 0 : index
    %get3A_118 = vector.load %arg4[%get3A_116, %get3A_117] : memref<128x128xf32, #tpu.memory_space<vmem>>, vector<128x128xf32>
    %dot_general3A_119 = arith.constant dense<0.000000e+00> : vector<1024x128xf32>
    %dot_general3A_120 = tpu.matmul %mul3A_115, %get3A_118, %dot_general3A_119 {dimension_numbers = #tpu.dot_dimension_numbers<[1], [0], [0], [1], [0, 0, 1, 1], [], []>, transpose_lhs_hint = false} : vector<1024x128xf32>, vector<128x128xf32>, vector<1024x128xf32> -> vector<1024x128xf32>
    %get3A_121 = arith.constant 0 : index
    %get3A_122 = arith.constant 0 : index
    %get3A_123 = vector.load %arg5[%get3A_121, %get3A_122] : memref<1x128xf32, #tpu.memory_space<vmem>>, vector<1x128xf32>
    %add3A_124 = vector.broadcast %get3A_123 : vector<1x128xf32> to vector<1024x128xf32>
    %add3A_125 = arith.addf %dot_general3A_120, %add3A_124 : vector<1024x128xf32>
    %mul3A_126 = arith.constant 5.000000e-01 : f32
    %mul3A_127 = vector.broadcast %mul3A_126 : f32 to vector<1024x128xf32>
    %mul3A_128 = arith.mulf %add3A_125, %mul3A_127 : vector<1024x128xf32>
    %mul3A_129 = arith.constant 0.707106769 : f32
    %mul3A_130 = vector.broadcast %mul3A_129 : f32 to vector<1024x128xf32>
    %mul3A_131 = arith.mulf %add3A_125, %mul3A_130 : vector<1024x128xf32>
    %erf3A_132 = math.erf %mul3A_131 : vector<1024x128xf32>
    %add3A_133 = arith.constant 1.000000e+00 : f32
    %add3A_134 = vector.broadcast %add3A_133 : f32 to vector<1024x128xf32>
    %add3A_135 = arith.addf %add3A_134, %erf3A_132 : vector<1024x128xf32>
    %mul3A_136 = arith.mulf %mul3A_128, %add3A_135 : vector<1024x128xf32>
    %get3A_137 = arith.constant 0 : index
    %get3A_138 = arith.constant 0 : index
    %get3A_139 = vector.load %arg6[%get3A_137, %get3A_138] : memref<128x128xf32, #tpu.memory_space<vmem>>, vector<128x128xf32>
    %dot_general3A_140 = arith.constant dense<0.000000e+00> : vector<1024x128xf32>
    %dot_general3A_141 = tpu.matmul %mul3A_136, %get3A_139, %dot_general3A_140 {dimension_numbers = #tpu.dot_dimension_numbers<[1], [0], [0], [1], [0, 0, 1, 1], [], []>, transpose_lhs_hint = false} : vector<1024x128xf32>, vector<128x128xf32>, vector<1024x128xf32> -> vector<1024x128xf32>
    %get3A_142 = arith.constant 0 : index
    %get3A_143 = arith.constant 0 : index
    %get3A_144 = vector.load %arg7[%get3A_142, %get3A_143] : memref<1x128xf32, #tpu.memory_space<vmem>>, vector<1x128xf32>
    %add3A_145 = vector.broadcast %get3A_144 : vector<1x128xf32> to vector<1024x128xf32>
    %add3A_146 = arith.addf %dot_general3A_141, %add3A_145 : vector<1024x128xf32>
    %swap3A = arith.constant 0 : index
    %swap3A_147 = arith.constant 0 : index
    %swap3A_148 = vector.load %arg8[%swap3A, %swap3A_147] : memref<1024x128xf32, #tpu.memory_space<vmem>>, vector<1024x128xf32>
    tpu.vector_store %arg8[%swap3A, %swap3A_147], %add3A_146 {strides = array<i32>} : memref<1024x128xf32, #tpu.memory_space<vmem>>, vector<1024x128xf32>,
    return
  }
  func.func @transform_0(%arg0: i32) -> (i32, i32, i32, i32) {
    %c0_i32 = arith.constant 0 : i32
    %c0_i32_0 = arith.constant 0 : i32
    %c0_i32_1 = arith.constant 0 : i32
    %c0_i32_2 = arith.constant 0 : i32
    return %arg0, %c0_i32, %c0_i32_0, %c0_i32_1 : i32, i32, i32, i32
  }
  func.func @transform_1(%arg0: i32) -> (i32, i32, i32) {
    %c0_i32 = arith.constant 0 : i32
    %c0_i32_0 = arith.constant 0 : i32
    %c0_i32_1 = arith.constant 0 : i32
    %c0_i32_2 = arith.constant 0 : i32
    return %c0_i32, %c0_i32_0, %c0_i32_1 : i32, i32, i32
  }
  func.func @transform_2(%arg0: i32) -> (i32, i32) {
    %c0_i32 = arith.constant 0 : i32
    %c0_i32_0 = arith.constant 0 : i32
    %c0_i32_1 = arith.constant 0 : i32
    return %c0_i32, %c0_i32_0 : i32, i32
  }
  func.func @transform_3(%arg0: i32) -> (i32, i32) {
    %c0_i32 = arith.constant 0 : i32
    %c0_i32_0 = arith.constant 0 : i32
    %c0_i32_1 = arith.constant 0 : i32
    return %c0_i32, %c0_i32_0 : i32, i32
  }
  func.func @transform_4(%arg0: i32) -> (i32, i32) {
    %c0_i32 = arith.constant 0 : i32
    %c0_i32_0 = arith.constant 0 : i32
    %c0_i32_1 = arith.constant 0 : i32
    return %c0_i32, %c0_i32_0 : i32, i32
  }
  func.func @transform_5(%arg0: i32) -> (i32, i32) {
    %c0_i32 = arith.constant 0 : i32
    %c0_i32_0 = arith.constant 0 : i32
    %c0_i32_1 = arith.constant 0 : i32
    return %c0_i32, %c0_i32_0 : i32, i32
  }
  func.func @transform_6(%arg0: i32) -> (i32, i32) {
    %c0_i32 = arith.constant 0 : i32
    %c0_i32_0 = arith.constant 0 : i32
    %c0_i32_1 = arith.constant 0 : i32
    return %c0_i32, %c0_i32_0 : i32, i32
  }
  func.func @transform_7(%arg0: i32) -> (i32, i32) {
    %c0_i32 = arith.constant 0 : i32
    %c0_i32_0 = arith.constant 0 : i32
    return %arg0, %c0_i32 : i32, i32
  }
}

</mosaic_0001>

<sc_bundles>
// kernel: kernel.5.cloned.1.call-start
scs
__scs_entry_jumppad:
0x0: {  	(pc) =	sbr.rel $0x88, $3  }
0x1: {  	(tag) =	ssettag $0x0;
	lr =	simm.s32 $0x1  }
0x2: {  	[smem:$0x3F99] =	sst lr;
	_ =	strace $0xD0000000  }
0x3: {  	_ = 	snop  }
0x4: {  	_ = 	snop  }
0x5: {  	_ = 	snop  }
0x6: {  	_ = 	snop  }
0x7: {  	_ = 	snop  }
__scs_overlays_trampoline_lowered:
0x8: {  	[smem:$0x3FA8] =	sst s0  }
0x9: {  	[smem:$0x3FA9] =	sst s1  }
0xa: {  	[smem:$0x3FAA] =	sst s2  }
0xb: {  	[smem:$0x3FAB] =	sst s3  }
0xc: {  	[smem:$0x3FAC] =	sst s4  }
0xd: {  	[smem:$0x3FAD] =	sst s5  }
0xe: {  	[smem:$0x3FAE] =	sst s6  }
0xf: {  	[smem:$0x3FAF] =	sst s7  }
0x10: {  	[smem:$0x3FB0] =	sst s8  }
0x11: {  	[smem:$0x3FB1] =	sst s9;
	s0 =	simm.s32 @!p0 $0x0  }
0x12: {  	s1 =	sld [smem:$0x3F97];
	s0 =	simm.s32 @p0 $0x1  }
0x13: {  	[smem:$0x3FB2] =	sst s0;
	s0 =	simm.s32 @!p1 $0x0  }
0x14: {  	s2 =	sld [smem:$0x3F96];
	s0 =	simm.s32 @p1 $0x1  }
0x15: {  	[smem:$0x3FB3] =	sst s0;
	s0 =	simm.s32 @!p2 $0x0  }
0x16: {  	s3 =	sld [smem:$0x3FDB];
	s0 =	simm.s32 @p2 $0x1  }
0x17: {  	s4 =	simm.s32 $0x1BF5;
	[smem:$0x3FB5] =	sst s0  }
0x18: {  	s0 =	sld [smem:$0x3F98];
	_ =	swait.ge [sflag:s4], $0x0  }
0x19: {  	s7 =	sld [smem:$0x3F99]  }
0x1a: {  	s8 =	sadd.s32 $0xFFFFE003, lr  }
0x1b: {  	s9 =	sadd.s32 $0xFFFFFEF7, lr;
	s5 =	simm.s32 $0xFFFFFFFF;
	p2 =	slt.u32 s8, $0xFFFFF086  }
0x1c: {  	p1 =	slt.u32 s9, $0xF7A;
	s5 =	simm.s32 @!p2 $0x0  }
0x1d: {  	s5 =	simm.s32 @p1 $0x1;
	p0 =	seq.s32 s7, s2  }
0x1e: {  	s7 =	smul.u32 @!p0 $0xF7A, s2;
	p2 =	seq.s32 @!p0 s5, $0x0  }
0x1f: {  	s9 =	smul.u32 $0xF7A, s1;
	s8 =	simm.s32 @!p0 $0x1BF5;
	p2 =	por !p2, p0  }
0x20: {  	[sflag:s8] =	ssyncset.s32 @!p0 $0xFFFFF086;
	s6 =	sadd.s32 @!p0 s3, s7;
	s7 =	simm.s32 @!p0 $0x108  }
0x21: {  	s3 =	sadd.s32 s3, s9;
	s6 =	sadd.s32 @!p0 $0x88, s6;
	s7 =	simm.s32 @p2 $0x1082  }
0x22: {  	[simem:s7], [sflag:s8] =	dma.local @!p0 [hbm:s6], $0xF7A  }
0x23: {  	s9 =	sor.u32 $0xD0000000, s2;
	s6 =	simm.s32 $0x108;
	_ =	swait.ge @!p0 [sflag:s8], $0x0  }
0x24: {  	s3 =	sadd.s32 $0x88, s3;
	s6 =	simm.s32 @!p1 $0x1082;
	[sflag:s4] =	ssyncset.s32 $0xFFFFF086  }
0x25: {  	[simem:s6], [sflag:s4] =	dma.local [hbm:s3], $0xF7A  }
0x26: {  	[smem:$0x3F99] =	sst s1;
	(tag) =	ssettag s2;
	_ =	strace s9  }
0x27: {  	s1 =	sld [smem:$0x3FA9]  }
0x28: {  	s2 =	sld [smem:$0x3FAA]  }
0x29: {  	s4 =	sld [smem:$0x3FAC]  }
0x2a: {  	p0 =	seq.s32 s5, $0x0;
	s5 =	sld [smem:$0x3FAD]  }
0x2b: {  	s6 =	sld [smem:$0x3FAE]  }
0x2c: {  	s7 =	sld [smem:$0x3FAF]  }
0x2d: {  	s3 =	simm.s32 $0x108;
	s8 =	sld [smem:$0x3FB0]  }
0x2e: {  	s3 =	simm.s32 @!p0 $0x1082;
	s9 =	sld [smem:$0x3FB1]  }
0x2f: {  	lr =	sadd.s32 s0, s3;
	s0 =	sld [smem:$0x3FA8]  }
0x30: {  	s3 =	sld [smem:$0x3FAB]  }
0x31: {  	[smem:$0x3FB4] =	sst s10  }
0x32: {  	s10 =	sld [smem:$0x3FB2];
	_ =	sdelay $0x3  }
0x33: {  	p0 =	seq.s32 s10, $0x1;
	s10 =	sld [smem:$0x3FB4];
	_ =	sdelay $0x3  }
0x34: {  	[smem:$0x3FB4] =	sst s10  }
0x35: {  	s10 =	sld [smem:$0x3FB3];
	_ =	sdelay $0x3  }
0x36: {  	p1 =	seq.s32 s10, $0x1;
	s10 =	sld [smem:$0x3FB4];
	_ =	sdelay $0x3  }
0x37: {  	[smem:$0x3FB4] =	sst s10  }
0x38: {  	s10 =	sld [smem:$0x3FB5]  }
0x39: {  	_ = 	snop;
	(pc) =	sbr.ind lr, $3  }
0x3a: {  	_ = 	snop  }
0x3b: {  	_ = 	snop  }
0x3c: {  	p2 =	seq.s32 s10, $0x1;
	s10 =	sld [smem:$0x3FB4]  }
0x3d: {  	_ =	shalt  }
0x3e: {  	_ =	shalt  }
0x3f: {  	_ =	shalt  }
0x40: {  	_ =	shalt  }
0x41: {  	_ =	shalt  }
0x42: {  	_ =	shalt  }
0x43: {  	_ =	shalt  }
0x44: {  	_ =	shalt  }
0x45: {  	_ =	shalt  }
0x46: {  	_ =	shalt  }
0x47: {  	_ =	shalt  }
0x48: {  	_ =	shalt  }
0x49: {  	_ =	shalt  }
0x4a: {  	_ =	shalt  }
0x4b: {  	_ =	shalt  }
0x4c: {  	_ =	shalt  }
0x4d: {  	_ =	shalt  }
0x4e: {  	_ =	shalt  }
0x4f: {  	_ =	shalt  }
0x50: {  	_ =	shalt  }
0x51: {  	_ =	shalt  }
0x52: {  	_ =	shalt  }
0x53: {  	_ =	shalt  }
0x54: {  	_ =	shalt  }
0x55: {  	_ =	shalt  }
0x56: {  	_ =	shalt  }
0x57: {  	_ =	shalt  }
0x58: {  	_ =	shalt  }
0x59: {  	_ =	shalt  }
0x5a: {  	_ =	shalt  }
0x5b: {  	_ =	shalt  }
0x5c: {  	_ =	shalt  }
0x5d: {  	_ =	shalt  }
0x5e: {  	_ =	shalt  }
0x5f: {  	_ =	shalt  }
0x60: {  	_ =	shalt  }
0x61: {  	_ =	shalt  }
0x62: {  	_ =	shalt  }
0x63: {  	_ =	shalt  }
0x64: {  	_ =	shalt  }
0x65: {  	_ =	shalt  }
0x66: {  	_ =	shalt  }
0x67: {  	_ =	shalt  }
0x68: {  	_ =	shalt  }
0x69: {  	_ =	shalt  }
0x6a: {  	_ =	shalt  }
0x6b: {  	_ =	shalt  }
0x6c: {  	_ =	shalt  }
0x6d: {  	_ =	shalt  }
0x6e: {  	_ =	shalt  }
0x6f: {  	_ =	shalt  }
0x70: {  	_ =	shalt  }
0x71: {  	_ =	shalt  }
0x72: {  	_ =	shalt  }
0x73: {  	_ =	shalt  }
0x74: {  	_ =	shalt  }
0x75: {  	_ =	shalt  }
0x76: {  	_ =	shalt  }
0x77: {  	_ =	shalt  }
0x78: {  	_ =	shalt  }
0x79: {  	_ =	shalt  }
0x7a: {  	_ =	shalt  }
0x7b: {  	_ =	shalt  }
0x7c: {  	_ =	shalt  }
0x7d: {  	_ =	shalt  }
0x7e: {  	_ =	shalt  }
0x7f: {  	_ =	shalt  }
0x80: {  	_ =	shalt  }
0x81: {  	_ =	shalt  }
0x82: {  	_ =	shalt  }
0x83: {  	_ =	shalt  }
0x84: {  	_ =	shalt  }
0x85: {  	_ =	shalt  }
0x86: {  	_ =	shalt  }
0x87: {  	_ =	shalt  }
.Lfunc_end0:
.L_simem_size_0:
called_computation_lowered:
.L_overlay_start_0:
0x88: {  	s2 =	sld [smem:$0x3FD9]  }
0x89: {  	s3 =	sld [smem:$0x3FFE];
	_ =	sdelay $0x1  }
0x8a: {  	s1 =	srdreg.scid  }
0x8b: {  	s0 =	sand.u32 $0x1, s1  }
0x8c: {  	s17 =	sshll.u32 s0, $0xA;
	s2 =	sadd.s32 s3, s2  }
0x8d: {  	s2 =	sadd.s32 s2, s17  }
0x8e: {  	[smem:$0x3FC0] =	sst s2  }
0x8f: {  	_ = 	snop  }
0x90: {  	s2 =	sld [smem:$0x3FC8];
	(tm) =	ssettm $0x1  }
0x91: {  	s18 =	sld [smem:$0x3FFB];
	_ =	sdelay $0x3  }
0x92: {  	_ =	strace s18  }
0x93: {  	s3 =	sld [smem:$0x3FFC];
	_ =	sdelay $0x3  }
0x94: {  	_ =	strace s3  }
0x95: {  	s3 =	sld [smem:$0x3FFD];
	_ =	sdelay $0x3  }
0x96: {  	_ =	strace s3  }
0x97: {  	_ =	strace $0x8FFFFFFF  }
0x98: {  	s19 =	sld [smem:$0x3FDB];
	_ =	sdelay $0x1  }
0x99: {  	s4 =	simm.s32 $_scs_section_size  }
0x9a: {  	s5 =	simm.s32 $_size__tile_overlayer_lowered;
	s6 =	simm.s32 $_tile_overlayer_lowered  }
0x9b: {  	s22 =	simm.s32 $0x1BFF;
	s21 =	sshll.u32 s6, $0x1;
	s3 =	sadd.s32 s4, s19  }
0x9c: {  	s7 =	simm.s32 $0x0;
	s20 =	sshll.u32 s5, $0x1;
	s5 =	sadd.s32 s21, s3  }
0x9d: {  	[timem:s7], [sflag:s22] =	dma.local [hbm:s5], s20  }
0x9e: {  	_ =	swait.ge [sflag:s22], s20  }
0x9f: {  	s4 =	ssub.s32 $0x0, s20;
	[sflag:s22] =	ssyncset.done $0x0  }
0xa0: {  	[sflag:s22] =	ssyncadd.s32 s4;
	_ =	sdelay $0x1  }
0xa1: {  	s23 =	simm.s32 $0x1B8B  }
0xa2: {  	_ =	swait.ge [sflag:s23], $0x1  }
0xa3: {  	[sflag:s23] =	ssyncset.done $0x0  }
0xa4: {  	s25 =	simm.s32 $0x1B8E;
	s24 =	sld [smem:$0x3FFE];
	[sflag:s23] =	ssyncadd.s32 $0xFFFFFFFF  }
0xa5: {  	s26 =	simm.s32 $execute0_lowered;
	[smem:$0x3FD2] =	sst s25  }
0xa6: {  	s5 =	sshll.u32 s26, $0x1;
	_ =	strace $0x80000046;
	[dreg:$0x1] =	wrdreg $0xFFFFFFFF  }
0xa7: {  	s28 =	simm.s32 $_size_execute0_lowered;
	s3 =	sadd.s32 s3, s5;
	[dreg:$0x0] =	wrdreg $0x0  }
0xa8: {  	s5 =	sshll.u32 s28, $0x1;
	[dreg:$0x2] =	wrdreg s3  }
0xa9: {  	[dreg:$0x3] =	wrdreg s5  }
0xaa: {  	[dreg:$0x4] =	wrdreg $0xC0  }
0xab: {  	_ =	task [dreg:s7], $0x5FFFF  }
0xac: {  	[dreg:$0x1] =	wrdreg $0xFFFFFFFF  }
0xad: {  	[dreg:$0x0] =	wrdreg $0x60  }
0xae: {  	[dreg:$0x2] =	wrdreg s2  }
0xaf: {  	[dreg:$0x3] =	wrdreg s24  }
0xb0: {  	[dreg:$0x4] =	wrdreg $0x9  }
0xb1: {  	_ =	task.clear_ibuf [dreg:s7], $0x5FFFF;
	_ =	strace $0x90000046  }
0xb2: {  	s29 =	simm.s32 $0x9;
	_ =	strace $0x80000048  }
0xb3: {  	_ =	swait.ge [sflag:s29], $0x1  }
0xb4: {  	[sflag:s29] =	ssyncadd.s32 $0xFFFFFFFF  }
0xb5: {  	_ =	strace $0x90000048  }
0xb6: {  	_ =	sfence  }
0xb7: {  	s30 =	sld [smem:$0x0];
	_ =	sdelay $0x2  }
0xb8: {  	s31 =	sshll.u32 s1, $0xD;
	s1 =	sshrl.u32 s1, $0x2  }
0xb9: {  	s3 =	sand.u32 $0x4000, s31;
	s1 =	sadd.s32 s1, s30  }
0xba: {  	s0 =	sor.u32 s3, s0;
	s1 =	sshll.u32 s1, $0x11  }
0xbb: {  	s0 =	sor.u32 s1, s0  }
0xbc: {  	s0 =	sadd.s32 $0x8F2B, s0  }
0xbd: {  	[sflag:s0] =	ssyncadd.remote.s32 $0x1  }
0xbe: {  	_ =	sfence.sel $0xFFFF  }
0xbf: {  	[dreg:$0x0] =	wrdreg $0xFFFFFFFF;
	(pc) =	sbr.abs _section_cstart, $3  }
0xc0: {  	[dreg:$0x1] =	wrdreg $0xFFFFFFFF  }
0xc1: {  	_ =	task.clear_ibuf [dreg:s7], $0x2FFFF;
	_ =	strace $0x9FFFFFFF  }
0xc2: {  	(tm) =	ssettm $0x7FFFFFFF  }
0xc3: {  	_ =	shalt  }
tec
execute0_lowered:
.L_overlay_start_1:
0x0: {  	(tag) =	ssettag $0x1  }
0x1: {  	vm14 =	vcmask $0x300;
	v0 =	vimm.s32 $0x1780;
	vm15 =	vcmask $0x704  }
0x2: {  	vm13 =	vcmask $0xB08;
	vm12 =	vcmask $0xF0C;
	vm11 =	vcmask $0x1310  }
0x3: {  	vm10 =	vcmask $0x1714;
	vm9 =	vcmask $0x1B18;
	v0 =	vsel vm14, $0x0, v0  }
0x4: {  	vm8 =	vcmask $0x1F1C;
	vm7 =	vcmask $0x2320;
	v0 =	vsel vm15, $0x80, v0  }
0x5: {  	vm6 =	vcmask $0x2724;
	vm5 =	vcmask $0x2B28;
	v0 =	vsel vm13, $0x100, v0  }
0x6: {  	vm4 =	vcmask $0x2F2C;
	vm3 =	vcmask $0x3330;
	v0 =	vsel vm12, $0x180, v0  }
0x7: {  	vm2 =	vcmask $0x3734;
	v1 =	vimm.s32 $0x0;
	v0 =	vsel vm11, $0x200, v0  }
0x8: {  	vm1 =	vcmask $0x3B38;
	v2 =	vimm.s32 $0x80;
	v0 =	vsel vm10, $0x280, v0  }
0x9: {  	v3 =	vimm.s32 $0x6F4E2D0C;
	vm0 =	vcmask $0x1F10;
	v0 =	vsel vm9, $0x300, v0  }
0xa: {  	v4 =	vimm.s32 $0x63422100;
	v5 =	vimm.s32 $0x67462504;
	v0 =	vsel vm8, $0x380, v0  }
0xb: {  	v6 =	vimm.s32 $0x6C4B2A09;
	v7 =	vimm.s32 $0x604F2E0D;
	v0 =	vsel vm7, $0x1400, v0  }
0xc: {  	v8 =	vimm.s32 $0x64432201;
	v9 =	vimm.s32 $0x68472605;
	v0 =	vsel vm6, $0x1480, v0  }
0xd: {  	v12 =	vimm.s32 $0x6D4C2B0A;
	v13 =	vimm.s32 $0x61402F0E;
	v0 =	vsel vm5, $0x1500, v0  }
0xe: {  	v14 =	vimm.s32 $0x65442302;
	v15 =	vimm.s32 $0x69482706;
	v0 =	vsel vm4, $0x1580, v0  }
0xf: {  	v16 =	vimm.s32 $0x6E4D2C0B;
	v17 =	vimm.s32 $0x6241200F;
	v0 =	vsel vm3, $0x1600, v0  }
0x10: {  	v18 =	vimm.s32 $0x3F80;
	v1 =	vsel vm14, $0x80, v1;
	v0 =	vsel vm2, $0x1680, v0  }
0x11: {  	v25 =	vsel vm1, $0x1700, v0;
	v0 =	vsel vm15, $0x100, v1;
	v1 =	vsel vm14, $0x100, v2  }
0x12: {  	v2 =	vimm.s32 $0x100;
	v0 =	vsel vm13, $0x180, v0;
	v1 =	vsel vm15, $0x180, v1  }
0x13: {  	v2 =	vsel vm14, $0x180, v2;
	v0 =	vsel vm12, $0x200, v0;
	v1 =	vsel vm13, $0x200, v1  }
0x14: {  	v2 =	vsel vm15, $0x200, v2;
	v0 =	vsel vm11, $0x280, v0;
	v1 =	vsel vm12, $0x280, v1  }
0x15: {  	v2 =	vsel vm13, $0x280, v2;
	v0 =	vsel vm10, $0x300, v0;
	v1 =	vsel vm11, $0x300, v1  }
0x16: {  	v2 =	vsel vm12, $0x300, v2;
	v0 =	vsel vm9, $0x380, v0;
	v1 =	vsel vm10, $0x380, v1  }
0x17: {  	v2 =	vsel vm11, $0x380, v2;
	v0 =	vsel vm8, $0x1400, v0;
	v1 =	vsel vm9, $0x1400, v1  }
0x18: {  	v2 =	vsel vm10, $0x1400, v2;
	v0 =	vsel vm7, $0x1480, v0;
	v1 =	vsel vm8, $0x1480, v1  }
0x19: {  	v2 =	vsel vm9, $0x1480, v2;
	v0 =	vsel vm6, $0x1500, v0;
	v1 =	vsel vm7, $0x1500, v1  }
0x1a: {  	v2 =	vsel vm8, $0x1500, v2;
	v0 =	vsel vm5, $0x1580, v0;
	v1 =	vsel vm6, $0x1580, v1  }
0x1b: {  	v2 =	vsel vm7, $0x1580, v2;
	v0 =	vsel vm4, $0x1600, v0;
	v1 =	vsel vm5, $0x1600, v1  }
0x1c: {  	v2 =	vsel vm6, $0x1600, v2;
	v0 =	vsel vm3, $0x1680, v0;
	v1 =	vsel vm4, $0x1680, v1  }
0x1d: {  	v2 =	vsel vm5, $0x1680, v2;
	v0 =	vsel vm2, $0x1700, v0;
	v1 =	vsel vm3, $0x1700, v1  }
0x1e: {  	v37 =	vsel vm1, $0x1780, v0;
	v0 =	vsel vm2, $0x1780, v1;
	v1 =	vsel vm4, $0x1700, v2  }
0x1f: {  	v30 =	vsel vm1, $0x0, v0;
	v0 =	vsel vm3, $0x1780, v1;
	v1 =	vimm.s32 $0x180  }
0x20: {  	v2 =	vimm.s32 $0x200;
	v0 =	vsel vm2, $0x0, v0;
	v1 =	vsel vm14, $0x200, v1  }
0x21: {  	v46 =	vsel vm1, $0x80, v0;
	v0 =	vsel vm15, $0x280, v1;
	v1 =	vsel vm14, $0x280, v2  }
0x22: {  	v19 =	vimm.s32 $0x66452403;
	v0 =	vsel vm13, $0x300, v0;
	v1 =	vsel vm15, $0x300, v1  }
0x23: {  	v2 =	vimm.s32 $0x280;
	v0 =	vsel vm12, $0x380, v0;
	v1 =	vsel vm13, $0x380, v1  }
0x24: {  	v2 =	vsel vm14, $0x300, v2;
	v0 =	vsel vm11, $0x1400, v0;
	v1 =	vsel vm12, $0x1400, v1  }
0x25: {  	v2 =	vsel vm15, $0x380, v2;
	v0 =	vsel vm10, $0x1480, v0;
	v1 =	vsel vm11, $0x1480, v1  }
0x26: {  	v2 =	vsel vm13, $0x1400, v2;
	v0 =	vsel vm9, $0x1500, v0;
	v1 =	vsel vm10, $0x1500, v1  }
0x27: {  	v2 =	vsel vm12, $0x1480, v2;
	v0 =	vsel vm8, $0x1580, v0;
	v1 =	vsel vm9, $0x1580, v1  }
0x28: {  	v2 =	vsel vm11, $0x1500, v2;
	v0 =	vsel vm7, $0x1600, v0;
	v1 =	vsel vm8, $0x1600, v1  }
0x29: {  	v2 =	vsel vm10, $0x1580, v2;
	v0 =	vsel vm6, $0x1680, v0;
	v1 =	vsel vm7, $0x1680, v1  }
0x2a: {  	v2 =	vsel vm9, $0x1600, v2;
	v0 =	vsel vm5, $0x1700, v0;
	v1 =	vsel vm6, $0x1700, v1  }
0x2b: {  	v2 =	vsel vm8, $0x1680, v2;
	v0 =	vsel vm4, $0x1780, v0;
	v1 =	vsel vm5, $0x1780, v1  }
0x2c: {  	v2 =	vsel vm7, $0x1700, v2;
	v0 =	vsel vm3, $0x0, v0;
	v1 =	vsel vm4, $0x0, v1  }
0x2d: {  	v2 =	vsel vm6, $0x1780, v2;
	v0 =	vsel vm2, $0x80, v0;
	v1 =	vsel vm3, $0x80, v1  }
0x2e: {  	v2 =	vsel vm5, $0x0, v2;
	v29 =	vsel vm1, $0x100, v0;
	v0 =	vsel vm2, $0x100, v1  }
0x2f: {  	v20 =	vimm.s32 $0x6A492807;
	v1 =	vsel vm4, $0x80, v2;
	v0 =	vsel vm1, $0x180, v0  }
0x30: {  	v3 =	vunpack.c.0.s8.s32 v3;
	[tilespmem:$0x1FD90] =	vst v0;
	v0 =	vsel vm3, $0x100, v1;
	v1 =	vimm.s32 $0x300  }
0x31: {  	v4 =	vunpack.c.0.s8.s32 v4;
	v0 =	vsel vm2, $0x180, v0;
	v1 =	vsel vm14, $0x380, v1  }
0x32: {  	v2 =	vimm.s32 $0x380;
	v31 =	vsel vm1, $0x200, v0;
	v0 =	vsel vm15, $0x1400, v1  }
0x33: {  	v5 =	vunpack.c.0.s8.s32 v5;
	v1 =	vsel vm14, $0x1400, v2;
	v0 =	vsel vm13, $0x1480, v0  }
0x34: {  	v6 =	vunpack.c.0.s8.s32 v6;
	v1 =	vsel vm15, $0x1480, v1;
	v0 =	vsel vm12, $0x1500, v0  }
0x35: {  	v2 =	vimm.s32 $0x1400;
	v1 =	vsel vm13, $0x1500, v1;
	v0 =	vsel vm11, $0x1580, v0  }
0x36: {  	v2 =	vsel vm14, $0x1480, v2;
	v1 =	vsel vm12, $0x1580, v1;
	v0 =	vsel vm10, $0x1600, v0  }
0x37: {  	v2 =	vsel vm15, $0x1500, v2;
	v1 =	vsel vm11, $0x1600, v1;
	v0 =	vsel vm9, $0x1680, v0  }
0x38: {  	v2 =	vsel vm13, $0x1580, v2;
	v1 =	vsel vm10, $0x1680, v1;
	v0 =	vsel vm8, $0x1700, v0  }
0x39: {  	v2 =	vsel vm12, $0x1600, v2;
	v1 =	vsel vm9, $0x1700, v1;
	v0 =	vsel vm7, $0x1780, v0  }
0x3a: {  	v2 =	vsel vm11, $0x1680, v2;
	v1 =	vsel vm8, $0x1780, v1;
	v0 =	vsel vm6, $0x0, v0  }
0x3b: {  	v2 =	vsel vm10, $0x1700, v2;
	v1 =	vsel vm7, $0x0, v1;
	v0 =	vsel vm5, $0x80, v0  }
0x3c: {  	v2 =	vsel vm9, $0x1780, v2;
	v1 =	vsel vm6, $0x80, v1;
	v0 =	vsel vm4, $0x100, v0  }
0x3d: {  	v2 =	vsel vm8, $0x0, v2;
	v1 =	vsel vm5, $0x100, v1;
	v0 =	vsel vm3, $0x180, v0  }
0x3e: {  	v2 =	vsel vm7, $0x80, v2;
	v1 =	vsel vm4, $0x180, v1;
	v0 =	vsel vm2, $0x200, v0  }
0x3f: {  	v2 =	vsel vm6, $0x100, v2;
	v1 =	vsel vm3, $0x200, v1;
	v0 =	vsel vm1, $0x280, v0  }
0x40: {  	v7 =	vunpack.c.0.s8.s32 v7;
	v2 =	vsel vm5, $0x180, v2;
	[tilespmem:$0x1FBD0] =	vst v0;
	v0 =	vsel vm2, $0x280, v1  }
0x41: {  	v8 =	vunpack.c.0.s8.s32 v8;
	v1 =	vsel vm4, $0x200, v2;
	v0 =	vsel vm1, $0x300, v0  }
0x42: {  	v9 =	vunpack.c.0.s8.s32 v9;
	v12 =	vunpack.c.0.s8.s32 v12;
	[tilespmem:$0x1FBE0] =	vst v0;
	v0 =	vsel vm3, $0x280, v1  }
0x43: {  	v13 =	vunpack.c.0.s8.s32 v13;
	v1 =	vimm.s32 $0x1480;
	v0 =	vsel vm2, $0x300, v0  }
0x44: {  	v14 =	vunpack.c.0.s8.s32 v14;
	v1 =	vsel vm14, $0x1500, v1;
	v0 =	vsel vm1, $0x380, v0  }
0x45: {  	v15 =	vunpack.c.0.s8.s32 v15;
	v2 =	vimm.s32 $0x1500;
	[tilespmem:$0x1FBF0] =	vst v0;
	v0 =	vsel vm15, $0x1580, v1  }
0x46: {  	v16 =	vunpack.c.0.s8.s32 v16;
	v1 =	vsel vm14, $0x1580, v2;
	v0 =	vsel vm13, $0x1600, v0  }
0x47: {  	v17 =	vunpack.c.0.s8.s32 v17;
	v1 =	vsel vm15, $0x1600, v1;
	v0 =	vsel vm12, $0x1680, v0  }
0x48: {  	v2 =	vimm.s32 $0x1580;
	v1 =	vsel vm13, $0x1680, v1;
	v0 =	vsel vm11, $0x1700, v0  }
0x49: {  	v2 =	vsel vm14, $0x1600, v2;
	v1 =	vsel vm12, $0x1700, v1;
	v0 =	vsel vm10, $0x1780, v0  }
0x4a: {  	v2 =	vsel vm15, $0x1680, v2;
	v1 =	vsel vm11, $0x1780, v1;
	v0 =	vsel vm9, $0x0, v0  }
0x4b: {  	v2 =	vsel vm13, $0x1700, v2;
	v1 =	vsel vm10, $0x0, v1;
	v0 =	vsel vm8, $0x80, v0  }
0x4c: {  	v2 =	vsel vm12, $0x1780, v2;
	v1 =	vsel vm9, $0x80, v1;
	v0 =	vsel vm7, $0x100, v0  }
0x4d: {  	v2 =	vsel vm11, $0x0, v2;
	v1 =	vsel vm8, $0x100, v1;
	v0 =	vsel vm6, $0x180, v0  }
0x4e: {  	v2 =	vsel vm10, $0x80, v2;
	v1 =	vsel vm7, $0x180, v1;
	v0 =	vsel vm5, $0x200, v0  }
0x4f: {  	v2 =	vsel vm9, $0x100, v2;
	v1 =	vsel vm6, $0x200, v1;
	v0 =	vsel vm4, $0x280, v0  }
0x50: {  	v2 =	vsel vm8, $0x180, v2;
	v1 =	vsel vm5, $0x280, v1;
	v0 =	vsel vm3, $0x300, v0  }
0x51: {  	v2 =	vsel vm7, $0x200, v2;
	v1 =	vsel vm4, $0x300, v1;
	v0 =	vsel vm2, $0x380, v0  }
0x52: {  	v2 =	vsel vm6, $0x280, v2;
	v1 =	vsel vm3, $0x380, v1;
	v0 =	vsel vm1, $0x1400, v0  }
0x53: {  	v18 =	vsel vm14, $0x2800, v18;
	v2 =	vsel vm5, $0x300, v2;
	[tilespmem:$0x1FD30] =	vst v0;
	v0 =	vsel vm2, $0x1400, v1  }
0x54: {  	v19 =	vunpack.c.0.s8.s32 v19;
	v1 =	vsel vm4, $0x380, v2;
	v0 =	vsel vm1, $0x1480, v0  }
0x55: {  	v20 =	vunpack.c.0.s8.s32 v20;
	v18 =	vsel vm15, $0x2880, v18;
	[tilespmem:$0x1FAA0] =	vst v0;
	v0 =	vsel vm3, $0x1400, v1  }
0x56: {  	v10 =	vsel vm0, v7, v6;
	v1 =	vimm.s32 $0x1600;
	v0 =	vsel vm2, $0x1480, v0  }
0x57: {  	v11 =	vsel vm0, v9, v8;
	v1 =	vsel vm14, $0x1680, v1;
	v0 =	vsel vm1, $0x1500, v0  }
0x58: {  	v21 =	vsel vm0, v13, v12;
	v2 =	vimm.s32 $0x1680;
	[tilespmem:$0x1FC20] =	vst v0;
	v0 =	vsel vm15, $0x1700, v1  }
0x59: {  	v22 =	vsel vm0, v15, v14;
	v1 =	vsel vm14, $0x1700, v2;
	v0 =	vsel vm13, $0x1780, v0  }
0x5a: {  	v2 =	vimm.s32 $0x1700;
	v1 =	vsel vm15, $0x1780, v1;
	v0 =	vsel vm12, $0x0, v0  }
0x5b: {  	v2 =	vsel vm14, $0x1780, v2;
	v1 =	vsel vm13, $0x0, v1;
	v0 =	vsel vm11, $0x80, v0  }
0x5c: {  	v2 =	vsel vm15, $0x0, v2;
	v1 =	vsel vm12, $0x80, v1;
	v0 =	vsel vm10, $0x100, v0  }
0x5d: {  	v2 =	vsel vm13, $0x80, v2;
	v1 =	vsel vm11, $0x100, v1;
	v0 =	vsel vm9, $0x180, v0  }
0x5e: {  	v2 =	vsel vm12, $0x100, v2;
	v1 =	vsel vm10, $0x180, v1;
	v0 =	vsel vm8, $0x200, v0  }
0x5f: {  	v2 =	vsel vm11, $0x180, v2;
	v1 =	vsel vm9, $0x200, v1;
	v0 =	vsel vm7, $0x280, v0  }
0x60: {  	v2 =	vsel vm10, $0x200, v2;
	v1 =	vsel vm8, $0x280, v1;
	v0 =	vsel vm6, $0x300, v0  }
0x61: {  	v2 =	vsel vm9, $0x280, v2;
	v1 =	vsel vm7, $0x300, v1;
	v0 =	vsel vm5, $0x380, v0  }
0x62: {  	v2 =	vsel vm8, $0x300, v2;
	v1 =	vsel vm6, $0x380, v1;
	v0 =	vsel vm4, $0x1400, v0  }
0x63: {  	v2 =	vsel vm7, $0x380, v2;
	v1 =	vsel vm5, $0x1400, v1;
	v0 =	vsel vm3, $0x1480, v0  }
0x64: {  	v2 =	vsel vm6, $0x1400, v2;
	v1 =	vsel vm4, $0x1480, v1;
	v0 =	vsel vm2, $0x1500, v0  }
0x65: {  	v2 =	vsel vm5, $0x1480, v2;
	v1 =	vsel vm3, $0x1500, v1;
	v0 =	vsel vm1, $0x1580, v0  }
0x66: {  	[tilespmem:$0x1FAB0] =	vst v0;
	v0 =	vsel vm2, $0x1580, v1;
	v1 =	vsel vm4, $0x1500, v2;
	v2 =	vimm.s32 $0x6B4A2908  }
0x67: {  	v18 =	vsel vm13, $0x2900, v18;
	v1 =	vsel vm3, $0x1580, v1;
	v2 =	vunpack.c.0.s8.s32 v2  }
0x68: {  	v23 =	vsel vm0, v17, v16;
	v0 =	vsel vm1, $0x1600, v0;
	v32 =	vsel vm2, $0x1600, v1  }
0x69: {  	[tilespmem:$0x1FCB0] =	vst v0;
	v0 =	vsel vm0, v3, v2;
	v3 =	vsel vm0, v4, v3;
	v2 =	vsel vm0, v2, v5  }
0x6a: {  	v1 =	vsel vm0, v5, v4;
	v5 =	vsel vm0, v8, v7;
	v7 =	vcombine.low v2, v3  }
0x6b: {  	v18 =	vsel vm12, $0x2980, v18;
	v28 =	vcombine.low v1, v0;
	v0 =	vcombine.low v0, v1  }
0x6c: {  	v6 =	vsel vm0, v6, v9;
	v18 =	vsel vm11, $0x2A00, v18;
	v1 =	vcombine.low v21, v22;
	[tilespmem:$0x1FAD0] =	vst v7  }
0x6d: {  	v24 =	vsel vm0, v20, v19;
	v4 =	vsel vm10, $0x2A80, v18;
	v7 =	vcombine.low v6, v5;
	[tilespmem:$0x1FAE0] =	vst v0  }
0x6e: {  	v27 =	vcombine.low v11, v10;
	v4 =	vsel vm9, $0x2B00, v4;
	v0 =	vcombine.low v10, v11;
	[tilespmem:$0x1FC50] =	vst v1  }
0x6f: {  	v34 =	vcombine.low v22, v21;
	v4 =	vsel vm8, $0x2B80, v4;
	v1 =	vcombine.low v23, v24;
	[tilespmem:$0x1FDA0] =	vst v7  }
0x70: {  	v26 =	vcombine.low v24, v23;
	v33 =	vsel vm1, $0x1680, v32;
	v4 =	vsel vm7, $0x3C00, v4;
	[tilespmem:$0x1FCD0] =	vst v0  }
0x71: {  	v11 =	vlaneseq.u32;
	v4 =	vsel vm6, $0x3C80, v4;
	v7 =	vsel vm0, v14, v13;
	[tilespmem:$0x1FCF0] =	vst v1  }
0x72: {  	v0 =	vsel vm5, $0x3D00, v4;
	v1 =	vcombine.low v3, v2;
	[tilespmem:$0x1FDC0] =	vst v7;
	v7 =	vsel vm0, v12, v15  }
0x73: {  	v11 =	vshrl.u32 v11, $0x2;
	v2 =	vimm.s32 $0x2900;
	v0 =	vsel vm4, $0x3D80, v0;
	[tilespmem:$0x1FDD0] =	vst v7  }
0x74: {  	v7 =	vsel vm0, v19, v17;
	[tilespmem:$0x1FD10] =	vst v1;
	v1 =	vcombine.low v5, v6;
	v0 =	vsel vm3, $0x3E00, v0  }
0x75: {  	v11 =	vmul.u32 $0x80, v11;
	[tilespmem:$0x1FDE0] =	vst v7;
	v8 =	vsel vm2, $0x3E80, v0;
	v0 =	vimm.s32 $0x2800  }
0x76: {  	v7 =	vsel vm0, v16, v20;
	[tilespmem:$0x1FAF0] =	vst v1;
	v1 =	vimm.s32 $0x2880;
	v0 =	vsel vm14, $0x2880, v0  }
0x77: {  	v8 =	vsel vm1, $0x3F00, v8;
	v1 =	vsel vm14, $0x2900, v1;
	v9 =	vsel vm15, $0x2900, v0  }
0x78: {  	v0 =	vsel vm14, $0x2980, v2;
	v2 =	vimm.s32 $0x2A80;
	v10 =	vsel vm15, $0x2980, v1  }
0x79: {  	v35 =	vsel vm15, $0x2A00, v0;
	v0 =	vimm.s32 $0x2980;
	v1 =	vimm.s32 $0x2A00  }
0x7a: {  	[tilespmem:$0x1FB10] =	vst v8;
	v8 =	vsel vm13, $0x2980, v9;
	v0 =	vsel vm14, $0x2A00, v0;
	v1 =	vsel vm14, $0x2A80, v1  }
0x7b: {  	v9 =	vsel vm13, $0x2A00, v10;
	v10 =	vsel vm13, $0x2A80, v35;
	v8 =	vsel vm12, $0x2A00, v8  }
0x7c: {  	v38 =	vsel vm15, $0x2A80, v0;
	v39 =	vsel vm15, $0x2B00, v1;
	v0 =	vsel vm14, $0x2B00, v2  }
0x7d: {  	v1 =	vimm.s32 $0x2B80;
	v2 =	vimm.s32 $0x3C00;
	v9 =	vsel vm12, $0x2A80, v9  }
0x7e: {  	v10 =	vsel vm12, $0x2B00, v10;
	v8 =	vsel vm11, $0x2A80, v8;
	v40 =	vsel vm15, $0x2B80, v0  }
0x7f: {  	v0 =	vimm.s32 $0x2B00;
	v1 =	vsel vm14, $0x3C00, v1;
	v9 =	vsel vm11, $0x2B00, v9  }
0x80: {  	v10 =	vsel vm11, $0x2B80, v10;
	v8 =	vsel vm10, $0x2B00, v8;
	v0 =	vsel vm14, $0x2B80, v0  }
0x81: {  	v42 =	vsel vm15, $0x3C80, v1;
	v1 =	vimm.s32 $0x3D00;
	v9 =	vsel vm10, $0x2B80, v9  }
0x82: {  	v10 =	vsel vm10, $0x3C00, v10;
	v8 =	vsel vm9, $0x2B80, v8;
	v41 =	vsel vm15, $0x3C00, v0  }
0x83: {  	v0 =	vsel vm14, $0x3C80, v2;
	v1 =	vsel vm14, $0x3D80, v1;
	v2 =	vimm.s32 $0x3D80  }
0x84: {  	v9 =	vsel vm9, $0x3C00, v9;
	v10 =	vsel vm9, $0x3C80, v10;
	v8 =	vsel vm8, $0x3C00, v8  }
0x85: {  	v43 =	vsel vm15, $0x3D00, v0;
	v0 =	vimm.s32 $0x3C80;
	v44 =	vsel vm15, $0x3E00, v1  }
0x86: {  	v1 =	vimm.s32 $0x3E80;
	v9 =	vsel vm8, $0x3C80, v9;
	v10 =	vsel vm8, $0x3D00, v10  }
0x87: {  	v8 =	vsel vm7, $0x3C80, v8;
	v0 =	vsel vm14, $0x3D00, v0;
	v1 =	vsel vm14, $0x3F00, v1  }
0x88: {  	v9 =	vsel vm7, $0x3D00, v9;
	v10 =	vsel vm7, $0x3D80, v10;
	v8 =	vsel vm6, $0x3D00, v8  }
0x89: {  	[tilespmem:$0x1FDF0] =	vst v7;
	v7 =	vsel vm15, $0x3D80, v0;
	v0 =	vsel vm14, $0x3E00, v2;
	v2 =	vimm.s32 $0x3F00  }
0x8a: {  	v48 =	vsel vm15, $0x3F80, v1;
	v1 =	vimm.s32 $0xF;
	v9 =	vsel vm6, $0x3D80, v9  }
0x8b: {  	v10 =	vsel vm6, $0x3E00, v10;
	v8 =	vsel vm5, $0x3D80, v8;
	v45 =	vsel vm15, $0x3E80, v0  }
0x8c: {  	v0 =	vimm.s32 $0x3E00;
	v1 =	vsel vm14, $0x80, v1;
	v9 =	vsel vm5, $0x3E00, v9  }
0x8d: {  	v10 =	vsel vm5, $0x3E80, v10;
	v8 =	vsel vm4, $0x3E00, v8;
	v7 =	vsel vm13, $0x3E00, v7  }
0x8e: {  	v0 =	vsel vm14, $0x3E80, v0;
	v15 =	vsel vm15, $0x101, v1;
	v1 =	vimm.s32 $0x18F  }
0x8f: {  	v9 =	vsel vm4, $0x3E80, v9;
	v10 =	vsel vm4, $0x3F00, v10;
	v8 =	vsel vm3, $0x3E80, v8  }
0x90: {  	v7 =	vsel vm12, $0x3E80, v7;
	v47 =	vsel vm15, $0x3F00, v0;
	v0 =	vsel vm14, $0x3F80, v2  }
0x91: {  	v2 =	vimm.s32 $0x8F;
	v1 =	vsel vm14, $0x200, v1;
	v9 =	vsel vm3, $0x3F00, v9  }
0x92: {  	v10 =	vsel vm3, $0x3F80, v10;
	v8 =	vsel vm2, $0x3F00, v8;
	v7 =	vsel vm11, $0x3F00, v7  }
0x93: {  	v49 =	vsel vm15, $0x2800, v0;
	v0 =	vimm.s32 $0x178F;
	v19 =	vsel vm15, $0x281, v1  }
0x94: {  	v1 =	vimm.s32 $0x30F;
	v9 =	vsel vm2, $0x3F80, v9;
	v10 =	vsel vm2, $0x2800, v10  }
0x95: {  	[tilespmem:$0x1FB00] =	vst v11;
	v11 =	vsel vm1, $0x3F80, v8;
	v8 =	vsel vm13, $0x2B00, v38;
	v7 =	vsel vm10, $0x3F80, v7  }
0x96: {  	v0 =	vsel vm14, $0x0, v0;
	v1 =	vsel vm14, $0x380, v1;
	v12 =	vsel vm1, $0x2800, v9  }
0x97: {  	v13 =	vsel vm1, $0x2880, v10;
	v9 =	vsel vm13, $0x2B80, v39;
	v10 =	vsel vm13, $0x3C00, v40  }
0x98: {  	v38 =	vmovc v11;
	v8 =	vsel vm12, $0x2B80, v8;
	v7 =	vsel vm9, $0x2800, v7;
	v11 =	vsel vm13, $0x302, v19  }
0x99: {  	v14 =	vsel vm15, $0x81, v0;
	v0 =	vsel vm14, $0x100, v2;
	v2 =	vimm.s32 $0x20F  }
0x9a: {  	v22 =	vsel vm15, $0x1401, v1;
	v1 =	vimm.s32 $0x148F;
	v9 =	vsel vm12, $0x3C00, v9  }
0x9b: {  	v10 =	vsel vm12, $0x3C80, v10;
	v8 =	vsel vm11, $0x3C00, v8;
	v7 =	vsel vm8, $0x2880, v7  }
0x9c: {  	v11 =	vsel vm12, $0x383, v11;
	v16 =	vsel vm15, $0x181, v0;
	v0 =	vimm.s32 $0x10F  }
0x9d: {  	v1 =	vsel vm14, $0x1500, v1;
	v9 =	vsel vm11, $0x3C80, v9;
	v10 =	vsel vm11, $0x3D00, v10  }
0x9e: {  	v8 =	vsel vm10, $0x3C80, v8;
	v7 =	vsel vm7, $0x2900, v7;
	v11 =	vsel vm11, $0x1404, v11  }
0x9f: {  	v0 =	vsel vm14, $0x180, v0;
	v17 =	vsel vm15, $0x1581, v1;
	v1 =	vimm.s32 $0x160F  }
0xa0: {  	v9 =	vsel vm10, $0x3D00, v9;
	v10 =	vsel vm10, $0x3D80, v10;
	v8 =	vsel vm9, $0x3D00, v8  }
0xa1: {  	v7 =	vsel vm6, $0x2980, v7;
	v11 =	vsel vm10, $0x1485, v11;
	v18 =	vsel vm15, $0x201, v0  }
0xa2: {  	v0 =	vsel vm14, $0x280, v2;
	v2 =	vimm.s32 $0x38F;
	v1 =	vsel vm14, $0x1680, v1  }
0xa3: {  	v9 =	vsel vm9, $0x3D80, v9;
	v10 =	vsel vm9, $0x3E00, v10;
	v8 =	vsel vm8, $0x3D80, v8  }
0xa4: {  	v7 =	vsel vm5, $0x2A00, v7;
	v17 =	vsel vm13, $0x1602, v17;
	v11 =	vsel vm9, $0x1506, v11  }
0xa5: {  	v20 =	vsel vm15, $0x301, v0;
	v0 =	vimm.s32 $0x28F;
	v52 =	vsel vm15, $0x1701, v1  }
0xa6: {  	v1 =	vimm.s32 $0x3F8F;
	v9 =	vsel vm8, $0x3E00, v9;
	v10 =	vsel vm8, $0x3E80, v10  }
0xa7: {  	v8 =	vsel vm7, $0x3E00, v8;
	v7 =	vsel vm4, $0x2A80, v7;
	v17 =	vsel vm12, $0x1683, v17  }
0xa8: {  	v11 =	vsel vm8, $0x1587, v11;
	v0 =	vsel vm14, $0x300, v0;
	v1 =	vsel vm14, $0x2800, v1  }
0xa9: {  	v9 =	vsel vm7, $0x3E80, v9;
	v10 =	vsel vm7, $0x3F00, v10;
	v8 =	vsel vm6, $0x3E80, v8  }
0xaa: {  	v39 =	vmovc v12;
	v7 =	vsel vm3, $0x2B00, v7;
	v12 =	vsel vm13, $0x382, v20;
	v20 =	vsel vm13, $0x1782, v52  }
0xab: {  	v17 =	vsel vm11, $0x1704, v17;
	v11 =	vsel vm7, $0x1608, v11;
	v21 =	vsel vm15, $0x381, v0  }
0xac: {  	v0 =	vsel vm14, $0x1400, v2;
	v2 =	vimm.s32 $0x150F;
	v55 =	vsel vm15, $0x2881, v1  }
0xad: {  	v1 =	vimm.s32 $0x290F;
	v9 =	vsel vm6, $0x3F00, v9;
	v10 =	vsel vm6, $0x3F80, v10  }
0xae: {  	v8 =	vsel vm5, $0x3F00, v8;
	v7 =	vsel vm2, $0x2B80, v7;
	v12 =	vsel vm12, $0x1403, v12  }
0xaf: {  	v20 =	vsel vm12, $0x3, v20;
	v17 =	vsel vm10, $0x1785, v17;
	v11 =	vsel vm6, $0x1689, v11  }
0xb0: {  	v23 =	vsel vm15, $0x1481, v0;
	v0 =	vimm.s32 $0x140F;
	v1 =	vsel vm14, $0x2980, v1  }
0xb1: {  	v9 =	vsel vm5, $0x3F80, v9;
	v10 =	vsel vm5, $0x2800, v10;
	v8 =	vsel vm4, $0x3F80, v8  }
0xb2: {  	v12 =	vsel vm11, $0x1484, v12;
	v20 =	vsel vm11, $0x84, v20;
	v17 =	vsel vm9, $0x6, v17  }
0xb3: {  	v11 =	vsel vm5, $0x170A, v11;
	v0 =	vsel vm14, $0x1480, v0;
	v58 =	vsel vm15, $0x2A01, v1  }
0xb4: {  	v1 =	vimm.s32 $0x2A8F;
	v9 =	vsel vm4, $0x2800, v9;
	v10 =	vsel vm4, $0x2880, v10  }
0xb5: {  	v8 =	vsel vm3, $0x2800, v8;
	v12 =	vsel vm10, $0x1505, v12;
	v17 =	vsel vm8, $0x87, v17  }
0xb6: {  	v20 =	vsel vm10, $0x105, v20;
	v11 =	vsel vm4, $0x178B, v11;
	v24 =	vsel vm15, $0x1501, v0  }
0xb7: {  	v0 =	vsel vm14, $0x1580, v2;
	v2 =	vimm.s32 $0x168F;
	v1 =	vsel vm14, $0x2B00, v1  }
0xb8: {  	v9 =	vsel vm3, $0x2880, v9;
	v10 =	vsel vm3, $0x2900, v10;
	v8 =	vsel vm2, $0x2880, v8  }
0xb9: {  	v12 =	vsel vm9, $0x1586, v12;
	v20 =	vsel vm9, $0x186, v20;
	v17 =	vsel vm7, $0x108, v17  }
0xba: {  	v11 =	vsel vm3, $0xC, v11;
	v50 =	vsel vm15, $0x1601, v0;
	v0 =	vimm.s32 $0x158F  }
0xbb: {  	v60 =	vsel vm15, $0x2B81, v1;
	v1 =	vimm.s32 $0x3C0F;
	v9 =	vsel vm2, $0x2900, v9  }
0xbc: {  	v10 =	vsel vm2, $0x2980, v10;
	v35 =	vsel vm1, $0x2900, v8;
	v8 =	vsel vm13, $0x3C80, v41  }
0xbd: {  	v12 =	vsel vm8, $0x1607, v12;
	v20 =	vsel vm8, $0x207, v20;
	v17 =	vsel vm6, $0x189, v17  }
0xbe: {  	v11 =	vsel vm2, $0x8D, v11;
	v0 =	vsel vm14, $0x1600, v0;
	v1 =	vsel vm14, $0x3C80, v1  }
0xbf: {  	v40 =	vmovc v30;
	v63 =	vsel vm1, $0x2980, v9;
	v30 =	vsel vm1, $0x2A00, v10;
	v9 =	vsel vm13, $0x3D00, v42  }
0xc0: {  	v10 =	vsel vm13, $0x3D80, v43;
	v8 =	vsel vm12, $0x3D00, v8;
	v36 =	vsel vm13, $0x3C02, v60  }
0xc1: {  	v60 =	vimm.s32 $0x7F5E3D1C;
	v12 =	vsel vm7, $0x1688, v12;
	v20 =	vsel vm7, $0x288, v20  }
0xc2: {  	v17 =	vsel vm5, $0x20A, v17;
	v51 =	vsel vm15, $0x1681, v0;
	v0 =	vsel vm14, $0x1700, v2  }
0xc3: {  	[tilespmem:$0x1FAC0] =	vst v26;
	v2 =	vimm.s32 $0x280F;
	v26 =	vsel vm15, $0x3D01, v1;
	v1 =	vimm.s32 $0x3D8F  }
0xc4: {  	v9 =	vsel vm12, $0x3D80, v9;
	v10 =	vsel vm12, $0x3E00, v10;
	v8 =	vsel vm11, $0x3D80, v8  }
0xc5: {  	v12 =	vsel vm6, $0x1709, v12;
	v20 =	vsel vm6, $0x309, v20;
	v17 =	vsel vm4, $0x28B, v17  }
0xc6: {  	v53 =	vsel vm15, $0x1781, v0;
	v0 =	vimm.s32 $0x170F;
	v1 =	vsel vm14, $0x3E00, v1  }
0xc7: {  	v9 =	vsel vm11, $0x3E00, v9;
	v10 =	vsel vm11, $0x3E80, v10;
	v8 =	vsel vm10, $0x3E00, v8  }
0xc8: {  	v19 =	vsel vm13, $0x1702, v51;
	v51 =	vsel vm12, $0x3C83, v36;
	v36 =	vimm.s32 $0x7C5B3A19  }
0xc9: {  	v12 =	vsel vm5, $0x178A, v12;
	v20 =	vsel vm5, $0x38A, v20;
	v17 =	vsel vm3, $0x30C, v17  }
0xca: {  	v0 =	vsel vm14, $0x1780, v0;
	v3 =	vsel vm15, $0x3E81, v1;
	v1 =	vimm.s32 $0x3F0F  }
0xcb: {  	v9 =	vsel vm10, $0x3E80, v9;
	v10 =	vsel vm10, $0x3F00, v10;
	v8 =	vsel vm9, $0x3E80, v8  }
0xcc: {  	v19 =	vsel vm12, $0x1783, v19;
	v51 =	vsel vm11, $0x3D04, v51;
	v12 =	vsel vm4, $0xB, v12  }
0xcd: {  	v17 =	vsel vm2, $0x38D, v17;
	v20 =	vsel vm4, $0x140B, v20;
	v54 =	vsel vm15, $0x1, v0  }
0xce: {  	v0 =	vsel vm14, $0x2880, v2;
	v2 =	vimm.s32 $0x298F;
	v1 =	vsel vm14, $0x3F80, v1  }
0xcf: {  	v9 =	vsel vm9, $0x3F00, v9;
	v10 =	vsel vm9, $0x3F80, v10;
	v8 =	vsel vm8, $0x3F00, v8  }
0xd0: {  	v3 =	vsel vm13, $0x3F02, v3;
	v19 =	vsel vm11, $0x4, v19;
	v51 =	vsel vm10, $0x3D85, v51  }
0xd1: {  	v12 =	vsel vm3, $0x8C, v12;
	v20 =	vsel vm3, $0x148C, v20;
	v56 =	vsel vm15, $0x2901, v0  }
0xd2: {  	v0 =	vimm.s32 $0x288F;
	v1 =	vsel vm15, $0x2801, v1;
	v9 =	vsel vm8, $0x3F80, v9  }
0xd3: {  	v10 =	vsel vm8, $0x2800, v10;
	v8 =	vsel vm7, $0x3F80, v8;
	v3 =	vsel vm12, $0x3F83, v3  }
0xd4: {  	v19 =	vsel vm10, $0x85, v19;
	v51 =	vsel vm9, $0x3E06, v51;
	v12 =	vsel vm2, $0x10D, v12  }
0xd5: {  	v20 =	vsel vm2, $0x150D, v20;
	v0 =	vsel vm14, $0x2900, v0;
	v9 =	vsel vm7, $0x2800, v9  }
0xd6: {  	v10 =	vsel vm7, $0x2880, v10;
	v8 =	vsel vm6, $0x2800, v8;
	v1 =	vsel vm13, $0x2882, v1  }
0xd7: {  	v3 =	vsel vm11, $0x2804, v3;
	v19 =	vsel vm9, $0x106, v19;
	v51 =	vsel vm8, $0x3E87, v51  }
0xd8: {  	v57 =	vsel vm15, $0x2981, v0;
	v0 =	vsel vm14, $0x2A00, v2;
	v2 =	vimm.s32 $0x2B0F  }
0xd9: {  	v9 =	vsel vm6, $0x2880, v9;
	v10 =	vsel vm6, $0x2900, v10;
	v8 =	vsel vm5, $0x2880, v8  }
0xda: {  	v1 =	vsel vm12, $0x2903, v1;
	v19 =	vsel vm8, $0x187, v19;
	v3 =	vsel vm10, $0x2885, v3  }
0xdb: {  	v51 =	vsel vm7, $0x3F08, v51;
	v6 =	vsel vm15, $0x2A81, v0;
	v0 =	vimm.s32 $0x2A0F  }
0xdc: {  	v9 =	vsel vm5, $0x2900, v9;
	v10 =	vsel vm5, $0x2980, v10;
	v8 =	vsel vm4, $0x2900, v8  }
0xdd: {  	v41 =	vmovc v25;
	v25 =	vsel vm13, $0x2A02, v57;
	v1 =	vsel vm11, $0x2984, v1;
	v3 =	vsel vm9, $0x2906, v3  }
0xde: {  	v19 =	vsel vm7, $0x208, v19;
	v51 =	vsel vm6, $0x3F89, v51;
	v0 =	vsel vm14, $0x2A80, v0  }
0xdf: {  	v9 =	vsel vm4, $0x2980, v9;
	v10 =	vsel vm4, $0x2A00, v10;
	v8 =	vsel vm3, $0x2980, v8  }
0xe0: {  	v6 =	vsel vm13, $0x2B02, v6;
	v25 =	vsel vm12, $0x2A83, v25;
	v3 =	vsel vm8, $0x2987, v3  }
0xe1: {  	v1 =	vsel vm10, $0x2A05, v1;
	v19 =	vsel vm6, $0x289, v19;
	v51 =	vsel vm5, $0x280A, v51  }
0xe2: {  	v59 =	vsel vm15, $0x2B01, v0;
	v0 =	vsel vm14, $0x2B80, v2;
	v2 =	vimm.s32 $0x3C8F  }
0xe3: {  	v9 =	vsel vm3, $0x2A00, v9;
	v10 =	vsel vm3, $0x2A80, v10;
	v8 =	vsel vm2, $0x2A00, v8  }
0xe4: {  	v6 =	vsel vm12, $0x2B83, v6;
	v25 =	vsel vm11, $0x2B04, v25;
	v1 =	vsel vm9, $0x2A86, v1  }
0xe5: {  	v3 =	vsel vm7, $0x2A08, v3;
	v19 =	vsel vm5, $0x30A, v19;
	v51 =	vsel vm4, $0x288B, v51  }
0xe6: {  	v61 =	vsel vm15, $0x3C01, v0;
	v0 =	vimm.s32 $0x2B8F;
	v9 =	vsel vm2, $0x2A80, v9  }
0xe7: {  	v42 =	vmovc v37;
	v10 =	vsel vm2, $0x2B00, v10;
	v37 =	vsel vm1, $0x2A80, v8;
	v6 =	vsel vm11, $0x3C04, v6  }
0xe8: {  	v25 =	vsel vm10, $0x2B85, v25;
	v1 =	vsel vm8, $0x2B07, v1;
	v3 =	vsel vm6, $0x2A89, v3  }
0xe9: {  	v19 =	vsel vm4, $0x38B, v19;
	v51 =	vsel vm3, $0x290C, v51;
	v0 =	vsel vm14, $0x3C00, v0  }
0xea: {  	v32 =	vsel vm1, $0x2B00, v9;
	v8 =	vsel vm1, $0x2B80, v10;
	v9 =	vsel vm13, $0x3F00, v45  }
0xeb: {  	v43 =	vmovc v46;
	v10 =	vsel vm1, $0x3C00, v7;
	v46 =	vsel vm13, $0x3C82, v61;
	v61 =	vimm.s32 $0x73523110  }
0xec: {  	v25 =	vsel vm9, $0x3C06, v25;
	v6 =	vsel vm10, $0x3C85, v6;
	v1 =	vsel vm7, $0x2B88, v1  }
0xed: {  	v3 =	vsel vm5, $0x2B0A, v3;
	v19 =	vsel vm3, $0x140C, v19;
	v51 =	vsel vm2, $0x298D, v51  }
0xee: {  	v62 =	vsel vm15, $0x3C81, v0;
	v0 =	vsel vm14, $0x3D00, v2;
	v2 =	vimm.s32 $0x3E0F  }
0xef: {  	[tilespmem:$0x1FBC0] =	vst v8;
	v8 =	vsel vm13, $0x3E80, v44;
	v9 =	vsel vm12, $0x3F80, v9;
	v52 =	vsel vm12, $0x3D03, v46  }
0xf0: {  	v25 =	vsel vm8, $0x3C87, v25;
	v6 =	vsel vm9, $0x3D06, v6;
	v46 =	vimm.s32 $0x705F3E1D  }
0xf1: {  	v1 =	vsel vm6, $0x3C09, v1;
	v3 =	vsel vm4, $0x2B8B, v3;
	v5 =	vsel vm15, $0x3D81, v0  }
0xf2: {  	v0 =	vimm.s32 $0x3D0F;
	v8 =	vsel vm12, $0x3F00, v8;
	v9 =	vsel vm11, $0x2800, v9  }
0xf3: {  	v57 =	vsel vm13, $0x3D02, v62;
	v52 =	vsel vm11, $0x3D84, v52;
	v6 =	vsel vm8, $0x3D87, v6  }
0xf4: {  	v25 =	vsel vm7, $0x3D08, v25;
	v1 =	vsel vm5, $0x3C8A, v1;
	v3 =	vsel vm3, $0x3C0C, v3  }
0xf5: {  	v0 =	vsel vm14, $0x3D80, v0;
	v8 =	vsel vm11, $0x3F80, v8;
	v9 =	vsel vm10, $0x2880, v9  }
0xf6: {  	v5 =	vsel vm13, $0x3E02, v5;
	v52 =	vsel vm10, $0x3E05, v52;
	v6 =	vsel vm7, $0x3E08, v6  }
0xf7: {  	v25 =	vsel vm6, $0x3D89, v25;
	v1 =	vsel vm4, $0x3D0B, v1;
	v4 =	vsel vm15, $0x3E01, v0  }
0xf8: {  	v0 =	vsel vm14, $0x3E80, v2;
	v8 =	vsel vm10, $0x2800, v8;
	v9 =	vsel vm9, $0x2900, v9  }
0xf9: {  	v62 =	vmovc v35;
	v5 =	vsel vm12, $0x3E83, v5;
	v52 =	vsel vm9, $0x3E86, v52;
	v35 =	vimm.s32 $0x77563514  }
0xfa: {  	v6 =	vsel vm6, $0x3E89, v6;
	v25 =	vsel vm5, $0x3E0A, v25;
	v1 =	vsel vm3, $0x3D8C, v1  }
0xfb: {  	v2 =	vsel vm15, $0x3F01, v0;
	v0 =	vimm.s32 $0x3E8F;
	v8 =	vsel vm9, $0x2880, v8  }
0xfc: {  	v9 =	vsel vm8, $0x2980, v9;
	v4 =	vsel vm13, $0x3E82, v4;
	v5 =	vsel vm11, $0x3F04, v5  }
0xfd: {  	v52 =	vsel vm8, $0x3F07, v52;
	v6 =	vsel vm5, $0x3F0A, v6;
	v25 =	vsel vm4, $0x3E8B, v25  }
0xfe: {  	v0 =	vsel vm14, $0x3F00, v0;
	v8 =	vsel vm8, $0x2900, v8;
	v9 =	vsel vm7, $0x2A00, v9  }
0xff: {  	v2 =	vsel vm13, $0x3F82, v2;
	v4 =	vsel vm12, $0x3F03, v4;
	v5 =	vsel vm10, $0x3F85, v5  }
0x100: {  	v52 =	vsel vm7, $0x3F88, v52;
	v25 =	vsel vm3, $0x3F0C, v25;
	v6 =	vsel vm4, $0x3F8B, v6  }
0x101: {  	v0 =	vsel vm15, $0x3F81, v0;
	v8 =	vsel vm7, $0x2980, v8;
	v9 =	vsel vm6, $0x2A80, v9  }
0x102: {  	v2 =	vsel vm12, $0x2803, v2;
	v4 =	vsel vm11, $0x3F84, v4;
	v5 =	vsel vm9, $0x2806, v5  }
0x103: {  	v52 =	vsel vm6, $0x2809, v52;
	v25 =	vsel vm2, $0x3F8D, v25;
	v6 =	vsel vm3, $0x280C, v6  }
0x104: {  	v8 =	vsel vm6, $0x2A00, v8;
	v9 =	vsel vm5, $0x2B00, v9;
	v0 =	vsel vm13, $0x2802, v0  }
0x105: {  	v2 =	vsel vm11, $0x2884, v2;
	v4 =	vsel vm10, $0x2805, v4;
	v5 =	vsel vm8, $0x2887, v5  }
0x106: {  	v52 =	vsel vm5, $0x288A, v52;
	v8 =	vsel vm5, $0x2A80, v8;
	v9 =	vsel vm4, $0x2B80, v9  }
0x107: {  	v0 =	vsel vm12, $0x2883, v0;
	v4 =	vsel vm9, $0x2886, v4;
	v2 =	vsel vm10, $0x2905, v2  }
0x108: {  	v5 =	vsel vm7, $0x2908, v5;
	v52 =	vsel vm4, $0x290B, v52;
	v8 =	vsel vm4, $0x2B00, v8  }
0x109: {  	v9 =	vsel vm3, $0x3C00, v9;
	v0 =	vsel vm11, $0x2904, v0;
	v4 =	vsel vm8, $0x2907, v4  }
0x10a: {  	v2 =	vsel vm9, $0x2986, v2;
	v5 =	vsel vm6, $0x2989, v5;
	v52 =	vsel vm3, $0x298C, v52  }
0x10b: {  	v8 =	vsel vm3, $0x2B80, v8;
	v9 =	vsel vm2, $0x3C80, v9;
	v0 =	vsel vm10, $0x2985, v0  }
0x10c: {  	v2 =	vsel vm8, $0x2A07, v2;
	v4 =	vsel vm7, $0x2988, v4;
	v5 =	vsel vm5, $0x2A0A, v5  }
0x10d: {  	v52 =	vsel vm2, $0x2A0D, v52;
	v8 =	vsel vm2, $0x3C00, v8;
	v0 =	vsel vm9, $0x2A06, v0  }
0x10e: {  	v2 =	vsel vm7, $0x2A88, v2;
	v4 =	vsel vm6, $0x2A09, v4;
	v5 =	vsel vm4, $0x2A8B, v5  }
0x10f: {  	v7 =	vsel vm1, $0x3C80, v8;
	v8 =	vsel vm13, $0x2800, v48;
	v48 =	vmovc v31;
	v31 =	vsel vm13, $0x2A82, v58  }
0x110: {  	v58 =	vsel vm13, $0x3D82, v26;
	v0 =	vsel vm8, $0x2A87, v0;
	v2 =	vsel vm6, $0x2B09, v2  }
0x111: {  	v4 =	vsel vm5, $0x2A8A, v4;
	v5 =	vsel vm3, $0x2B0C, v5;
	[tilespmem:$0x1FC80] =	vst v7;
	v7 =	vsel vm1, $0x3D00, v9  }
0x112: {  	v9 =	vsel vm13, $0x2880, v49;
	v49 =	vmovc v13;
	v8 =	vsel vm12, $0x2880, v8;
	v13 =	vsel vm13, $0x1402, v21  }
0x113: {  	v21 =	vsel vm13, $0x2, v53;
	v31 =	vsel vm12, $0x2B03, v31;
	v53 =	vsel vm12, $0x3D83, v57  }
0x114: {  	v0 =	vsel vm7, $0x2B08, v0;
	v2 =	vsel vm5, $0x2B8A, v2;
	v4 =	vsel vm4, $0x2B0B, v4  }
0x115: {  	v57 =	vimm.s32 $0x71503F1E;
	[tilespmem:$0x1FCA0] =	vst v7;
	v7 =	vsel vm13, $0x3F80, v47;
	v9 =	vsel vm12, $0x2900, v9  }
0x116: {  	v47 =	vmovc v29;
	v29 =	vmovc v10;
	v8 =	vsel vm11, $0x2900, v8;
	v10 =	vsel vm13, $0x282, v18;
	v18 =	vsel vm13, $0x1682, v50  }
0x117: {  	v50 =	vsel vm13, $0x2B82, v59;
	v59 =	vimm.s32 $0x7B5A3918;
	v13 =	vsel vm12, $0x1483, v13  }
0x118: {  	v21 =	vsel vm12, $0x83, v21;
	v31 =	vsel vm11, $0x2B84, v31;
	v53 =	vsel vm11, $0x3E04, v53  }
0x119: {  	v0 =	vsel vm6, $0x2B89, v0;
	v4 =	vsel vm3, $0x2B8C, v4;
	v2 =	vsel vm4, $0x3C0B, v2  }
0x11a: {  	v57 =	vunpack.c.0.s8.s32 v57;
	v7 =	vsel vm12, $0x2800, v7;
	v9 =	vsel vm11, $0x2980, v9  }
0x11b: {  	v8 =	vsel vm10, $0x2980, v8;
	v26 =	vunpack.c.0.s8.s32 v59;
	v10 =	vsel vm12, $0x303, v10  }
0x11c: {  	v18 =	vsel vm12, $0x1703, v18;
	v50 =	vsel vm12, $0x3C03, v50;
	v13 =	vsel vm11, $0x1504, v13  }
0x11d: {  	v21 =	vsel vm11, $0x104, v21;
	v31 =	vsel vm10, $0x3C05, v31;
	v53 =	vsel vm10, $0x3E85, v53  }
0x11e: {  	v0 =	vsel vm5, $0x3C0A, v0;
	v2 =	vsel vm3, $0x3C8C, v2;
	v7 =	vsel vm11, $0x2880, v7  }
0x11f: {  	v9 =	vsel vm10, $0x2A00, v9;
	v8 =	vsel vm9, $0x2A00, v8;
	v10 =	vsel vm11, $0x384, v10  }
0x120: {  	v18 =	vsel vm11, $0x1784, v18;
	v50 =	vsel vm11, $0x3C84, v50;
	v13 =	vsel vm10, $0x1585, v13  }
0x121: {  	v21 =	vsel vm10, $0x185, v21;
	v31 =	vsel vm9, $0x3C86, v31;
	v53 =	vsel vm9, $0x3F06, v53  }
0x122: {  	v0 =	vsel vm4, $0x3C8B, v0;
	v2 =	vsel vm2, $0x3D0D, v2;
	v7 =	vsel vm10, $0x2900, v7  }
0x123: {  	v9 =	vsel vm9, $0x2A80, v9;
	v8 =	vsel vm8, $0x2A80, v8;
	[tilespmem:$0x1FC10] =	vst v26;
	v26 =	vunpack.c.0.s8.s32 v60  }
0x124: {  	v10 =	vsel vm10, $0x1405, v10;
	v13 =	vsel vm9, $0x1606, v13;
	v18 =	vsel vm10, $0x5, v18  }
0x125: {  	v21 =	vsel vm9, $0x206, v21;
	v31 =	vsel vm8, $0x3D07, v31;
	v50 =	vsel vm10, $0x3D05, v50  }
0x126: {  	v53 =	vsel vm8, $0x3F87, v53;
	v60 =	vunpack.c.0.s8.s32 v35;
	v35 =	vunpack.c.0.s8.s32 v46  }
0x127: {  	v46 =	vimm.s32 $0x78573615;
	v0 =	vsel vm3, $0x3D0C, v0;
	v2 =	vsel vm1, $0x3D8E, v2  }
0x128: {  	v7 =	vsel vm9, $0x2980, v7;
	v9 =	vsel vm8, $0x2B00, v9;
	v8 =	vsel vm7, $0x2B00, v8  }
0x129: {  	v10 =	vsel vm9, $0x1486, v10;
	v13 =	vsel vm8, $0x1687, v13;
	v18 =	vsel vm9, $0x86, v18  }
0x12a: {  	v21 =	vsel vm8, $0x287, v21;
	v50 =	vsel vm9, $0x3D86, v50;
	v31 =	vsel vm7, $0x3D88, v31  }
0x12b: {  	v53 =	vsel vm7, $0x2808, v53;
	v0 =	vsel vm2, $0x3D8D, v0;
	v7 =	vsel vm8, $0x2A00, v7  }
0x12c: {  	v9 =	vsel vm7, $0x2B80, v9;
	v8 =	vsel vm6, $0x2B80, v8;
	[tilespmem:$0x1FB50] =	vst v26;
	v26 =	vunpack.c.0.s8.s32 v61  }
0x12d: {  	v10 =	vsel vm8, $0x1507, v10;
	v18 =	vsel vm8, $0x107, v18;
	v50 =	vsel vm8, $0x3E07, v50  }
0x12e: {  	v61 =	vunpack.c.0.s8.s32 v36;
	v13 =	vsel vm7, $0x1708, v13;
	v21 =	vsel vm7, $0x308, v21  }
0x12f: {  	v36 =	vimm.s32 $0x74533211;
	v31 =	vsel vm6, $0x3E09, v31;
	v53 =	vsel vm6, $0x2889, v53  }
0x130: {  	[tilespmem:$0x1FB70] =	vst v35;
	v35 =	vimm.s32 $0x79583716;
	v0 =	vsel vm1, $0x3E0E, v0;
	v7 =	vsel vm7, $0x2A80, v7  }
0x131: {  	v9 =	vsel vm6, $0x3C00, v9;
	v8 =	vsel vm5, $0x3C00, v8;
	v10 =	vsel vm7, $0x1588, v10  }
0x132: {  	v18 =	vsel vm7, $0x188, v18;
	v50 =	vsel vm7, $0x3E88, v50;
	v13 =	vsel vm6, $0x1789, v13  }
0x133: {  	v21 =	vsel vm6, $0x389, v21;
	v31 =	vsel vm5, $0x3E8A, v31;
	v53 =	vsel vm5, $0x290A, v53  }
0x134: {  	v7 =	vsel vm6, $0x2B00, v7;
	v9 =	vsel vm5, $0x3C80, v9;
	v8 =	vsel vm4, $0x3C80, v8  }
0x135: {  	v10 =	vsel vm6, $0x1609, v10;
	v18 =	vsel vm6, $0x209, v18;
	v50 =	vsel vm6, $0x3F09, v50  }
0x136: {  	v13 =	vsel vm5, $0xA, v13;
	v21 =	vsel vm5, $0x140A, v21;
	v31 =	vsel vm4, $0x3F0B, v31  }
0x137: {  	v7 =	vsel vm5, $0x2B80, v7;
	v9 =	vsel vm4, $0x3D00, v9;
	v8 =	vsel vm3, $0x3D00, v8  }
0x138: {  	v10 =	vsel vm5, $0x168A, v10;
	v18 =	vsel vm5, $0x28A, v18;
	v50 =	vsel vm5, $0x3F8A, v50  }
0x139: {  	v13 =	vsel vm4, $0x8B, v13;
	v21 =	vsel vm4, $0x148B, v21;
	v31 =	vsel vm3, $0x3F8C, v31  }
0x13a: {  	v7 =	vsel vm4, $0x3C00, v7;
	v9 =	vsel vm3, $0x3D80, v9;
	v8 =	vsel vm2, $0x3D80, v8  }
0x13b: {  	v10 =	vsel vm4, $0x170B, v10;
	v13 =	vsel vm3, $0x10C, v13;
	v18 =	vsel vm4, $0x30B, v18  }
0x13c: {  	v21 =	vsel vm3, $0x150C, v21;
	v7 =	vsel vm3, $0x3C80, v7;
	v9 =	vsel vm2, $0x3E00, v9  }
0x13d: {  	v10 =	vsel vm3, $0x178C, v10;
	v13 =	vsel vm2, $0x18D, v13;
	v7 =	vsel vm2, $0x3D00, v7  }
0x13e: {  	v18 =	vsel vm3, $0x38C, v18;
	v21 =	vsel vm2, $0x158D, v21;
	v7 =	vsel vm1, $0x3D80, v7  }
0x13f: {  	v10 =	vsel vm2, $0xD, v10;
	v18 =	vsel vm2, $0x140D, v18;
	[tilespmem:$0x1FB20] =	vst v7;
	v7 =	vsel vm1, $0x3E00, v8  }
0x140: {  	v8 =	vsel vm13, $0x182, v15;
	v15 =	vsel vm13, $0x1502, v23;
	v23 =	vsel vm13, $0x2902, v55  }
0x141: {  	v55 =	vmovc v34;
	v34 =	vimm.s32 $0x7D5C3B1A;
	[tilespmem:$0x1FB30] =	vst v7;
	v7 =	vsel vm1, $0x3E80, v9;
	v9 =	vsel vm13, $0x202, v16  }
0x142: {  	v16 =	vsel vm13, $0x1582, v24;
	v24 =	vsel vm13, $0x2982, v56;
	v8 =	vsel vm12, $0x203, v8  }
0x143: {  	v15 =	vsel vm12, $0x1583, v15;
	v23 =	vsel vm12, $0x2983, v23;
	v56 =	vunpack.c.0.s8.s32 v36  }
0x144: {  	[tilespmem:$0x1FB60] =	vst v26;
	v36 =	vunpack.c.0.s8.s32 v46;
	v26 =	vunpack.c.0.s8.s32 v34;
	v34 =	vsel vm2, $0x288D, v6  }
0x145: {  	v46 =	vsel vm2, $0x3C8D, v3;
	v3 =	vsel vm2, $0x3E0D, v1;
	v1 =	vsel vm1, $0x10E, v11  }
0x146: {  	v6 =	vsel vm1, $0x18E, v12;
	v11 =	vsel vm1, $0x20E, v13;
	[tilespmem:$0x1FB40] =	vst v7;
	v7 =	vsel vm13, $0x102, v14  }
0x147: {  	v14 =	vsel vm13, $0x1482, v22;
	v22 =	vsel vm13, $0x82, v54;
	v8 =	vsel vm11, $0x284, v8  }
0x148: {  	v9 =	vsel vm12, $0x283, v9;
	v16 =	vsel vm12, $0x1603, v16;
	v24 =	vsel vm12, $0x2A03, v24  }
0x149: {  	v54 =	vsel vm12, $0x3E03, v58;
	v15 =	vsel vm11, $0x1604, v15;
	v23 =	vsel vm11, $0x2A04, v23  }
0x14a: {  	v58 =	vimm.s32 $0x75543312;
	v46 =	vsel vm1, $0x3D0E, v46;
	v3 =	vsel vm1, $0x3E8E, v3  }
0x14b: {  	v7 =	vsel vm12, $0x183, v7;
	v14 =	vsel vm12, $0x1503, v14;
	v22 =	vsel vm12, $0x103, v22  }
0x14c: {  	v8 =	vsel vm10, $0x305, v8;
	v9 =	vsel vm11, $0x304, v9;
	v16 =	vsel vm11, $0x1684, v16  }
0x14d: {  	v24 =	vsel vm11, $0x2A84, v24;
	v54 =	vsel vm11, $0x3E84, v54;
	v15 =	vsel vm10, $0x1685, v15  }
0x14e: {  	v23 =	vsel vm10, $0x2A85, v23;
	[tilespmem:$0x1FB90] =	vst v26;
	v26 =	vsel vm2, $0x148D, v19;
	v58 =	vunpack.c.0.s8.s32 v58  }
0x14f: {  	v7 =	vsel vm11, $0x204, v7;
	v8 =	vsel vm9, $0x386, v8;
	v14 =	vsel vm11, $0x1584, v14  }
0x150: {  	v22 =	vsel vm11, $0x184, v22;
	v9 =	vsel vm10, $0x385, v9;
	v16 =	vsel vm10, $0x1705, v16  }
0x151: {  	[tilespmem:$0x1FBA0] =	vst v57;
	v15 =	vsel vm9, $0x1706, v15;
	v23 =	vsel vm9, $0x2B06, v23;
	v24 =	vsel vm10, $0x2B05, v24  }
0x152: {  	s0 =	rddreg [dreg:$0x0];
	s3 =	simm.s32 $0x0;
	[tilespmem:$0x1FB80] =	vst v56;
	v7 =	vsel vm10, $0x285, v7;
	v8 =	vsel vm8, $0x1407, v8;
	v9 =	vsel vm9, $0x1406, v9  }
0x153: {  	[smem:$0x7FF] =	sst s3;
	v14 =	vsel vm10, $0x1605, v14;
	v16 =	vsel vm9, $0x1786, v16;
	v15 =	vsel vm8, $0x1787, v15;
	[tilespmem:$0x1FBB0] =	vst v58  }
0x154: {  	s1 =	rddreg [dreg:$0x1];
	v45 =	vmovc v27;
	v27 =	vunpack.c.0.s8.s32 v35;
	v22 =	vsel vm10, $0x205, v22;
	v23 =	vsel vm8, $0x2B87, v23;
	v58 =	vld [tilespmem:$0x1FBC0];
	_ =	strace $0x80000047;
	[tilespmem:$0x1FD40] =	vst v2  }
0x155: {  	v24 =	vsel vm9, $0x2B86, v24;
	v56 =	vmovc v30;
	v30 =	vsel vm2, $0x2B8D, v5;
	v7 =	vsel vm9, $0x306, v7;
	[tilespmem:$0x1FD50] =	vst v0  }
0x156: {  	v57 =	vmovc v37;
	v9 =	vsel vm8, $0x1487, v9;
	v14 =	vsel vm9, $0x1686, v14;
	v16 =	vsel vm8, $0x7, v16;
	[tilespmem:$0x1FE00] =	vst v33  }
0x157: {  	v22 =	vsel vm9, $0x286, v22;
	v24 =	vsel vm8, $0x3C07, v24;
	v8 =	vsel vm7, $0x1488, v8;
	[tilespmem:$0x1FE10] =	vst v57  }
0x158: {  	v15 =	vsel vm7, $0x8, v15;
	v23 =	vsel vm7, $0x3C08, v23;
	v0 =	vimm.s32 $0x7E5D3C1B;
	[tilespmem:$0x1FE20] =	vst v29  }
0x159: {  	v2 =	vimm.s32 $0x76553413;
	[tilespmem:$0x1FE30] =	vst v60;
	v7 =	vsel vm8, $0x387, v7;
	v14 =	vsel vm8, $0x1707, v14  }
0x15a: {  	[tilespmem:$0x1FE50] =	vst v36;
	v22 =	vsel vm8, $0x307, v22;
	v9 =	vsel vm7, $0x1508, v9;
	v16 =	vsel vm7, $0x88, v16  }
0x15b: {  	[tilespmem:$0x1FE60] =	vst v27;
	v24 =	vsel vm7, $0x3C88, v24;
	v8 =	vsel vm6, $0x1509, v8;
	v15 =	vsel vm6, $0x89, v15  }
0x15c: {  	[tilespmem:$0x1FEB0] =	vst v1;
	v23 =	vsel vm6, $0x3C89, v23;
	v0 =	vunpack.c.0.s8.s32 v0;
	v7 =	vsel vm7, $0x1408, v7  }
0x15d: {  	[tilespmem:$0x1FEC0] =	vst v6;
	v14 =	vsel vm7, $0x1788, v14;
	v22 =	vsel vm7, $0x388, v22;
	v8 =	vsel vm5, $0x158A, v8  }
0x15e: {  	[tilespmem:$0x1FED0] =	vst v11;
	v9 =	vsel vm6, $0x1589, v9;
	v16 =	vsel vm6, $0x109, v16;
	v24 =	vsel vm6, $0x3D09, v24  }
0x15f: {  	[tilespmem:$0x1FF90] =	vst v46;
	v15 =	vsel vm5, $0x10A, v15;
	v23 =	vsel vm5, $0x3D0A, v23;
	v7 =	vsel vm6, $0x1489, v7  }
0x160: {  	[tilespmem:$0x1FFA0] =	vst v3;
	v14 =	vsel vm6, $0x9, v14;
	v22 =	vsel vm6, $0x1409, v22;
	v8 =	vsel vm4, $0x160B, v8  }
0x161: {  	[tilespmem:$0x1FFD0] =	vst v56;
	v9 =	vsel vm5, $0x160A, v9;
	v16 =	vsel vm5, $0x18A, v16;
	v24 =	vsel vm5, $0x3D8A, v24  }
0x162: {  	v15 =	vsel vm4, $0x18B, v15;
	v23 =	vsel vm4, $0x3D8B, v23;
	[tilespmem:$0x1FD60] =	vst v0;
	v0 =	vimm.s32 $0x7251301F  }
0x163: {  	[tilespmem:$0x1FFE0] =	vst v63;
	v7 =	vsel vm5, $0x150A, v7;
	v23 =	vsel vm3, $0x3E0C, v23;
	v0 =	vunpack.c.0.s8.s32 v0  }
0x164: {  	[tilespmem:$0x1FFF0] =	vst v62;
	v8 =	vsel vm3, $0x168C, v8;
	v9 =	vsel vm4, $0x168B, v9;
	v23 =	vsel vm2, $0x3E8D, v23  }
0x165: {  	v9 =	vsel vm3, $0x170C, v9;
	v37 =	vsel vm1, $0x3F0E, v23;
	[tilespmem:$0x1FD70] =	vst v0;
	v0 =	vunpack.c.0.s8.s32 v2  }
0x166: {  	v14 =	vsel vm5, $0x8A, v14;
	v7 =	vsel vm4, $0x158B, v7;
	v9 =	vsel vm2, $0x178D, v9;
	[tilespmem:$0x1FF60] =	vst v37  }
0x167: {  	v16 =	vsel vm4, $0x20B, v16;
	v7 =	vsel vm3, $0x160C, v7;
	v5 =	vsel vm1, $0xE, v9;
	[tilespmem:$0x1FD80] =	vst v0  }
0x168: {  	v14 =	vsel vm4, $0x10B, v14;
	v7 =	vsel vm2, $0x168D, v7;
	v9 =	vsel vm1, $0x150E, v26;
	[tilespmem:$0x1FE90] =	vst v5  }
0x169: {  	v8 =	vsel vm2, $0x170D, v8;
	v14 =	vsel vm3, $0x18C, v14;
	v19 =	vsel vm1, $0x170E, v7;
	[tilespmem:$0x1FF30] =	vst v9  }
0x16a: {  	v15 =	vsel vm3, $0x20C, v15;
	v14 =	vsel vm2, $0x20D, v14;
	v7 =	vsel vm1, $0x178E, v8;
	[tilespmem:$0x1FE70] =	vst v19  }
0x16b: {  	v16 =	vsel vm3, $0x28C, v16;
	v15 =	vsel vm2, $0x28D, v15;
	v12 =	vsel vm1, $0x28E, v14;
	[tilespmem:$0x1FE80] =	vst v7  }
0x16c: {  	v22 =	vsel vm5, $0x148A, v22;
	v16 =	vsel vm2, $0x30D, v16;
	v14 =	vsel vm1, $0x30E, v15;
	[tilespmem:$0x1FEE0] =	vst v12  }
0x16d: {  	v24 =	vsel vm4, $0x3E0B, v24;
	v22 =	vsel vm4, $0x150B, v22;
	v15 =	vsel vm1, $0x38E, v16;
	[tilespmem:$0x1FEF0] =	vst v14  }
0x16e: {  	v24 =	vsel vm3, $0x3E8C, v24;
	v22 =	vsel vm3, $0x158C, v22;
	v16 =	vsel vm1, $0x140E, v17;
	[tilespmem:$0x1FF00] =	vst v15  }
0x16f: {  	v22 =	vsel vm2, $0x160D, v22;
	v8 =	vsel vm1, $0x8E, v10;
	v10 =	vsel vm1, $0x158E, v20;
	[tilespmem:$0x1FF10] =	vst v16  }
0x170: {  	v17 =	vmovc v8;
	v8 =	vsel vm1, $0x148E, v18;
	v18 =	vsel vm1, $0x160E, v21;
	v21 =	vsel vm1, $0x168E, v22;
	[tilespmem:$0x1FF40] =	vst v10  }
0x171: {  	v44 =	vmovc v28;
	v54 =	vsel vm10, $0x3F05, v54;
	v13 =	vld [tilespmem:$0x1FBD0];
	v28 =	vsel vm2, $0x3F0D, v24;
	v0 =	vimm.s32 $0x7A593817;
	[tilespmem:$0x1FC00] =	vst v21  }
0x172: {  	v54 =	vsel vm9, $0x3F86, v54;
	v35 =	vld [tilespmem:$0x1FC20];
	v0 =	vunpack.c.0.s8.s32 v0;
	v21 =	vsel vm1, $0x3F8E, v28;
	[tilespmem:$0x1FEA0] =	vst v17  }
0x173: {  	v31 =	vsel vm2, $0x280D, v31;
	v50 =	vsel vm4, $0x280B, v50;
	v54 =	vsel vm8, $0x2807, v54;
	v24 =	vld [tilespmem:$0x1FBE0];
	[tilespmem:$0x1FC30] =	vst v21  }
0x174: {  	s15 =	simm.s32 $0x5000;
	v50 =	vsel vm3, $0x288C, v50;
	v54 =	vsel vm7, $0x2888, v54;
	v23 =	vld [tilespmem:$0x1FC10];
	v21 =	vsel vm1, $0x288E, v31;
	[tilespmem:$0x1FDB0] =	vst v0  }
0x175: {  	s17 =	simm.s32 $0xF000;
	v50 =	vsel vm2, $0x290D, v50;
	v54 =	vsel vm6, $0x2909, v54;
	v2 =	vld [tilespmem:$0x1FDD0];
	[tilespmem:$0x1FC40] =	vst v21;
	v21 =	vsel vm1, $0x290E, v34  }
0x176: {  	s2 =	srdreg.scid;
	s19 =	simm.s32 $0x14000;
	v53 =	vsel vm4, $0x298B, v53;
	v54 =	vsel vm5, $0x298A, v54;
	v0 =	vld [tilespmem:$0x1FDC0];
	[tilespmem:$0x1FC60] =	vst v21;
	v21 =	vsel vm1, $0x298E, v50  }
0x177: {  	s13 =	stileid.u32;
	s16 =	simm.s32 $0x1;
	s21 =	simm.s32 $0xA000;
	v53 =	vsel vm3, $0x2A0C, v53;
	v54 =	vsel vm4, $0x2A0B, v54;
	v26 =	vld [tilespmem:$0x1FD30];
	[tilespmem:$0x1FC70] =	vst v21;
	v21 =	vsel vm1, $0x2A0E, v51  }
0x178: {  	s18 =	simm.s32 $0x2;
	s20 =	simm.s32 $0x3;
	s22 =	simm.s32 $0x19000;
	v53 =	vsel vm2, $0x2A8D, v53;
	v54 =	vsel vm3, $0x2A8C, v54;
	v20 =	vld [tilespmem:$0x1FBF0];
	[tilespmem:$0x1FC90] =	vst v21;
	v21 =	vsel vm1, $0x2A8E, v52  }
0x179: {  	s23 =	simm.s32 $0x4;
	s2 =	sand.u32 $0x1, s2;
	s4 =	sshll.u32 s13, $0x1;
	v54 =	vsel vm2, $0x2B0D, v54;
	v22 =	vmovc v32;
	v32 =	vsel vm1, $0x280E, v25;
	v25 =	vld [tilespmem:$0x1FD90];
	[tilespmem:$0x1FCC0] =	vst v21;
	v21 =	vsel vm1, $0x2B0E, v53  }
0x17a: {  	s24 =	simm.s32 $0x5;
	s29 =	simm.s32 $0x7;
	s4 =	sor.u32 s2, s4;
	v4 =	vsel vm2, $0x3C0D, v4;
	v31 =	vld [tilespmem:$0x1FC50];
	[tilespmem:$0x1FCE0] =	vst v21;
	v21 =	vsel vm1, $0x2B8E, v54  }
0x17b: {  	s30 =	simm.s32 $0x0;
	p0 =	sgt.u32 s13, $0xC;
	s6 =	smul.u32 $0x30E000, s4;
	[tilespmem:$0x1FD00] =	vst v21;
	v21 =	vsel vm1, $0x3C0E, v30;
	v30 =	vsel vm1, $0x3C8E, v4;
	v4 =	vcombine.low v2, v0;
	v0 =	vld [tilespmem:$0x1FDE0]  }
0x17c: {  	s13 =	simm.s32 $0x1400;
	s2 =	ssub.s32 $0x2, s2;
	s9 =	smul.u32 $0x1400, s4;
	[tilespmem:$0x1FF20] =	vst v8;
	v2 =	vld [tilespmem:$0x1FDF0]  }
0x17d: {  	s5 =	sshll.u32 s4, $0x7;
	s8 =	sshrl.u32 s2, $0x1;
	s28 =	smul.u32 $0x280, s4;
	[tilespmem:$0x1FF50] =	vst v18;
	v34 =	vmov v61;
	v61 =	vld [tilespmem:$0x1FCB0]  }
0x17e: {  	s7 =	sadd.s32 s5, s1;
	s5 =	sadd.s32 $0x2400, s1;
	s25 =	ssub.s32 s2, s8;
	[tilespmem:$0x1FF70] =	vst v32;
	v50 =	vld [tilespmem:$0x1FC80]  }
.Ltmp0:
0x17f: {  	s26 =	sshrl.u32 s6, $0x3;
	s9 =	sshrl.u32 s9, $0x3;
	[tilespmem:$0x1FE40] =	vst v34;
	v51 =	vld [tilespmem:$0x1FCA0];
	(pc) =	sbr.rel .LBB2_1-.Ltmp0, $4  }
0x180: {  	s6 =	sadd.s32 $0x1600, s7;
	s8 =	sadd.s32 s0, s28;
	s12 =	smax.u32 s25, $0x1;
	v52 =	vld [tilespmem:$0x1FCD0];
	[tilespmem:$0x1FD20] =	vst v21  }
0x181: {  	s25 =	simm.s32 $0x6;
	s11 =	sadd.s32 s5, s26;
	s9 =	sadd.s32 s0, s9;
	v53 =	vld [tilespmem:$0x1FCF0];
	[tilespmem:$0x1FF80] =	vst v30;
	v2 =	vcombine.low v2, v0  }
0x182: {  	s2 =	sadd.s32 s0, s26;
	s7 =	sadd.s32 $0x61A00, s11;
	s31 =	sadd.s32 $0x61800, s11;
	v54 =	vld [tilespmem:$0x1FD10];
	[tilespmem:$0x1FFB0] =	vst v4  }
0x183: {  	s9 =	sadd.s32 $0x5000, s9;
	s10 =	sadd.s32 $0x18600, s2;
	v59 =	vlaneseq.u32;
	[dreg:$0x3] =	wrdreg s31;
	v21 =	vld [tilespmem:$0x1FDA0];
	[tilespmem:$0x1FFC0] =	vst v2  }
.LBB2_17:
0x184: {  	s30 =	sadd.s32 $0x1, s30  }
0x185: {  	p1 =	sne.s32 s30, s12  }
.Ltmp1:
0x186: {  	_ = 	snop;
	(pc) =	sbr.rel @!p1 .LBB2_18-.Ltmp1, $1  }
0x187: {  	_ =	sdelay $0x3  }
.LBB2_1:
0x188: {  	s1 =	simm.s32 @!p0 $0x0;
	s2 =	simm.s32 @!p0 $0x7  }
0x189: {  	[tilespmem:s1], [sflag:$0x7] =	stream.linear.gather @!p0 [hbm4b:s6+s1], $0x400, $0x38;
	[tilespmem:$0x1E000] =	vst v63  }
0x18a: {  	_ =	swait.ge @!p0 [sflag:s2], $0x400  }
0x18b: {  	[sflag:s2] =	ssyncset.done @!p0 $0x0  }
0x18c: {  	[sflag:s2] =	ssyncadd.s32 @!p0 $0xFFFFFC00  }
0x18d: {  	[hbm4b:s7+s1] =	stream.linear.scatter @!p0 [tilespmem:s1], [sflag:$0x7], $0x400, $0x38;
	[tilespmem:$0x1E000] =	vst v63  }
0x18e: {  	_ =	swait.ge @!p0 [sflag:s2], $0x400  }
.Ltmp2:
0x18f: {  	[sflag:s2] =	ssyncset.done @!p0 $0x0;
	(pc) =	sbr.rel .LBB2_2-.Ltmp2, $4  }
0x190: {  	s28 =	simm.s32 $0xC3800;
	[sflag:s2] =	ssyncadd.s32 @!p0 $0xFFFFFC00  }
0x191: {  	[tilespmem:s3], [sflag:$0x1] =	stream.strided.gather [hbm4b:s8+s13], $0x5000, s28, s13, $0x38;
	[tilespmem:$0x1E000] =	vst v63  }
0x192: {  	s31 =	simm.s32 $0x0  }
0x193: {  	[tilespmem:s15], [sflag:$0x2] =	stream.strided.gather [hbm4b:s9+s13], $0x5000, s28, s13, $0x38;
	[tilespmem:$0x1E000] =	vst v63  }
.LBB2_12:
0x194: {  	s31 =	sadd.s32 $0x1, s31  }
0x195: {  	p1 =	sne.s32 s31, $0x2B  }
.Ltmp3:
0x196: {  	_ = 	snop;
	(pc) =	sbr.rel @!p1 .LBB2_13-.Ltmp3, $1  }
0x197: {  	_ =	sdelay $0x3  }
.LBB2_2:
0x198: {  	s1 =	smul.u32 $0x60, s31;
	_ =	sdelay $0x1  }
0x199: {  	s1 =	sor.u32 s4, s1  }
0x19a: {  	p1 =	sgt.u32 s1, $0xFD7  }
.Ltmp4:
0x19b: {  	_ = 	snop;
	(pc) =	sbr.rel @p1 .LBB2_12-.Ltmp4, $1  }
0x19c: {  	_ =	sdelay $0x3  }
0x19d: {  	p2 =	sgt.u32 s1, $0xF97  }
0x19e: {  	s2 =	sadd.s32 @!p2 $0x40, s1  }
0x19f: {  	s26 =	sand.u32 @!p2 $0xFFFC, s2  }
0x1a0: {  	s26 =	sshrl.u32 @!p2 s26, $0x2  }
0x1a1: {  	s26 =	smul.u32 @!p2 $0xD21, s26;
	_ =	sdelay $0x1  }
0x1a2: {  	s26 =	sshrl.u32 @!p2 s26, $0x11  }
0x1a3: {  	s28 =	smul.u32 @!p2 $0xFFFFFF64, s26;
	_ =	sdelay $0x1  }
0x1a4: {  	s26 =	smul.u32 @!p2 $0x30E000, s26;
	s2 =	sadd.s32 @!p2 s2, s28  }
0x1a5: {  	s2 =	smul.u32 @!p2 $0x1400, s2  }
0x1a6: {  	_ =	swait.ge [sflag:s16], $0x5000  }
0x1a7: {  	p1 =	seq.s32 s31, $0x0;
	[sflag:s16] =	ssyncset.done $0x0;
	s26 =	sadd.s32 @!p2 s26, s2  }
0x1a8: {  	s11 =	simm.s32 @!p2 $0xC3800;
	s14 =	simm.s32 @!p2 $0xA000;
	s26 =	sshrl.u32 @!p2 s26, $0x3  }
0x1a9: {  	[sflag:s16] =	ssyncadd.s32 $0xFFFFB000;
	s28 =	simm.s32 @!p2 $0x1400;
	s26 =	sadd.s32 @!p2 s0, s26  }
0x1aa: {  	[tilespmem:s14], [sflag:$0x3] =	stream.strided.gather @!p2 [hbm4b:s26+s28], $0x5000, s11, s28, $0x38;
	[tilespmem:$0x1E000] =	vst v63  }
0x1ab: {  	s11 =	simm.s32 @!p1 $0x4  }
0x1ac: {  	v27 =	vld [tilespmem:$0x1FAD0];
	_ =	swait.ge @!p1 [sflag:s11], $0x5000  }
0x1ad: {  	v16 =	vmov v26;
	s2 =	simm.s32 $0x0;
	v26 =	vld [tilespmem:$0x1FAB0]  }
0x1ae: {  	v0 =	vmov s2  }
0x1af: {  	v1 =	vor.u32 s2, v59;
	v0 =	vshll.u32 v0, $0x3  }
0x1b0: {  	v1 =	vand.u32 $0x7F, v1;
	v0 =	vand.u32 $0x1C00, v0  }
0x1b1: {  	v1 =	vor.u32 v1, v0  }
0x1b2: {  	v5 =	vadd.s32 v26, v1  }
0x1b3: {  	v0 =	vadd.s32 v42, v1  }
0x1b4: {  	v10 =	vmov v2;
	v2 =	vadd.s32 v47, v1  }
0x1b5: {  	v3 =	vadd.s32 v61, v1;
	[sflag:s11] =	ssyncset.done @!p1 $0x0  }
0x1b6: {  	v6 =	vadd.s32 v33, v1;
	v37 =	vld [tilespmem:$0x1FAC0];
	[sflag:s11] =	ssyncadd.s32 @!p1 $0xFFFFB000  }
0x1b7: {  	v32 =	vld.idx.msk [tilespmem:v5+s3+$0x0], $0xffff;
	v5 =	vadd.s32 v41, v1  }
0x1b8: {  	v0 =	vld.idx.msk [tilespmem:v0+s3+$0x0], $0xffff  }
0x1b9: {  	v2 =	vld.idx.msk [tilespmem:v2+s3+$0x0], $0xffff  }
0x1ba: {  	v28 =	vmov v21;
	v21 =	vmov v4;
	v4 =	vadd.s32 v24, v1;
	v26 =	vld.idx.msk [tilespmem:v3+s3+$0x0], $0xffff  }
0x1bb: {  	v7 =	vadd.s32 v35, v1;
	v30 =	vld.idx.msk [tilespmem:v6+s3+$0x0], $0xffff  }
0x1bc: {  	v8 =	vadd.s32 v20, v1;
	v18 =	vld.idx.msk [tilespmem:v5+s3+$0x0], $0xffff  }
0x1bd: {  	v9 =	vadd.s32 v25, v1;
	v5 =	vld [tilespmem:$0x1FB00]  }
0x1be: {  	v12 =	vadd.s32 v40, v1;
	v6 =	vld [tilespmem:$0x1FAA0]  }
0x1bf: {  	v13 =	vadd.s32 v13, v1;
	v4 =	vld.idx.msk [tilespmem:v4+s3+$0x0], $0xffff  }
0x1c0: {  	v15 =	vmov s2;
	v16 =	vadd.s32 v16, v1;
	v35 =	vld.idx.msk [tilespmem:v7+s3+$0x0], $0xffff  }
0x1c1: {  	v15 =	vshll.u32 v15, $0x7;
	v3 =	vadd.s32 v43, v1;
	v8 =	vld.idx.msk [tilespmem:v8+s3+$0x0], $0xffff  }
0x1c2: {  	v17 =	vadd.s32 v48, v1;
	v9 =	vld.idx.msk [tilespmem:v9+s3+$0x0], $0xffff;
	v5 =	vor.u32 v5, v15  }
0x1c3: {  	v12 =	vld.idx.msk [tilespmem:v12+s3+$0x0], $0xffff;
	v14 =	vadd.s32 v6, v1;
	v15 =	vor.u32 v44, v5  }
0x1c4: {  	v13 =	vld.idx.msk [tilespmem:v13+s3+$0x0], $0xffff;
	v19 =	vor.u32 v45, v5  }
0x1c5: {  	v16 =	vld.idx.msk [tilespmem:v16+s3+$0x0], $0xffff;
	v20 =	vor.u32 v55, v5  }
0x1c6: {  	v3 =	vld.idx.msk [tilespmem:v3+s3+$0x0], $0xffff;
	v46 =	vor.u32 v37, v5  }
0x1c7: {  	v17 =	vld.idx.msk [tilespmem:v17+s3+$0x0], $0xffff  }
0x1c8: {  	v14 =	vld.idx.msk [tilespmem:v14+s3+$0x0], $0xffff;
	[tilespmem:v15+s17+$0x0] =	vst.idx.msk $0xffff, v18  }
0x1c9: {  	[tilespmem:v19+s17+$0x0] =	vst.idx.msk $0xffff, v0  }
0x1ca: {  	[tilespmem:v20+s17+$0x0] =	vst.idx.msk $0xffff, v12  }
0x1cb: {  	[tilespmem:v46+s17+$0x0] =	vst.idx.msk $0xffff, v3;
	v3 =	vld [tilespmem:$0x1FAE0]  }
0x1cc: {  	v59 =	vor.u32 v27, v5  }
0x1cd: {  	v15 =	vor.u32 v28, v5  }
0x1ce: {  	v0 =	vor.u32 v21, v5  }
0x1cf: {  	v12 =	vor.u32 v10, v5  }
0x1d0: {  	v3 =	vor.u32 v3, v5  }
0x1d1: {  	v61 =	vld [tilespmem:$0x1FB50];
	[tilespmem:v59+s17+$0x0] =	vst.idx.msk $0xffff, v2  }
0x1d2: {  	v10 =	vld [tilespmem:$0x1FE30];
	[tilespmem:v15+s17+$0x0] =	vst.idx.msk $0xffff, v9  }
0x1d3: {  	v9 =	vld [tilespmem:$0x1FDE0];
	[tilespmem:v0+s17+$0x0] =	vst.idx.msk $0xffff, v17  }
0x1d4: {  	v15 =	vld [tilespmem:$0x1FDF0];
	[tilespmem:v12+s17+$0x0] =	vst.idx.msk $0xffff, v13  }
0x1d5: {  	[tilespmem:v3+s17+$0x0] =	vst.idx.msk $0xffff, v4;
	v3 =	vld [tilespmem:$0x1FB60]  }
0x1d6: {  	v2 =	vor.u32 v52, v5;
	_ =	sdelay $0x2  }
0x1d7: {  	v60 =	vcombine.low v9, v15;
	v9 =	vor.u32 v31, v5  }
0x1d8: {  	v12 =	vsel vm0, v23, v10;
	v3 =	vsel vm0, v3, v61  }
0x1d9: {  	[tilespmem:v2+s17+$0x0] =	vst.idx.msk $0xffff, v8;
	v2 =	vcombine.low v3, v12;
	_ =	sdelay $0x1  }
0x1da: {  	[tilespmem:$0x1FA20] =	vst v2;
	v2 =	vcombine.low v12, v3  }
0x1db: {  	v11 =	vmov v34;
	[tilespmem:v9+s17+$0x0] =	vst.idx.msk $0xffff, v16  }
0x1dc: {  	v9 =	vld [tilespmem:$0x1FBB0];
	[tilespmem:$0x1FA30] =	vst v2;
	v2 =	vsel vm0, v11, v36  }
0x1dd: {  	[tilespmem:$0x1FA50] =	vst v2;
	v2 =	vld [tilespmem:$0x1FBA0];
	_ =	sdelay $0x4  }
0x1de: {  	v12 =	vsel vm0, v9, v2;
	v2 =	vld [tilespmem:$0x1FB40];
	_ =	sdelay $0x1  }
0x1df: {  	v7 =	vld [tilespmem:$0x1FE60]  }
0x1e0: {  	v0 =	vld [tilespmem:$0x1FDC0]  }
0x1e1: {  	v15 =	vld [tilespmem:$0x1FDD0]  }
0x1e2: {  	v9 =	vadd.s32 v2, v1;
	v2 =	vld [tilespmem:$0x1FB90];
	_ =	sdelay $0x3  }
0x1e3: {  	v15 =	vcombine.low v0, v15;
	v0 =	vor.u32 v53, v5  }
0x1e4: {  	v13 =	vor.u32 v54, v5;
	v7 =	vsel vm0, v2, v7;
	v2 =	vld [tilespmem:$0x1FB30];
	_ =	sdelay $0x1  }
0x1e5: {  	v25 =	vld [tilespmem:$0x1FAF0];
	_ =	sdelay $0x1  }
0x1e6: {  	[tilespmem:v0+s17+$0x0] =	vst.idx.msk $0xffff, v14  }
0x1e7: {  	[tilespmem:v13+s17+$0x0] =	vst.idx.msk $0xffff, v35;
	v13 =	vadd.s32 v2, v1;
	v2 =	vcombine.low v12, v7;
	_ =	sdelay $0x1  }
0x1e8: {  	v4 =	vor.u32 v25, v5;
	[tilespmem:$0x1FA70] =	vst v2;
	v2 =	vld [tilespmem:$0x1FB20];
	_ =	sdelay $0x2  }
0x1e9: {  	v8 =	vor.u32 v15, v5  }
0x1ea: {  	v6 =	vld [tilespmem:$0x1FDB0];
	v0 =	vor.u32 v60, v5  }
0x1eb: {  	[tilespmem:v4+s17+$0x0] =	vst.idx.msk $0xffff, v32;
	v4 =	vcombine.low v7, v12;
	v12 =	vadd.s32 v2, v1;
	v2 =	vld [tilespmem:$0x1FD60]  }
0x1ec: {  	[tilespmem:$0x1FA60] =	vst v60  }
0x1ed: {  	[tilespmem:$0x1FA40] =	vst v15  }
0x1ee: {  	[tilespmem:v8+s17+$0x0] =	vst.idx.msk $0xffff, v26  }
0x1ef: {  	[tilespmem:v0+s17+$0x0] =	vst.idx.msk $0xffff, v30  }
0x1f0: {  	v10 =	vadd.s32 v51, v1;
	[tilespmem:$0x1FA90] =	vst v4;
	v2 =	vsel vm0, v2, v6  }
0x1f1: {  	s26 =	simm.s32 $0x10;
	v3 =	vadd.s32 v29, v1;
	v11 =	vadd.s32 v50, v1;
	v8 =	vor.u32 v4, v5;
	[tilespmem:$0x1FA80] =	vst v2  }
.LBB2_4:
0x1f2: {  	v0 =	vld [tilespmem:$0x1FE30]  }
0x1f3: {  	v2 =	vld [tilespmem:$0x1FB60];
	_ =	sdelay $0x3  }
0x1f4: {  	v4 =	vld [tilespmem:$0x1FD80]  }
0x1f5: {  	v0 =	vsel vm0, v0, v2;
	v2 =	vld [tilespmem:$0x1FDB0];
	_ =	sdelay $0x3  }
0x1f6: {  	v6 =	vld [tilespmem:$0x1FBA0]  }
0x1f7: {  	v7 =	vsel vm0, v2, v4;
	v2 =	vld [tilespmem:$0x1FB90];
	_ =	sdelay $0x3  }
0x1f8: {  	v16 =	vld [tilespmem:$0x1FBB0]  }
0x1f9: {  	v6 =	vsel vm0, v6, v2;
	v2 =	vld [tilespmem:$0x1FE60];
	_ =	sdelay $0x3  }
0x1fa: {  	v28 =	vld [tilespmem:$0x1FD70]  }
0x1fb: {  	v16 =	vsel vm0, v2, v16;
	v2 =	vld [tilespmem:$0x1FD60];
	_ =	sdelay $0x3  }
0x1fc: {  	v21 =	vld [tilespmem:$0x1FB70]  }
0x1fd: {  	v18 =	vsel vm0, v28, v2;
	v2 =	vld [tilespmem:$0x1FE40];
	_ =	sdelay $0x3  }
0x1fe: {  	v9 =	vld.idx.msk [tilespmem:v9+s3+$0x0], $0xffff  }
0x1ff: {  	v24 =	vcombine.low v6, v16;
	v20 =	vsel vm0, v21, v2;
	v2 =	vcombine.low v16, v6;
	v6 =	vld [tilespmem:$0x1FB10]  }
0x200: {  	v29 =	vld [tilespmem:$0x1FB80]  }
0x201: {  	v13 =	vld.idx.msk [tilespmem:v13+s3+$0x0], $0xffff  }
0x202: {  	v17 =	vadd.s32 v22, v1;
	v12 =	vld.idx.msk [tilespmem:v12+s3+$0x0], $0xffff  }
0x203: {  	v27 =	vld.idx.msk [tilespmem:v3+s3+$0x0], $0xffff;
	v3 =	vadd.s32 v38, v1  }
0x204: {  	v30 =	vadd.s32 v63, v1;
	v26 =	vadd.s32 v6, v1;
	v6 =	vsel vm0, v4, v28;
	v4 =	vld [tilespmem:$0x1FB50]  }
0x205: {  	v10 =	vld.idx.msk [tilespmem:v10+s3+$0x0], $0xffff;
	v15 =	vadd.s32 v58, v1  }
0x206: {  	v11 =	vld.idx.msk [tilespmem:v11+s3+$0x0], $0xffff;
	v19 =	vadd.s32 v57, v1  }
0x207: {  	v17 =	vld.idx.msk [tilespmem:v17+s3+$0x0], $0xffff  }
0x208: {  	v50 =	vadd.s32 v56, v1;
	v14 =	vsel vm0, v36, v29;
	v3 =	vld.idx.msk [tilespmem:v3+s3+$0x0], $0xffff;
	v59 =	vcombine.low v7, v18  }
0x209: {  	v30 =	vld.idx.msk [tilespmem:v30+s3+$0x0], $0xffff;
	v33 =	vcombine.low v18, v7;
	v7 =	vsel vm0, v29, v21;
	v51 =	vsel vm0, v4, v23  }
0x20a: {  	v15 =	vld.idx.msk [tilespmem:v15+s3+$0x0], $0xffff;
	v29 =	vadd.s32 v49, v1;
	v60 =	vcombine.low v51, v0;
	v0 =	vcombine.low v0, v51  }
0x20b: {  	v19 =	vld.idx.msk [tilespmem:v19+s3+$0x0], $0xffff;
	v61 =	vcombine.low v14, v20;
	v28 =	vadd.s32 v39, v1  }
0x20c: {  	v4 =	vcombine.low v20, v14;
	v20 =	vadd.s32 v62, v1;
	v26 =	vld.idx.msk [tilespmem:v26+s3+$0x0], $0xffff;
	v34 =	vor.u32 v0, v5  }
0x20d: {  	v35 =	vor.u32 v61, v5;
	v23 =	vld [tilespmem:$0x1FA50]  }
0x20e: {  	v16 =	vld.idx.msk [tilespmem:v50+s3+$0x0], $0xffff  }
0x20f: {  	v29 =	vld.idx.msk [tilespmem:v29+s3+$0x0], $0xffff  }
0x210: {  	s28 =	smov.u32 s26;
	v28 =	vld.idx.msk [tilespmem:v28+s3+$0x0], $0xffff  }
0x211: {  	v1 =	vmov s28;
	v20 =	vld.idx.msk [tilespmem:v20+s3+$0x0], $0xffff;
	[tilespmem:v34+s17+$0x0] =	vst.idx.msk $0xffff, v26  }
0x212: {  	v57 =	vcombine.low v23, v7;
	v32 =	vcombine.low v7, v23;
	v23 =	vlaneseq.u32;
	[tilespmem:v35+s17+$0x0] =	vst.idx.msk $0xffff, v3;
	v3 =	vld [tilespmem:$0x1FBD0]  }
0x213: {  	v1 =	vshll.u32 v1, $0x3;
	v58 =	vor.u32 s28, v23  }
0x214: {  	[tilespmem:$0x1FA10] =	vst v33;
	v36 =	vor.u32 v33, v5;
	v1 =	vand.u32 $0x1C00, v1;
	v33 =	vand.u32 $0x7F, v58  }
0x215: {  	v50 =	vmovc v49;
	v49 =	vmovc v54;
	v54 =	vmov v55;
	v51 =	vmov v62;
	v1 =	vor.u32 v33, v1  }
0x216: {  	v62 =	vmovc v38;
	v38 =	vor.u32 v2, v5;
	v26 =	vadd.s32 v43, v1;
	v34 =	vadd.s32 v47, v1  }
0x217: {  	v55 =	vmovc v48;
	v35 =	vadd.s32 v48, v1;
	v48 =	vmovc v47;
	v47 =	vmov v43;
	v43 =	vadd.s32 v3, v1;
	v3 =	vld [tilespmem:$0x1FBF0];
	_ =	sdelay $0x1  }
0x218: {  	v23 =	vld [tilespmem:$0x1FA30]  }
0x219: {  	v21 =	vld [tilespmem:$0x1FA80];
	_ =	sdelay $0x1  }
0x21a: {  	[tilespmem:v38+s17+$0x0] =	vst.idx.msk $0xffff, v28;
	v28 =	vadd.s32 v3, v1;
	v3 =	vld [tilespmem:$0x1FD30]  }
0x21b: {  	v18 =	vor.u32 v57, v5;
	v57 =	vmovc v56;
	v56 =	vmovc v63;
	v63 =	vmov v39;
	v39 =	vor.u32 v59, v5  }
0x21c: {  	v33 =	vor.u32 v23, v5  }
0x21d: {  	v14 =	vcombine.low v21, v6;
	_ =	sdelay $0x1  }
0x21e: {  	v14 =	vor.u32 v14, v5;
	v38 =	vadd.s32 v3, v1;
	v3 =	vld [tilespmem:$0x1FC20]  }
0x21f: {  	v46 =	vmov v40;
	v40 =	vor.u32 v60, v5;
	[tilespmem:v39+s17+$0x0] =	vst.idx.msk $0xffff, v29  }
0x220: {  	v37 =	vor.u32 v4, v5;
	[tilespmem:v33+s17+$0x0] =	vst.idx.msk $0xffff, v20  }
0x221: {  	[tilespmem:v18+s17+$0x0] =	vst.idx.msk $0xffff, v30  }
0x222: {  	[tilespmem:v8+s17+$0x0] =	vst.idx.msk $0xffff, v16;
	v8 =	vld [tilespmem:$0x1FA20]  }
0x223: {  	[tilespmem:v14+s17+$0x0] =	vst.idx.msk $0xffff, v19;
	v29 =	vadd.s32 v3, v1;
	v3 =	vld [tilespmem:$0x1FAB0]  }
0x224: {  	[tilespmem:v40+s17+$0x0] =	vst.idx.msk $0xffff, v17  }
0x225: {  	[tilespmem:v37+s17+$0x0] =	vst.idx.msk $0xffff, v15;
	v15 =	vld [tilespmem:$0x1FA70]  }
0x226: {  	v25 =	vor.u32 v24, v5;
	_ =	sdelay $0x1  }
0x227: {  	v8 =	vor.u32 v8, v5;
	v39 =	vadd.s32 v3, v1;
	v3 =	vld [tilespmem:$0x1FD90]  }
0x228: {  	v14 =	vor.u32 v32, v5;
	v32 =	vcombine.low v6, v21  }
0x229: {  	v15 =	vor.u32 v15, v5  }
0x22a: {  	[tilespmem:v25+s17+$0x0] =	vst.idx.msk $0xffff, v27;
	v5 =	vor.u32 v32, v5  }
0x22b: {  	v58 =	vadd.s32 v42, v1;
	[tilespmem:v36+s17+$0x0] =	vst.idx.msk $0xffff, v11  }
0x22c: {  	[tilespmem:v8+s17+$0x0] =	vst.idx.msk $0xffff, v10;
	v20 =	vadd.s32 v3, v1;
	v3 =	vld [tilespmem:$0x1FE00]  }
0x22d: {  	v37 =	vld [tilespmem:$0x1FAD0];
	[tilespmem:v14+s17+$0x0] =	vst.idx.msk $0xffff, v12  }
0x22e: {  	v25 =	vld [tilespmem:$0x1FB00];
	[tilespmem:v15+s17+$0x0] =	vst.idx.msk $0xffff, v13  }
0x22f: {  	v40 =	vmov v46;
	v46 =	vadd.s32 v46, v1;
	v32 =	vld [tilespmem:$0x1FAA0];
	[tilespmem:v5+s17+$0x0] =	vst.idx.msk $0xffff, v9  }
0x230: {  	v8 =	vld.idx.msk [tilespmem:v58+s3+$0x0], $0xffff  }
0x231: {  	v33 =	vadd.s32 v3, v1;
	v3 =	vld [tilespmem:$0x1FBE0]  }
0x232: {  	v9 =	vld.idx.msk [tilespmem:v34+s3+$0x0], $0xffff  }
0x233: {  	v15 =	vld.idx.msk [tilespmem:v28+s3+$0x0], $0xffff  }
0x234: {  	v16 =	vadd.s32 v32, v1;
	v17 =	vld.idx.msk [tilespmem:v46+s3+$0x0], $0xffff  }
0x235: {  	v32 =	vld.idx.msk [tilespmem:v35+s3+$0x0], $0xffff  }
0x236: {  	v18 =	vadd.s32 v3, v1;
	v3 =	vld [tilespmem:$0x1FCB0]  }
0x237: {  	v23 =	vadd.s32 v41, v1;
	v13 =	vld.idx.msk [tilespmem:v29+s3+$0x0], $0xffff  }
0x238: {  	v29 =	vld.idx.msk [tilespmem:v38+s3+$0x0], $0xffff  }
0x239: {  	v16 =	vld.idx.msk [tilespmem:v16+s3+$0x0], $0xffff  }
0x23a: {  	s2 =	sadd.s32 $0x4, s2;
	v12 =	vld.idx.msk [tilespmem:v39+s3+$0x0], $0xffff  }
0x23b: {  	v5 =	vmov s2;
	v19 =	vld.idx.msk [tilespmem:v20+s3+$0x0], $0xffff;
	v30 =	vadd.s32 v3, v1  }
0x23c: {  	v5 =	vshll.u32 v5, $0x7;
	v20 =	vld.idx.msk [tilespmem:v23+s3+$0x0], $0xffff  }
0x23d: {  	v5 =	vor.u32 v25, v5;
	v14 =	vld.idx.msk [tilespmem:v33+s3+$0x0], $0xffff  }
0x23e: {  	v25 =	vor.u32 v44, v5;
	v11 =	vld.idx.msk [tilespmem:v18+s3+$0x0], $0xffff  }
0x23f: {  	v27 =	vor.u32 v45, v5;
	v18 =	vld.idx.msk [tilespmem:v26+s3+$0x0], $0xffff  }
0x240: {  	v10 =	vld.idx.msk [tilespmem:v30+s3+$0x0], $0xffff  }
0x241: {  	v30 =	vld [tilespmem:$0x1FAC0]  }
0x242: {  	v26 =	vld.idx.msk [tilespmem:v43+s3+$0x0], $0xffff  }
0x243: {  	[tilespmem:v25+s17+$0x0] =	vst.idx.msk $0xffff, v20;
	v20 =	vld [tilespmem:$0x1FDA0]  }
0x244: {  	v43 =	vmovc v47;
	v47 =	vmov v48;
	v48 =	vmov v55;
	v55 =	vmov v54;
	[tilespmem:v27+s17+$0x0] =	vst.idx.msk $0xffff, v8;
	v8 =	vld [tilespmem:$0x1FFB0]  }
0x245: {  	v46 =	vld [tilespmem:$0x1FFC0];
	v28 =	vor.u32 v55, v5  }
0x246: {  	v34 =	vld [tilespmem:$0x1FAE0];
	v30 =	vor.u32 v30, v5  }
0x247: {  	v33 =	vor.u32 v37, v5  }
0x248: {  	v20 =	vor.u32 v20, v5  }
0x249: {  	v8 =	vor.u32 v8, v5  }
0x24a: {  	[tilespmem:v28+s17+$0x0] =	vst.idx.msk $0xffff, v17;
	v17 =	vor.u32 v46, v5  }
0x24b: {  	[tilespmem:v30+s17+$0x0] =	vst.idx.msk $0xffff, v18;
	v18 =	vor.u32 v34, v5  }
0x24c: {  	[tilespmem:v33+s17+$0x0] =	vst.idx.msk $0xffff, v9;
	v9 =	vor.u32 v52, v5  }
0x24d: {  	[tilespmem:v20+s17+$0x0] =	vst.idx.msk $0xffff, v19  }
0x24e: {  	[tilespmem:v8+s17+$0x0] =	vst.idx.msk $0xffff, v32  }
0x24f: {  	v35 =	vor.u32 v31, v5;
	[tilespmem:v17+s17+$0x0] =	vst.idx.msk $0xffff, v26  }
0x250: {  	v8 =	vor.u32 v53, v5;
	[tilespmem:v18+s17+$0x0] =	vst.idx.msk $0xffff, v11  }
0x251: {  	[tilespmem:v9+s17+$0x0] =	vst.idx.msk $0xffff, v15;
	v9 =	vld [tilespmem:$0x1FA40];
	_ =	sdelay $0x2  }
0x252: {  	[tilespmem:v35+s17+$0x0] =	vst.idx.msk $0xffff, v29  }
0x253: {  	[tilespmem:v8+s17+$0x0] =	vst.idx.msk $0xffff, v16;
	v8 =	vld [tilespmem:$0x1FB40]  }
0x254: {  	v15 =	vor.u32 v9, v5;
	v9 =	vld [tilespmem:$0x1FA60];
	_ =	sdelay $0x3  }
0x255: {  	v54 =	vmov v49;
	v11 =	vld [tilespmem:$0x1FAF0]  }
0x256: {  	v37 =	vor.u32 v54, v5;
	v46 =	vor.u32 v9, v5;
	v9 =	vadd.s32 v8, v1;
	v8 =	vld [tilespmem:$0x1FB30];
	_ =	sdelay $0x4  }
0x257: {  	[tilespmem:v37+s17+$0x0] =	vst.idx.msk $0xffff, v13;
	v11 =	vor.u32 v11, v5;
	v13 =	vadd.s32 v8, v1;
	v8 =	vld [tilespmem:$0x1FB20];
	_ =	sdelay $0x1  }
0x258: {  	v38 =	vmov v62;
	v62 =	vmov v51;
	v51 =	vld [tilespmem:$0x1FCA0]  }
0x259: {  	v3 =	vld [tilespmem:$0x1FE20]  }
0x25a: {  	v49 =	vmov v50;
	v50 =	vld [tilespmem:$0x1FC80]  }
0x25b: {  	p3 =	sne.s32 s26, $0x270;
	[tilespmem:v11+s17+$0x0] =	vst.idx.msk $0xffff, v12;
	v12 =	vadd.s32 v8, v1;
	v8 =	vld [tilespmem:$0x1FA90]  }
.Ltmp5:
0x25c: {  	_ = 	snop;
	(pc) =	sbr.rel @p3 .LBB2_4-.Ltmp5, $4  }
0x25d: {  	v36 =	vld [tilespmem:$0x1FE50]  }
0x25e: {  	v58 =	vld [tilespmem:$0x1FBC0];
	v39 =	vmov v63;
	v63 =	vmov v56  }
0x25f: {  	v56 =	vmov v57;
	v57 =	vld [tilespmem:$0x1FE10];
	v3 =	vadd.s32 v3, v1;
	v11 =	vadd.s32 v50, v1;
	[tilespmem:v15+s17+$0x0] =	vst.idx.msk $0xffff, v10  }
0x260: {  	s26 =	sadd.s32 $0x10, s26;
	v23 =	vld [tilespmem:$0x1FC10];
	v10 =	vadd.s32 v51, v1;
	[tilespmem:v46+s17+$0x0] =	vst.idx.msk $0xffff, v14;
	v8 =	vor.u32 v8, v5  }
0x261: {  	_ =	sdelay $0x3  }
0x262: {  	v9 =	vld.idx.msk [tilespmem:v9+s3+$0x0], $0xffff  }
0x263: {  	v13 =	vld.idx.msk [tilespmem:v13+s3+$0x0], $0xffff  }
0x264: {  	v12 =	vld.idx.msk [tilespmem:v12+s3+$0x0], $0xffff  }
0x265: {  	v10 =	vld.idx.msk [tilespmem:v10+s3+$0x0], $0xffff  }
0x266: {  	v11 =	vld.idx.msk [tilespmem:v11+s3+$0x0], $0xffff  }
0x267: {  	v18 =	vld [tilespmem:$0x1FB10]  }
0x268: {  	v19 =	vld.idx.msk [tilespmem:v3+s3+$0x0], $0xffff  }
0x269: {  	v15 =	vadd.s32 v22, v1;
	[tilespmem:$0x1F990] =	vst v2;
	v32 =	vor.u32 v2, v5;
	v2 =	vld [tilespmem:$0x1FA30]  }
0x26a: {  	v17 =	vadd.s32 v56, v1;
	v21 =	vld [tilespmem:$0x1FA80]  }
0x26b: {  	v3 =	vadd.s32 v38, v1;
	[tilespmem:$0x1F980] =	vst v61;
	v30 =	vor.u32 v61, v5;
	v61 =	vld [tilespmem:$0x1FCB0]  }
0x26c: {  	v20 =	vadd.s32 v39, v1;
	v37 =	vld [tilespmem:$0x1FF60]  }
0x26d: {  	v46 =	vld [tilespmem:$0x1FF90]  }
0x26e: {  	v25 =	vadd.s32 v49, v1;
	v15 =	vld.idx.msk [tilespmem:v15+s3+$0x0], $0xffff  }
0x26f: {  	v26 =	vadd.s32 v62, v1;
	v17 =	vld.idx.msk [tilespmem:v17+s3+$0x0], $0xffff  }
0x270: {  	v18 =	vadd.s32 v18, v1;
	v28 =	vld.idx.msk [tilespmem:v3+s3+$0x0], $0xffff  }
0x271: {  	v27 =	vadd.s32 v63, v1;
	v20 =	vld.idx.msk [tilespmem:v20+s3+$0x0], $0xffff  }
0x272: {  	v14 =	vadd.s32 v58, v1;
	v3 =	vld [tilespmem:$0x1FA50]  }
0x273: {  	v16 =	vadd.s32 v57, v1;
	v25 =	vld.idx.msk [tilespmem:v25+s3+$0x0], $0xffff  }
0x274: {  	v26 =	vld.idx.msk [tilespmem:v26+s3+$0x0], $0xffff  }
0x275: {  	v29 =	vor.u32 v0, v5;
	v18 =	vld.idx.msk [tilespmem:v18+s3+$0x0], $0xffff  }
0x276: {  	v27 =	vld.idx.msk [tilespmem:v27+s3+$0x0], $0xffff;
	v34 =	vor.u32 v2, v5;
	v2 =	vcombine.low v21, v6  }
0x277: {  	v14 =	vld.idx.msk [tilespmem:v14+s3+$0x0], $0xffff;
	v1 =	vcombine.low v3, v7  }
0x278: {  	[tilespmem:$0x1F9C0] =	vst v2;
	v16 =	vld.idx.msk [tilespmem:v16+s3+$0x0], $0xffff  }
0x279: {  	[tilespmem:$0x1F9B0] =	vst v1;
	v35 =	vor.u32 v1, v5;
	v1 =	vcombine.low v7, v3;
	v3 =	vld [tilespmem:$0x1FFA0]  }
0x27a: {  	v33 =	vor.u32 v59, v5;
	[tilespmem:v29+s17+$0x0] =	vst.idx.msk $0xffff, v18;
	v18 =	vor.u32 v2, v5;
	v2 =	vld [tilespmem:$0x1FA10]  }
0x27b: {  	v29 =	vld [tilespmem:$0x1FE20]  }
0x27c: {  	[tilespmem:v30+s17+$0x0] =	vst.idx.msk $0xffff, v28;
	v28 =	vld [tilespmem:$0x1FA70]  }
0x27d: {  	[tilespmem:$0x1F9D0] =	vst v4;
	v30 =	vld [tilespmem:$0x1FF80]  }
0x27e: {  	[tilespmem:v32+s17+$0x0] =	vst.idx.msk $0xffff, v20;
	v32 =	vld [tilespmem:$0x1FF70]  }
0x27f: {  	[tilespmem:v33+s17+$0x0] =	vst.idx.msk $0xffff, v25;
	v33 =	vld [tilespmem:$0x1FE00]  }
0x280: {  	[tilespmem:$0x1F9E0] =	vst v24;
	v25 =	vor.u32 v4, v5;
	v4 =	vld [tilespmem:$0x1FFB0]  }
0x281: {  	[tilespmem:v34+s17+$0x0] =	vst.idx.msk $0xffff, v26;
	v26 =	vor.u32 v24, v5;
	v24 =	vld [tilespmem:$0x1FBE0]  }
0x282: {  	v34 =	vld [tilespmem:$0x1FE40]  }
0x283: {  	[tilespmem:v35+s17+$0x0] =	vst.idx.msk $0xffff, v27;
	v27 =	vld [tilespmem:$0x1FA20]  }
0x284: {  	v20 =	vor.u32 v60, v5;
	v35 =	vld [tilespmem:$0x1FC20]  }
0x285: {  	v7 =	vor.u32 v2, v5;
	v2 =	vld [tilespmem:$0x1FFC0]  }
0x286: {  	[tilespmem:v8+s17+$0x0] =	vst.idx.msk $0xffff, v17;
	v17 =	vld [tilespmem:$0x1FEA0]  }
0x287: {  	[tilespmem:v18+s17+$0x0] =	vst.idx.msk $0xffff, v16;
	v16 =	vld [tilespmem:$0x1FF10]  }
0x288: {  	v18 =	vld [tilespmem:$0x1FF50]  }
0x289: {  	[tilespmem:v20+s17+$0x0] =	vst.idx.msk $0xffff, v15;
	v20 =	vld [tilespmem:$0x1FBF0]  }
0x28a: {  	[tilespmem:$0x1F9F0] =	vst v1;
	v15 =	vor.u32 v1, v5;
	v1 =	vcombine.low v6, v21;
	v21 =	vld [tilespmem:$0x1FDA0]  }
0x28b: {  	[tilespmem:v25+s17+$0x0] =	vst.idx.msk $0xffff, v14;
	v25 =	vld [tilespmem:$0x1FD90]  }
0x28c: {  	s2 =	sand.u32 $0xFFFC, s1;
	v14 =	vld [tilespmem:$0x1FEF0]  }
0x28d: {  	s2 =	sshrl.u32 s2, $0x2;
	v8 =	vor.u32 v27, v5;
	[tilespmem:v26+s17+$0x0] =	vst.idx.msk $0xffff, v19;
	v26 =	vld [tilespmem:$0x1FD30]  }
0x28e: {  	s2 =	smul.u32 $0xD21, s2;
	v19 =	vld [tilespmem:$0x1FE70]  }
0x28f: {  	v6 =	vor.u32 v28, v5;
	[tilespmem:$0x1FA00] =	vst v1;
	v5 =	vor.u32 v1, v5;
	v1 =	vld [tilespmem:$0x1FEB0]  }
0x290: {  	s2 =	sshrl.u32 s2, $0x11;
	[tilespmem:v7+s17+$0x0] =	vst.idx.msk $0xffff, v11;
	v7 =	vld [tilespmem:$0x1FE80]  }
0x291: {  	s11 =	smul.u32 $0xFFFFFF64, s2;
	v11 =	vld [tilespmem:$0x1FED0]  }
0x292: {  	[tilespmem:v8+s17+$0x0] =	vst.idx.msk $0xffff, v10;
	v8 =	vld [tilespmem:$0x1FF20]  }
0x293: {  	s2 =	smul.u32 $0x61C00, s2;
	s11 =	sadd.s32 s1, s11;
	v10 =	vld [tilespmem:$0x1FF40]  }
0x294: {  	p3 =	sgt.u32 s1, $0xFB7;
	s11 =	smul.u32 $0xA00, s11;
	[tilespmem:v15+s17+$0x0] =	vst.idx.msk $0xffff, v12;
	v12 =	vld [tilespmem:$0x1FEE0]  }
.Ltmp6:
0x295: {  	v15 =	vld [tilespmem:$0x1FF00];
	(pc) =	sbr.rel @p3 .LBB2_12-.Ltmp6, $4  }
0x296: {  	[tilespmem:v6+s17+$0x0] =	vst.idx.msk $0xffff, v13;
	v13 =	vld [tilespmem:$0x1FBD0]  }
0x297: {  	[tilespmem:$0x1F9A0] =	vst v59;
	s2 =	sadd.s32 s2, s11;
	v6 =	vld [tilespmem:$0x1FEC0]  }
0x298: {  	s2 =	sadd.s32 s5, s2;
	[tilespmem:v5+s17+$0x0] =	vst.idx.msk $0xffff, v9;
	v5 =	vld [tilespmem:$0x1FE90]  }
0x299: {  	v59 =	vlaneseq.u32;
	v9 =	vld [tilespmem:$0x1FF30];
	[hbm4b:s2+s3] =	stream.linear.scatter [tilespmem:s17], [sflag:$0x4], $0x5000, $0x38  }
0x29a: {  	p3 =	sgt.u32 s1, $0xF77  }
0x29b: {  	s2 =	sadd.s32 @!p3 $0x60, s1  }
0x29c: {  	s11 =	sand.u32 @!p3 $0xFFFC, s2  }
0x29d: {  	s11 =	sshrl.u32 @!p3 s11, $0x2  }
0x29e: {  	s11 =	smul.u32 @!p3 $0xD21, s11;
	_ =	sdelay $0x1  }
0x29f: {  	s11 =	sshrl.u32 @!p3 s11, $0x11  }
0x2a0: {  	s14 =	smul.u32 @!p3 $0xFFFFFF64, s11;
	_ =	sdelay $0x1  }
0x2a1: {  	s11 =	smul.u32 @!p3 $0x30E000, s11;
	s2 =	sadd.s32 @!p3 s2, s14  }
0x2a2: {  	s14 =	smul.u32 @!p3 $0x1400, s2  }
0x2a3: {  	_ =	swait.ge [sflag:s18], $0x5000  }
0x2a4: {  	[sflag:s18] =	ssyncset.done $0x0;
	s26 =	simm.s32 @!p3 $0xC3800;
	s11 =	sadd.s32 @!p3 s11, s14  }
0x2a5: {  	s28 =	simm.s32 @!p3 $0x0;
	s2 =	simm.s32 $0x0;
	s11 =	sshrl.u32 @!p3 s11, $0x3  }
0x2a6: {  	[sflag:s18] =	ssyncadd.s32 $0xFFFFB000;
	v5 =	vmov s2;
	s14 =	simm.s32 @!p3 $0x1400;
	s11 =	sadd.s32 @!p3 s0, s11  }
0x2a7: {  	v6 =	vor.u32 s2, v59;
	v5 =	vshll.u32 v5, $0x3;
	[tilespmem:s28], [sflag:$0x1] =	stream.strided.gather @!p3 [hbm4b:s11+s14], $0x5000, s26, s14, $0x38;
	[tilespmem:$0x1E000] =	vst v63  }
0x2a8: {  	v6 =	vand.u32 $0x7F, v6;
	v5 =	vand.u32 $0x1C00, v5;
	s11 =	simm.s32 @!p1 $0x5  }
0x2a9: {  	v5 =	vor.u32 v6, v5;
	_ =	swait.ge @!p1 [sflag:s11], $0x5000  }
0x2aa: {  	v6 =	vadd.s32 v42, v5;
	v34 =	vld [tilespmem:$0x1FAB0]  }
0x2ab: {  	v7 =	vadd.s32 v47, v5;
	v36 =	vld [tilespmem:$0x1FAF0]  }
0x2ac: {  	v8 =	vadd.s32 v24, v5;
	v3 =	vld [tilespmem:$0x1FAA0]  }
0x2ad: {  	v9 =	vadd.s32 v43, v5;
	[sflag:s11] =	ssyncset.done @!p1 $0x0;
	v1 =	vld [tilespmem:$0x1FB00]  }
0x2ae: {  	v10 =	vadd.s32 v61, v5;
	v24 =	vld [tilespmem:$0x1FAE0];
	[sflag:s11] =	ssyncadd.s32 @!p1 $0xFFFFB000  }
0x2af: {  	v11 =	vadd.s32 v33, v5;
	v12 =	vld.idx.msk [tilespmem:v6+s15+$0x0], $0xffff  }
0x2b0: {  	v13 =	vadd.s32 v13, v5;
	v7 =	vld.idx.msk [tilespmem:v7+s15+$0x0], $0xffff  }
0x2b1: {  	v15 =	vadd.s32 v41, v5;
	v8 =	vld.idx.msk [tilespmem:v8+s15+$0x0], $0xffff  }
0x2b2: {  	v16 =	vadd.s32 v26, v5;
	v9 =	vld.idx.msk [tilespmem:v9+s15+$0x0], $0xffff  }
0x2b3: {  	v6 =	vadd.s32 v25, v5;
	v10 =	vld.idx.msk [tilespmem:v10+s15+$0x0], $0xffff  }
0x2b4: {  	v11 =	vld.idx.msk [tilespmem:v11+s15+$0x0], $0xffff  }
0x2b5: {  	v13 =	vld.idx.msk [tilespmem:v13+s15+$0x0], $0xffff  }
0x2b6: {  	v17 =	vadd.s32 v48, v5;
	v15 =	vld.idx.msk [tilespmem:v15+s15+$0x0], $0xffff  }
0x2b7: {  	v19 =	vadd.s32 v40, v5;
	v16 =	vld.idx.msk [tilespmem:v16+s15+$0x0], $0xffff  }
0x2b8: {  	v20 =	vadd.s32 v20, v5;
	v18 =	vld.idx.msk [tilespmem:v6+s15+$0x0], $0xffff;
	v6 =	vmov s2  }
0x2b9: {  	v25 =	vadd.s32 v35, v5;
	v14 =	vadd.s32 v34, v5;
	v34 =	vmovc v50;
	v50 =	vld [tilespmem:$0x1FAC0];
	v6 =	vshll.u32 v6, $0x7  }
0x2ba: {  	v6 =	vor.u32 v1, v6;
	v1 =	vld [tilespmem:$0x1FAD0]  }
0x2bb: {  	v17 =	vld.idx.msk [tilespmem:v17+s15+$0x0], $0xffff;
	v26 =	vadd.s32 v3, v5;
	v27 =	vor.u32 v44, v6  }
0x2bc: {  	v19 =	vld.idx.msk [tilespmem:v19+s15+$0x0], $0xffff;
	v28 =	vor.u32 v45, v6  }
0x2bd: {  	v59 =	vmov v29;
	v20 =	vld.idx.msk [tilespmem:v20+s15+$0x0], $0xffff;
	v29 =	vor.u32 v55, v6  }
0x2be: {  	v25 =	vld.idx.msk [tilespmem:v25+s15+$0x0], $0xffff;
	v30 =	vor.u32 v50, v6  }
0x2bf: {  	v14 =	vld.idx.msk [tilespmem:v14+s15+$0x0], $0xffff;
	v32 =	vor.u32 v1, v6  }
0x2c0: {  	v26 =	vld.idx.msk [tilespmem:v26+s15+$0x0], $0xffff;
	[tilespmem:v27+s19+$0x0] =	vst.idx.msk $0xffff, v15;
	v15 =	vor.u32 v21, v6  }
0x2c1: {  	v37 =	vld [tilespmem:$0x1FA40];
	[tilespmem:v28+s19+$0x0] =	vst.idx.msk $0xffff, v12;
	v12 =	vor.u32 v4, v6  }
0x2c2: {  	v46 =	vld [tilespmem:$0x1FA60];
	[tilespmem:v29+s19+$0x0] =	vst.idx.msk $0xffff, v19;
	v19 =	vor.u32 v2, v6  }
0x2c3: {  	v23 =	vld [tilespmem:$0x1F9F0];
	[tilespmem:v30+s19+$0x0] =	vst.idx.msk $0xffff, v9;
	v9 =	vor.u32 v24, v6  }
0x2c4: {  	v61 =	vld [tilespmem:$0x1F9C0];
	[tilespmem:v32+s19+$0x0] =	vst.idx.msk $0xffff, v7;
	v7 =	vor.u32 v52, v6  }
0x2c5: {  	v35 =	vld [tilespmem:$0x1F990];
	[tilespmem:v15+s19+$0x0] =	vst.idx.msk $0xffff, v18;
	v15 =	vor.u32 v31, v6  }
0x2c6: {  	v3 =	vld [tilespmem:$0x1FB30];
	[tilespmem:v12+s19+$0x0] =	vst.idx.msk $0xffff, v17;
	v12 =	vor.u32 v53, v6  }
0x2c7: {  	v1 =	vld [tilespmem:$0x1F9B0];
	[tilespmem:v19+s19+$0x0] =	vst.idx.msk $0xffff, v13;
	v13 =	vor.u32 v54, v6  }
0x2c8: {  	v21 =	vld [tilespmem:$0x1F9D0];
	[tilespmem:v9+s19+$0x0] =	vst.idx.msk $0xffff, v8;
	v8 =	vor.u32 v36, v6  }
0x2c9: {  	v2 =	vld [tilespmem:$0x1FB20];
	[tilespmem:v7+s19+$0x0] =	vst.idx.msk $0xffff, v20;
	v7 =	vor.u32 v37, v6  }
0x2ca: {  	v4 =	vld [tilespmem:$0x1FB40];
	v9 =	vor.u32 v46, v6;
	[tilespmem:v15+s19+$0x0] =	vst.idx.msk $0xffff, v16  }
0x2cb: {  	v24 =	vld [tilespmem:$0x1F9E0];
	[tilespmem:v12+s19+$0x0] =	vst.idx.msk $0xffff, v26;
	v12 =	vadd.s32 v57, v5  }
0x2cc: {  	v19 =	vadd.s32 v34, v5;
	v34 =	vld [tilespmem:$0x1FA00];
	v15 =	vadd.s32 v49, v5;
	[tilespmem:v13+s19+$0x0] =	vst.idx.msk $0xffff, v25  }
0x2cd: {  	v36 =	vld [tilespmem:$0x1FA90];
	[tilespmem:v8+s19+$0x0] =	vst.idx.msk $0xffff, v14  }
0x2ce: {  	v20 =	vadd.s32 v56, v5;
	v56 =	vmov v60;
	v60 =	vld [tilespmem:$0x1F980];
	v13 =	vadd.s32 v2, v5;
	[tilespmem:v7+s19+$0x0] =	vst.idx.msk $0xffff, v10  }
0x2cf: {  	v25 =	vadd.s32 v51, v5;
	v51 =	vld [tilespmem:$0x1FA30];
	[tilespmem:v9+s19+$0x0] =	vst.idx.msk $0xffff, v11  }
0x2d0: {  	v14 =	vadd.s32 v3, v5;
	v11 =	vld.idx.msk [tilespmem:v12+s15+$0x0], $0xffff  }
0x2d1: {  	v18 =	vadd.s32 v38, v5;
	v7 =	vadd.s32 v4, v5;
	v15 =	vld.idx.msk [tilespmem:v15+s15+$0x0], $0xffff  }
0x2d2: {  	v10 =	vadd.s32 v39, v5;
	v12 =	vadd.s32 v62, v5;
	v62 =	vmovc v49;
	v49 =	vmovc v39;
	v39 =	vmov v38;
	v38 =	vld [tilespmem:$0x1FB10]  }
0x2d3: {  	v8 =	vld.idx.msk [tilespmem:v13+s15+$0x0], $0xffff  }
0x2d4: {  	v13 =	vadd.s32 v63, v5;
	v63 =	vld [tilespmem:$0x1FA10]  }
0x2d5: {  	v9 =	vld.idx.msk [tilespmem:v14+s15+$0x0], $0xffff  }
0x2d6: {  	v7 =	vld.idx.msk [tilespmem:v7+s15+$0x0], $0xffff  }
0x2d7: {  	v16 =	vld.idx.msk [tilespmem:v10+s15+$0x0], $0xffff  }
0x2d8: {  	v14 =	vld.idx.msk [tilespmem:v12+s15+$0x0], $0xffff  }
0x2d9: {  	v12 =	vld.idx.msk [tilespmem:v20+s15+$0x0], $0xffff  }
0x2da: {  	v20 =	vadd.s32 v59, v5;
	v59 =	vld [tilespmem:$0x1F9A0]  }
0x2db: {  	s26 =	sadd.s32 $0x20, s1;
	s28 =	simm.s32 $0x10;
	v10 =	vadd.s32 v58, v5;
	v17 =	vadd.s32 v38, v5;
	v13 =	vld.idx.msk [tilespmem:v13+s15+$0x0], $0xffff  }
.LBB2_7:
0x2dc: {  	_ =	sdelay $0x2  }
0x2dd: {  	v18 =	vld.idx.msk [tilespmem:v18+s15+$0x0], $0xffff;
	v5 =	vadd.s32 v22, v5  }
0x2de: {  	v17 =	vld.idx.msk [tilespmem:v17+s15+$0x0], $0xffff;
	v26 =	vor.u32 v0, v6  }
0x2df: {  	v25 =	vld.idx.msk [tilespmem:v25+s15+$0x0], $0xffff;
	v27 =	vor.u32 v60, v6  }
0x2e0: {  	v19 =	vld.idx.msk [tilespmem:v19+s15+$0x0], $0xffff;
	v28 =	vor.u32 v35, v6  }
0x2e1: {  	v20 =	vld.idx.msk [tilespmem:v20+s15+$0x0], $0xffff;
	v29 =	vor.u32 v59, v6  }
0x2e2: {  	v30 =	vld.idx.msk [tilespmem:v5+s15+$0x0], $0xffff;
	v5 =	vor.u32 v51, v6  }
0x2e3: {  	v10 =	vld.idx.msk [tilespmem:v10+s15+$0x0], $0xffff;
	[tilespmem:v26+s19+$0x0] =	vst.idx.msk $0xffff, v17;
	v17 =	vor.u32 v1, v6  }
0x2e4: {  	[tilespmem:v27+s19+$0x0] =	vst.idx.msk $0xffff, v18;
	v18 =	vor.u32 v36, v6  }
0x2e5: {  	[tilespmem:v28+s19+$0x0] =	vst.idx.msk $0xffff, v16;
	v16 =	vor.u32 v61, v6  }
0x2e6: {  	[tilespmem:v29+s19+$0x0] =	vst.idx.msk $0xffff, v15;
	v15 =	vor.u32 v56, v6  }
0x2e7: {  	[tilespmem:v5+s19+$0x0] =	vst.idx.msk $0xffff, v14;
	v14 =	vor.u32 v21, v6  }
0x2e8: {  	[tilespmem:v17+s19+$0x0] =	vst.idx.msk $0xffff, v13  }
0x2e9: {  	[tilespmem:v18+s19+$0x0] =	vst.idx.msk $0xffff, v12  }
0x2ea: {  	[tilespmem:v16+s19+$0x0] =	vst.idx.msk $0xffff, v11;
	v11 =	vld [tilespmem:$0x1FA20]  }
0x2eb: {  	v17 =	vld [tilespmem:$0x1FA70];
	[tilespmem:v15+s19+$0x0] =	vst.idx.msk $0xffff, v30  }
0x2ec: {  	s11 =	smov.u32 s28;
	v13 =	vor.u32 v24, v6;
	[tilespmem:v14+s19+$0x0] =	vst.idx.msk $0xffff, v10;
	v10 =	vld [tilespmem:$0x1FBD0]  }
0x2ed: {  	v26 =	vor.u32 v34, v6;
	v27 =	vlaneseq.u32;
	v5 =	vmov s11  }
0x2ee: {  	v27 =	vor.u32 s11, v27;
	v5 =	vshll.u32 v5, $0x3;
	v12 =	vor.u32 v63, v6  }
0x2ef: {  	v18 =	vand.u32 $0x7F, v27;
	v5 =	vand.u32 $0x1C00, v5;
	v11 =	vor.u32 v11, v6  }
0x2f0: {  	v5 =	vor.u32 v18, v5;
	v17 =	vor.u32 v17, v6;
	v6 =	vor.u32 v23, v6  }
0x2f1: {  	[tilespmem:v13+s19+$0x0] =	vst.idx.msk $0xffff, v20;
	v13 =	vadd.s32 v10, v5;
	v10 =	vld [tilespmem:$0x1FBE0];
	_ =	sdelay $0x1  }
0x2f2: {  	[tilespmem:v12+s19+$0x0] =	vst.idx.msk $0xffff, v19  }
0x2f3: {  	v28 =	vld [tilespmem:$0x1FB00];
	v16 =	vadd.s32 v42, v5;
	[tilespmem:v11+s19+$0x0] =	vst.idx.msk $0xffff, v25  }
0x2f4: {  	v18 =	vadd.s32 v47, v5;
	[tilespmem:v6+s19+$0x0] =	vst.idx.msk $0xffff, v8;
	v6 =	vld [tilespmem:$0x1FD90]  }
0x2f5: {  	v14 =	vadd.s32 v43, v5;
	v20 =	vadd.s32 v10, v5;
	v10 =	vld [tilespmem:$0x1FD30]  }
0x2f6: {  	[tilespmem:v17+s19+$0x0] =	vst.idx.msk $0xffff, v9;
	v9 =	vld [tilespmem:$0x1FCB0]  }
0x2f7: {  	v17 =	vadd.s32 v33, v5;
	v33 =	vld [tilespmem:$0x1FAD0];
	[tilespmem:v26+s19+$0x0] =	vst.idx.msk $0xffff, v7  }
0x2f8: {  	v7 =	vld.idx.msk [tilespmem:v16+s15+$0x0], $0xffff  }
0x2f9: {  	v16 =	vld.idx.msk [tilespmem:v18+s15+$0x0], $0xffff;
	v6 =	vadd.s32 v6, v5  }
0x2fa: {  	v14 =	vld.idx.msk [tilespmem:v14+s15+$0x0], $0xffff  }
0x2fb: {  	v19 =	vadd.s32 v10, v5;
	v10 =	vld [tilespmem:$0x1FC20]  }
0x2fc: {  	v18 =	vld.idx.msk [tilespmem:v20+s15+$0x0], $0xffff  }
0x2fd: {  	v15 =	vadd.s32 v41, v5;
	v20 =	vld [tilespmem:$0x1FBF0]  }
0x2fe: {  	v12 =	vadd.s32 v48, v5;
	v26 =	vld.idx.msk [tilespmem:v6+s15+$0x0], $0xffff  }
0x2ff: {  	v8 =	vadd.s32 v40, v5;
	v6 =	vld [tilespmem:$0x1FAA0]  }
0x300: {  	v13 =	vld.idx.msk [tilespmem:v13+s15+$0x0], $0xffff  }
0x301: {  	v9 =	vadd.s32 v9, v5;
	v11 =	vadd.s32 v10, v5;
	v10 =	vld [tilespmem:$0x1FAB0]  }
0x302: {  	v15 =	vld.idx.msk [tilespmem:v15+s15+$0x0], $0xffff  }
0x303: {  	s2 =	sadd.s32 $0x4, s2;
	v12 =	vld.idx.msk [tilespmem:v12+s15+$0x0], $0xffff;
	v20 =	vadd.s32 v20, v5  }
0x304: {  	v8 =	vld.idx.msk [tilespmem:v8+s15+$0x0], $0xffff;
	v27 =	vadd.s32 v6, v5;
	v6 =	vmov s2  }
0x305: {  	v17 =	vld.idx.msk [tilespmem:v17+s15+$0x0], $0xffff;
	v6 =	vshll.u32 v6, $0x7  }
0x306: {  	v9 =	vld.idx.msk [tilespmem:v9+s15+$0x0], $0xffff;
	v25 =	vadd.s32 v10, v5;
	v6 =	vor.u32 v28, v6  }
0x307: {  	v19 =	vld.idx.msk [tilespmem:v19+s15+$0x0], $0xffff;
	v28 =	vor.u32 v44, v6  }
0x308: {  	v20 =	vld.idx.msk [tilespmem:v20+s15+$0x0], $0xffff;
	v29 =	vor.u32 v45, v6  }
0x309: {  	v11 =	vld.idx.msk [tilespmem:v11+s15+$0x0], $0xffff  }
0x30a: {  	v27 =	vld.idx.msk [tilespmem:v27+s15+$0x0], $0xffff  }
0x30b: {  	v25 =	vld.idx.msk [tilespmem:v25+s15+$0x0], $0xffff  }
0x30c: {  	v30 =	vor.u32 v55, v6;
	[tilespmem:v28+s19+$0x0] =	vst.idx.msk $0xffff, v15;
	v15 =	vld [tilespmem:$0x1FDA0]  }
0x30d: {  	v32 =	vor.u32 v50, v6;
	[tilespmem:v29+s19+$0x0] =	vst.idx.msk $0xffff, v7;
	v7 =	vld [tilespmem:$0x1FFB0];
	_ =	sdelay $0x2  }
0x30e: {  	v33 =	vor.u32 v33, v6  }
0x30f: {  	[tilespmem:v30+s19+$0x0] =	vst.idx.msk $0xffff, v8;
	v8 =	vld [tilespmem:$0x1FFC0];
	v15 =	vor.u32 v15, v6  }
0x310: {  	[tilespmem:v32+s19+$0x0] =	vst.idx.msk $0xffff, v14;
	v14 =	vld [tilespmem:$0x1FAE0];
	v7 =	vor.u32 v7, v6;
	_ =	sdelay $0x2  }
0x311: {  	[tilespmem:v33+s19+$0x0] =	vst.idx.msk $0xffff, v16  }
0x312: {  	v8 =	vor.u32 v8, v6;
	[tilespmem:v15+s19+$0x0] =	vst.idx.msk $0xffff, v26  }
0x313: {  	v14 =	vor.u32 v14, v6;
	[tilespmem:v7+s19+$0x0] =	vst.idx.msk $0xffff, v12;
	v12 =	vld [tilespmem:$0x1FAF0]  }
0x314: {  	v16 =	vor.u32 v52, v6  }
0x315: {  	v15 =	vor.u32 v31, v6  }
0x316: {  	v7 =	vor.u32 v53, v6  }
0x317: {  	[tilespmem:v8+s19+$0x0] =	vst.idx.msk $0xffff, v13;
	v8 =	vor.u32 v54, v6  }
0x318: {  	[tilespmem:v14+s19+$0x0] =	vst.idx.msk $0xffff, v18;
	v12 =	vor.u32 v12, v6  }
0x319: {  	v13 =	vor.u32 v37, v6;
	[tilespmem:v16+s19+$0x0] =	vst.idx.msk $0xffff, v20  }
0x31a: {  	v14 =	vor.u32 v46, v6;
	[tilespmem:v15+s19+$0x0] =	vst.idx.msk $0xffff, v19  }
0x31b: {  	[tilespmem:v7+s19+$0x0] =	vst.idx.msk $0xffff, v27;
	v7 =	vadd.s32 v57, v5  }
0x31c: {  	[tilespmem:v8+s19+$0x0] =	vst.idx.msk $0xffff, v11  }
0x31d: {  	[tilespmem:v12+s19+$0x0] =	vst.idx.msk $0xffff, v25  }
0x31e: {  	[tilespmem:v13+s19+$0x0] =	vst.idx.msk $0xffff, v9  }
0x31f: {  	[tilespmem:v14+s19+$0x0] =	vst.idx.msk $0xffff, v17  }
0x320: {  	v11 =	vld.idx.msk [tilespmem:v7+s15+$0x0], $0xffff  }
0x321: {  	v7 =	vld [tilespmem:$0x1FFF0];
	_ =	sdelay $0x4  }
0x322: {  	v19 =	vadd.s32 v7, v5;
	v7 =	vld [tilespmem:$0x1FFE0];
	_ =	sdelay $0x3  }
0x323: {  	v12 =	vadd.s32 v3, v5  }
0x324: {  	v13 =	vadd.s32 v4, v5;
	v20 =	vadd.s32 v7, v5;
	v7 =	vld [tilespmem:$0x1FFD0];
	_ =	sdelay $0x2  }
0x325: {  	v14 =	vadd.s32 v49, v5  }
0x326: {  	v9 =	vld.idx.msk [tilespmem:v12+s15+$0x0], $0xffff  }
0x327: {  	v12 =	vadd.s32 v7, v5;
	v7 =	vld.idx.msk [tilespmem:v13+s15+$0x0], $0xffff  }
0x328: {  	v13 =	vld [tilespmem:$0x1FCA0];
	_ =	sdelay $0x1  }
0x329: {  	v16 =	vld.idx.msk [tilespmem:v14+s15+$0x0], $0xffff  }
0x32a: {  	v14 =	vld.idx.msk [tilespmem:v19+s15+$0x0], $0xffff  }
0x32b: {  	v8 =	vadd.s32 v2, v5;
	v19 =	vld [tilespmem:$0x1FC80]  }
0x32c: {  	v15 =	vadd.s32 v62, v5;
	v25 =	vadd.s32 v13, v5;
	v13 =	vld.idx.msk [tilespmem:v20+s15+$0x0], $0xffff  }
0x32d: {  	p3 =	sne.s32 s28, $0x270;
	v20 =	vld [tilespmem:$0x1FE20]  }
.Ltmp7:
0x32e: {  	_ = 	snop;
	(pc) =	sbr.rel @p3 .LBB2_7-.Ltmp7, $4  }
0x32f: {  	v33 =	vld [tilespmem:$0x1FE00]  }
0x330: {  	v8 =	vld.idx.msk [tilespmem:v8+s15+$0x0], $0xffff  }
0x331: {  	v10 =	vadd.s32 v58, v5;
	v18 =	vadd.s32 v39, v5;
	v15 =	vld.idx.msk [tilespmem:v15+s15+$0x0], $0xffff  }
0x332: {  	s28 =	sadd.s32 $0x10, s28;
	v17 =	vadd.s32 v38, v5;
	v19 =	vadd.s32 v19, v5;
	v12 =	vld.idx.msk [tilespmem:v12+s15+$0x0], $0xffff;
	v20 =	vadd.s32 v20, v5  }
0x333: {  	_ =	sdelay $0x3  }
0x334: {  	v18 =	vld.idx.msk [tilespmem:v18+s15+$0x0], $0xffff  }
0x335: {  	v17 =	vld.idx.msk [tilespmem:v17+s15+$0x0], $0xffff  }
0x336: {  	v25 =	vld.idx.msk [tilespmem:v25+s15+$0x0], $0xffff  }
0x337: {  	v19 =	vld.idx.msk [tilespmem:v19+s15+$0x0], $0xffff  }
0x338: {  	v20 =	vld.idx.msk [tilespmem:v20+s15+$0x0], $0xffff  }
0x339: {  	v10 =	vld.idx.msk [tilespmem:v10+s15+$0x0], $0xffff  }
0x33a: {  	v38 =	vmov v39;
	v39 =	vmov v49;
	v49 =	vmov v62;
	v62 =	vld [tilespmem:$0x1FFF0]  }
0x33b: {  	v50 =	vld [tilespmem:$0x1FC80]  }
0x33c: {  	v30 =	vor.u32 v51, v6;
	v51 =	vld [tilespmem:$0x1FCA0]  }
0x33d: {  	v37 =	vld [tilespmem:$0x1FF60]  }
0x33e: {  	v32 =	vld [tilespmem:$0x1FF70]  }
0x33f: {  	v5 =	vadd.s32 v22, v5;
	v46 =	vld [tilespmem:$0x1FF90]  }
0x340: {  	v26 =	vor.u32 v0, v6;
	v3 =	vld [tilespmem:$0x1FFA0]  }
0x341: {  	v4 =	vld [tilespmem:$0x1FFB0]  }
0x342: {  	v27 =	vor.u32 v60, v6;
	v2 =	vld [tilespmem:$0x1FFC0]  }
0x343: {  	v28 =	vor.u32 v35, v6;
	v35 =	vld [tilespmem:$0x1FC20]  }
0x344: {  	v5 =	vld.idx.msk [tilespmem:v5+s15+$0x0], $0xffff  }
0x345: {  	[tilespmem:v26+s19+$0x0] =	vst.idx.msk $0xffff, v17;
	v26 =	vld [tilespmem:$0x1FD30]  }
0x346: {  	v29 =	vor.u32 v59, v6;
	v17 =	vor.u32 v1, v6;
	v1 =	vld [tilespmem:$0x1FEB0]  }
0x347: {  	[tilespmem:v27+s19+$0x0] =	vst.idx.msk $0xffff, v18;
	v27 =	vld [tilespmem:$0x1FA20]  }
0x348: {  	v18 =	vor.u32 v36, v6;
	v36 =	vld [tilespmem:$0x1FE50]  }
0x349: {  	[tilespmem:v28+s19+$0x0] =	vst.idx.msk $0xffff, v16;
	v28 =	vld [tilespmem:$0x1FA70]  }
0x34a: {  	v16 =	vor.u32 v61, v6;
	v61 =	vld [tilespmem:$0x1FCB0]  }
0x34b: {  	v60 =	vmov v56;
	[tilespmem:v29+s19+$0x0] =	vst.idx.msk $0xffff, v15;
	v15 =	vor.u32 v56, v6;
	v56 =	vld [tilespmem:$0x1FFD0]  }
0x34c: {  	v29 =	vld [tilespmem:$0x1FE20]  }
0x34d: {  	[tilespmem:v30+s19+$0x0] =	vst.idx.msk $0xffff, v14;
	v30 =	vld [tilespmem:$0x1FF80]  }
0x34e: {  	v14 =	vor.u32 v21, v6;
	v21 =	vld [tilespmem:$0x1FDA0]  }
0x34f: {  	[tilespmem:v17+s19+$0x0] =	vst.idx.msk $0xffff, v13;
	v13 =	vor.u32 v24, v6;
	v24 =	vld [tilespmem:$0x1FBE0]  }
0x350: {  	v17 =	vld [tilespmem:$0x1FEA0]  }
0x351: {  	[tilespmem:v18+s19+$0x0] =	vst.idx.msk $0xffff, v12;
	v12 =	vor.u32 v63, v6;
	v63 =	vld [tilespmem:$0x1FFE0]  }
0x352: {  	v18 =	vld [tilespmem:$0x1FF50]  }
0x353: {  	[tilespmem:v16+s19+$0x0] =	vst.idx.msk $0xffff, v11;
	v16 =	vld [tilespmem:$0x1FF10]  }
0x354: {  	[tilespmem:v15+s19+$0x0] =	vst.idx.msk $0xffff, v5;
	v5 =	vor.u32 v23, v6;
	v23 =	vld [tilespmem:$0x1FC10]  }
0x355: {  	v11 =	vor.u32 v27, v6;
	v15 =	vor.u32 v28, v6;
	v6 =	vor.u32 v34, v6;
	v34 =	vld [tilespmem:$0x1FE40]  }
0x356: {  	s2 =	sand.u32 $0xFFFC, s26;
	[tilespmem:v14+s19+$0x0] =	vst.idx.msk $0xffff, v10;
	v14 =	vld [tilespmem:$0x1FEF0]  }
0x357: {  	s2 =	sshrl.u32 s2, $0x2;
	v10 =	vld [tilespmem:$0x1FF40]  }
0x358: {  	s2 =	smul.u32 $0xD21, s2;
	[tilespmem:v13+s19+$0x0] =	vst.idx.msk $0xffff, v20;
	v13 =	vld [tilespmem:$0x1FBD0]  }
0x359: {  	v20 =	vld [tilespmem:$0x1FBF0]  }
0x35a: {  	s2 =	sshrl.u32 s2, $0x11;
	[tilespmem:v12+s19+$0x0] =	vst.idx.msk $0xffff, v19;
	v19 =	vld [tilespmem:$0x1FE70]  }
0x35b: {  	s11 =	smul.u32 $0xFFFFFF64, s2;
	v12 =	vld [tilespmem:$0x1FEE0]  }
0x35c: {  	[tilespmem:v11+s19+$0x0] =	vst.idx.msk $0xffff, v25;
	v25 =	vld [tilespmem:$0x1FD90]  }
0x35d: {  	s2 =	smul.u32 $0x61C00, s2;
	s11 =	sadd.s32 s26, s11;
	v11 =	vld [tilespmem:$0x1FED0]  }
0x35e: {  	s11 =	smul.u32 $0xA00, s11;
	[tilespmem:v5+s19+$0x0] =	vst.idx.msk $0xffff, v8;
	v5 =	vld [tilespmem:$0x1FE90]  }
.Ltmp8:
0x35f: {  	v8 =	vld [tilespmem:$0x1FF20];
	(pc) =	sbr.rel @p2 .LBB2_12-.Ltmp8, $4  }
0x360: {  	[tilespmem:v15+s19+$0x0] =	vst.idx.msk $0xffff, v9;
	v15 =	vld [tilespmem:$0x1FF00]  }
0x361: {  	s2 =	sadd.s32 s2, s11;
	v9 =	vld [tilespmem:$0x1FF30]  }
0x362: {  	s2 =	sadd.s32 s5, s2;
	[tilespmem:v6+s19+$0x0] =	vst.idx.msk $0xffff, v7;
	v7 =	vld [tilespmem:$0x1FE80]  }
0x363: {  	v59 =	vlaneseq.u32;
	v6 =	vld [tilespmem:$0x1FEC0];
	[hbm4b:s2+s3] =	stream.linear.scatter [tilespmem:s19], [sflag:$0x5], $0x5000, $0x38  }
0x364: {  	p2 =	sgt.u32 s1, $0xF57  }
0x365: {  	s2 =	sadd.s32 @!p2 $0x80, s1  }
0x366: {  	s11 =	sand.u32 @!p2 $0xFFFC, s2  }
0x367: {  	s11 =	sshrl.u32 @!p2 s11, $0x2  }
0x368: {  	s11 =	smul.u32 @!p2 $0xD21, s11;
	_ =	sdelay $0x1  }
0x369: {  	s11 =	sshrl.u32 @!p2 s11, $0x11  }
0x36a: {  	s14 =	smul.u32 @!p2 $0xFFFFFF64, s11;
	_ =	sdelay $0x1  }
0x36b: {  	s11 =	smul.u32 @!p2 $0x30E000, s11;
	s2 =	sadd.s32 @!p2 s2, s14  }
0x36c: {  	s14 =	smul.u32 @!p2 $0x1400, s2  }
0x36d: {  	_ =	swait.ge [sflag:s20], $0x5000  }
0x36e: {  	[sflag:s20] =	ssyncset.done $0x0;
	s26 =	simm.s32 @!p2 $0xC3800;
	s11 =	sadd.s32 @!p2 s11, s14  }
0x36f: {  	s28 =	simm.s32 @!p2 $0x5000;
	s2 =	simm.s32 $0x0;
	s11 =	sshrl.u32 @!p2 s11, $0x3  }
0x370: {  	[sflag:s20] =	ssyncadd.s32 $0xFFFFB000;
	v5 =	vmov s2;
	s14 =	simm.s32 @!p2 $0x1400;
	s11 =	sadd.s32 @!p2 s0, s11  }
0x371: {  	v6 =	vor.u32 s2, v59;
	v5 =	vshll.u32 v5, $0x3;
	[tilespmem:s28], [sflag:$0x2] =	stream.strided.gather @!p2 [hbm4b:s11+s14], $0x5000, s26, s14, $0x38;
	[tilespmem:$0x1E000] =	vst v63  }
0x372: {  	v6 =	vand.u32 $0x7F, v6;
	v5 =	vand.u32 $0x1C00, v5;
	s11 =	simm.s32 @!p1 $0x6  }
0x373: {  	v5 =	vor.u32 v6, v5;
	_ =	swait.ge @!p1 [sflag:s11], $0x5000  }
0x374: {  	v6 =	vadd.s32 v42, v5;
	v34 =	vld [tilespmem:$0x1FAB0]  }
0x375: {  	v7 =	vadd.s32 v47, v5;
	v3 =	vld [tilespmem:$0x1FAA0]  }
0x376: {  	v8 =	vadd.s32 v24, v5;
	v1 =	vld [tilespmem:$0x1FB00]  }
0x377: {  	v9 =	vadd.s32 v43, v5;
	[sflag:s11] =	ssyncset.done @!p1 $0x0;
	v59 =	vld [tilespmem:$0x1FAC0]  }
0x378: {  	v10 =	vadd.s32 v61, v5;
	v23 =	vld [tilespmem:$0x1FAE0];
	[sflag:s11] =	ssyncadd.s32 @!p1 $0xFFFFB000  }
0x379: {  	v11 =	vadd.s32 v33, v5;
	v12 =	vld.idx.msk [tilespmem:v6+s21+$0x0], $0xffff  }
0x37a: {  	v13 =	vadd.s32 v13, v5;
	v7 =	vld.idx.msk [tilespmem:v7+s21+$0x0], $0xffff  }
0x37b: {  	v15 =	vadd.s32 v41, v5;
	v8 =	vld.idx.msk [tilespmem:v8+s21+$0x0], $0xffff  }
0x37c: {  	v6 =	vadd.s32 v25, v5;
	v9 =	vld.idx.msk [tilespmem:v9+s21+$0x0], $0xffff  }
0x37d: {  	v16 =	vadd.s32 v26, v5;
	v10 =	vld.idx.msk [tilespmem:v10+s21+$0x0], $0xffff  }
0x37e: {  	v11 =	vld.idx.msk [tilespmem:v11+s21+$0x0], $0xffff  }
0x37f: {  	v17 =	vadd.s32 v48, v5;
	v13 =	vld.idx.msk [tilespmem:v13+s21+$0x0], $0xffff  }
0x380: {  	v19 =	vadd.s32 v40, v5;
	v15 =	vld.idx.msk [tilespmem:v15+s21+$0x0], $0xffff  }
0x381: {  	v20 =	vadd.s32 v20, v5;
	v18 =	vld.idx.msk [tilespmem:v6+s21+$0x0], $0xffff;
	v6 =	vmov s2  }
0x382: {  	v25 =	vadd.s32 v35, v5;
	v16 =	vld.idx.msk [tilespmem:v16+s21+$0x0], $0xffff;
	v6 =	vshll.u32 v6, $0x7  }
0x383: {  	v14 =	vadd.s32 v34, v5;
	v26 =	vadd.s32 v3, v5;
	v3 =	vld [tilespmem:$0x1FAD0];
	v6 =	vor.u32 v1, v6  }
0x384: {  	v17 =	vld.idx.msk [tilespmem:v17+s21+$0x0], $0xffff;
	v27 =	vor.u32 v44, v6  }
0x385: {  	v19 =	vld.idx.msk [tilespmem:v19+s21+$0x0], $0xffff;
	v28 =	vor.u32 v45, v6  }
0x386: {  	v20 =	vld.idx.msk [tilespmem:v20+s21+$0x0], $0xffff;
	v29 =	vor.u32 v55, v6  }
0x387: {  	v25 =	vld.idx.msk [tilespmem:v25+s21+$0x0], $0xffff;
	v30 =	vor.u32 v59, v6  }
0x388: {  	v14 =	vld.idx.msk [tilespmem:v14+s21+$0x0], $0xffff;
	v32 =	vor.u32 v3, v6  }
0x389: {  	v26 =	vld.idx.msk [tilespmem:v26+s21+$0x0], $0xffff;
	[tilespmem:v27+s22+$0x0] =	vst.idx.msk $0xffff, v15;
	v15 =	vor.u32 v21, v6  }
0x38a: {  	[tilespmem:v28+s22+$0x0] =	vst.idx.msk $0xffff, v12;
	v12 =	vor.u32 v4, v6  }
0x38b: {  	[tilespmem:v29+s22+$0x0] =	vst.idx.msk $0xffff, v19;
	v19 =	vor.u32 v2, v6  }
0x38c: {  	[tilespmem:v30+s22+$0x0] =	vst.idx.msk $0xffff, v9;
	v9 =	vor.u32 v23, v6  }
0x38d: {  	v1 =	vld [tilespmem:$0x1FA40];
	[tilespmem:v32+s22+$0x0] =	vst.idx.msk $0xffff, v7;
	v7 =	vor.u32 v52, v6  }
0x38e: {  	[tilespmem:v15+s22+$0x0] =	vst.idx.msk $0xffff, v18  }
0x38f: {  	v36 =	vld [tilespmem:$0x1FAF0];
	[tilespmem:v12+s22+$0x0] =	vst.idx.msk $0xffff, v17  }
0x390: {  	v37 =	vld [tilespmem:$0x1FA30];
	[tilespmem:v19+s22+$0x0] =	vst.idx.msk $0xffff, v13  }
0x391: {  	v24 =	vld [tilespmem:$0x1F9E0];
	[tilespmem:v9+s22+$0x0] =	vst.idx.msk $0xffff, v8  }
0x392: {  	[tilespmem:v7+s22+$0x0] =	vst.idx.msk $0xffff, v20;
	v7 =	vor.u32 v1, v6;
	v1 =	vld [tilespmem:$0x1FA60]  }
0x393: {  	v46 =	vld [tilespmem:$0x1F980];
	v15 =	vor.u32 v31, v6  }
0x394: {  	[tilespmem:$0x1F970] =	vst v60;
	v60 =	vld [tilespmem:$0x1F9B0];
	v12 =	vor.u32 v53, v6  }
0x395: {  	v61 =	vld [tilespmem:$0x1F9C0];
	v13 =	vor.u32 v54, v6  }
0x396: {  	v2 =	vld [tilespmem:$0x1FB30];
	v8 =	vor.u32 v36, v6  }
0x397: {  	v9 =	vor.u32 v1, v6;
	v1 =	vld [tilespmem:$0x1FB20]  }
0x398: {  	v35 =	vld [tilespmem:$0x1F9D0];
	[tilespmem:v15+s22+$0x0] =	vst.idx.msk $0xffff, v16  }
0x399: {  	v34 =	vld [tilespmem:$0x1FA10];
	[tilespmem:v12+s22+$0x0] =	vst.idx.msk $0xffff, v26;
	v12 =	vadd.s32 v57, v5  }
0x39a: {  	v3 =	vld [tilespmem:$0x1FB40];
	[tilespmem:v13+s22+$0x0] =	vst.idx.msk $0xffff, v25  }
0x39b: {  	v21 =	vld [tilespmem:$0x1F990];
	[tilespmem:v8+s22+$0x0] =	vst.idx.msk $0xffff, v14;
	v14 =	vadd.s32 v2, v5  }
0x39c: {  	v4 =	vld [tilespmem:$0x1F9A0];
	[tilespmem:v7+s22+$0x0] =	vst.idx.msk $0xffff, v10;
	v13 =	vadd.s32 v1, v5  }
0x39d: {  	v23 =	vld [tilespmem:$0x1F9F0];
	[tilespmem:v9+s22+$0x0] =	vst.idx.msk $0xffff, v11  }
0x39e: {  	v11 =	vld.idx.msk [tilespmem:v12+s21+$0x0], $0xffff;
	v12 =	vadd.s32 v62, v5  }
0x39f: {  	v36 =	vld [tilespmem:$0x1FA90];
	v20 =	vadd.s32 v56, v5  }
0x3a0: {  	v18 =	vadd.s32 v38, v5;
	v9 =	vld.idx.msk [tilespmem:v14+s21+$0x0], $0xffff  }
0x3a1: {  	v15 =	vadd.s32 v49, v5;
	v7 =	vadd.s32 v3, v5;
	v10 =	vadd.s32 v39, v5;
	v8 =	vld.idx.msk [tilespmem:v13+s21+$0x0], $0xffff  }
0x3a2: {  	v13 =	vadd.s32 v63, v5;
	v63 =	vmovc v62;
	v62 =	vmovc v49;
	v49 =	vmov v39;
	v39 =	vmov v38;
	v38 =	vld [tilespmem:$0x1FB10]  }
0x3a3: {  	v14 =	vld.idx.msk [tilespmem:v12+s21+$0x0], $0xffff  }
0x3a4: {  	v12 =	vld.idx.msk [tilespmem:v20+s21+$0x0], $0xffff  }
0x3a5: {  	v20 =	vld [tilespmem:$0x1FE20]  }
0x3a6: {  	v56 =	vld [tilespmem:$0x1FA00]  }
0x3a7: {  	v7 =	vld.idx.msk [tilespmem:v7+s21+$0x0], $0xffff  }
0x3a8: {  	v16 =	vld.idx.msk [tilespmem:v10+s21+$0x0], $0xffff  }
0x3a9: {  	v19 =	vadd.s32 v50, v5;
	v25 =	vadd.s32 v51, v5;
	v15 =	vld.idx.msk [tilespmem:v15+s21+$0x0], $0xffff  }
0x3aa: {  	s1 =	sadd.s32 $0x40, s1;
	s26 =	simm.s32 $0x10;
	v10 =	vadd.s32 v58, v5;
	v17 =	vadd.s32 v38, v5;
	v13 =	vld.idx.msk [tilespmem:v13+s21+$0x0], $0xffff;
	v20 =	vadd.s32 v20, v5  }
.LBB2_10:
0x3ab: {  	_ =	sdelay $0x2  }
0x3ac: {  	v18 =	vld.idx.msk [tilespmem:v18+s21+$0x0], $0xffff  }
0x3ad: {  	v17 =	vld.idx.msk [tilespmem:v17+s21+$0x0], $0xffff;
	v5 =	vadd.s32 v22, v5;
	v26 =	vor.u32 v0, v6  }
0x3ae: {  	v25 =	vld.idx.msk [tilespmem:v25+s21+$0x0], $0xffff;
	v27 =	vor.u32 v46, v6  }
0x3af: {  	v19 =	vld.idx.msk [tilespmem:v19+s21+$0x0], $0xffff;
	v28 =	vor.u32 v21, v6  }
0x3b0: {  	v20 =	vld.idx.msk [tilespmem:v20+s21+$0x0], $0xffff;
	v29 =	vor.u32 v4, v6  }
0x3b1: {  	v10 =	vld.idx.msk [tilespmem:v10+s21+$0x0], $0xffff  }
0x3b2: {  	v30 =	vld.idx.msk [tilespmem:v5+s21+$0x0], $0xffff;
	[tilespmem:v26+s22+$0x0] =	vst.idx.msk $0xffff, v17  }
0x3b3: {  	[tilespmem:v27+s22+$0x0] =	vst.idx.msk $0xffff, v18  }
0x3b4: {  	[tilespmem:v28+s22+$0x0] =	vst.idx.msk $0xffff, v16  }
0x3b5: {  	v5 =	vor.u32 v37, v6;
	[tilespmem:v29+s22+$0x0] =	vst.idx.msk $0xffff, v15;
	v15 =	vld [tilespmem:$0x1F970]  }
0x3b6: {  	v17 =	vor.u32 v60, v6  }
0x3b7: {  	v18 =	vor.u32 v36, v6  }
0x3b8: {  	v16 =	vor.u32 v61, v6;
	_ =	sdelay $0x1  }
0x3b9: {  	[tilespmem:v5+s22+$0x0] =	vst.idx.msk $0xffff, v14;
	v15 =	vor.u32 v15, v6  }
0x3ba: {  	v14 =	vor.u32 v35, v6;
	[tilespmem:v17+s22+$0x0] =	vst.idx.msk $0xffff, v13  }
0x3bb: {  	[tilespmem:v18+s22+$0x0] =	vst.idx.msk $0xffff, v12  }
0x3bc: {  	[tilespmem:v16+s22+$0x0] =	vst.idx.msk $0xffff, v11;
	v11 =	vld [tilespmem:$0x1FA20]  }
0x3bd: {  	v17 =	vld [tilespmem:$0x1FA70]  }
0x3be: {  	[tilespmem:v15+s22+$0x0] =	vst.idx.msk $0xffff, v30  }
0x3bf: {  	s11 =	smov.u32 s26;
	v26 =	vor.u32 v56, v6;
	v27 =	vlaneseq.u32;
	v13 =	vor.u32 v24, v6;
	[tilespmem:v14+s22+$0x0] =	vst.idx.msk $0xffff, v10;
	v10 =	vld [tilespmem:$0x1FBD0]  }
0x3c0: {  	v27 =	vor.u32 s11, v27;
	v5 =	vmov s11;
	v12 =	vor.u32 v34, v6  }
0x3c1: {  	v5 =	vshll.u32 v5, $0x3;
	v18 =	vand.u32 $0x7F, v27;
	v11 =	vor.u32 v11, v6  }
0x3c2: {  	v5 =	vand.u32 $0x1C00, v5;
	v17 =	vor.u32 v17, v6;
	v6 =	vor.u32 v23, v6  }
0x3c3: {  	v5 =	vor.u32 v18, v5  }
0x3c4: {  	[tilespmem:v13+s22+$0x0] =	vst.idx.msk $0xffff, v20;
	v13 =	vadd.s32 v10, v5;
	v10 =	vld [tilespmem:$0x1FBE0]  }
0x3c5: {  	[tilespmem:v12+s22+$0x0] =	vst.idx.msk $0xffff, v19  }
0x3c6: {  	v28 =	vld [tilespmem:$0x1FB00];
	v16 =	vadd.s32 v42, v5;
	[tilespmem:v11+s22+$0x0] =	vst.idx.msk $0xffff, v25  }
0x3c7: {  	v18 =	vadd.s32 v47, v5;
	[tilespmem:v6+s22+$0x0] =	vst.idx.msk $0xffff, v8;
	v6 =	vld [tilespmem:$0x1FD90]  }
0x3c8: {  	v14 =	vadd.s32 v43, v5;
	[tilespmem:v17+s22+$0x0] =	vst.idx.msk $0xffff, v9;
	v9 =	vld [tilespmem:$0x1FCB0]  }
0x3c9: {  	v20 =	vadd.s32 v10, v5;
	v10 =	vld [tilespmem:$0x1FD30]  }
0x3ca: {  	v17 =	vadd.s32 v33, v5;
	v33 =	vld [tilespmem:$0x1FAD0];
	[tilespmem:v26+s22+$0x0] =	vst.idx.msk $0xffff, v7  }
0x3cb: {  	v7 =	vld.idx.msk [tilespmem:v16+s21+$0x0], $0xffff  }
0x3cc: {  	v16 =	vld.idx.msk [tilespmem:v18+s21+$0x0], $0xffff;
	v6 =	vadd.s32 v6, v5  }
0x3cd: {  	v14 =	vld.idx.msk [tilespmem:v14+s21+$0x0], $0xffff  }
0x3ce: {  	v15 =	vadd.s32 v41, v5;
	v19 =	vadd.s32 v10, v5;
	v10 =	vld [tilespmem:$0x1FC20]  }
0x3cf: {  	v18 =	vld.idx.msk [tilespmem:v20+s21+$0x0], $0xffff  }
0x3d0: {  	v12 =	vadd.s32 v48, v5;
	v20 =	vld [tilespmem:$0x1FBF0]  }
0x3d1: {  	v26 =	vld.idx.msk [tilespmem:v6+s21+$0x0], $0xffff  }
0x3d2: {  	v8 =	vadd.s32 v40, v5;
	v6 =	vld [tilespmem:$0x1FAA0]  }
0x3d3: {  	v15 =	vld.idx.msk [tilespmem:v15+s21+$0x0], $0xffff  }
0x3d4: {  	v9 =	vadd.s32 v9, v5;
	v11 =	vadd.s32 v10, v5;
	v10 =	vld [tilespmem:$0x1FAB0]  }
0x3d5: {  	v12 =	vld.idx.msk [tilespmem:v12+s21+$0x0], $0xffff  }
0x3d6: {  	s2 =	sadd.s32 $0x4, s2;
	v13 =	vld.idx.msk [tilespmem:v13+s21+$0x0], $0xffff;
	v20 =	vadd.s32 v20, v5  }
0x3d7: {  	v8 =	vld.idx.msk [tilespmem:v8+s21+$0x0], $0xffff;
	v27 =	vadd.s32 v6, v5;
	v6 =	vmov s2  }
0x3d8: {  	v17 =	vld.idx.msk [tilespmem:v17+s21+$0x0], $0xffff;
	v6 =	vshll.u32 v6, $0x7  }
0x3d9: {  	v9 =	vld.idx.msk [tilespmem:v9+s21+$0x0], $0xffff;
	v6 =	vor.u32 v28, v6;
	v25 =	vadd.s32 v10, v5  }
0x3da: {  	v19 =	vld.idx.msk [tilespmem:v19+s21+$0x0], $0xffff;
	v28 =	vor.u32 v44, v6  }
0x3db: {  	v29 =	vor.u32 v45, v6;
	v20 =	vld.idx.msk [tilespmem:v20+s21+$0x0], $0xffff  }
0x3dc: {  	v30 =	vor.u32 v55, v6;
	v11 =	vld.idx.msk [tilespmem:v11+s21+$0x0], $0xffff  }
0x3dd: {  	v32 =	vor.u32 v59, v6;
	v27 =	vld.idx.msk [tilespmem:v27+s21+$0x0], $0xffff  }
0x3de: {  	v25 =	vld.idx.msk [tilespmem:v25+s21+$0x0], $0xffff  }
0x3df: {  	[tilespmem:v28+s22+$0x0] =	vst.idx.msk $0xffff, v15;
	v15 =	vld [tilespmem:$0x1FDA0]  }
0x3e0: {  	[tilespmem:v29+s22+$0x0] =	vst.idx.msk $0xffff, v7;
	v7 =	vld [tilespmem:$0x1FFB0]  }
0x3e1: {  	[tilespmem:v30+s22+$0x0] =	vst.idx.msk $0xffff, v8;
	v8 =	vld [tilespmem:$0x1FFC0]  }
0x3e2: {  	[tilespmem:v32+s22+$0x0] =	vst.idx.msk $0xffff, v14;
	v14 =	vld [tilespmem:$0x1FAE0]  }
0x3e3: {  	v33 =	vor.u32 v33, v6  }
0x3e4: {  	v15 =	vor.u32 v15, v6  }
0x3e5: {  	v7 =	vor.u32 v7, v6  }
0x3e6: {  	v8 =	vor.u32 v8, v6  }
0x3e7: {  	v14 =	vor.u32 v14, v6  }
0x3e8: {  	[tilespmem:v33+s22+$0x0] =	vst.idx.msk $0xffff, v16  }
0x3e9: {  	[tilespmem:v15+s22+$0x0] =	vst.idx.msk $0xffff, v26  }
0x3ea: {  	[tilespmem:v7+s22+$0x0] =	vst.idx.msk $0xffff, v12;
	v12 =	vld [tilespmem:$0x1FAF0]  }
0x3eb: {  	v16 =	vor.u32 v52, v6;
	[tilespmem:v8+s22+$0x0] =	vst.idx.msk $0xffff, v13;
	v13 =	vld [tilespmem:$0x1FA40]  }
0x3ec: {  	v15 =	vor.u32 v31, v6;
	[tilespmem:v14+s22+$0x0] =	vst.idx.msk $0xffff, v18;
	v14 =	vld [tilespmem:$0x1FA60]  }
0x3ed: {  	v7 =	vor.u32 v53, v6  }
0x3ee: {  	v8 =	vor.u32 v54, v6  }
0x3ef: {  	v12 =	vor.u32 v12, v6  }
0x3f0: {  	[tilespmem:v16+s22+$0x0] =	vst.idx.msk $0xffff, v20;
	v13 =	vor.u32 v13, v6  }
0x3f1: {  	[tilespmem:v15+s22+$0x0] =	vst.idx.msk $0xffff, v19;
	v14 =	vor.u32 v14, v6  }
0x3f2: {  	[tilespmem:v7+s22+$0x0] =	vst.idx.msk $0xffff, v27;
	v7 =	vadd.s32 v57, v5  }
0x3f3: {  	[tilespmem:v8+s22+$0x0] =	vst.idx.msk $0xffff, v11  }
0x3f4: {  	[tilespmem:v12+s22+$0x0] =	vst.idx.msk $0xffff, v25  }
0x3f5: {  	[tilespmem:v13+s22+$0x0] =	vst.idx.msk $0xffff, v9  }
0x3f6: {  	[tilespmem:v14+s22+$0x0] =	vst.idx.msk $0xffff, v17  }
0x3f7: {  	v11 =	vld.idx.msk [tilespmem:v7+s21+$0x0], $0xffff  }
0x3f8: {  	v7 =	vld [tilespmem:$0x1FFE0];
	_ =	sdelay $0x2  }
0x3f9: {  	v8 =	vadd.s32 v1, v5  }
0x3fa: {  	v15 =	vadd.s32 v62, v5  }
0x3fb: {  	v12 =	vadd.s32 v2, v5;
	v20 =	vadd.s32 v7, v5;
	v7 =	vld [tilespmem:$0x1FFD0]  }
0x3fc: {  	v29 =	vld [tilespmem:$0x1FE20];
	v14 =	vadd.s32 v49, v5  }
0x3fd: {  	v33 =	vld [tilespmem:$0x1FE00];
	v19 =	vadd.s32 v63, v5  }
0x3fe: {  	v13 =	vadd.s32 v3, v5;
	v8 =	vld.idx.msk [tilespmem:v8+s21+$0x0], $0xffff  }
0x3ff: {  	v15 =	vld.idx.msk [tilespmem:v15+s21+$0x0], $0xffff  }
0x400: {  	p1 =	sne.s32 s26, $0x270;
	v9 =	vld.idx.msk [tilespmem:v12+s21+$0x0], $0xffff;
	v12 =	vadd.s32 v7, v5  }
.Ltmp9:
0x401: {  	v16 =	vld.idx.msk [tilespmem:v14+s21+$0x0], $0xffff;
	(pc) =	sbr.rel @p1 .LBB2_10-.Ltmp9, $4  }
0x402: {  	v14 =	vld.idx.msk [tilespmem:v19+s21+$0x0], $0xffff  }
0x403: {  	v7 =	vld.idx.msk [tilespmem:v13+s21+$0x0], $0xffff  }
0x404: {  	v10 =	vadd.s32 v58, v5;
	v18 =	vadd.s32 v39, v5;
	v25 =	vadd.s32 v51, v5;
	v13 =	vld.idx.msk [tilespmem:v20+s21+$0x0], $0xffff  }
0x405: {  	s26 =	sadd.s32 $0x10, s26;
	v17 =	vadd.s32 v38, v5;
	v19 =	vadd.s32 v50, v5;
	v20 =	vadd.s32 v29, v5;
	v12 =	vld.idx.msk [tilespmem:v12+s21+$0x0], $0xffff  }
0x406: {  	_ =	sdelay $0x3  }
0x407: {  	v18 =	vld.idx.msk [tilespmem:v18+s21+$0x0], $0xffff  }
0x408: {  	v17 =	vld.idx.msk [tilespmem:v17+s21+$0x0], $0xffff  }
0x409: {  	v25 =	vld.idx.msk [tilespmem:v25+s21+$0x0], $0xffff  }
0x40a: {  	v19 =	vld.idx.msk [tilespmem:v19+s21+$0x0], $0xffff  }
0x40b: {  	v20 =	vld.idx.msk [tilespmem:v20+s21+$0x0], $0xffff  }
0x40c: {  	v10 =	vld.idx.msk [tilespmem:v10+s21+$0x0], $0xffff  }
0x40d: {  	v38 =	vmovc v39;
	v39 =	vmov v49;
	v49 =	vmov v62;
	v62 =	vmov v63;
	v63 =	vld [tilespmem:$0x1FFE0]  }
0x40e: {  	v3 =	vor.u32 v61, v6;
	v61 =	vld [tilespmem:$0x1FCB0]  }
0x40f: {  	v5 =	vadd.s32 v22, v5;
	v26 =	vor.u32 v21, v6;
	v21 =	vld [tilespmem:$0x1FDA0]  }
0x410: {  	v2 =	vor.u32 v0, v6;
	v28 =	vor.u32 v37, v6;
	v37 =	vld [tilespmem:$0x1FF60]  }
0x411: {  	v32 =	vld [tilespmem:$0x1FF70]  }
0x412: {  	v1 =	vor.u32 v46, v6;
	v30 =	vld [tilespmem:$0x1FF80]  }
0x413: {  	v46 =	vld [tilespmem:$0x1FF90]  }
0x414: {  	v5 =	vld.idx.msk [tilespmem:v5+s21+$0x0], $0xffff  }
0x415: {  	v27 =	vor.u32 v4, v6;
	[tilespmem:v2+s22+$0x0] =	vst.idx.msk $0xffff, v17;
	v2 =	vld [tilespmem:$0x1F970]  }
0x416: {  	v17 =	vld [tilespmem:$0x1FEA0]  }
0x417: {  	[tilespmem:v1+s22+$0x0] =	vst.idx.msk $0xffff, v18;
	v1 =	vor.u32 v36, v6;
	v36 =	vld [tilespmem:$0x1FE50]  }
0x418: {  	v4 =	vor.u32 v60, v6;
	v18 =	vld [tilespmem:$0x1FF50]  }
0x419: {  	[tilespmem:v26+s22+$0x0] =	vst.idx.msk $0xffff, v16;
	v26 =	vld [tilespmem:$0x1FD30]  }
0x41a: {  	v16 =	vld [tilespmem:$0x1FF10];
	[tilespmem:v27+s22+$0x0] =	vst.idx.msk $0xffff, v15  }
0x41b: {  	[tilespmem:v28+s22+$0x0] =	vst.idx.msk $0xffff, v14;
	v14 =	vor.u32 v35, v6;
	v35 =	vld [tilespmem:$0x1FC20]  }
0x41c: {  	v15 =	vor.u32 v2, v6;
	v2 =	vld [tilespmem:$0x1FA20]  }
0x41d: {  	[tilespmem:v4+s22+$0x0] =	vst.idx.msk $0xffff, v13;
	v4 =	vld [tilespmem:$0x1FA70]  }
0x41e: {  	v13 =	vor.u32 v24, v6;
	v24 =	vld [tilespmem:$0x1FBE0]  }
0x41f: {  	[tilespmem:v1+s22+$0x0] =	vst.idx.msk $0xffff, v12;
	v1 =	vor.u32 v34, v6;
	v34 =	vld [tilespmem:$0x1FE40]  }
0x420: {  	v12 =	vld [tilespmem:$0x1FEE0];
	[tilespmem:v3+s22+$0x0] =	vst.idx.msk $0xffff, v11  }
0x421: {  	v11 =	vld [tilespmem:$0x1FED0];
	v3 =	vor.u32 v2, v6;
	[tilespmem:v15+s22+$0x0] =	vst.idx.msk $0xffff, v5  }
0x422: {  	v2 =	vor.u32 v23, v6;
	v5 =	vor.u32 v4, v6;
	v6 =	vor.u32 v56, v6;
	v56 =	vld [tilespmem:$0x1FFD0]  }
0x423: {  	v23 =	vld [tilespmem:$0x1FC10]  }
0x424: {  	v15 =	vld [tilespmem:$0x1FF00]  }
0x425: {  	v4 =	vld [tilespmem:$0x1FFB0]  }
0x426: {  	s2 =	sand.u32 $0xFFFC, s1;
	[tilespmem:v14+s22+$0x0] =	vst.idx.msk $0xffff, v10;
	v14 =	vld [tilespmem:$0x1FEF0]  }
0x427: {  	s2 =	sshrl.u32 s2, $0x2;
	v10 =	vld [tilespmem:$0x1FF40]  }
0x428: {  	s2 =	smul.u32 $0xD21, s2;
	[tilespmem:v13+s22+$0x0] =	vst.idx.msk $0xffff, v20;
	v13 =	vld [tilespmem:$0x1FBD0]  }
0x429: {  	v20 =	vld [tilespmem:$0x1FBF0]  }
0x42a: {  	s2 =	sshrl.u32 s2, $0x11;
	[tilespmem:v1+s22+$0x0] =	vst.idx.msk $0xffff, v19;
	v19 =	vld [tilespmem:$0x1FE70]  }
0x42b: {  	s11 =	smul.u32 $0xFFFFFF64, s2;
	v1 =	vld [tilespmem:$0x1FEB0]  }
0x42c: {  	[tilespmem:v3+s22+$0x0] =	vst.idx.msk $0xffff, v25;
	v25 =	vld [tilespmem:$0x1FD90]  }
0x42d: {  	s2 =	smul.u32 $0x61C00, s2;
	s28 =	sadd.s32 s1, s11;
	v3 =	vld [tilespmem:$0x1FFA0]  }
0x42e: {  	s1 =	smul.u32 $0xA00, s28;
	[tilespmem:v2+s22+$0x0] =	vst.idx.msk $0xffff, v8;
	v8 =	vld [tilespmem:$0x1FF20]  }
.Ltmp10:
0x42f: {  	v2 =	vld [tilespmem:$0x1FFC0];
	(pc) =	sbr.rel .LBB2_12-.Ltmp10, $4  }
0x430: {  	[tilespmem:v5+s22+$0x0] =	vst.idx.msk $0xffff, v9;
	v5 =	vld [tilespmem:$0x1FE90]  }
0x431: {  	s1 =	sadd.s32 s2, s1;
	v9 =	vld [tilespmem:$0x1FF30]  }
0x432: {  	s1 =	sadd.s32 s5, s1;
	[tilespmem:v6+s22+$0x0] =	vst.idx.msk $0xffff, v7;
	v7 =	vld [tilespmem:$0x1FE80]  }
0x433: {  	v59 =	vlaneseq.u32;
	v6 =	vld [tilespmem:$0x1FEC0];
	[hbm4b:s1+s3] =	stream.linear.scatter [tilespmem:s22], [sflag:$0x6], $0x5000, $0x38  }
.LBB2_13:
0x434: {  	_ =	swait.ge [sflag:s23], $0x5000  }
0x435: {  	[sflag:s23] =	ssyncset.done $0x0  }
0x436: {  	[sflag:s23] =	ssyncadd.s32 $0xFFFFB000  }
0x437: {  	_ =	swait.ge [sflag:s24], $0x5000  }
.Ltmp11:
0x438: {  	[sflag:s24] =	ssyncset.done $0x0;
	(pc) =	sbr.rel @p0 .LBB2_17-.Ltmp11, $4  }
0x439: {  	[sflag:s24] =	ssyncadd.s32 $0xFFFFB000  }
0x43a: {  	_ =	swait.ge [sflag:s25], $0x5000  }
0x43b: {  	[sflag:s25] =	ssyncset.done $0x0  }
0x43c: {  	[sflag:s25] =	ssyncadd.s32 $0xFFFFB000  }
0x43d: {  	s1 =	simm.s32 $0x0  }
0x43e: {  	v0 =	vld [tilespmem:$0x1FC00];
	[tilespmem:s1], [sflag:$0x7] =	stream.linear.gather [hbm4b:s10+s1], $0x400, $0x38  }
0x43f: {  	s2 =	sadd.s32 $0x18700, s10  }
0x440: {  	[tilespmem:s13], [sflag:$0x7] =	stream.linear.gather [hbm4b:s2+s1], $0x400, $0x38;
	[tilespmem:$0x1E000] =	vst v63  }
0x441: {  	s26 =	sadd.s32 $0x30E00, s10;
	s11 =	simm.s32 $0x2800  }
0x442: {  	[tilespmem:s11], [sflag:$0x7] =	stream.linear.gather [hbm4b:s26+s1], $0x400, $0x38;
	[tilespmem:$0x1E000] =	vst v63  }
0x443: {  	s28 =	sadd.s32 $0x49500, s10;
	s31 =	simm.s32 $0x3C00;
	v0 =	vor.u32 s1, v0  }
0x444: {  	v13 =	vor.u32 s1, v18;
	[tilespmem:s31], [sflag:$0x7] =	stream.linear.gather [hbm4b:s28+s1], $0x400, $0x38;
	[tilespmem:$0x1E000] =	vst v63  }
0x445: {  	v25 =	vld [tilespmem:$0x1FAE0];
	v35 =	vmov v2;
	v2 =	vor.u32 s1, v10;
	_ =	swait.ge [sflag:s29], $0x1000  }
0x446: {  	v51 =	vmov v3;
	v3 =	vor.u32 s1, v9;
	[sflag:s29] =	ssyncset.done $0x0  }
0x447: {  	v26 =	vmov v4;
	v4 =	vor.u32 s1, v8;
	v50 =	vld [tilespmem:$0x1FAD0];
	[sflag:s29] =	ssyncadd.s32 $0xFFFFF000  }
0x448: {  	v20 =	vor.u32 s1, v16;
	v0 =	vld.idx.msk [tilespmem:v0+s3+$0x0], $0xffff  }
0x449: {  	v29 =	vld.idx.msk [tilespmem:v13+s3+$0x0], $0xffff  }
0x44a: {  	v33 =	vmov v21;
	v21 =	vor.u32 s1, v15;
	v8 =	vld.idx.msk [tilespmem:v2+s3+$0x0], $0xffff  }
0x44b: {  	v13 =	vor.u32 s1, v14;
	v3 =	vld.idx.msk [tilespmem:v3+s3+$0x0], $0xffff  }
0x44c: {  	v2 =	vor.u32 s1, v12;
	v4 =	vld.idx.msk [tilespmem:v4+s3+$0x0], $0xffff  }
0x44d: {  	v27 =	vld.idx.msk [tilespmem:v20+s3+$0x0], $0xffff  }
0x44e: {  	v9 =	vor.u32 s1, v11;
	v20 =	vld [tilespmem:$0x1FB00]  }
0x44f: {  	v10 =	vor.u32 s1, v19;
	v28 =	vld.idx.msk [tilespmem:v21+s3+$0x0], $0xffff  }
0x450: {  	v11 =	vor.u32 s1, v7;
	v24 =	vld.idx.msk [tilespmem:v13+s3+$0x0], $0xffff  }
0x451: {  	v12 =	vor.u32 s1, v5;
	v13 =	vmov s1;
	v15 =	vld.idx.msk [tilespmem:v2+s3+$0x0], $0xffff  }
0x452: {  	v14 =	vor.u32 s1, v17;
	v2 =	vshll.u32 v13, $0x7;
	v13 =	vor.u32 s1, v1;
	v1 =	vld [tilespmem:$0x1FAC0]  }
0x453: {  	v9 =	vld.idx.msk [tilespmem:v9+s3+$0x0], $0xffff;
	v2 =	vor.u32 v20, v2  }
0x454: {  	v16 =	vor.u32 s1, v6;
	v10 =	vld.idx.msk [tilespmem:v10+s3+$0x0], $0xffff;
	v17 =	vor.u32 v44, v2  }
0x455: {  	v11 =	vld.idx.msk [tilespmem:v11+s3+$0x0], $0xffff;
	v18 =	vor.u32 v45, v2  }
0x456: {  	v12 =	vld.idx.msk [tilespmem:v12+s3+$0x0], $0xffff;
	v19 =	vor.u32 v55, v2  }
0x457: {  	v14 =	vld.idx.msk [tilespmem:v14+s3+$0x0], $0xffff;
	v20 =	vor.u32 v1, v2  }
0x458: {  	v21 =	vor.u32 v50, v2;
	v13 =	vld.idx.msk [tilespmem:v13+s3+$0x0], $0xffff  }
0x459: {  	v16 =	vld.idx.msk [tilespmem:v16+s3+$0x0], $0xffff;
	[tilespmem:v17+s17+$0x0] =	vst.idx.msk $0xffff, v10;
	v10 =	vor.u32 v33, v2  }
0x45a: {  	[tilespmem:v18+s17+$0x0] =	vst.idx.msk $0xffff, v11;
	v11 =	vor.u32 v26, v2  }
0x45b: {  	[tilespmem:v19+s17+$0x0] =	vst.idx.msk $0xffff, v12;
	v12 =	vor.u32 v35, v2  }
0x45c: {  	[tilespmem:v20+s17+$0x0] =	vst.idx.msk $0xffff, v14  }
0x45d: {  	[tilespmem:v21+s17+$0x0] =	vst.idx.msk $0xffff, v13  }
0x45e: {  	[tilespmem:v10+s17+$0x0] =	vst.idx.msk $0xffff, v16  }
0x45f: {  	[tilespmem:v11+s17+$0x0] =	vst.idx.msk $0xffff, v9  }
0x460: {  	[tilespmem:v12+s17+$0x0] =	vst.idx.msk $0xffff, v15;
	v12 =	vld [tilespmem:$0x1FDC0]  }
0x461: {  	v15 =	vld [tilespmem:$0x1FDD0];
	_ =	sdelay $0x3  }
0x462: {  	v14 =	vor.u32 v25, v2  }
0x463: {  	v13 =	vor.u32 v52, v2;
	v1 =	vcombine.low v12, v15  }
0x464: {  	v20 =	vld [tilespmem:$0x1FAF0];
	v10 =	vor.u32 v31, v2  }
0x465: {  	v9 =	vor.u32 v53, v2;
	[tilespmem:$0x1F920] =	vst v1;
	v6 =	vor.u32 v1, v2;
	v1 =	vld [tilespmem:$0x1FCC0];
	_ =	sdelay $0x1  }
0x466: {  	[tilespmem:v14+s17+$0x0] =	vst.idx.msk $0xffff, v24  }
0x467: {  	[tilespmem:v13+s17+$0x0] =	vst.idx.msk $0xffff, v28  }
0x468: {  	v11 =	vor.u32 v54, v2;
	[tilespmem:v10+s17+$0x0] =	vst.idx.msk $0xffff, v27  }
0x469: {  	v7 =	vor.u32 v20, v2;
	[tilespmem:v9+s17+$0x0] =	vst.idx.msk $0xffff, v4;
	v4 =	vor.u32 s1, v1;
	v1 =	vld [tilespmem:$0x1FD50]  }
0x46a: {  	v14 =	vld [tilespmem:$0x1FDF0]  }
0x46b: {  	v12 =	vld [tilespmem:$0x1FDE0];
	_ =	sdelay $0x1  }
0x46c: {  	[tilespmem:v11+s17+$0x0] =	vst.idx.msk $0xffff, v3  }
0x46d: {  	[tilespmem:v7+s17+$0x0] =	vst.idx.msk $0xffff, v8;
	v7 =	vor.u32 s1, v1;
	v1 =	vld [tilespmem:$0x1FD40];
	_ =	sdelay $0x1  }
0x46e: {  	v5 =	vcombine.low v12, v14;
	_ =	sdelay $0x1  }
0x46f: {  	[tilespmem:$0x1F930] =	vst v5;
	v5 =	vor.u32 v5, v2  }
0x470: {  	v57 =	vld [tilespmem:$0x1FDB0];
	v1 =	vor.u32 s1, v1  }
0x471: {  	v58 =	vmov v30;
	v30 =	vld [tilespmem:$0x1FB50]  }
0x472: {  	v50 =	vld [tilespmem:$0x1FB70]  }
0x473: {  	v33 =	vld [tilespmem:$0x1FD70];
	[tilespmem:v6+s17+$0x0] =	vst.idx.msk $0xffff, v29  }
0x474: {  	v6 =	vld [tilespmem:$0x1FC30];
	[tilespmem:v5+s17+$0x0] =	vst.idx.msk $0xffff, v0  }
0x475: {  	v3 =	vor.u32 s1, v51;
	v8 =	vld.idx.msk [tilespmem:v1+s3+$0x0], $0xffff  }
0x476: {  	v1 =	vld [tilespmem:$0x1FC40]  }
0x477: {  	v54 =	vld [tilespmem:$0x1FD60]  }
0x478: {  	v15 =	vld [tilespmem:$0x1FB90]  }
0x479: {  	v5 =	vld [tilespmem:$0x1FC60];
	v6 =	vor.u32 s1, v6  }
0x47a: {  	v60 =	vld.idx.msk [tilespmem:v3+s3+$0x0], $0xffff;
	v3 =	vor.u32 s1, v32  }
0x47b: {  	v61 =	vld.idx.msk [tilespmem:v7+s3+$0x0], $0xffff;
	v7 =	vor.u32 s1, v1  }
0x47c: {  	v51 =	vld [tilespmem:$0x1FB80];
	v0 =	vor.u32 s1, v46  }
0x47d: {  	v9 =	vld.idx.msk [tilespmem:v4+s3+$0x0], $0xffff;
	v4 =	vor.u32 s1, v58  }
0x47e: {  	v11 =	vor.u32 s1, v5;
	v58 =	vld.idx.msk [tilespmem:v6+s3+$0x0], $0xffff  }
0x47f: {  	v3 =	vld.idx.msk [tilespmem:v3+s3+$0x0], $0xffff  }
0x480: {  	v6 =	vld.idx.msk [tilespmem:v7+s3+$0x0], $0xffff  }
0x481: {  	v10 =	vld.idx.msk [tilespmem:v0+s3+$0x0], $0xffff  }
0x482: {  	v1 =	vld.idx.msk [tilespmem:v4+s3+$0x0], $0xffff  }
0x483: {  	v4 =	vld.idx.msk [tilespmem:v11+s3+$0x0], $0xffff  }
0x484: {  	[tilespmem:$0x1F940] =	vst v3;
	v3 =	vld [tilespmem:$0x1FD20]  }
0x485: {  	v0 =	vor.u32 s1, v37;
	[tilespmem:$0x1F950] =	vst v6;
	v6 =	vld [tilespmem:$0x1FD00]  }
0x486: {  	v12 =	vld [tilespmem:$0x1FE30]  }
0x487: {  	v29 =	vld [tilespmem:$0x1FB60]  }
0x488: {  	[tilespmem:$0x1F960] =	vst v4;
	v4 =	vld [tilespmem:$0x1FCE0]  }
0x489: {  	v19 =	vsel vm0, v50, v34;
	v16 =	vsel vm0, v36, v51;
	v11 =	vor.u32 s1, v3;
	v3 =	vld [tilespmem:$0x1FC90]  }
0x48a: {  	v17 =	vcombine.low v16, v19;
	v7 =	vor.u32 s1, v6;
	v6 =	vld.idx.msk [tilespmem:v0+s3+$0x0], $0xffff  }
0x48b: {  	v0 =	vld [tilespmem:$0x1FC70]  }
0x48c: {  	v35 =	vmovc v36;
	v28 =	vsel vm0, v30, v23;
	v36 =	vmovc v30;
	v30 =	vmov v17;
	v25 =	vor.u32 v17, v2;
	v17 =	vld [tilespmem:$0x1FBA0]  }
0x48d: {  	v18 =	vsel vm0, v12, v29;
	v5 =	vld [tilespmem:$0x1FD80];
	v4 =	vor.u32 s1, v4  }
0x48e: {  	v59 =	vld [tilespmem:$0x1FE60];
	v13 =	vor.u32 s1, v3;
	v3 =	vcombine.low v18, v28;
	_ =	sdelay $0x1  }
0x48f: {  	v21 =	vor.u32 v3, v2;
	v14 =	vor.u32 s1, v0;
	v0 =	vld [tilespmem:$0x1FBB0]  }
0x490: {  	v24 =	vsel vm0, v33, v54;
	v46 =	vmov v20;
	v27 =	vsel vm0, v17, v15;
	v11 =	vld.idx.msk [tilespmem:v11+s3+$0x0], $0xffff  }
0x491: {  	v32 =	vmovc v12;
	v37 =	vmov v3;
	v3 =	vld.idx.msk [tilespmem:v4+s3+$0x0], $0xffff;
	v4 =	vsel vm0, v57, v5;
	v57 =	vsel vm0, v54, v57  }
0x492: {  	v13 =	vld.idx.msk [tilespmem:v13+s3+$0x0], $0xffff;
	v54 =	vsel vm0, v15, v59;
	v15 =	vsel vm0, v5, v33;
	v20 =	vcombine.low v24, v4  }
0x493: {  	v5 =	vcombine.low v4, v24;
	v4 =	vsel vm0, v34, v35;
	v12 =	vld.idx.msk [tilespmem:v7+s3+$0x0], $0xffff;
	v7 =	vcombine.low v28, v18  }
0x494: {  	v26 =	vsel vm0, v59, v0;
	v17 =	vsel vm0, v0, v17;
	v14 =	vld.idx.msk [tilespmem:v14+s3+$0x0], $0xffff;
	[tilespmem:v21+s17+$0x0] =	vst.idx.msk $0xffff, v6  }
0x495: {  	v21 =	vsel vm0, v23, v32;
	v6 =	vsel vm0, v29, v36;
	v59 =	vcombine.low v26, v27  }
0x496: {  	v36 =	vmov v5;
	[tilespmem:v25+s17+$0x0] =	vst.idx.msk $0xffff, v58;
	v25 =	vsel vm0, v51, v50;
	v24 =	vcombine.low v21, v6  }
0x497: {  	v29 =	vmovc v53;
	v53 =	vcombine.low v4, v25;
	v51 =	vcombine.low v25, v4;
	v4 =	vld [tilespmem:$0x1F940];
	v0 =	vor.u32 v59, v2  }
0x498: {  	v5 =	vor.u32 v5, v2;
	v35 =	vmovc v59;
	v59 =	vcombine.low v57, v15;
	v57 =	vcombine.low v15, v57;
	v15 =	vld [tilespmem:$0x1F950]  }
0x499: {  	v28 =	vmovc v31;
	v31 =	vcombine.low v19, v16;
	v16 =	vld [tilespmem:$0x1F960];
	v50 =	vcombine.low v6, v21;
	v6 =	vor.u32 v24, v2  }
0x49a: {  	v58 =	vcombine.low v54, v17  }
0x49b: {  	v33 =	vmovc v52;
	v52 =	vcombine.low v27, v26;
	v54 =	vcombine.low v17, v54;
	v21 =	vor.u32 v53, v2  }
0x49c: {  	[tilespmem:v0+s17+$0x0] =	vst.idx.msk $0xffff, v4;
	v0 =	vor.u32 v20, v2;
	v4 =	vor.u32 v58, v2  }
0x49d: {  	v32 =	vmov v46;
	[tilespmem:v5+s17+$0x0] =	vst.idx.msk $0xffff, v15;
	v5 =	vor.u32 v59, v2;
	v15 =	vor.u32 v7, v2  }
0x49e: {  	s2 =	simm.s32 $0x10;
	v34 =	vld [tilespmem:$0x1FB00];
	v46 =	vmov v20;
	[tilespmem:v6+s17+$0x0] =	vst.idx.msk $0xffff, v16;
	v6 =	vor.u32 v31, v2;
	v16 =	vor.u32 v52, v2  }
.LBB2_15:
0x49f: {  	_ =	sdelay $0x1  }
0x4a0: {  	[tilespmem:v21+s17+$0x0] =	vst.idx.msk $0xffff, v14  }
0x4a1: {  	[tilespmem:v4+s17+$0x0] =	vst.idx.msk $0xffff, v13  }
0x4a2: {  	v4 =	vor.u32 v50, v2;
	[tilespmem:v5+s17+$0x0] =	vst.idx.msk $0xffff, v9  }
0x4a3: {  	v5 =	vor.u32 v51, v2;
	[tilespmem:v15+s17+$0x0] =	vst.idx.msk $0xffff, v3  }
0x4a4: {  	v3 =	vor.u32 v54, v2;
	[tilespmem:v6+s17+$0x0] =	vst.idx.msk $0xffff, v12  }
0x4a5: {  	v2 =	vor.u32 v57, v2;
	[tilespmem:v16+s17+$0x0] =	vst.idx.msk $0xffff, v11  }
0x4a6: {  	[tilespmem:v0+s17+$0x0] =	vst.idx.msk $0xffff, v1  }
0x4a7: {  	[tilespmem:v4+s17+$0x0] =	vst.idx.msk $0xffff, v10  }
0x4a8: {  	[tilespmem:v5+s17+$0x0] =	vst.idx.msk $0xffff, v8  }
0x4a9: {  	[tilespmem:v3+s17+$0x0] =	vst.idx.msk $0xffff, v61  }
0x4aa: {  	[tilespmem:v2+s17+$0x0] =	vst.idx.msk $0xffff, v60;
	v2 =	vld [tilespmem:$0x1FF10];
	_ =	sdelay $0x3  }
0x4ab: {  	s26 =	smov.u32 s2  }
0x4ac: {  	v2 =	vor.u32 s26, v2;
	_ =	sdelay $0x3  }
0x4ad: {  	v25 =	vld [tilespmem:$0x1FAC0]  }
0x4ae: {  	v12 =	vld.idx.msk [tilespmem:v2+s3+$0x0], $0xffff  }
0x4af: {  	v2 =	vld [tilespmem:$0x1FE80]  }
0x4b0: {  	v6 =	vld [tilespmem:$0x1FC00]  }
0x4b1: {  	v0 =	vld [tilespmem:$0x1FF50]  }
0x4b2: {  	v9 =	vld [tilespmem:$0x1FEE0]  }
0x4b3: {  	v11 =	vld [tilespmem:$0x1FE70]  }
0x4b4: {  	v13 =	vor.u32 s26, v2;
	v2 =	vld [tilespmem:$0x1FE90]  }
0x4b5: {  	v1 =	vld [tilespmem:$0x1FF40];
	v6 =	vor.u32 s26, v6  }
0x4b6: {  	v4 =	vld [tilespmem:$0x1FF30];
	v0 =	vor.u32 s26, v0  }
0x4b7: {  	v10 =	vld [tilespmem:$0x1FED0]  }
0x4b8: {  	v3 =	vld [tilespmem:$0x1FF20]  }
0x4b9: {  	v14 =	vor.u32 s26, v2;
	v2 =	vld [tilespmem:$0x1FEA0]  }
0x4ba: {  	v5 =	vld.idx.msk [tilespmem:v6+s3+$0x0], $0xffff  }
0x4bb: {  	v9 =	vor.u32 s26, v9;
	v8 =	vld.idx.msk [tilespmem:v0+s3+$0x0], $0xffff  }
0x4bc: {  	v11 =	vor.u32 s26, v11;
	v0 =	vld [tilespmem:$0x1FEF0]  }
0x4bd: {  	v1 =	vor.u32 s26, v1;
	v6 =	vld [tilespmem:$0x1FF00]  }
0x4be: {  	v16 =	vor.u32 s26, v2;
	v2 =	vld [tilespmem:$0x1FEB0]  }
0x4bf: {  	v26 =	vld [tilespmem:$0x1FAD0];
	v4 =	vor.u32 s26, v4  }
0x4c0: {  	v10 =	vor.u32 s26, v10;
	v9 =	vld.idx.msk [tilespmem:v9+s3+$0x0], $0xffff  }
0x4c1: {  	v11 =	vld.idx.msk [tilespmem:v11+s3+$0x0], $0xffff;
	v0 =	vor.u32 s26, v0  }
0x4c2: {  	v3 =	vor.u32 s26, v3;
	v1 =	vld.idx.msk [tilespmem:v1+s3+$0x0], $0xffff  }
0x4c3: {  	v6 =	vor.u32 s26, v6;
	v17 =	vor.u32 s26, v2;
	v2 =	vld [tilespmem:$0x1FEC0]  }
0x4c4: {  	v4 =	vld.idx.msk [tilespmem:v4+s3+$0x0], $0xffff  }
0x4c5: {  	s1 =	sadd.s32 $0x4, s1;
	v10 =	vld.idx.msk [tilespmem:v10+s3+$0x0], $0xffff  }
0x4c6: {  	v15 =	vld.idx.msk [tilespmem:v0+s3+$0x0], $0xffff;
	v0 =	vmov s1  }
0x4c7: {  	v3 =	vld.idx.msk [tilespmem:v3+s3+$0x0], $0xffff;
	v0 =	vshll.u32 v0, $0x7  }
0x4c8: {  	v6 =	vld.idx.msk [tilespmem:v6+s3+$0x0], $0xffff;
	v18 =	vor.u32 s26, v2;
	v2 =	vor.u32 v34, v0  }
0x4c9: {  	v13 =	vld.idx.msk [tilespmem:v13+s3+$0x0], $0xffff;
	v19 =	vor.u32 v44, v2  }
0x4ca: {  	v14 =	vld.idx.msk [tilespmem:v14+s3+$0x0], $0xffff;
	v20 =	vor.u32 v45, v2  }
0x4cb: {  	v16 =	vld.idx.msk [tilespmem:v16+s3+$0x0], $0xffff;
	v21 =	vor.u32 v55, v2  }
0x4cc: {  	v17 =	vld.idx.msk [tilespmem:v17+s3+$0x0], $0xffff  }
0x4cd: {  	v18 =	vld.idx.msk [tilespmem:v18+s3+$0x0], $0xffff  }
0x4ce: {  	[tilespmem:v19+s17+$0x0] =	vst.idx.msk $0xffff, v11;
	v11 =	vld [tilespmem:$0x1FDA0]  }
0x4cf: {  	[tilespmem:v20+s17+$0x0] =	vst.idx.msk $0xffff, v13;
	v13 =	vld [tilespmem:$0x1FFB0]  }
0x4d0: {  	[tilespmem:v21+s17+$0x0] =	vst.idx.msk $0xffff, v14;
	v14 =	vld [tilespmem:$0x1FFC0]  }
0x4d1: {  	v25 =	vor.u32 v25, v2  }
0x4d2: {  	v26 =	vor.u32 v26, v2  }
0x4d3: {  	v11 =	vor.u32 v11, v2  }
0x4d4: {  	v13 =	vor.u32 v13, v2  }
0x4d5: {  	v14 =	vor.u32 v14, v2  }
0x4d6: {  	[tilespmem:v25+s17+$0x0] =	vst.idx.msk $0xffff, v16;
	v16 =	vld [tilespmem:$0x1FAE0]  }
0x4d7: {  	[tilespmem:v26+s17+$0x0] =	vst.idx.msk $0xffff, v17  }
0x4d8: {  	[tilespmem:v11+s17+$0x0] =	vst.idx.msk $0xffff, v18  }
0x4d9: {  	[tilespmem:v13+s17+$0x0] =	vst.idx.msk $0xffff, v10  }
0x4da: {  	[tilespmem:v14+s17+$0x0] =	vst.idx.msk $0xffff, v9;
	v9 =	vld [tilespmem:$0x1FD10]  }
0x4db: {  	v16 =	vor.u32 v16, v2  }
0x4dc: {  	v17 =	vor.u32 v33, v2  }
0x4dd: {  	v11 =	vor.u32 v28, v2  }
0x4de: {  	v10 =	vor.u32 v29, v2  }
0x4df: {  	v9 =	vor.u32 v9, v2  }
0x4e0: {  	[tilespmem:v16+s17+$0x0] =	vst.idx.msk $0xffff, v15  }
0x4e1: {  	v13 =	vor.u32 v32, v2;
	[tilespmem:v17+s17+$0x0] =	vst.idx.msk $0xffff, v6;
	v6 =	vld [tilespmem:$0x1F920]  }
0x4e2: {  	[tilespmem:v11+s17+$0x0] =	vst.idx.msk $0xffff, v12  }
0x4e3: {  	v11 =	vld [tilespmem:$0x1F930];
	[tilespmem:v10+s17+$0x0] =	vst.idx.msk $0xffff, v3  }
0x4e4: {  	[tilespmem:v9+s17+$0x0] =	vst.idx.msk $0xffff, v4;
	v4 =	vld [tilespmem:$0x1FFA0];
	_ =	sdelay $0x1  }
0x4e5: {  	v6 =	vor.u32 v6, v2;
	[tilespmem:v13+s17+$0x0] =	vst.idx.msk $0xffff, v1;
	v1 =	vld [tilespmem:$0x1FD50];
	_ =	sdelay $0x1  }
0x4e6: {  	v11 =	vor.u32 v11, v2  }
0x4e7: {  	v3 =	vld [tilespmem:$0x1FCC0];
	v4 =	vor.u32 s26, v4;
	_ =	sdelay $0x1  }
0x4e8: {  	[tilespmem:v6+s17+$0x0] =	vst.idx.msk $0xffff, v8;
	v6 =	vld [tilespmem:$0x1FD40];
	v1 =	vor.u32 s26, v1  }
0x4e9: {  	v8 =	vld [tilespmem:$0x1FC60]  }
0x4ea: {  	[tilespmem:v11+s17+$0x0] =	vst.idx.msk $0xffff, v5;
	v5 =	vld [tilespmem:$0x1FF90]  }
0x4eb: {  	v3 =	vor.u32 s26, v3;
	v60 =	vld.idx.msk [tilespmem:v4+s3+$0x0], $0xffff  }
0x4ec: {  	v4 =	vld [tilespmem:$0x1FF70]  }
0x4ed: {  	v6 =	vor.u32 s26, v6;
	v61 =	vld.idx.msk [tilespmem:v1+s3+$0x0], $0xffff  }
0x4ee: {  	v1 =	vld [tilespmem:$0x1FC30]  }
0x4ef: {  	v11 =	vor.u32 s26, v8  }
0x4f0: {  	v9 =	vld.idx.msk [tilespmem:v3+s3+$0x0], $0xffff  }
0x4f1: {  	v3 =	vld [tilespmem:$0x1FF80];
	v5 =	vor.u32 s26, v5  }
0x4f2: {  	v8 =	vld.idx.msk [tilespmem:v6+s3+$0x0], $0xffff;
	v4 =	vor.u32 s26, v4  }
0x4f3: {  	v12 =	vor.u32 s26, v1;
	v1 =	vld [tilespmem:$0x1FF60]  }
0x4f4: {  	v16 =	vld.idx.msk [tilespmem:v11+s3+$0x0], $0xffff  }
0x4f5: {  	v11 =	vld [tilespmem:$0x1FC90]  }
0x4f6: {  	v10 =	vld.idx.msk [tilespmem:v5+s3+$0x0], $0xffff  }
0x4f7: {  	v15 =	vld.idx.msk [tilespmem:v4+s3+$0x0], $0xffff  }
0x4f8: {  	v3 =	vor.u32 s26, v3;
	v6 =	vor.u32 s26, v1;
	v1 =	vld [tilespmem:$0x1FC40]  }
0x4f9: {  	v5 =	vld.idx.msk [tilespmem:v12+s3+$0x0], $0xffff  }
0x4fa: {  	v12 =	vor.u32 s26, v11;
	v11 =	vld [tilespmem:$0x1FD00]  }
0x4fb: {  	v4 =	vld [tilespmem:$0x1FD20];
	_ =	sdelay $0x1  }
0x4fc: {  	v13 =	vor.u32 s26, v1;
	v1 =	vld.idx.msk [tilespmem:v3+s3+$0x0], $0xffff  }
0x4fd: {  	v3 =	vld [tilespmem:$0x1FCE0]  }
0x4fe: {  	v14 =	vor.u32 s26, v11;
	v11 =	vld [tilespmem:$0x1FC70]  }
0x4ff: {  	v4 =	vor.u32 s26, v4;
	_ =	sdelay $0x2  }
0x500: {  	v6 =	vld.idx.msk [tilespmem:v6+s3+$0x0], $0xffff;
	v3 =	vor.u32 s26, v3  }
0x501: {  	v19 =	vor.u32 v37, v2;
	v17 =	vld.idx.msk [tilespmem:v13+s3+$0x0], $0xffff;
	v18 =	vor.u32 s26, v11  }
0x502: {  	v20 =	vor.u32 v30, v2;
	v11 =	vld.idx.msk [tilespmem:v4+s3+$0x0], $0xffff  }
0x503: {  	v25 =	vor.u32 v35, v2;
	v13 =	vld.idx.msk [tilespmem:v12+s3+$0x0], $0xffff  }
0x504: {  	v26 =	vor.u32 v36, v2;
	v12 =	vld.idx.msk [tilespmem:v14+s3+$0x0], $0xffff  }
0x505: {  	p1 =	sne.s32 s2, $0x70;
	v27 =	vor.u32 v24, v2;
	v3 =	vld.idx.msk [tilespmem:v3+s3+$0x0], $0xffff  }
.Ltmp12:
0x506: {  	v14 =	vld.idx.msk [tilespmem:v18+s3+$0x0], $0xffff;
	[tilespmem:v19+s17+$0x0] =	vst.idx.msk $0xffff, v6;
	(pc) =	sbr.rel @p1 .LBB2_15-.Ltmp12, $4  }
0x507: {  	v0 =	vor.u32 v46, v2;
	[tilespmem:v20+s17+$0x0] =	vst.idx.msk $0xffff, v5  }
0x508: {  	v21 =	vor.u32 v53, v2;
	v4 =	vor.u32 v58, v2;
	[tilespmem:v25+s17+$0x0] =	vst.idx.msk $0xffff, v15  }
0x509: {  	v6 =	vor.u32 v31, v2;
	v5 =	vor.u32 v59, v2;
	[tilespmem:v26+s17+$0x0] =	vst.idx.msk $0xffff, v17  }
0x50a: {  	s2 =	sadd.s32 $0x10, s2;
	v15 =	vor.u32 v7, v2;
	[tilespmem:v27+s17+$0x0] =	vst.idx.msk $0xffff, v16;
	v16 =	vor.u32 v52, v2  }
0x50b: {  	_ =	sdelay $0x3  }
0x50c: {  	[tilespmem:v21+s17+$0x0] =	vst.idx.msk $0xffff, v14  }
0x50d: {  	[tilespmem:v4+s17+$0x0] =	vst.idx.msk $0xffff, v13  }
0x50e: {  	v4 =	vor.u32 v50, v2;
	[tilespmem:v5+s17+$0x0] =	vst.idx.msk $0xffff, v9  }
0x50f: {  	v5 =	vor.u32 v51, v2;
	[tilespmem:v15+s17+$0x0] =	vst.idx.msk $0xffff, v3  }
0x510: {  	v3 =	vor.u32 v54, v2;
	[tilespmem:v6+s17+$0x0] =	vst.idx.msk $0xffff, v12  }
0x511: {  	v2 =	vor.u32 v57, v2;
	[tilespmem:v16+s17+$0x0] =	vst.idx.msk $0xffff, v11  }
0x512: {  	[tilespmem:v0+s17+$0x0] =	vst.idx.msk $0xffff, v1  }
0x513: {  	[tilespmem:v4+s17+$0x0] =	vst.idx.msk $0xffff, v10  }
0x514: {  	[tilespmem:v5+s17+$0x0] =	vst.idx.msk $0xffff, v8  }
0x515: {  	[tilespmem:v3+s17+$0x0] =	vst.idx.msk $0xffff, v61  }
0x516: {  	s1 =	rddreg [dreg:$0x3];
	[tilespmem:v2+s17+$0x0] =	vst.idx.msk $0xffff, v60  }
0x517: {  	[hbm4b:s1+s3] =	stream.linear.scatter [tilespmem:s17], [sflag:$0x7], $0x1000, $0x38;
	[tilespmem:$0x1E000] =	vst v63  }
0x518: {  	_ =	swait.ge [sflag:s29], $0x1000  }
0x519: {  	v54 =	vld [tilespmem:$0x1FD10]  }
0x51a: {  	v52 =	vmov v33;
	v33 =	vld [tilespmem:$0x1FE00]  }
0x51b: {  	v25 =	vld [tilespmem:$0x1FD90]  }
0x51c: {  	v57 =	vld [tilespmem:$0x1FE10]  }
0x51d: {  	v58 =	vld [tilespmem:$0x1FBC0]  }
0x51e: {  	v53 =	vmov v29;
	v29 =	vld [tilespmem:$0x1FE20]  }
0x51f: {  	v50 =	vld [tilespmem:$0x1FC80]  }
0x520: {  	v51 =	vld [tilespmem:$0x1FCA0]  }
0x521: {  	v26 =	vld [tilespmem:$0x1FD30]  }
0x522: {  	v61 =	vld [tilespmem:$0x1FCB0]  }
0x523: {  	v34 =	vld [tilespmem:$0x1FE40]  }
0x524: {  	v36 =	vld [tilespmem:$0x1FE50]  }
0x525: {  	v21 =	vld [tilespmem:$0x1FDA0]  }
0x526: {  	v13 =	vld [tilespmem:$0x1FBD0]  }
0x527: {  	v24 =	vld [tilespmem:$0x1FBE0]  }
0x528: {  	v20 =	vld [tilespmem:$0x1FBF0]  }
0x529: {  	v19 =	vld [tilespmem:$0x1FE70]  }
0x52a: {  	v7 =	vld [tilespmem:$0x1FE80]  }
0x52b: {  	v5 =	vld [tilespmem:$0x1FE90]  }
0x52c: {  	v17 =	vld [tilespmem:$0x1FEA0]  }
0x52d: {  	v1 =	vld [tilespmem:$0x1FEB0]  }
0x52e: {  	v6 =	vld [tilespmem:$0x1FEC0]  }
0x52f: {  	v11 =	vld [tilespmem:$0x1FED0]  }
0x530: {  	v12 =	vld [tilespmem:$0x1FEE0]  }
0x531: {  	v14 =	vld [tilespmem:$0x1FEF0]  }
0x532: {  	v15 =	vld [tilespmem:$0x1FF00]  }
0x533: {  	v16 =	vld [tilespmem:$0x1FF10]  }
0x534: {  	v8 =	vld [tilespmem:$0x1FF20]  }
0x535: {  	v9 =	vld [tilespmem:$0x1FF30]  }
0x536: {  	v10 =	vld [tilespmem:$0x1FF40]  }
0x537: {  	v18 =	vld [tilespmem:$0x1FF50]  }
0x538: {  	v37 =	vld [tilespmem:$0x1FF60]  }
0x539: {  	v32 =	vld [tilespmem:$0x1FF70]  }
0x53a: {  	v30 =	vld [tilespmem:$0x1FF80]  }
.Ltmp13:
0x53b: {  	v46 =	vld [tilespmem:$0x1FF90];
	(pc) =	sbr.rel .LBB2_17-.Ltmp13, $4  }
0x53c: {  	v3 =	vld [tilespmem:$0x1FFA0]  }
0x53d: {  	v4 =	vld [tilespmem:$0x1FFB0]  }
0x53e: {  	[sflag:s29] =	ssyncset.done $0x0;
	v2 =	vld [tilespmem:$0x1FFC0]  }
0x53f: {  	v31 =	vmov v28;
	v59 =	vlaneseq.u32;
	v35 =	vld [tilespmem:$0x1FC20];
	[sflag:s29] =	ssyncadd.s32 $0xFFFFF000  }
.LBB2_18:
0x540: {  	_ =	sfence.sel $0x180000  }
0x541: {  	[bflag:$0x0] =	sbarrier.arrive $0xFFFF  }
0x542: {  	_ =	strace $0x90000047  }
0x543: {  	s0 =	stileid.u32;
	[bflag:$0x2] =	sbarrier.arrive $0xFFFF  }
0x544: {  	p0 =	sne.s32 s0, $0x0;
	s0 =	rddreg [dreg:$0x2]  }
0x545: {  	s0 =	sadd.s32 @!p0 $0x100000, s0  }
0x546: {  	[sflag:s0] =	ssyncadd.tile.s32 @!p0 $0x1;
	_ =	shalt  }
.Lfunc_end2:
_tile_overlayer_lowered:
.L_overlay_start_2:
0x547: {  	(tag) =	ssettag $0x2  }
0x548: {  	s0 =	rddreg [dreg:$0x0];
	s2 =	stileid.u32  }
0x549: {  	s1 =	rddreg [dreg:$0x1];
	p0 =	sne.s32 s2, $0x0  }
0x54a: {  	s3 =	rddreg [dreg:$0x2];
	[bflag:$0x3] =	sbarrier.arrive $0xFFFF;
	s2 =	simm.s32 @!p0 $0x1C07  }
0x54b: {  	[timem:s3], [sflag:s2] =	dma.local @!p0 [hbm:s0], s1  }
0x54c: {  	s0 =	simm.s32 @!p0 $0x7  }
0x54d: {  	_ =	swait.ge @!p0 [sflag:s0], s1  }
0x54e: {  	s1 =	ssub.s32 @!p0 $0x0, s1;
	[sflag:s0] =	ssyncset.done @!p0 $0x0  }
0x54f: {  	[sflag:s0] =	ssyncadd.s32 @!p0 s1  }
0x550: {  	[bflag:$0x3] =	sbarrier.arrive $0xFFFF  }
0x551: {  	_ =	shalt  }

// kernel: kernel.8.cloned.1.call-start
scs
__scs_entry_jumppad:
0x0: {  	(pc) =	sbr.rel $0x88, $3  }
0x1: {  	(tag) =	ssettag $0x0;
	lr =	simm.s32 $0x1  }
0x2: {  	[smem:$0x3F99] =	sst lr;
	_ =	strace $0xD0000000  }
0x3: {  	_ = 	snop  }
0x4: {  	_ = 	snop  }
0x5: {  	_ = 	snop  }
0x6: {  	_ = 	snop  }
0x7: {  	_ = 	snop  }
__scs_overlays_trampoline_lowered:
0x8: {  	[smem:$0x3FA8] =	sst s0  }
0x9: {  	[smem:$0x3FA9] =	sst s1  }
0xa: {  	[smem:$0x3FAA] =	sst s2  }
0xb: {  	[smem:$0x3FAB] =	sst s3  }
0xc: {  	[smem:$0x3FAC] =	sst s4  }
0xd: {  	[smem:$0x3FAD] =	sst s5  }
0xe: {  	[smem:$0x3FAE] =	sst s6  }
0xf: {  	[smem:$0x3FAF] =	sst s7  }
0x10: {  	[smem:$0x3FB0] =	sst s8  }
0x11: {  	[smem:$0x3FB1] =	sst s9;
	s0 =	simm.s32 @!p0 $0x0  }
0x12: {  	s1 =	sld [smem:$0x3F97];
	s0 =	simm.s32 @p0 $0x1  }
0x13: {  	[smem:$0x3FB2] =	sst s0;
	s0 =	simm.s32 @!p1 $0x0  }
0x14: {  	s2 =	sld [smem:$0x3F96];
	s0 =	simm.s32 @p1 $0x1  }
0x15: {  	[smem:$0x3FB3] =	sst s0;
	s0 =	simm.s32 @!p2 $0x0  }
0x16: {  	s3 =	sld [smem:$0x3FDB];
	s0 =	simm.s32 @p2 $0x1  }
0x17: {  	s4 =	simm.s32 $0x1BF5;
	[smem:$0x3FB5] =	sst s0  }
0x18: {  	s0 =	sld [smem:$0x3F98];
	_ =	swait.ge [sflag:s4], $0x0  }
0x19: {  	s7 =	sld [smem:$0x3F99]  }
0x1a: {  	s8 =	sadd.s32 $0xFFFFE003, lr  }
0x1b: {  	s9 =	sadd.s32 $0xFFFFFEF7, lr;
	s5 =	simm.s32 $0xFFFFFFFF;
	p2 =	slt.u32 s8, $0xFFFFF086  }
0x1c: {  	p1 =	slt.u32 s9, $0xF7A;
	s5 =	simm.s32 @!p2 $0x0  }
0x1d: {  	s5 =	simm.s32 @p1 $0x1;
	p0 =	seq.s32 s7, s2  }
0x1e: {  	s7 =	smul.u32 @!p0 $0xF7A, s2;
	p2 =	seq.s32 @!p0 s5, $0x0  }
0x1f: {  	s9 =	smul.u32 $0xF7A, s1;
	s8 =	simm.s32 @!p0 $0x1BF5;
	p2 =	por !p2, p0  }
0x20: {  	[sflag:s8] =	ssyncset.s32 @!p0 $0xFFFFF086;
	s6 =	sadd.s32 @!p0 s3, s7;
	s7 =	simm.s32 @!p0 $0x108  }
0x21: {  	s3 =	sadd.s32 s3, s9;
	s6 =	sadd.s32 @!p0 $0x88, s6;
	s7 =	simm.s32 @p2 $0x1082  }
0x22: {  	[simem:s7], [sflag:s8] =	dma.local @!p0 [hbm:s6], $0xF7A  }
0x23: {  	s9 =	sor.u32 $0xD0000000, s2;
	s6 =	simm.s32 $0x108;
	_ =	swait.ge @!p0 [sflag:s8], $0x0  }
0x24: {  	s3 =	sadd.s32 $0x88, s3;
	s6 =	simm.s32 @!p1 $0x1082;
	[sflag:s4] =	ssyncset.s32 $0xFFFFF086  }
0x25: {  	[simem:s6], [sflag:s4] =	dma.local [hbm:s3], $0xF7A  }
0x26: {  	[smem:$0x3F99] =	sst s1;
	(tag) =	ssettag s2;
	_ =	strace s9  }
0x27: {  	s1 =	sld [smem:$0x3FA9]  }
0x28: {  	s2 =	sld [smem:$0x3FAA]  }
0x29: {  	s4 =	sld [smem:$0x3FAC]  }
0x2a: {  	p0 =	seq.s32 s5, $0x0;
	s5 =	sld [smem:$0x3FAD]  }
0x2b: {  	s6 =	sld [smem:$0x3FAE]  }
0x2c: {  	s7 =	sld [smem:$0x3FAF]  }
0x2d: {  	s3 =	simm.s32 $0x108;
	s8 =	sld [smem:$0x3FB0]  }
0x2e: {  	s3 =	simm.s32 @!p0 $0x1082;
	s9 =	sld [smem:$0x3FB1]  }
0x2f: {  	lr =	sadd.s32 s0, s3;
	s0 =	sld [smem:$0x3FA8]  }
0x30: {  	s3 =	sld [smem:$0x3FAB]  }
0x31: {  	[smem:$0x3FB4] =	sst s10  }
0x32: {  	s10 =	sld [smem:$0x3FB2];
	_ =	sdelay $0x3  }
0x33: {  	p0 =	seq.s32 s10, $0x1;
	s10 =	sld [smem:$0x3FB4];
	_ =	sdelay $0x3  }
0x34: {  	[smem:$0x3FB4] =	sst s10  }
0x35: {  	s10 =	sld [smem:$0x3FB3];
	_ =	sdelay $0x3  }
0x36: {  	p1 =	seq.s32 s10, $0x1;
	s10 =	sld [smem:$0x3FB4];
	_ =	sdelay $0x3  }
0x37: {  	[smem:$0x3FB4] =	sst s10  }
0x38: {  	s10 =	sld [smem:$0x3FB5]  }
0x39: {  	_ = 	snop;
	(pc) =	sbr.ind lr, $3  }
0x3a: {  	_ = 	snop  }
0x3b: {  	_ = 	snop  }
0x3c: {  	p2 =	seq.s32 s10, $0x1;
	s10 =	sld [smem:$0x3FB4]  }
0x3d: {  	_ =	shalt  }
0x3e: {  	_ =	shalt  }
0x3f: {  	_ =	shalt  }
0x40: {  	_ =	shalt  }
0x41: {  	_ =	shalt  }
0x42: {  	_ =	shalt  }
0x43: {  	_ =	shalt  }
0x44: {  	_ =	shalt  }
0x45: {  	_ =	shalt  }
0x46: {  	_ =	shalt  }
0x47: {  	_ =	shalt  }
0x48: {  	_ =	shalt  }
0x49: {  	_ =	shalt  }
0x4a: {  	_ =	shalt  }
0x4b: {  	_ =	shalt  }
0x4c: {  	_ =	shalt  }
0x4d: {  	_ =	shalt  }
0x4e: {  	_ =	shalt  }
0x4f: {  	_ =	shalt  }
0x50: {  	_ =	shalt  }
0x51: {  	_ =	shalt  }
0x52: {  	_ =	shalt  }
0x53: {  	_ =	shalt  }
0x54: {  	_ =	shalt  }
0x55: {  	_ =	shalt  }
0x56: {  	_ =	shalt  }
0x57: {  	_ =	shalt  }
0x58: {  	_ =	shalt  }
0x59: {  	_ =	shalt  }
0x5a: {  	_ =	shalt  }
0x5b: {  	_ =	shalt  }
0x5c: {  	_ =	shalt  }
0x5d: {  	_ =	shalt  }
0x5e: {  	_ =	shalt  }
0x5f: {  	_ =	shalt  }
0x60: {  	_ =	shalt  }
0x61: {  	_ =	shalt  }
0x62: {  	_ =	shalt  }
0x63: {  	_ =	shalt  }
0x64: {  	_ =	shalt  }
0x65: {  	_ =	shalt  }
0x66: {  	_ =	shalt  }
0x67: {  	_ =	shalt  }
0x68: {  	_ =	shalt  }
0x69: {  	_ =	shalt  }
0x6a: {  	_ =	shalt  }
0x6b: {  	_ =	shalt  }
0x6c: {  	_ =	shalt  }
0x6d: {  	_ =	shalt  }
0x6e: {  	_ =	shalt  }
0x6f: {  	_ =	shalt  }
0x70: {  	_ =	shalt  }
0x71: {  	_ =	shalt  }
0x72: {  	_ =	shalt  }
0x73: {  	_ =	shalt  }
0x74: {  	_ =	shalt  }
0x75: {  	_ =	shalt  }
0x76: {  	_ =	shalt  }
0x77: {  	_ =	shalt  }
0x78: {  	_ =	shalt  }
0x79: {  	_ =	shalt  }
0x7a: {  	_ =	shalt  }
0x7b: {  	_ =	shalt  }
0x7c: {  	_ =	shalt  }
0x7d: {  	_ =	shalt  }
0x7e: {  	_ =	shalt  }
0x7f: {  	_ =	shalt  }
0x80: {  	_ =	shalt  }
0x81: {  	_ =	shalt  }
0x82: {  	_ =	shalt  }
0x83: {  	_ =	shalt  }
0x84: {  	_ =	shalt  }
0x85: {  	_ =	shalt  }
0x86: {  	_ =	shalt  }
0x87: {  	_ =	shalt  }
.Lfunc_end0:
.L_simem_size_0:
called_computation.1_lowered:
.L_overlay_start_0:
0x88: {  	s2 =	sld [smem:$0x3FD9]  }
0x89: {  	s3 =	sld [smem:$0x3FFE];
	_ =	sdelay $0x1  }
0x8a: {  	s1 =	srdreg.scid  }
0x8b: {  	s0 =	sand.u32 $0x1, s1  }
0x8c: {  	s17 =	sshll.u32 s0, $0xA;
	s2 =	sadd.s32 s3, s2  }
0x8d: {  	s2 =	sadd.s32 s2, s17  }
0x8e: {  	[smem:$0x3FC0] =	sst s2  }
0x8f: {  	_ = 	snop  }
0x90: {  	s2 =	sld [smem:$0x3FD0];
	(tm) =	ssettm $0x1  }
0x91: {  	s18 =	sld [smem:$0x3FFB];
	_ =	sdelay $0x3  }
0x92: {  	_ =	strace s18  }
0x93: {  	s3 =	sld [smem:$0x3FFC];
	_ =	sdelay $0x3  }
0x94: {  	_ =	strace s3  }
0x95: {  	s3 =	sld [smem:$0x3FFD];
	_ =	sdelay $0x3  }
0x96: {  	_ =	strace s3  }
0x97: {  	_ =	strace $0x8FFFFFFF  }
0x98: {  	s19 =	sld [smem:$0x3FDB];
	_ =	sdelay $0x1  }
0x99: {  	s4 =	simm.s32 $_scs_section_size  }
0x9a: {  	s5 =	simm.s32 $_size__tile_overlayer_lowered;
	s6 =	simm.s32 $_tile_overlayer_lowered  }
0x9b: {  	s22 =	simm.s32 $0x1BFF;
	s21 =	sshll.u32 s6, $0x1;
	s3 =	sadd.s32 s4, s19  }
0x9c: {  	s7 =	simm.s32 $0x0;
	s20 =	sshll.u32 s5, $0x1;
	s5 =	sadd.s32 s21, s3  }
0x9d: {  	[timem:s7], [sflag:s22] =	dma.local [hbm:s5], s20  }
0x9e: {  	_ =	swait.ge [sflag:s22], s20  }
0x9f: {  	s4 =	ssub.s32 $0x0, s20;
	[sflag:s22] =	ssyncset.done $0x0  }
0xa0: {  	[sflag:s22] =	ssyncadd.s32 s4;
	_ =	sdelay $0x1  }
0xa1: {  	s23 =	simm.s32 $0x1B8B  }
0xa2: {  	_ =	swait.ge [sflag:s23], $0x1  }
0xa3: {  	[sflag:s23] =	ssyncset.done $0x0  }
0xa4: {  	s25 =	simm.s32 $0x1B8E;
	s24 =	sld [smem:$0x3FFE];
	[sflag:s23] =	ssyncadd.s32 $0xFFFFFFFF  }
0xa5: {  	s26 =	simm.s32 $execute0_lowered;
	[smem:$0x3FD2] =	sst s25  }
0xa6: {  	s5 =	sshll.u32 s26, $0x1;
	_ =	strace $0x80000049;
	[dreg:$0x1] =	wrdreg $0xFFFFFFFF  }
0xa7: {  	s28 =	simm.s32 $_size_execute0_lowered;
	s3 =	sadd.s32 s3, s5;
	[dreg:$0x0] =	wrdreg $0x0  }
0xa8: {  	s5 =	sshll.u32 s28, $0x1;
	[dreg:$0x2] =	wrdreg s3  }
0xa9: {  	[dreg:$0x3] =	wrdreg s5  }
0xaa: {  	[dreg:$0x4] =	wrdreg $0xC0  }
0xab: {  	_ =	task [dreg:s7], $0x5FFFF  }
0xac: {  	[dreg:$0x1] =	wrdreg $0xFFFFFFFF  }
0xad: {  	[dreg:$0x0] =	wrdreg $0x60  }
0xae: {  	[dreg:$0x2] =	wrdreg s2  }
0xaf: {  	[dreg:$0x3] =	wrdreg s24  }
0xb0: {  	[dreg:$0x4] =	wrdreg $0x9  }
0xb1: {  	_ =	task.clear_ibuf [dreg:s7], $0x5FFFF;
	_ =	strace $0x90000049  }
0xb2: {  	s29 =	simm.s32 $0x9;
	_ =	strace $0x8000004B  }
0xb3: {  	_ =	swait.ge [sflag:s29], $0x1  }
0xb4: {  	[sflag:s29] =	ssyncadd.s32 $0xFFFFFFFF  }
0xb5: {  	_ =	strace $0x9000004B  }
0xb6: {  	_ =	sfence  }
0xb7: {  	s30 =	sld [smem:$0x0];
	_ =	sdelay $0x2  }
0xb8: {  	s31 =	sshll.u32 s1, $0xD;
	s1 =	sshrl.u32 s1, $0x2  }
0xb9: {  	s3 =	sand.u32 $0x4000, s31;
	s1 =	sadd.s32 s1, s30  }
0xba: {  	s0 =	sor.u32 s3, s0;
	s1 =	sshll.u32 s1, $0x11  }
0xbb: {  	s0 =	sor.u32 s1, s0  }
0xbc: {  	s0 =	sadd.s32 $0x8F2B, s0  }
0xbd: {  	[sflag:s0] =	ssyncadd.remote.s32 $0x1  }
0xbe: {  	_ =	sfence.sel $0xFFFF  }
0xbf: {  	[dreg:$0x0] =	wrdreg $0xFFFFFFFF;
	(pc) =	sbr.abs _section_cstart, $3  }
0xc0: {  	[dreg:$0x1] =	wrdreg $0xFFFFFFFF  }
0xc1: {  	_ =	task.clear_ibuf [dreg:s7], $0x2FFFF;
	_ =	strace $0x9FFFFFFF  }
0xc2: {  	(tm) =	ssettm $0x7FFFFFFF  }
0xc3: {  	_ =	shalt  }
tec
execute0_lowered:
.L_overlay_start_1:
0x0: {  	(tag) =	ssettag $0x1  }
0x1: {  	s5 =	rddreg [dreg:$0x0];
	s1 =	srdreg.scid  }
0x2: {  	s0 =	stileid.u32;
	s4 =	rddreg [dreg:$0x1]  }
0x3: {  	s2 =	simm.s32 $0x0;
	s10 =	simm.s32 $0x80;
	s11 =	simm.s32 $0x6800  }
0x4: {  	s12 =	simm.s32 $0x7800;
	s13 =	simm.s32 $0x100;
	s14 =	simm.s32 $0x8800  }
0x5: {  	s15 =	simm.s32 $0x180;
	s16 =	simm.s32 $0x9800;
	s17 =	simm.s32 $0x1  }
0x6: {  	s18 =	simm.s32 $0xA800;
	s19 =	simm.s32 $0xB800;
	s20 =	simm.s32 $0xC800  }
0x7: {  	s21 =	simm.s32 $0xD800;
	s22 =	simm.s32 $0x2;
	s23 =	simm.s32 $0x0  }
0x8: {  	s3 =	sand.u32 $0x1, s1;
	s6 =	sshll.u32 s0, $0x1;
	s1 =	rddreg [dreg:$0x2]  }
0x9: {  	[smem:$0x7FF] =	sst s2;
	s6 =	sor.u32 s3, s6;
	s7 =	ssub.s32 $0x2, s3  }
0xa: {  	_ =	strace $0x8000004A;
	s6 =	smul.u32 $0x680, s6;
	s9 =	sshrl.u32 s7, $0x1  }
0xb: {  	s3 =	sadd.s32 $0x2400, s4;
	s7 =	ssub.s32 s7, s9;
	s9 =	simm.s32 $0x3400  }
0xc: {  	s8 =	sadd.s32 s6, s4;
	s4 =	sadd.s32 $0x9FCC00, s4;
	s5 =	sadd.s32 s5, s6  }
0xd: {  	s7 =	smax.u32 s7, $0x1;
	s6 =	sadd.s32 $0x9EFC00, s8;
	s8 =	simm.s32 $0x3  }
.LBB2_1:
0xe: {  	[tilespmem:s2], [sflag:$0x3] =	stream.linear.gather [hbm4b:s5+s2], $0x3400, $0x38;
	[tilespmem:$0xE800] =	vst v63  }
0xf: {  	_ =	swait.ge [sflag:s8], $0x3400  }
0x10: {  	[sflag:s8] =	ssyncset.done $0x0  }
0x11: {  	[sflag:s8] =	ssyncadd.s32 $0xFFFFCC00  }
0x12: {  	[tilespmem:s9], [sflag:$0x3] =	stream.linear.gather [hbm4b:s6+s2], $0x3400, $0x38;
	[tilespmem:$0xE800] =	vst v63  }
0x13: {  	_ =	swait.ge [sflag:s8], $0x3400  }
0x14: {  	[sflag:s8] =	ssyncset.done $0x0  }
0x15: {  	[sflag:s8] =	ssyncadd.s32 $0xFFFFCC00  }
0x16: {  	[tilespmem:s11], [sflag:$0x1] =	stream.indirect.gather [hbm4b:s3+s10], $0x20, s2, s10, $0xb8;
	[tilespmem:$0xE800] =	vst v63  }
0x17: {  	_ = 	snop  }
0x18: {  	[tilespmem:s12], [sflag:$0x1] =	stream.indirect.gather [hbm4b:s3+s10], $0x20, s10, s10, $0xb8;
	[tilespmem:$0xE800] =	vst v63  }
0x19: {  	_ = 	snop  }
0x1a: {  	[tilespmem:s14], [sflag:$0x1] =	stream.indirect.gather [hbm4b:s3+s10], $0x20, s13, s10, $0xb8;
	[tilespmem:$0xE800] =	vst v63  }
0x1b: {  	_ = 	snop  }
0x1c: {  	[tilespmem:s16], [sflag:$0x1] =	stream.indirect.gather [hbm4b:s3+s10], $0x20, s15, s10, $0xb8;
	[tilespmem:$0xE800] =	vst v63  }
0x1d: {  	_ =	swait.ge [sflag:s17], $0x1000  }
0x1e: {  	[sflag:s17] =	ssyncset.done $0x0  }
0x1f: {  	[sflag:s17] =	ssyncadd.s32 $0xFFFFF000  }
0x20: {  	_ =	swait.ge [sflag:s17], $0x1000  }
0x21: {  	[sflag:s17] =	ssyncset.done $0x0  }
0x22: {  	[sflag:s17] =	ssyncadd.s32 $0xFFFFF000  }
0x23: {  	_ =	swait.ge [sflag:s17], $0x1000  }
0x24: {  	[sflag:s17] =	ssyncset.done $0x0  }
0x25: {  	[sflag:s17] =	ssyncadd.s32 $0xFFFFF000  }
0x26: {  	_ =	swait.ge [sflag:s17], $0x1000  }
0x27: {  	p0 =	por $0x1, $0x1;
	[sflag:s17] =	ssyncset.done $0x0  }
0x28: {  	s24 =	simm.s32 @!p0 $0x2;
	[sflag:s17] =	ssyncadd.s32 $0xFFFFF000  }
0x29: {  	_ =	swait.ge @!p0 [sflag:s24], $0x1000  }
0x2a: {  	[sflag:s24] =	ssyncset.done @!p0 $0x0  }
0x2b: {  	[sflag:s24] =	ssyncadd.s32 @!p0 $0xFFFFF000  }
0x2c: {  	_ =	swait.ge @!p0 [sflag:s24], $0x1000  }
0x2d: {  	[sflag:s24] =	ssyncset.done @!p0 $0x0  }
0x2e: {  	[sflag:s24] =	ssyncadd.s32 @!p0 $0xFFFFF000  }
0x2f: {  	_ =	swait.ge @!p0 [sflag:s24], $0x1000  }
0x30: {  	[sflag:s24] =	ssyncset.done @!p0 $0x0  }
0x31: {  	[sflag:s24] =	ssyncadd.s32 @!p0 $0xFFFFF000  }
0x32: {  	_ =	swait.ge @!p0 [sflag:s24], $0x1000  }
0x33: {  	[sflag:s24] =	ssyncset.done @!p0 $0x0  }
0x34: {  	s26 =	simm.s32 $0x200;
	[sflag:s24] =	ssyncadd.s32 @!p0 $0xFFFFF000  }
0x35: {  	[tilespmem:s18], [sflag:$0x1] =	stream.indirect.gather [hbm4b:s3+s10], $0x20, s26, s10, $0xb8;
	[tilespmem:$0xE800] =	vst v63  }
0x36: {  	s28 =	simm.s32 $0x280  }
0x37: {  	[tilespmem:s19], [sflag:$0x1] =	stream.indirect.gather [hbm4b:s3+s10], $0x20, s28, s10, $0xb8;
	[tilespmem:$0xE800] =	vst v63  }
0x38: {  	s29 =	simm.s32 $0x300  }
0x39: {  	[tilespmem:s20], [sflag:$0x1] =	stream.indirect.gather [hbm4b:s3+s10], $0x20, s29, s10, $0xb8;
	[tilespmem:$0xE800] =	vst v63  }
0x3a: {  	s30 =	simm.s32 $0x380  }
0x3b: {  	[tilespmem:s21], [sflag:$0x1] =	stream.indirect.gather [hbm4b:s3+s10], $0x20, s30, s10, $0xb8;
	[tilespmem:$0xE800] =	vst v63  }
0x3c: {  	s31 =	simm.s32 $0x3400  }
0x3d: {  	[hbm4b:s4+s10] =	stream.indirect.scatter [tilespmem:s11], [sflag:$0x2], $0x20, s31, s10, $0xb8;
	[tilespmem:$0xE800] =	vst v63  }
0x3e: {  	s25 =	simm.s32 $0x3480  }
0x3f: {  	[hbm4b:s4+s10] =	stream.indirect.scatter [tilespmem:s12], [sflag:$0x2], $0x20, s25, s10, $0xb8;
	[tilespmem:$0xE800] =	vst v63  }
0x40: {  	s26 =	simm.s32 $0x3500  }
0x41: {  	[hbm4b:s4+s10] =	stream.indirect.scatter [tilespmem:s14], [sflag:$0x2], $0x20, s26, s10, $0xb8;
	[tilespmem:$0xE800] =	vst v63  }
0x42: {  	s28 =	simm.s32 $0x3580  }
0x43: {  	[hbm4b:s4+s10] =	stream.indirect.scatter [tilespmem:s16], [sflag:$0x2], $0x20, s28, s10, $0xb8;
	[tilespmem:$0xE800] =	vst v63  }
0x44: {  	_ =	swait.ge [sflag:s17], $0x1000  }
0x45: {  	[sflag:s17] =	ssyncset.done $0x0  }
0x46: {  	[sflag:s17] =	ssyncadd.s32 $0xFFFFF000  }
0x47: {  	_ =	swait.ge [sflag:s17], $0x1000  }
0x48: {  	[sflag:s17] =	ssyncset.done $0x0  }
0x49: {  	[sflag:s17] =	ssyncadd.s32 $0xFFFFF000  }
0x4a: {  	_ =	swait.ge [sflag:s17], $0x1000  }
0x4b: {  	[sflag:s17] =	ssyncset.done $0x0  }
0x4c: {  	[sflag:s17] =	ssyncadd.s32 $0xFFFFF000  }
0x4d: {  	_ =	swait.ge [sflag:s17], $0x1000  }
0x4e: {  	[sflag:s17] =	ssyncset.done $0x0  }
0x4f: {  	[sflag:s17] =	ssyncadd.s32 $0xFFFFF000  }
0x50: {  	_ =	swait.ge [sflag:s22], $0x1000  }
0x51: {  	[sflag:s22] =	ssyncset.done $0x0  }
0x52: {  	[sflag:s22] =	ssyncadd.s32 $0xFFFFF000  }
0x53: {  	_ =	swait.ge [sflag:s22], $0x1000  }
0x54: {  	[sflag:s22] =	ssyncset.done $0x0  }
0x55: {  	[sflag:s22] =	ssyncadd.s32 $0xFFFFF000  }
0x56: {  	_ =	swait.ge [sflag:s22], $0x1000  }
0x57: {  	[sflag:s22] =	ssyncset.done $0x0  }
0x58: {  	[sflag:s22] =	ssyncadd.s32 $0xFFFFF000  }
0x59: {  	p0 =	por $0x0, $0x0;
	_ =	swait.ge [sflag:s22], $0x1000  }
0x5a: {  	s24 =	simm.s32 @!p0 $0x6800;
	[sflag:s22] =	ssyncset.done $0x0  }
0x5b: {  	s25 =	simm.s32 @!p0 $0x400;
	s26 =	simm.s32 @!p0 $0x80;
	[sflag:s22] =	ssyncadd.s32 $0xFFFFF000  }
0x5c: {  	[tilespmem:s24], [sflag:$0x1] =	stream.indirect.gather @!p0 [hbm4b:s3+s26], $0x20, s25, s26, $0xb8;
	[tilespmem:$0xE800] =	vst v63  }
0x5d: {  	s24 =	simm.s32 @!p0 $0x480;
	s25 =	simm.s32 @!p0 $0x7800  }
0x5e: {  	[tilespmem:s25], [sflag:$0x1] =	stream.indirect.gather @!p0 [hbm4b:s3+s26], $0x20, s24, s26, $0xb8;
	[tilespmem:$0xE800] =	vst v63  }
0x5f: {  	s24 =	simm.s32 @!p0 $0x500;
	s25 =	simm.s32 @!p0 $0x8800  }
0x60: {  	[tilespmem:s25], [sflag:$0x1] =	stream.indirect.gather @!p0 [hbm4b:s3+s26], $0x20, s24, s26, $0xb8;
	[tilespmem:$0xE800] =	vst v63  }
0x61: {  	s24 =	simm.s32 @!p0 $0x580;
	s25 =	simm.s32 @!p0 $0x9800  }
0x62: {  	[tilespmem:s25], [sflag:$0x1] =	stream.indirect.gather @!p0 [hbm4b:s3+s26], $0x20, s24, s26, $0xb8;
	[tilespmem:$0xE800] =	vst v63  }
0x63: {  	s29 =	simm.s32 $0x3600  }
0x64: {  	[hbm4b:s4+s10] =	stream.indirect.scatter [tilespmem:s18], [sflag:$0x2], $0x20, s29, s10, $0xb8;
	[tilespmem:$0xE800] =	vst v63  }
0x65: {  	s30 =	simm.s32 $0x3680  }
0x66: {  	[hbm4b:s4+s10] =	stream.indirect.scatter [tilespmem:s19], [sflag:$0x2], $0x20, s30, s10, $0xb8;
	[tilespmem:$0xE800] =	vst v63  }
0x67: {  	s31 =	simm.s32 $0x3700;
	s24 =	simm.s32 $0x1000;
	s25 =	simm.s32 $0x3780  }
0x68: {  	[hbm4b:s4+s10] =	stream.indirect.scatter [tilespmem:s20], [sflag:$0x2], $0x20, s31, s10, $0xb8;
	[tilespmem:$0xE800] =	vst v63  }
.LBB2_2:
0x69: {  	[hbm4b:s4+s10] =	stream.indirect.scatter [tilespmem:s21], [sflag:$0x2], $0x20, s25, s10, $0xb8;
	[tilespmem:$0xE800] =	vst v63  }
0x6a: {  	s25 =	smov.u32 s24;
	s24 =	sadd.s32 $0x1000, s24;
	_ =	swait.ge [sflag:s17], $0x1000  }
0x6b: {  	p0 =	sne.s32 s24, $0xD000;
	[sflag:s17] =	ssyncset.done $0x0  }
0x6c: {  	[sflag:s17] =	ssyncadd.s32 $0xFFFFF000  }
0x6d: {  	_ =	swait.ge [sflag:s17], $0x1000  }
0x6e: {  	[sflag:s17] =	ssyncset.done $0x0  }
0x6f: {  	[sflag:s17] =	ssyncadd.s32 $0xFFFFF000  }
0x70: {  	_ =	swait.ge [sflag:s17], $0x1000  }
0x71: {  	[sflag:s17] =	ssyncset.done $0x0  }
0x72: {  	[sflag:s17] =	ssyncadd.s32 $0xFFFFF000  }
0x73: {  	_ =	swait.ge [sflag:s17], $0x1000  }
0x74: {  	p1 =	seq.s32 s25, $0x0;
	[sflag:s17] =	ssyncset.done $0x0  }
0x75: {  	s28 =	simm.s32 @!p1 $0x2;
	[sflag:s17] =	ssyncadd.s32 $0xFFFFF000  }
0x76: {  	_ =	swait.ge @!p1 [sflag:s28], $0x1000  }
0x77: {  	[sflag:s28] =	ssyncset.done @!p1 $0x0  }
0x78: {  	[sflag:s28] =	ssyncadd.s32 @!p1 $0xFFFFF000  }
0x79: {  	_ =	swait.ge @!p1 [sflag:s28], $0x1000  }
0x7a: {  	[sflag:s28] =	ssyncset.done @!p1 $0x0  }
0x7b: {  	[sflag:s28] =	ssyncadd.s32 @!p1 $0xFFFFF000  }
0x7c: {  	_ =	swait.ge @!p1 [sflag:s28], $0x1000  }
0x7d: {  	[sflag:s28] =	ssyncset.done @!p1 $0x0  }
0x7e: {  	[sflag:s28] =	ssyncadd.s32 @!p1 $0xFFFFF000  }
0x7f: {  	_ =	swait.ge @!p1 [sflag:s28], $0x1000  }
0x80: {  	s26 =	sshra.s32 s25, $0x2;
	[sflag:s28] =	ssyncset.done @!p1 $0x0  }
0x81: {  	[sflag:s28] =	ssyncadd.s32 @!p1 $0xFFFFF000;
	s28 =	sadd.s32 $0x200, s26  }
0x82: {  	[tilespmem:s18], [sflag:$0x1] =	stream.indirect.gather [hbm4b:s3+s10], $0x20, s28, s10, $0xb8;
	[tilespmem:$0xE800] =	vst v63  }
0x83: {  	s28 =	sadd.s32 $0x280, s26  }
0x84: {  	[tilespmem:s19], [sflag:$0x1] =	stream.indirect.gather [hbm4b:s3+s10], $0x20, s28, s10, $0xb8;
	[tilespmem:$0xE800] =	vst v63  }
0x85: {  	s28 =	sadd.s32 $0x300, s26  }
0x86: {  	[tilespmem:s20], [sflag:$0x1] =	stream.indirect.gather [hbm4b:s3+s10], $0x20, s28, s10, $0xb8;
	[tilespmem:$0xE800] =	vst v63  }
0x87: {  	s28 =	sadd.s32 $0x380, s26  }
0x88: {  	[tilespmem:s21], [sflag:$0x1] =	stream.indirect.gather [hbm4b:s3+s10], $0x20, s28, s10, $0xb8;
	[tilespmem:$0xE800] =	vst v63  }
0x89: {  	s28 =	sadd.s32 $0x3400, s26  }
0x8a: {  	[hbm4b:s4+s10] =	stream.indirect.scatter [tilespmem:s11], [sflag:$0x2], $0x20, s28, s10, $0xb8;
	[tilespmem:$0xE800] =	vst v63  }
0x8b: {  	s28 =	sadd.s32 $0x3480, s26  }
0x8c: {  	[hbm4b:s4+s10] =	stream.indirect.scatter [tilespmem:s12], [sflag:$0x2], $0x20, s28, s10, $0xb8;
	[tilespmem:$0xE800] =	vst v63  }
0x8d: {  	s28 =	sadd.s32 $0x3500, s26  }
0x8e: {  	[hbm4b:s4+s10] =	stream.indirect.scatter [tilespmem:s14], [sflag:$0x2], $0x20, s28, s10, $0xb8;
	[tilespmem:$0xE800] =	vst v63  }
0x8f: {  	s28 =	sadd.s32 $0x3580, s26  }
0x90: {  	[hbm4b:s4+s10] =	stream.indirect.scatter [tilespmem:s16], [sflag:$0x2], $0x20, s28, s10, $0xb8;
	[tilespmem:$0xE800] =	vst v63  }
0x91: {  	_ =	swait.ge [sflag:s17], $0x1000  }
0x92: {  	[sflag:s17] =	ssyncset.done $0x0  }
0x93: {  	[sflag:s17] =	ssyncadd.s32 $0xFFFFF000  }
0x94: {  	_ =	swait.ge [sflag:s17], $0x1000  }
0x95: {  	[sflag:s17] =	ssyncset.done $0x0  }
0x96: {  	[sflag:s17] =	ssyncadd.s32 $0xFFFFF000  }
0x97: {  	_ =	swait.ge [sflag:s17], $0x1000  }
0x98: {  	[sflag:s17] =	ssyncset.done $0x0  }
0x99: {  	[sflag:s17] =	ssyncadd.s32 $0xFFFFF000  }
0x9a: {  	_ =	swait.ge [sflag:s17], $0x1000  }
0x9b: {  	[sflag:s17] =	ssyncset.done $0x0  }
0x9c: {  	[sflag:s17] =	ssyncadd.s32 $0xFFFFF000  }
0x9d: {  	_ =	swait.ge [sflag:s22], $0x1000  }
0x9e: {  	[sflag:s22] =	ssyncset.done $0x0  }
0x9f: {  	[sflag:s22] =	ssyncadd.s32 $0xFFFFF000  }
0xa0: {  	_ =	swait.ge [sflag:s22], $0x1000  }
0xa1: {  	[sflag:s22] =	ssyncset.done $0x0  }
0xa2: {  	[sflag:s22] =	ssyncadd.s32 $0xFFFFF000  }
0xa3: {  	_ =	swait.ge [sflag:s22], $0x1000  }
0xa4: {  	[sflag:s22] =	ssyncset.done $0x0  }
0xa5: {  	[sflag:s22] =	ssyncadd.s32 $0xFFFFF000  }
0xa6: {  	p1 =	seq.s32 s25, $0xC000;
	_ =	swait.ge [sflag:s22], $0x1000  }
0xa7: {  	s25 =	sshra.s32 @!p1 s25, $0x2;
	s28 =	simm.s32 @!p1 $0x6800;
	[sflag:s22] =	ssyncset.done $0x0  }
0xa8: {  	s30 =	simm.s32 @!p1 $0x80;
	s29 =	sadd.s32 @!p1 $0x400, s25;
	[sflag:s22] =	ssyncadd.s32 $0xFFFFF000  }
0xa9: {  	[tilespmem:s28], [sflag:$0x1] =	stream.indirect.gather @!p1 [hbm4b:s3+s30], $0x20, s29, s30, $0xb8;
	[tilespmem:$0xE800] =	vst v63  }
0xaa: {  	s31 =	sadd.s32 @!p1 $0x500, s25;
	s28 =	sadd.s32 @!p1 $0x480, s25;
	s29 =	simm.s32 @!p1 $0x7800  }
0xab: {  	[tilespmem:s29], [sflag:$0x1] =	stream.indirect.gather @!p1 [hbm4b:s3+s30], $0x20, s28, s30, $0xb8;
	[tilespmem:$0xE800] =	vst v63  }
0xac: {  	s25 =	sadd.s32 @!p1 $0x580, s25;
	s28 =	simm.s32 @!p1 $0x8800  }
0xad: {  	[tilespmem:s28], [sflag:$0x1] =	stream.indirect.gather @!p1 [hbm4b:s3+s30], $0x20, s31, s30, $0xb8;
	[tilespmem:$0xE800] =	vst v63  }
0xae: {  	s28 =	simm.s32 @!p1 $0x9800  }
0xaf: {  	[tilespmem:s28], [sflag:$0x1] =	stream.indirect.gather @!p1 [hbm4b:s3+s30], $0x20, s25, s30, $0xb8;
	[tilespmem:$0xE800] =	vst v63  }
0xb0: {  	s25 =	sadd.s32 $0x3600, s26  }
0xb1: {  	[hbm4b:s4+s10] =	stream.indirect.scatter [tilespmem:s18], [sflag:$0x2], $0x20, s25, s10, $0xb8;
	[tilespmem:$0xE800] =	vst v63  }
.Ltmp0:
0xb2: {  	s25 =	sadd.s32 $0x3680, s26;
	(pc) =	sbr.rel @p0 .LBB2_2-.Ltmp0, $4  }
0xb3: {  	[hbm4b:s4+s10] =	stream.indirect.scatter [tilespmem:s19], [sflag:$0x2], $0x20, s25, s10, $0xb8;
	[tilespmem:$0xE800] =	vst v63  }
0xb4: {  	s25 =	sadd.s32 $0x3700, s26  }
0xb5: {  	[hbm4b:s4+s10] =	stream.indirect.scatter [tilespmem:s20], [sflag:$0x2], $0x20, s25, s10, $0xb8;
	[tilespmem:$0xE800] =	vst v63  }
0xb6: {  	s25 =	sadd.s32 $0x3780, s26  }
0xb7: {  	[hbm4b:s4+s10] =	stream.indirect.scatter [tilespmem:s21], [sflag:$0x2], $0x20, s25, s10, $0xb8;
	[tilespmem:$0xE800] =	vst v63  }
0xb8: {  	_ =	swait.ge [sflag:s22], $0x1000  }
0xb9: {  	[sflag:s22] =	ssyncset.done $0x0  }
0xba: {  	[sflag:s22] =	ssyncadd.s32 $0xFFFFF000  }
0xbb: {  	_ =	swait.ge [sflag:s22], $0x1000  }
0xbc: {  	[sflag:s22] =	ssyncset.done $0x0  }
0xbd: {  	s23 =	sadd.s32 $0x1, s23;
	[sflag:s22] =	ssyncadd.s32 $0xFFFFF000  }
0xbe: {  	p0 =	sne.s32 s23, s7;
	_ =	swait.ge [sflag:s22], $0x1000  }
.Ltmp1:
0xbf: {  	[sflag:s22] =	ssyncset.done $0x0;
	(pc) =	sbr.rel @p0 .LBB2_1-.Ltmp1, $4  }
0xc0: {  	[sflag:s22] =	ssyncadd.s32 $0xFFFFF000  }
0xc1: {  	_ =	swait.ge [sflag:s22], $0x1000  }
0xc2: {  	[sflag:s22] =	ssyncset.done $0x0  }
0xc3: {  	[sflag:s22] =	ssyncadd.s32 $0xFFFFF000  }
0xc4: {  	_ =	sfence.sel $0x180000  }
0xc5: {  	[bflag:$0x0] =	sbarrier.arrive $0xFFFF  }
0xc6: {  	p0 =	sne.s32 s0, $0x0;
	_ =	strace $0x9000004A  }
0xc7: {  	s0 =	sadd.s32 @!p0 $0x100000, s1;
	[bflag:$0x2] =	sbarrier.arrive $0xFFFF  }
0xc8: {  	[sflag:s0] =	ssyncadd.tile.s32 @!p0 $0x1;
	_ =	shalt  }
.Lfunc_end2:
_tile_overlayer_lowered:
.L_overlay_start_2:
0xc9: {  	(tag) =	ssettag $0x2  }
0xca: {  	s0 =	rddreg [dreg:$0x0];
	s2 =	stileid.u32  }
0xcb: {  	s1 =	rddreg [dreg:$0x1];
	p0 =	sne.s32 s2, $0x0  }
0xcc: {  	s3 =	rddreg [dreg:$0x2];
	[bflag:$0x3] =	sbarrier.arrive $0xFFFF;
	s2 =	simm.s32 @!p0 $0x1C03  }
0xcd: {  	[timem:s3], [sflag:s2] =	dma.local @!p0 [hbm:s0], s1  }
0xce: {  	s0 =	simm.s32 @!p0 $0x3  }
0xcf: {  	_ =	swait.ge @!p0 [sflag:s0], s1  }
0xd0: {  	s1 =	ssub.s32 @!p0 $0x0, s1;
	[sflag:s0] =	ssyncset.done @!p0 $0x0  }
0xd1: {  	[sflag:s0] =	ssyncadd.s32 @!p0 s1  }
0xd2: {  	[bflag:$0x3] =	sbarrier.arrive $0xFFFF  }
0xd3: {  	_ =	shalt  }

</sc_bundles>
